<compile_context>
chip_gen: v7x
topology: tpu7x:2x2x1
jax: 0.10.2.dev20260603
libtpu: 0.0.44.dev20260713+nightly
codegen_flags: <defaults>
</compile_context>

<pallas_src>
import functools

import jax
import jax.numpy as jnp
from jax import lax
from jax.experimental import pallas as pl
from jax.experimental.pallas import tpu as pltpu
from jax.experimental.pallas import tpu_sc as plsc

_B = 16384
_D = 64
_NW = 32
_BPW = _B // _NW
_ICH = 128
_NCH = _BPW // _ICH
_GROUPS = _BPW // 16

_NUP = 1024000
_NIP = 102400
_UBW = 51200
_IBW = 25600


def _matvec_body(w_ref, tab_ref, out_ref, *, n_valid, bw):
    res = jnp.dot(w_ref[...], tab_ref[...],
                  precision=lax.Precision.HIGHEST)
    col = (lax.broadcasted_iota(jnp.int32, res.shape, 1)
           + pl.program_id(0) * bw)
    out_ref[...] = jnp.where(col < n_valid, res, 0.0)[0]


def _row_scores(tab_t, w_half, n_pad, bw):
    nb = n_pad // bw
    return pl.pallas_call(
        functools.partial(_matvec_body, n_valid=tab_t.shape[1], bw=bw),
        grid=(nb,),
        in_specs=[
            pl.BlockSpec((1, _D), lambda i: (0, 0)),
            pl.BlockSpec((_D, bw), lambda i: (0, i)),
        ],
        out_specs=pl.BlockSpec((bw,), lambda i: (i,)),
        out_shape=jax.ShapeDtypeStruct((n_pad,), jnp.float32),
    )(w_half, tab_t)


def _sc_body(idx_hbm, s_hbm, add_hbm, out_hbm,
             idx_v, g_v, rows_v, add_v, out_v, sem):
    wid = lax.axis_index("s") * 2 + lax.axis_index("c")
    base = wid * _BPW

    pltpu.sync_copy(idx_hbm.at[pl.ds(base, _BPW)], idx_v)
    pltpu.sync_copy(add_hbm.at[pl.ds(base, _BPW)], add_v)

    lane = lax.broadcasted_iota(jnp.int32, (16,), 0)

    def row_idx(c, carry):
        g_v[pl.ds(c * 16, 16)] = lax.shift_right_logical(
            idx_v[pl.ds(c * 16, 16)], 7)
        return carry
    lax.fori_loop(0, _GROUPS, row_idx, 0)

    copies = [
        pltpu.async_copy(s_hbm.at[g_v.at[pl.ds(k * _ICH, _ICH)]],
                         rows_v.at[pl.ds(k * _ICH, _ICH)], sem)
        for k in range(_NCH)
    ]
    for c in copies:
        c.wait()

    def group(g, carry):
        mvals = idx_v[pl.ds(g * 16, 16)] & 127
        acc = jnp.zeros((16,), jnp.float32)
        for rr in range(16):
            r = g * 16 + rr
            m = mvals.at[jnp.full((16,), rr, jnp.int32)].get(
                mode="promise_in_bounds")
            mlow = m & 15
            m1 = (lax.shift_right_logical(m, 4) & 1).astype(jnp.float32)
            m2 = (lax.shift_right_logical(m, 5) & 1).astype(jnp.float32)
            m3 = lax.shift_right_logical(m, 6).astype(jnp.float32)
            rv = [rows_v[r, pl.ds(c * 16, 16)] for c in range(8)]
            q = [rv[2 * i] + m1 * (rv[2 * i + 1] - rv[2 * i])
                 for i in range(4)]
            s = [q[2 * i] + m2 * (q[2 * i + 1] - q[2 * i])
                 for i in range(2)]
            t = s[0] + m3 * (s[1] - s[0])
            word = t.at[mlow].get(mode="promise_in_bounds")
            acc = jnp.where(lane == rr, word, acc)
        out_v[pl.ds(g * 16, 16)] = acc + add_v[pl.ds(g * 16, 16)]
        return carry
    lax.fori_loop(0, _GROUPS, group, 0)

    pltpu.sync_copy(out_v, out_hbm.at[pl.ds(base, _BPW)])


def _sc_gather_add(idx, score2d, addend):
    mesh = plsc.VectorSubcoreMesh(core_axis_name="c", subcore_axis_name="s")
    f = pl.kernel(
        _sc_body,
        out_type=jax.ShapeDtypeStruct((_B,), jnp.float32),
        mesh=mesh,
        compiler_params=pltpu.CompilerParams(use_tc_tiling_on_sc=True),
        scratch_types=[
            pltpu.VMEM((_BPW,), jnp.int32),
            pltpu.VMEM((_BPW,), jnp.int32),
            pltpu.VMEM((_BPW, 128), jnp.float32),
            pltpu.VMEM((_BPW,), jnp.float32),
            pltpu.VMEM((_BPW,), jnp.float32),
            pltpu.SemaphoreType.DMA,
        ],
    )
    return f(idx, score2d, addend)


def kernel(user_idx, item_idx, user_table, item_table, W, b):
    wu = W[:, :_D].astype(jnp.float32)
    wi = W[:, _D:].astype(jnp.float32)
    bb = jnp.broadcast_to(b.astype(jnp.float32), (_B,))

    iscore = _row_scores(item_table.T, wi, _NIP, _IBW)
    is2 = iscore.reshape(_NIP // 128, 128)
    partial = _sc_gather_add(item_idx.astype(jnp.int32), is2, bb)

    uscore = _row_scores(user_table.T, wu, _NUP, _UBW)
    us2 = uscore.reshape(_NUP // 128, 128)
    return _sc_gather_add(user_idx.astype(jnp.int32), us2, partial)

# --- scband reference (transcript-rebuilt; emitter-appended) ---
"""Pipeline reference for scband-simple-light-gcn-80058190397643 (READ-ONLY COPY).

The authoritative reference and input builder live on the scoring server;
editing this copy changes nothing except your own understanding.
"""

import jax, jax.numpy as jnp
import numpy as np

NUM_USERS = 1000000
NUM_ITEMS = 100000
EMBED_DIM = 64
BATCH = 16384

def setup_inputs(seed: int = 0) -> dict:
    key = jax.random.key(seed)
    k1, k2, k3, k4, k5, k6 = jax.random.split(key, 6)
    user_idx = jax.random.randint(k1, (BATCH,), 0, NUM_USERS, dtype=jnp.int64 if jax.config.read('jax_enable_x64') else jnp.int32)
    item_idx = jax.random.randint(k2, (BATCH,), 0, NUM_ITEMS, dtype=jnp.int64 if jax.config.read('jax_enable_x64') else jnp.int32)
    user_table = jax.random.normal(k3, (NUM_USERS, EMBED_DIM), dtype=jnp.float32)
    item_table = jax.random.normal(k4, (NUM_ITEMS, EMBED_DIM), dtype=jnp.float32)
    # nn.Linear(embedding_dim*2, 1): weight [1, 128], bias [1]
    bound = 1.0 / np.sqrt(EMBED_DIM * 2)
    W = jax.random.uniform(k5, (1, EMBED_DIM * 2), minval=-bound, maxval=bound, dtype=jnp.float32)
    b = jax.random.uniform(k6, (1,), minval=-bound, maxval=bound, dtype=jnp.float32)
    return {"user_idx": user_idx, "item_idx": item_idx, "user_table": user_table, "item_table": item_table, "W": W, "b": b}

def reference(user_idx, item_idx, user_table, item_table, W, b):
    user_emb = jnp.take(user_table, user_idx, axis=0)        # [B, D]
    item_emb = jnp.take(item_table, item_idx, axis=0)        # [B, D]
    combined = jnp.concatenate([user_emb, item_emb], axis=-1)  # [B, 2D]
    scores = combined @ W.T + b                                # [B, 1]
    return jnp.squeeze(scores, axis=-1)                       # [B]

if __name__ == "__main__":
    import jax
    _d = setup_inputs()
    print(jax.jit(kernel)(*tuple(_d.values())))

</pallas_src>

<mosaic_0001>
#map = affine_map<(d0, d1) -> (0)>
#map1 = affine_map<(d0, d1) -> (0, 0)>
module attributes {stable_mosaic.version = 14 : i64} {
  func.func @_sc_body(%arg0: i32, %arg1: i32, %arg2: memref<16384xi32, #tpu.memory_space<hbm>>, %arg3: memref<800x128xf32, #tpu.memory_space<hbm>>, %arg4: memref<16384xf32, #tpu.memory_space<hbm>>, %arg5: memref<16384xf32, #tpu.memory_space<hbm>>, %arg6: memref<512xi32, #tpu.memory_space<vmem>>, %arg7: memref<512xi32, #tpu.memory_space<vmem>>, %arg8: memref<512x128xf32, #tpu.memory_space<vmem>>, %arg9: memref<512xf32, #tpu.memory_space<vmem>>, %arg10: memref<512xf32, #tpu.memory_space<vmem>>, %arg11: memref<!tpu.dma_semaphore, #tpu.memory_space<semaphore_mem>>) attributes {dimension_semantics = [#tpu.dimension_semantics<core_parallel>, #tpu.dimension_semantics<subcore_parallel>], iteration_bounds = array<i64: 2, 16>, scalar_prefetch = 0 : i64, scratch_operands = 6 : i64, tpu.core_type = #tpu.core_type<sc_vector_subcore>, window_params = [{transform_indices = #map}, {transform_indices = #map1}, {transform_indices = #map}, {transform_indices = #map}]} {
    %mul3A = arith.constant 2 : i32
    %mul3A_0 = arith.muli %arg1, %mul3A : i32
    %add3A = arith.addi %mul3A_0, %arg0 : i32
    %mul3A_1 = arith.constant 512 : i32
    %mul3A_2 = arith.muli %add3A, %mul3A_1 : i32
    "tpu.region"() ({
      %run_scoped3A = tpu.sem_alloc : memref<!tpu.dma_semaphore, #tpu.memory_space<semaphore_mem>>
      %dma_start3A_76 = tpu.memref_slice %arg2[%mul3A_2] : memref<16384xi32, #tpu.memory_space<hbm>> -> memref<512xi32, #tpu.memory_space<hbm>>
      %dma_start3A_77 = tpu.memref_slice %arg2[%mul3A_2] : memref<16384xi32, #tpu.memory_space<hbm>> -> memref<512xi32, #tpu.memory_space<hbm>>
      tpu.enqueue_dma source(%dma_start3A_77 : memref<512xi32, #tpu.memory_space<hbm>>) target(%arg6 : memref<512xi32, #tpu.memory_space<vmem>>) target_semaphore(%run_scoped3A : memref<!tpu.dma_semaphore, #tpu.memory_space<semaphore_mem>>)
      %dma_wait3A_78 = tpu.memref_slice %arg2[%mul3A_2] : memref<16384xi32, #tpu.memory_space<hbm>> -> memref<512xi32, #tpu.memory_space<hbm>>
      %dma_wait3A_79 = tpu.memref_slice %arg2[%mul3A_2] : memref<16384xi32, #tpu.memory_space<hbm>> -> memref<512xi32, #tpu.memory_space<hbm>>
      tpu.wait_dma2 semaphore(%run_scoped3A : memref<!tpu.dma_semaphore, #tpu.memory_space<semaphore_mem>>) src(%dma_wait3A_79 : memref<512xi32, #tpu.memory_space<hbm>>) dst(%arg6 : memref<512xi32, #tpu.memory_space<vmem>>)
      tpu.yield
    }) : () -> ()
    "tpu.region"() ({
      %run_scoped3A = tpu.sem_alloc : memref<!tpu.dma_semaphore, #tpu.memory_space<semaphore_mem>>
      %dma_start3A_76 = tpu.memref_slice %arg4[%mul3A_2] : memref<16384xf32, #tpu.memory_space<hbm>> -> memref<512xf32, #tpu.memory_space<hbm>>
      %dma_start3A_77 = tpu.memref_slice %arg4[%mul3A_2] : memref<16384xf32, #tpu.memory_space<hbm>> -> memref<512xf32, #tpu.memory_space<hbm>>
      tpu.enqueue_dma source(%dma_start3A_77 : memref<512xf32, #tpu.memory_space<hbm>>) target(%arg9 : memref<512xf32, #tpu.memory_space<vmem>>) target_semaphore(%run_scoped3A : memref<!tpu.dma_semaphore, #tpu.memory_space<semaphore_mem>>)
      %dma_wait3A_78 = tpu.memref_slice %arg4[%mul3A_2] : memref<16384xf32, #tpu.memory_space<hbm>> -> memref<512xf32, #tpu.memory_space<hbm>>
      %dma_wait3A_79 = tpu.memref_slice %arg4[%mul3A_2] : memref<16384xf32, #tpu.memory_space<hbm>> -> memref<512xf32, #tpu.memory_space<hbm>>
      tpu.wait_dma2 semaphore(%run_scoped3A : memref<!tpu.dma_semaphore, #tpu.memory_space<semaphore_mem>>) src(%dma_wait3A_79 : memref<512xf32, #tpu.memory_space<hbm>>) dst(%arg9 : memref<512xf32, #tpu.memory_space<vmem>>)
      tpu.yield
    }) : () -> ()
    %iota3A = tpu.iota {dimensions = array<i32: 0>} : vector<16xi32>
    %scan3A = arith.constant 0 : i32
    %scan3A_3 = arith.constant 0 : i32
    %scan3A_4 = arith.constant 32 : i32
    %scan3A_5 = arith.addi %scan3A_3, %scan3A_4 : i32
    %scan3A_6 = arith.constant 1 : i32
    scf.for %scan3A_76 = %scan3A_3 to %scan3A_5 step %scan3A_6  : i32 {
      %mul3A_77 = arith.constant 16 : i32
      %mul3A_78 = arith.muli %scan3A_76, %mul3A_77 : i32
      %get3A = arith.index_cast %mul3A_78 : i32 to index
      %get3A_79 = tpu.vector_load %arg6[%get3A] {strides = array<i32>} : memref<512xi32, #tpu.memory_space<vmem>>, vector<16xi32>,
      %get3A_80 = vector.shape_cast %get3A_79 : vector<16xi32> to vector<16xi32>
      %shift_right_logical3A = arith.constant 7 : i32
      %shift_right_logical3A_81 = vector.broadcast %shift_right_logical3A : i32 to vector<16xi32>
      %shift_right_logical3A_82 = arith.shrui %get3A_80, %shift_right_logical3A_81 : vector<16xi32>
      %mul3A_83 = arith.constant 16 : i32
      %mul3A_84 = arith.muli %scan3A_76, %mul3A_83 : i32
      %swap3A = arith.index_cast %mul3A_84 : i32 to index
      %swap3A_85 = tpu.vector_load %arg7[%swap3A] {strides = array<i32>} : memref<512xi32, #tpu.memory_space<vmem>>, vector<16xi32>,
      %swap3A_86 = vector.shape_cast %swap3A_85 : vector<16xi32> to vector<16xi32>
      %swap3A_87 = vector.shape_cast %shift_right_logical3A_82 : vector<16xi32> to vector<16xi32>
      tpu.vector_store %arg7[%swap3A], %swap3A_87 {strides = array<i32>} : memref<512xi32, #tpu.memory_space<vmem>>, vector<16xi32>,
    }
    %scan3A_7 = arith.constant 32 : i32
    %dma_start3A = arith.constant 0 : i32
    %dma_start3A_8 = arith.constant 0 : i32
    %dma_start3A_9 = tpu.memref_slice %arg8[%dma_start3A, %dma_start3A_8] : memref<512x128xf32, #tpu.memory_space<vmem>> -> memref<128x128xf32, #tpu.memory_space<vmem>>
    %dma_start3A_10 = arith.constant 0 : i32
    %dma_start3A_11 = tpu.memref_slice %arg7[%dma_start3A_10] : memref<512xi32, #tpu.memory_space<vmem>> -> memref<128xi32, #tpu.memory_space<vmem>>
    %dma_start3A_12 = arith.constant 0 : i32
    %dma_start3A_13 = arith.constant 0 : i32
    %dma_start3A_14 = tpu.memref_slice %arg3[%dma_start3A_12, %dma_start3A_13] : memref<800x128xf32, #tpu.memory_space<hbm>> -> memref<800x128xf32, #tpu.memory_space<hbm>>
    tpu.enqueue_indirect_dma source(%dma_start3A_14 : memref<800x128xf32, #tpu.memory_space<hbm>>) target(%dma_start3A_9 : memref<128x128xf32, #tpu.memory_space<vmem>>) offsets(%dma_start3A_11 : memref<128xi32, #tpu.memory_space<vmem>>) semaphore(%arg11 : memref<!tpu.dma_semaphore, #tpu.memory_space<semaphore_mem>>)
    %dma_start3A_15 = arith.constant 128 : i32
    %dma_start3A_16 = arith.constant 0 : i32
    %dma_start3A_17 = tpu.memref_slice %arg8[%dma_start3A_15, %dma_start3A_16] : memref<512x128xf32, #tpu.memory_space<vmem>> -> memref<128x128xf32, #tpu.memory_space<vmem>>
    %dma_start3A_18 = arith.constant 128 : i32
    %dma_start3A_19 = tpu.memref_slice %arg7[%dma_start3A_18] : memref<512xi32, #tpu.memory_space<vmem>> -> memref<128xi32, #tpu.memory_space<vmem>>
    %dma_start3A_20 = arith.constant 0 : i32
    %dma_start3A_21 = arith.constant 0 : i32
    %dma_start3A_22 = tpu.memref_slice %arg3[%dma_start3A_20, %dma_start3A_21] : memref<800x128xf32, #tpu.memory_space<hbm>> -> memref<800x128xf32, #tpu.memory_space<hbm>>
    tpu.enqueue_indirect_dma source(%dma_start3A_22 : memref<800x128xf32, #tpu.memory_space<hbm>>) target(%dma_start3A_17 : memref<128x128xf32, #tpu.memory_space<vmem>>) offsets(%dma_start3A_19 : memref<128xi32, #tpu.memory_space<vmem>>) semaphore(%arg11 : memref<!tpu.dma_semaphore, #tpu.memory_space<semaphore_mem>>)
    %dma_start3A_23 = arith.constant 256 : i32
    %dma_start3A_24 = arith.constant 0 : i32
    %dma_start3A_25 = tpu.memref_slice %arg8[%dma_start3A_23, %dma_start3A_24] : memref<512x128xf32, #tpu.memory_space<vmem>> -> memref<128x128xf32, #tpu.memory_space<vmem>>
    %dma_start3A_26 = arith.constant 256 : i32
    %dma_start3A_27 = tpu.memref_slice %arg7[%dma_start3A_26] : memref<512xi32, #tpu.memory_space<vmem>> -> memref<128xi32, #tpu.memory_space<vmem>>
    %dma_start3A_28 = arith.constant 0 : i32
    %dma_start3A_29 = arith.constant 0 : i32
    %dma_start3A_30 = tpu.memref_slice %arg3[%dma_start3A_28, %dma_start3A_29] : memref<800x128xf32, #tpu.memory_space<hbm>> -> memref<800x128xf32, #tpu.memory_space<hbm>>
    tpu.enqueue_indirect_dma source(%dma_start3A_30 : memref<800x128xf32, #tpu.memory_space<hbm>>) target(%dma_start3A_25 : memref<128x128xf32, #tpu.memory_space<vmem>>) offsets(%dma_start3A_27 : memref<128xi32, #tpu.memory_space<vmem>>) semaphore(%arg11 : memref<!tpu.dma_semaphore, #tpu.memory_space<semaphore_mem>>)
    %dma_start3A_31 = arith.constant 384 : i32
    %dma_start3A_32 = arith.constant 0 : i32
    %dma_start3A_33 = tpu.memref_slice %arg8[%dma_start3A_31, %dma_start3A_32] : memref<512x128xf32, #tpu.memory_space<vmem>> -> memref<128x128xf32, #tpu.memory_space<vmem>>
    %dma_start3A_34 = arith.constant 384 : i32
    %dma_start3A_35 = tpu.memref_slice %arg7[%dma_start3A_34] : memref<512xi32, #tpu.memory_space<vmem>> -> memref<128xi32, #tpu.memory_space<vmem>>
    %dma_start3A_36 = arith.constant 0 : i32
    %dma_start3A_37 = arith.constant 0 : i32
    %dma_start3A_38 = tpu.memref_slice %arg3[%dma_start3A_36, %dma_start3A_37] : memref<800x128xf32, #tpu.memory_space<hbm>> -> memref<800x128xf32, #tpu.memory_space<hbm>>
    tpu.enqueue_indirect_dma source(%dma_start3A_38 : memref<800x128xf32, #tpu.memory_space<hbm>>) target(%dma_start3A_33 : memref<128x128xf32, #tpu.memory_space<vmem>>) offsets(%dma_start3A_35 : memref<128xi32, #tpu.memory_space<vmem>>) semaphore(%arg11 : memref<!tpu.dma_semaphore, #tpu.memory_space<semaphore_mem>>)
    %dma_wait3A = arith.constant 0 : i32
    %dma_wait3A_39 = arith.constant 0 : i32
    %dma_wait3A_40 = tpu.memref_slice %arg8[%dma_wait3A, %dma_wait3A_39] : memref<512x128xf32, #tpu.memory_space<vmem>> -> memref<128x128xf32, #tpu.memory_space<vmem>>
    %dma_wait3A_41 = arith.constant 0 : i32
    %dma_wait3A_42 = tpu.memref_slice %arg7[%dma_wait3A_41] : memref<512xi32, #tpu.memory_space<vmem>> -> memref<128xi32, #tpu.memory_space<vmem>>
    %dma_wait3A_43 = arith.constant 0 : i32
    %dma_wait3A_44 = arith.constant 0 : i32
    %dma_wait3A_45 = tpu.memref_slice %arg3[%dma_wait3A_43, %dma_wait3A_44] : memref<800x128xf32, #tpu.memory_space<hbm>> -> memref<800x128xf32, #tpu.memory_space<hbm>>
    tpu.wait_indirect_dma semaphore(%arg11 : memref<!tpu.dma_semaphore, #tpu.memory_space<semaphore_mem>>) src(%dma_wait3A_45 : memref<800x128xf32, #tpu.memory_space<hbm>>) dst(%dma_wait3A_40 : memref<128x128xf32, #tpu.memory_space<vmem>>)
    %dma_wait3A_46 = arith.constant 128 : i32
    %dma_wait3A_47 = arith.constant 0 : i32
    %dma_wait3A_48 = tpu.memref_slice %arg8[%dma_wait3A_46, %dma_wait3A_47] : memref<512x128xf32, #tpu.memory_space<vmem>> -> memref<128x128xf32, #tpu.memory_space<vmem>>
    %dma_wait3A_49 = arith.constant 128 : i32
    %dma_wait3A_50 = tpu.memref_slice %arg7[%dma_wait3A_49] : memref<512xi32, #tpu.memory_space<vmem>> -> memref<128xi32, #tpu.memory_space<vmem>>
    %dma_wait3A_51 = arith.constant 0 : i32
    %dma_wait3A_52 = arith.constant 0 : i32
    %dma_wait3A_53 = tpu.memref_slice %arg3[%dma_wait3A_51, %dma_wait3A_52] : memref<800x128xf32, #tpu.memory_space<hbm>> -> memref<800x128xf32, #tpu.memory_space<hbm>>
    tpu.wait_indirect_dma semaphore(%arg11 : memref<!tpu.dma_semaphore, #tpu.memory_space<semaphore_mem>>) src(%dma_wait3A_53 : memref<800x128xf32, #tpu.memory_space<hbm>>) dst(%dma_wait3A_48 : memref<128x128xf32, #tpu.memory_space<vmem>>)
    %dma_wait3A_54 = arith.constant 256 : i32
    %dma_wait3A_55 = arith.constant 0 : i32
    %dma_wait3A_56 = tpu.memref_slice %arg8[%dma_wait3A_54, %dma_wait3A_55] : memref<512x128xf32, #tpu.memory_space<vmem>> -> memref<128x128xf32, #tpu.memory_space<vmem>>
    %dma_wait3A_57 = arith.constant 256 : i32
    %dma_wait3A_58 = tpu.memref_slice %arg7[%dma_wait3A_57] : memref<512xi32, #tpu.memory_space<vmem>> -> memref<128xi32, #tpu.memory_space<vmem>>
    %dma_wait3A_59 = arith.constant 0 : i32
    %dma_wait3A_60 = arith.constant 0 : i32
    %dma_wait3A_61 = tpu.memref_slice %arg3[%dma_wait3A_59, %dma_wait3A_60] : memref<800x128xf32, #tpu.memory_space<hbm>> -> memref<800x128xf32, #tpu.memory_space<hbm>>
    tpu.wait_indirect_dma semaphore(%arg11 : memref<!tpu.dma_semaphore, #tpu.memory_space<semaphore_mem>>) src(%dma_wait3A_61 : memref<800x128xf32, #tpu.memory_space<hbm>>) dst(%dma_wait3A_56 : memref<128x128xf32, #tpu.memory_space<vmem>>)
    %dma_wait3A_62 = arith.constant 384 : i32
    %dma_wait3A_63 = arith.constant 0 : i32
    %dma_wait3A_64 = tpu.memref_slice %arg8[%dma_wait3A_62, %dma_wait3A_63] : memref<512x128xf32, #tpu.memory_space<vmem>> -> memref<128x128xf32, #tpu.memory_space<vmem>>
    %dma_wait3A_65 = arith.constant 384 : i32
    %dma_wait3A_66 = tpu.memref_slice %arg7[%dma_wait3A_65] : memref<512xi32, #tpu.memory_space<vmem>> -> memref<128xi32, #tpu.memory_space<vmem>>
    %dma_wait3A_67 = arith.constant 0 : i32
    %dma_wait3A_68 = arith.constant 0 : i32
    %dma_wait3A_69 = tpu.memref_slice %arg3[%dma_wait3A_67, %dma_wait3A_68] : memref<800x128xf32, #tpu.memory_space<hbm>> -> memref<800x128xf32, #tpu.memory_space<hbm>>
    tpu.wait_indirect_dma semaphore(%arg11 : memref<!tpu.dma_semaphore, #tpu.memory_space<semaphore_mem>>) src(%dma_wait3A_69 : memref<800x128xf32, #tpu.memory_space<hbm>>) dst(%dma_wait3A_64 : memref<128x128xf32, #tpu.memory_space<vmem>>)
    %scan3A_70 = arith.constant 0 : i32
    %scan3A_71 = arith.constant 0 : i32
    %scan3A_72 = arith.constant 32 : i32
    %scan3A_73 = arith.addi %scan3A_71, %scan3A_72 : i32
    %scan3A_74 = arith.constant 1 : i32
    scf.for %scan3A_76 = %scan3A_71 to %scan3A_73 step %scan3A_74  : i32 {
      %mul3A_77 = arith.constant 16 : i32
      %mul3A_78 = arith.muli %scan3A_76, %mul3A_77 : i32
      %get3A = arith.index_cast %mul3A_78 : i32 to index
      %get3A_79 = tpu.vector_load %arg6[%get3A] {strides = array<i32>} : memref<512xi32, #tpu.memory_space<vmem>>, vector<16xi32>,
      %get3A_80 = vector.shape_cast %get3A_79 : vector<16xi32> to vector<16xi32>
      %and3A = arith.constant 127 : i32
      %and3A_81 = vector.broadcast %and3A : i32 to vector<16xi32>
      %and3A_82 = arith.andi %get3A_80, %and3A_81 : vector<16xi32>
      %broadcast_in_dim3A = arith.constant 0.000000e+00 : f32
      %broadcast_in_dim3A_83 = vector.broadcast %broadcast_in_dim3A : f32 to vector<16xf32>
      %mul3A_84 = arith.constant 16 : i32
      %mul3A_85 = arith.muli %scan3A_76, %mul3A_84 : i32
      %add3A_86 = arith.constant 0 : i32
      %add3A_87 = arith.addi %mul3A_85, %add3A_86 : i32
      %broadcast_in_dim3A_88 = arith.constant 0 : i32
      %broadcast_in_dim3A_89 = vector.broadcast %broadcast_in_dim3A_88 : i32 to vector<16xi32>
      %lt3A = arith.constant 0 : i32
      %lt3A_90 = vector.broadcast %lt3A : i32 to vector<16xi32>
      %lt3A_91 = arith.cmpi slt, %broadcast_in_dim3A_89, %lt3A_90 : vector<16xi32>
      %add3A_92 = arith.constant 16 : i32
      %add3A_93 = vector.broadcast %add3A_92 : i32 to vector<16xi32>
      %add3A_94 = arith.addi %broadcast_in_dim3A_89, %add3A_93 : vector<16xi32>
      %select_n3A = arith.select %lt3A_91, %add3A_94, %broadcast_in_dim3A_89 : vector<16xi1>, vector<16xi32>
      %broadcast_in_dim3A_95 = vector.shape_cast %select_n3A : vector<16xi32> to vector<16x1xi32>
      %gather3A = vector.shape_cast %broadcast_in_dim3A_95 : vector<16x1xi32> to vector<16xi32>
      %gather3A_96 = tpu.dynamic_gather %and3A_82[%gather3A] in [0] : vector<16xi32>, vector<16xi32> -> vector<16xi32>
      %and3A_97 = arith.constant 15 : i32
      %and3A_98 = vector.broadcast %and3A_97 : i32 to vector<16xi32>
      %and3A_99 = arith.andi %gather3A_96, %and3A_98 : vector<16xi32>
      %shift_right_logical3A = arith.constant 4 : i32
      %shift_right_logical3A_100 = vector.broadcast %shift_right_logical3A : i32 to vector<16xi32>
      %shift_right_logical3A_101 = arith.shrui %gather3A_96, %shift_right_logical3A_100 : vector<16xi32>
      %and3A_102 = arith.constant 1 : i32
      %and3A_103 = vector.broadcast %and3A_102 : i32 to vector<16xi32>
      %and3A_104 = arith.andi %shift_right_logical3A_101, %and3A_103 : vector<16xi32>
      %convert_element_type3A = arith.sitofp %and3A_104 : vector<16xi32> to vector<16xf32>
      %shift_right_logical3A_105 = arith.constant 5 : i32
      %shift_right_logical3A_106 = vector.broadcast %shift_right_logical3A_105 : i32 to vector<16xi32>
      %shift_right_logical3A_107 = arith.shrui %gather3A_96, %shift_right_logical3A_106 : vector<16xi32>
      %and3A_108 = arith.constant 1 : i32
      %and3A_109 = vector.broadcast %and3A_108 : i32 to vector<16xi32>
      %and3A_110 = arith.andi %shift_right_logical3A_107, %and3A_109 : vector<16xi32>
      %convert_element_type3A_111 = arith.sitofp %and3A_110 : vector<16xi32> to vector<16xf32>
      %shift_right_logical3A_112 = arith.constant 6 : i32
      %shift_right_logical3A_113 = vector.broadcast %shift_right_logical3A_112 : i32 to vector<16xi32>
      %shift_right_logical3A_114 = arith.shrui %gather3A_96, %shift_right_logical3A_113 : vector<16xi32>
      %convert_element_type3A_115 = arith.sitofp %shift_right_logical3A_114 : vector<16xi32> to vector<16xf32>
      %get3A_116 = arith.index_cast %add3A_87 : i32 to index
      %get3A_117 = arith.constant 0 : index
      %get3A_118 = tpu.vector_load %arg8[%get3A_116, %get3A_117] {strides = array<i32>} : memref<512x128xf32, #tpu.memory_space<vmem>>, vector<1x16xf32>,
      %get3A_119 = vector.shape_cast %get3A_118 : vector<1x16xf32> to vector<16xf32>
      %get3A_120 = arith.index_cast %add3A_87 : i32 to index
      %get3A_121 = arith.constant 16 : index
      %get3A_122 = tpu.vector_load %arg8[%get3A_120, %get3A_121] {strides = array<i32>} : memref<512x128xf32, #tpu.memory_space<vmem>>, vector<1x16xf32>,
      %get3A_123 = vector.shape_cast %get3A_122 : vector<1x16xf32> to vector<16xf32>
      %get3A_124 = arith.index_cast %add3A_87 : i32 to index
      %get3A_125 = arith.constant 32 : index
      %get3A_126 = tpu.vector_load %arg8[%get3A_124, %get3A_125] {strides = array<i32>} : memref<512x128xf32, #tpu.memory_space<vmem>>, vector<1x16xf32>,
      %get3A_127 = vector.shape_cast %get3A_126 : vector<1x16xf32> to vector<16xf32>
      %get3A_128 = arith.index_cast %add3A_87 : i32 to index
      %get3A_129 = arith.constant 48 : index
      %get3A_130 = tpu.vector_load %arg8[%get3A_128, %get3A_129] {strides = array<i32>} : memref<512x128xf32, #tpu.memory_space<vmem>>, vector<1x16xf32>,
      %get3A_131 = vector.shape_cast %get3A_130 : vector<1x16xf32> to vector<16xf32>
      %get3A_132 = arith.index_cast %add3A_87 : i32 to index
      %get3A_133 = arith.constant 64 : index
      %get3A_134 = tpu.vector_load %arg8[%get3A_132, %get3A_133] {strides = array<i32>} : memref<512x128xf32, #tpu.memory_space<vmem>>, vector<1x16xf32>,
      %get3A_135 = vector.shape_cast %get3A_134 : vector<1x16xf32> to vector<16xf32>
      %get3A_136 = arith.index_cast %add3A_87 : i32 to index
      %get3A_137 = arith.constant 80 : index
      %get3A_138 = tpu.vector_load %arg8[%get3A_136, %get3A_137] {strides = array<i32>} : memref<512x128xf32, #tpu.memory_space<vmem>>, vector<1x16xf32>,
      %get3A_139 = vector.shape_cast %get3A_138 : vector<1x16xf32> to vector<16xf32>
      %get3A_140 = arith.index_cast %add3A_87 : i32 to index
      %get3A_141 = arith.constant 96 : index
      %get3A_142 = tpu.vector_load %arg8[%get3A_140, %get3A_141] {strides = array<i32>} : memref<512x128xf32, #tpu.memory_space<vmem>>, vector<1x16xf32>,
      %get3A_143 = vector.shape_cast %get3A_142 : vector<1x16xf32> to vector<16xf32>
      %get3A_144 = arith.index_cast %add3A_87 : i32 to index
      %get3A_145 = arith.constant 112 : index
      %get3A_146 = tpu.vector_load %arg8[%get3A_144, %get3A_145] {strides = array<i32>} : memref<512x128xf32, #tpu.memory_space<vmem>>, vector<1x16xf32>,
      %get3A_147 = vector.shape_cast %get3A_146 : vector<1x16xf32> to vector<16xf32>
      %sub3A = arith.subf %get3A_123, %get3A_119 : vector<16xf32>
      %mul3A_148 = arith.mulf %convert_element_type3A, %sub3A : vector<16xf32>
      %add3A_149 = arith.addf %get3A_119, %mul3A_148 : vector<16xf32>
      %sub3A_150 = arith.subf %get3A_131, %get3A_127 : vector<16xf32>
      %mul3A_151 = arith.mulf %convert_element_type3A, %sub3A_150 : vector<16xf32>
      %add3A_152 = arith.addf %get3A_127, %mul3A_151 : vector<16xf32>
      %sub3A_153 = arith.subf %get3A_139, %get3A_135 : vector<16xf32>
      %mul3A_154 = arith.mulf %convert_element_type3A, %sub3A_153 : vector<16xf32>
      %add3A_155 = arith.addf %get3A_135, %mul3A_154 : vector<16xf32>
      %sub3A_156 = arith.subf %get3A_147, %get3A_143 : vector<16xf32>
      %mul3A_157 = arith.mulf %convert_element_type3A, %sub3A_156 : vector<16xf32>
      %add3A_158 = arith.addf %get3A_143, %mul3A_157 : vector<16xf32>
      %sub3A_159 = arith.subf %add3A_152, %add3A_149 : vector<16xf32>
      %mul3A_160 = arith.mulf %convert_element_type3A_111, %sub3A_159 : vector<16xf32>
      %add3A_161 = arith.addf %add3A_149, %mul3A_160 : vector<16xf32>
      %sub3A_162 = arith.subf %add3A_158, %add3A_155 : vector<16xf32>
      %mul3A_163 = arith.mulf %convert_element_type3A_111, %sub3A_162 : vector<16xf32>
      %add3A_164 = arith.addf %add3A_155, %mul3A_163 : vector<16xf32>
      %sub3A_165 = arith.subf %add3A_164, %add3A_161 : vector<16xf32>
      %mul3A_166 = arith.mulf %convert_element_type3A_115, %sub3A_165 : vector<16xf32>
      %add3A_167 = arith.addf %add3A_161, %mul3A_166 : vector<16xf32>
      %lt3A_168 = arith.constant 0 : i32
      %lt3A_169 = vector.broadcast %lt3A_168 : i32 to vector<16xi32>
      %lt3A_170 = arith.cmpi slt, %and3A_99, %lt3A_169 : vector<16xi32>
      %add3A_171 = arith.constant 16 : i32
      %add3A_172 = vector.broadcast %add3A_171 : i32 to vector<16xi32>
      %add3A_173 = arith.addi %and3A_99, %add3A_172 : vector<16xi32>
      %select_n3A_174 = arith.select %lt3A_170, %add3A_173, %and3A_99 : vector<16xi1>, vector<16xi32>
      %broadcast_in_dim3A_175 = vector.shape_cast %select_n3A_174 : vector<16xi32> to vector<16x1xi32>
      %gather3A_176 = vector.shape_cast %broadcast_in_dim3A_175 : vector<16x1xi32> to vector<16xi32>
      %gather3A_177 = tpu.dynamic_gather %add3A_167[%gather3A_176] in [0] : vector<16xf32>, vector<16xi32> -> vector<16xf32>
      %eq3A = arith.constant 0 : i32
      %eq3A_178 = vector.broadcast %eq3A : i32 to vector<16xi32>
      %eq3A_179 = arith.cmpi eq, %iota3A, %eq3A_178 : vector<16xi32>
      %select_n3A_180 = arith.select %eq3A_179, %gather3A_177, %broadcast_in_dim3A_83 : vector<16xi1>, vector<16xf32>
      %mul3A_181 = arith.constant 16 : i32
      %mul3A_182 = arith.muli %scan3A_76, %mul3A_181 : i32
      %add3A_183 = arith.constant 1 : i32
      %add3A_184 = arith.addi %mul3A_182, %add3A_183 : i32
      %broadcast_in_dim3A_185 = arith.constant 1 : i32
      %broadcast_in_dim3A_186 = vector.broadcast %broadcast_in_dim3A_185 : i32 to vector<16xi32>
      %lt3A_187 = arith.constant 0 : i32
      %lt3A_188 = vector.broadcast %lt3A_187 : i32 to vector<16xi32>
      %lt3A_189 = arith.cmpi slt, %broadcast_in_dim3A_186, %lt3A_188 : vector<16xi32>
      %add3A_190 = arith.constant 16 : i32
      %add3A_191 = vector.broadcast %add3A_190 : i32 to vector<16xi32>
      %add3A_192 = arith.addi %broadcast_in_dim3A_186, %add3A_191 : vector<16xi32>
      %select_n3A_193 = arith.select %lt3A_189, %add3A_192, %broadcast_in_dim3A_186 : vector<16xi1>, vector<16xi32>
      %broadcast_in_dim3A_194 = vector.shape_cast %select_n3A_193 : vector<16xi32> to vector<16x1xi32>
      %gather3A_195 = vector.shape_cast %broadcast_in_dim3A_194 : vector<16x1xi32> to vector<16xi32>
      %gather3A_196 = tpu.dynamic_gather %and3A_82[%gather3A_195] in [0] : vector<16xi32>, vector<16xi32> -> vector<16xi32>
      %and3A_197 = arith.constant 15 : i32
      %and3A_198 = vector.broadcast %and3A_197 : i32 to vector<16xi32>
      %and3A_199 = arith.andi %gather3A_196, %and3A_198 : vector<16xi32>
      %shift_right_logical3A_200 = arith.constant 4 : i32
      %shift_right_logical3A_201 = vector.broadcast %shift_right_logical3A_200 : i32 to vector<16xi32>
      %shift_right_logical3A_202 = arith.shrui %gather3A_196, %shift_right_logical3A_201 : vector<16xi32>
      %and3A_203 = arith.constant 1 : i32
      %and3A_204 = vector.broadcast %and3A_203 : i32 to vector<16xi32>
      %and3A_205 = arith.andi %shift_right_logical3A_202, %and3A_204 : vector<16xi32>
      %convert_element_type3A_206 = arith.sitofp %and3A_205 : vector<16xi32> to vector<16xf32>
      %shift_right_logical3A_207 = arith.constant 5 : i32
      %shift_right_logical3A_208 = vector.broadcast %shift_right_logical3A_207 : i32 to vector<16xi32>
      %shift_right_logical3A_209 = arith.shrui %gather3A_196, %shift_right_logical3A_208 : vector<16xi32>
      %and3A_210 = arith.constant 1 : i32
      %and3A_211 = vector.broadcast %and3A_210 : i32 to vector<16xi32>
      %and3A_212 = arith.andi %shift_right_logical3A_209, %and3A_211 : vector<16xi32>
      %convert_element_type3A_213 = arith.sitofp %and3A_212 : vector<16xi32> to vector<16xf32>
      %shift_right_logical3A_214 = arith.constant 6 : i32
      %shift_right_logical3A_215 = vector.broadcast %shift_right_logical3A_214 : i32 to vector<16xi32>
      %shift_right_logical3A_216 = arith.shrui %gather3A_196, %shift_right_logical3A_215 : vector<16xi32>
      %convert_element_type3A_217 = arith.sitofp %shift_right_logical3A_216 : vector<16xi32> to vector<16xf32>
      %get3A_218 = arith.index_cast %add3A_184 : i32 to index
      %get3A_219 = arith.constant 0 : index
      %get3A_220 = tpu.vector_load %arg8[%get3A_218, %get3A_219] {strides = array<i32>} : memref<512x128xf32, #tpu.memory_space<vmem>>, vector<1x16xf32>,
      %get3A_221 = vector.shape_cast %get3A_220 : vector<1x16xf32> to vector<16xf32>
      %get3A_222 = arith.index_cast %add3A_184 : i32 to index
      %get3A_223 = arith.constant 16 : index
      %get3A_224 = tpu.vector_load %arg8[%get3A_222, %get3A_223] {strides = array<i32>} : memref<512x128xf32, #tpu.memory_space<vmem>>, vector<1x16xf32>,
      %get3A_225 = vector.shape_cast %get3A_224 : vector<1x16xf32> to vector<16xf32>
      %get3A_226 = arith.index_cast %add3A_184 : i32 to index
      %get3A_227 = arith.constant 32 : index
      %get3A_228 = tpu.vector_load %arg8[%get3A_226, %get3A_227] {strides = array<i32>} : memref<512x128xf32, #tpu.memory_space<vmem>>, vector<1x16xf32>,
      %get3A_229 = vector.shape_cast %get3A_228 : vector<1x16xf32> to vector<16xf32>
      %get3A_230 = arith.index_cast %add3A_184 : i32 to index
      %get3A_231 = arith.constant 48 : index
      %get3A_232 = tpu.vector_load %arg8[%get3A_230, %get3A_231] {strides = array<i32>} : memref<512x128xf32, #tpu.memory_space<vmem>>, vector<1x16xf32>,
      %get3A_233 = vector.shape_cast %get3A_232 : vector<1x16xf32> to vector<16xf32>
      %get3A_234 = arith.index_cast %add3A_184 : i32 to index
      %get3A_235 = arith.constant 64 : index
      %get3A_236 = tpu.vector_load %arg8[%get3A_234, %get3A_235] {strides = array<i32>} : memref<512x128xf32, #tpu.memory_space<vmem>>, vector<1x16xf32>,
      %get3A_237 = vector.shape_cast %get3A_236 : vector<1x16xf32> to vector<16xf32>
      %get3A_238 = arith.index_cast %add3A_184 : i32 to index
      %get3A_239 = arith.constant 80 : index
      %get3A_240 = tpu.vector_load %arg8[%get3A_238, %get3A_239] {strides = array<i32>} : memref<512x128xf32, #tpu.memory_space<vmem>>, vector<1x16xf32>,
      %get3A_241 = vector.shape_cast %get3A_240 : vector<1x16xf32> to vector<16xf32>
      %get3A_242 = arith.index_cast %add3A_184 : i32 to index
      %get3A_243 = arith.constant 96 : index
      %get3A_244 = tpu.vector_load %arg8[%get3A_242, %get3A_243] {strides = array<i32>} : memref<512x128xf32, #tpu.memory_space<vmem>>, vector<1x16xf32>,
      %get3A_245 = vector.shape_cast %get3A_244 : vector<1x16xf32> to vector<16xf32>
      %get3A_246 = arith.index_cast %add3A_184 : i32 to index
      %get3A_247 = arith.constant 112 : index
      %get3A_248 = tpu.vector_load %arg8[%get3A_246, %get3A_247] {strides = array<i32>} : memref<512x128xf32, #tpu.memory_space<vmem>>, vector<1x16xf32>,
      %get3A_249 = vector.shape_cast %get3A_248 : vector<1x16xf32> to vector<16xf32>
      %sub3A_250 = arith.subf %get3A_225, %get3A_221 : vector<16xf32>
      %mul3A_251 = arith.mulf %convert_element_type3A_206, %sub3A_250 : vector<16xf32>
      %add3A_252 = arith.addf %get3A_221, %mul3A_251 : vector<16xf32>
      %sub3A_253 = arith.subf %get3A_233, %get3A_229 : vector<16xf32>
      %mul3A_254 = arith.mulf %convert_element_type3A_206, %sub3A_253 : vector<16xf32>
      %add3A_255 = arith.addf %get3A_229, %mul3A_254 : vector<16xf32>
      %sub3A_256 = arith.subf %get3A_241, %get3A_237 : vector<16xf32>
      %mul3A_257 = arith.mulf %convert_element_type3A_206, %sub3A_256 : vector<16xf32>
      %add3A_258 = arith.addf %get3A_237, %mul3A_257 : vector<16xf32>
      %sub3A_259 = arith.subf %get3A_249, %get3A_245 : vector<16xf32>
      %mul3A_260 = arith.mulf %convert_element_type3A_206, %sub3A_259 : vector<16xf32>
      %add3A_261 = arith.addf %get3A_245, %mul3A_260 : vector<16xf32>
      %sub3A_262 = arith.subf %add3A_255, %add3A_252 : vector<16xf32>
      %mul3A_263 = arith.mulf %convert_element_type3A_213, %sub3A_262 : vector<16xf32>
      %add3A_264 = arith.addf %add3A_252, %mul3A_263 : vector<16xf32>
      %sub3A_265 = arith.subf %add3A_261, %add3A_258 : vector<16xf32>
      %mul3A_266 = arith.mulf %convert_element_type3A_213, %sub3A_265 : vector<16xf32>
      %add3A_267 = arith.addf %add3A_258, %mul3A_266 : vector<16xf32>
      %sub3A_268 = arith.subf %add3A_267, %add3A_264 : vector<16xf32>
      %mul3A_269 = arith.mulf %convert_element_type3A_217, %sub3A_268 : vector<16xf32>
      %add3A_270 = arith.addf %add3A_264, %mul3A_269 : vector<16xf32>
      %lt3A_271 = arith.constant 0 : i32
      %lt3A_272 = vector.broadcast %lt3A_271 : i32 to vector<16xi32>
      %lt3A_273 = arith.cmpi slt, %and3A_199, %lt3A_272 : vector<16xi32>
      %add3A_274 = arith.constant 16 : i32
      %add3A_275 = vector.broadcast %add3A_274 : i32 to vector<16xi32>
      %add3A_276 = arith.addi %and3A_199, %add3A_275 : vector<16xi32>
      %select_n3A_277 = arith.select %lt3A_273, %add3A_276, %and3A_199 : vector<16xi1>, vector<16xi32>
      %broadcast_in_dim3A_278 = vector.shape_cast %select_n3A_277 : vector<16xi32> to vector<16x1xi32>
      %gather3A_279 = vector.shape_cast %broadcast_in_dim3A_278 : vector<16x1xi32> to vector<16xi32>
      %gather3A_280 = tpu.dynamic_gather %add3A_270[%gather3A_279] in [0] : vector<16xf32>, vector<16xi32> -> vector<16xf32>
      %eq3A_281 = arith.constant 1 : i32
      %eq3A_282 = vector.broadcast %eq3A_281 : i32 to vector<16xi32>
      %eq3A_283 = arith.cmpi eq, %iota3A, %eq3A_282 : vector<16xi32>
      %select_n3A_284 = arith.select %eq3A_283, %gather3A_280, %select_n3A_180 : vector<16xi1>, vector<16xf32>
      %mul3A_285 = arith.constant 16 : i32
      %mul3A_286 = arith.muli %scan3A_76, %mul3A_285 : i32
      %add3A_287 = arith.constant 2 : i32
      %add3A_288 = arith.addi %mul3A_286, %add3A_287 : i32
      %broadcast_in_dim3A_289 = arith.constant 2 : i32
      %broadcast_in_dim3A_290 = vector.broadcast %broadcast_in_dim3A_289 : i32 to vector<16xi32>
      %lt3A_291 = arith.constant 0 : i32
      %lt3A_292 = vector.broadcast %lt3A_291 : i32 to vector<16xi32>
      %lt3A_293 = arith.cmpi slt, %broadcast_in_dim3A_290, %lt3A_292 : vector<16xi32>
      %add3A_294 = arith.constant 16 : i32
      %add3A_295 = vector.broadcast %add3A_294 : i32 to vector<16xi32>
      %add3A_296 = arith.addi %broadcast_in_dim3A_290, %add3A_295 : vector<16xi32>
      %select_n3A_297 = arith.select %lt3A_293, %add3A_296, %broadcast_in_dim3A_290 : vector<16xi1>, vector<16xi32>
      %broadcast_in_dim3A_298 = vector.shape_cast %select_n3A_297 : vector<16xi32> to vector<16x1xi32>
      %gather3A_299 = vector.shape_cast %broadcast_in_dim3A_298 : vector<16x1xi32> to vector<16xi32>
      %gather3A_300 = tpu.dynamic_gather %and3A_82[%gather3A_299] in [0] : vector<16xi32>, vector<16xi32> -> vector<16xi32>
      %and3A_301 = arith.constant 15 : i32
      %and3A_302 = vector.broadcast %and3A_301 : i32 to vector<16xi32>
      %and3A_303 = arith.andi %gather3A_300, %and3A_302 : vector<16xi32>
      %shift_right_logical3A_304 = arith.constant 4 : i32
      %shift_right_logical3A_305 = vector.broadcast %shift_right_logical3A_304 : i32 to vector<16xi32>
      %shift_right_logical3A_306 = arith.shrui %gather3A_300, %shift_right_logical3A_305 : vector<16xi32>
      %and3A_307 = arith.constant 1 : i32
      %and3A_308 = vector.broadcast %and3A_307 : i32 to vector<16xi32>
      %and3A_309 = arith.andi %shift_right_logical3A_306, %and3A_308 : vector<16xi32>
      %convert_element_type3A_310 = arith.sitofp %and3A_309 : vector<16xi32> to vector<16xf32>
      %shift_right_logical3A_311 = arith.constant 5 : i32
      %shift_right_logical3A_312 = vector.broadcast %shift_right_logical3A_311 : i32 to vector<16xi32>
      %shift_right_logical3A_313 = arith.shrui %gather3A_300, %shift_right_logical3A_312 : vector<16xi32>
      %and3A_314 = arith.constant 1 : i32
      %and3A_315 = vector.broadcast %and3A_314 : i32 to vector<16xi32>
      %and3A_316 = arith.andi %shift_right_logical3A_313, %and3A_315 : vector<16xi32>
      %convert_element_type3A_317 = arith.sitofp %and3A_316 : vector<16xi32> to vector<16xf32>
      %shift_right_logical3A_318 = arith.constant 6 : i32
      %shift_right_logical3A_319 = vector.broadcast %shift_right_logical3A_318 : i32 to vector<16xi32>
      %shift_right_logical3A_320 = arith.shrui %gather3A_300, %shift_right_logical3A_319 : vector<16xi32>
      %convert_element_type3A_321 = arith.sitofp %shift_right_logical3A_320 : vector<16xi32> to vector<16xf32>
      %get3A_322 = arith.index_cast %add3A_288 : i32 to index
      %get3A_323 = arith.constant 0 : index
      %get3A_324 = tpu.vector_load %arg8[%get3A_322, %get3A_323] {strides = array<i32>} : memref<512x128xf32, #tpu.memory_space<vmem>>, vector<1x16xf32>,
      %get3A_325 = vector.shape_cast %get3A_324 : vector<1x16xf32> to vector<16xf32>
      %get3A_326 = arith.index_cast %add3A_288 : i32 to index
      %get3A_327 = arith.constant 16 : index
      %get3A_328 = tpu.vector_load %arg8[%get3A_326, %get3A_327] {strides = array<i32>} : memref<512x128xf32, #tpu.memory_space<vmem>>, vector<1x16xf32>,
      %get3A_329 = vector.shape_cast %get3A_328 : vector<1x16xf32> to vector<16xf32>
      %get3A_330 = arith.index_cast %add3A_288 : i32 to index
      %get3A_331 = arith.constant 32 : index
      %get3A_332 = tpu.vector_load %arg8[%get3A_330, %get3A_331] {strides = array<i32>} : memref<512x128xf32, #tpu.memory_space<vmem>>, vector<1x16xf32>,
      %get3A_333 = vector.shape_cast %get3A_332 : vector<1x16xf32> to vector<16xf32>
      %get3A_334 = arith.index_cast %add3A_288 : i32 to index
      %get3A_335 = arith.constant 48 : index
      %get3A_336 = tpu.vector_load %arg8[%get3A_334, %get3A_335] {strides = array<i32>} : memref<512x128xf32, #tpu.memory_space<vmem>>, vector<1x16xf32>,
      %get3A_337 = vector.shape_cast %get3A_336 : vector<1x16xf32> to vector<16xf32>
      %get3A_338 = arith.index_cast %add3A_288 : i32 to index
      %get3A_339 = arith.constant 64 : index
      %get3A_340 = tpu.vector_load %arg8[%get3A_338, %get3A_339] {strides = array<i32>} : memref<512x128xf32, #tpu.memory_space<vmem>>, vector<1x16xf32>,
      %get3A_341 = vector.shape_cast %get3A_340 : vector<1x16xf32> to vector<16xf32>
      %get3A_342 = arith.index_cast %add3A_288 : i32 to index
      %get3A_343 = arith.constant 80 : index
      %get3A_344 = tpu.vector_load %arg8[%get3A_342, %get3A_343] {strides = array<i32>} : memref<512x128xf32, #tpu.memory_space<vmem>>, vector<1x16xf32>,
      %get3A_345 = vector.shape_cast %get3A_344 : vector<1x16xf32> to vector<16xf32>
      %get3A_346 = arith.index_cast %add3A_288 : i32 to index
      %get3A_347 = arith.constant 96 : index
      %get3A_348 = tpu.vector_load %arg8[%get3A_346, %get3A_347] {strides = array<i32>} : memref<512x128xf32, #tpu.memory_space<vmem>>, vector<1x16xf32>,
      %get3A_349 = vector.shape_cast %get3A_348 : vector<1x16xf32> to vector<16xf32>
      %get3A_350 = arith.index_cast %add3A_288 : i32 to index
      %get3A_351 = arith.constant 112 : index
      %get3A_352 = tpu.vector_load %arg8[%get3A_350, %get3A_351] {strides = array<i32>} : memref<512x128xf32, #tpu.memory_space<vmem>>, vector<1x16xf32>,
      %get3A_353 = vector.shape_cast %get3A_352 : vector<1x16xf32> to vector<16xf32>
      %sub3A_354 = arith.subf %get3A_329, %get3A_325 : vector<16xf32>
      %mul3A_355 = arith.mulf %convert_element_type3A_310, %sub3A_354 : vector<16xf32>
      %add3A_356 = arith.addf %get3A_325, %mul3A_355 : vector<16xf32>
      %sub3A_357 = arith.subf %get3A_337, %get3A_333 : vector<16xf32>
      %mul3A_358 = arith.mulf %convert_element_type3A_310, %sub3A_357 : vector<16xf32>
      %add3A_359 = arith.addf %get3A_333, %mul3A_358 : vector<16xf32>
      %sub3A_360 = arith.subf %get3A_345, %get3A_341 : vector<16xf32>
      %mul3A_361 = arith.mulf %convert_element_type3A_310, %sub3A_360 : vector<16xf32>
      %add3A_362 = arith.addf %get3A_341, %mul3A_361 : vector<16xf32>
      %sub3A_363 = arith.subf %get3A_353, %get3A_349 : vector<16xf32>
      %mul3A_364 = arith.mulf %convert_element_type3A_310, %sub3A_363 : vector<16xf32>
      %add3A_365 = arith.addf %get3A_349, %mul3A_364 : vector<16xf32>
      %sub3A_366 = arith.subf %add3A_359, %add3A_356 : vector<16xf32>
      %mul3A_367 = arith.mulf %convert_element_type3A_317, %sub3A_366 : vector<16xf32>
      %add3A_368 = arith.addf %add3A_356, %mul3A_367 : vector<16xf32>
      %sub3A_369 = arith.subf %add3A_365, %add3A_362 : vector<16xf32>
      %mul3A_370 = arith.mulf %convert_element_type3A_317, %sub3A_369 : vector<16xf32>
      %add3A_371 = arith.addf %add3A_362, %mul3A_370 : vector<16xf32>
      %sub3A_372 = arith.subf %add3A_371, %add3A_368 : vector<16xf32>
      %mul3A_373 = arith.mulf %convert_element_type3A_321, %sub3A_372 : vector<16xf32>
      %add3A_374 = arith.addf %add3A_368, %mul3A_373 : vector<16xf32>
      %lt3A_375 = arith.constant 0 : i32
      %lt3A_376 = vector.broadcast %lt3A_375 : i32 to vector<16xi32>
      %lt3A_377 = arith.cmpi slt, %and3A_303, %lt3A_376 : vector<16xi32>
      %add3A_378 = arith.constant 16 : i32
      %add3A_379 = vector.broadcast %add3A_378 : i32 to vector<16xi32>
      %add3A_380 = arith.addi %and3A_303, %add3A_379 : vector<16xi32>
      %select_n3A_381 = arith.select %lt3A_377, %add3A_380, %and3A_303 : vector<16xi1>, vector<16xi32>
      %broadcast_in_dim3A_382 = vector.shape_cast %select_n3A_381 : vector<16xi32> to vector<16x1xi32>
      %gather3A_383 = vector.shape_cast %broadcast_in_dim3A_382 : vector<16x1xi32> to vector<16xi32>
      %gather3A_384 = tpu.dynamic_gather %add3A_374[%gather3A_383] in [0] : vector<16xf32>, vector<16xi32> -> vector<16xf32>
      %eq3A_385 = arith.constant 2 : i32
      %eq3A_386 = vector.broadcast %eq3A_385 : i32 to vector<16xi32>
      %eq3A_387 = arith.cmpi eq, %iota3A, %eq3A_386 : vector<16xi32>
      %select_n3A_388 = arith.select %eq3A_387, %gather3A_384, %select_n3A_284 : vector<16xi1>, vector<16xf32>
      %mul3A_389 = arith.constant 16 : i32
      %mul3A_390 = arith.muli %scan3A_76, %mul3A_389 : i32
      %add3A_391 = arith.constant 3 : i32
      %add3A_392 = arith.addi %mul3A_390, %add3A_391 : i32
      %broadcast_in_dim3A_393 = arith.constant 3 : i32
      %broadcast_in_dim3A_394 = vector.broadcast %broadcast_in_dim3A_393 : i32 to vector<16xi32>
      %lt3A_395 = arith.constant 0 : i32
      %lt3A_396 = vector.broadcast %lt3A_395 : i32 to vector<16xi32>
      %lt3A_397 = arith.cmpi slt, %broadcast_in_dim3A_394, %lt3A_396 : vector<16xi32>
      %add3A_398 = arith.constant 16 : i32
      %add3A_399 = vector.broadcast %add3A_398 : i32 to vector<16xi32>
      %add3A_400 = arith.addi %broadcast_in_dim3A_394, %add3A_399 : vector<16xi32>
      %select_n3A_401 = arith.select %lt3A_397, %add3A_400, %broadcast_in_dim3A_394 : vector<16xi1>, vector<16xi32>
      %broadcast_in_dim3A_402 = vector.shape_cast %select_n3A_401 : vector<16xi32> to vector<16x1xi32>
      %gather3A_403 = vector.shape_cast %broadcast_in_dim3A_402 : vector<16x1xi32> to vector<16xi32>
      %gather3A_404 = tpu.dynamic_gather %and3A_82[%gather3A_403] in [0] : vector<16xi32>, vector<16xi32> -> vector<16xi32>
      %and3A_405 = arith.constant 15 : i32
      %and3A_406 = vector.broadcast %and3A_405 : i32 to vector<16xi32>
      %and3A_407 = arith.andi %gather3A_404, %and3A_406 : vector<16xi32>
      %shift_right_logical3A_408 = arith.constant 4 : i32
      %shift_right_logical3A_409 = vector.broadcast %shift_right_logical3A_408 : i32 to vector<16xi32>
      %shift_right_logical3A_410 = arith.shrui %gather3A_404, %shift_right_logical3A_409 : vector<16xi32>
      %and3A_411 = arith.constant 1 : i32
      %and3A_412 = vector.broadcast %and3A_411 : i32 to vector<16xi32>
      %and3A_413 = arith.andi %shift_right_logical3A_410, %and3A_412 : vector<16xi32>
      %convert_element_type3A_414 = arith.sitofp %and3A_413 : vector<16xi32> to vector<16xf32>
      %shift_right_logical3A_415 = arith.constant 5 : i32
      %shift_right_logical3A_416 = vector.broadcast %shift_right_logical3A_415 : i32 to vector<16xi32>
      %shift_right_logical3A_417 = arith.shrui %gather3A_404, %shift_right_logical3A_416 : vector<16xi32>
      %and3A_418 = arith.constant 1 : i32
      %and3A_419 = vector.broadcast %and3A_418 : i32 to vector<16xi32>
      %and3A_420 = arith.andi %shift_right_logical3A_417, %and3A_419 : vector<16xi32>
      %convert_element_type3A_421 = arith.sitofp %and3A_420 : vector<16xi32> to vector<16xf32>
      %shift_right_logical3A_422 = arith.constant 6 : i32
      %shift_right_logical3A_423 = vector.broadcast %shift_right_logical3A_422 : i32 to vector<16xi32>
      %shift_right_logical3A_424 = arith.shrui %gather3A_404, %shift_right_logical3A_423 : vector<16xi32>
      %convert_element_type3A_425 = arith.sitofp %shift_right_logical3A_424 : vector<16xi32> to vector<16xf32>
      %get3A_426 = arith.index_cast %add3A_392 : i32 to index
      %get3A_427 = arith.constant 0 : index
      %get3A_428 = tpu.vector_load %arg8[%get3A_426, %get3A_427] {strides = array<i32>} : memref<512x128xf32, #tpu.memory_space<vmem>>, vector<1x16xf32>,
      %get3A_429 = vector.shape_cast %get3A_428 : vector<1x16xf32> to vector<16xf32>
      %get3A_430 = arith.index_cast %add3A_392 : i32 to index
      %get3A_431 = arith.constant 16 : index
      %get3A_432 = tpu.vector_load %arg8[%get3A_430, %get3A_431] {strides = array<i32>} : memref<512x128xf32, #tpu.memory_space<vmem>>, vector<1x16xf32>,
      %get3A_433 = vector.shape_cast %get3A_432 : vector<1x16xf32> to vector<16xf32>
      %get3A_434 = arith.index_cast %add3A_392 : i32 to index
      %get3A_435 = arith.constant 32 : index
      %get3A_436 = tpu.vector_load %arg8[%get3A_434, %get3A_435] {strides = array<i32>} : memref<512x128xf32, #tpu.memory_space<vmem>>, vector<1x16xf32>,
      %get3A_437 = vector.shape_cast %get3A_436 : vector<1x16xf32> to vector<16xf32>
      %get3A_438 = arith.index_cast %add3A_392 : i32 to index
      %get3A_439 = arith.constant 48 : index
      %get3A_440 = tpu.vector_load %arg8[%get3A_438, %get3A_439] {strides = array<i32>} : memref<512x128xf32, #tpu.memory_space<vmem>>, vector<1x16xf32>,
      %get3A_441 = vector.shape_cast %get3A_440 : vector<1x16xf32> to vector<16xf32>
      %get3A_442 = arith.index_cast %add3A_392 : i32 to index
      %get3A_443 = arith.constant 64 : index
      %get3A_444 = tpu.vector_load %arg8[%get3A_442, %get3A_443] {strides = array<i32>} : memref<512x128xf32, #tpu.memory_space<vmem>>, vector<1x16xf32>,
      %get3A_445 = vector.shape_cast %get3A_444 : vector<1x16xf32> to vector<16xf32>
      %get3A_446 = arith.index_cast %add3A_392 : i32 to index
      %get3A_447 = arith.constant 80 : index
      %get3A_448 = tpu.vector_load %arg8[%get3A_446, %get3A_447] {strides = array<i32>} : memref<512x128xf32, #tpu.memory_space<vmem>>, vector<1x16xf32>,
      %get3A_449 = vector.shape_cast %get3A_448 : vector<1x16xf32> to vector<16xf32>
      %get3A_450 = arith.index_cast %add3A_392 : i32 to index
      %get3A_451 = arith.constant 96 : index
      %get3A_452 = tpu.vector_load %arg8[%get3A_450, %get3A_451] {strides = array<i32>} : memref<512x128xf32, #tpu.memory_space<vmem>>, vector<1x16xf32>,
      %get3A_453 = vector.shape_cast %get3A_452 : vector<1x16xf32> to vector<16xf32>
      %get3A_454 = arith.index_cast %add3A_392 : i32 to index
      %get3A_455 = arith.constant 112 : index
      %get3A_456 = tpu.vector_load %arg8[%get3A_454, %get3A_455] {strides = array<i32>} : memref<512x128xf32, #tpu.memory_space<vmem>>, vector<1x16xf32>,
      %get3A_457 = vector.shape_cast %get3A_456 : vector<1x16xf32> to vector<16xf32>
      %sub3A_458 = arith.subf %get3A_433, %get3A_429 : vector<16xf32>
      %mul3A_459 = arith.mulf %convert_element_type3A_414, %sub3A_458 : vector<16xf32>
      %add3A_460 = arith.addf %get3A_429, %mul3A_459 : vector<16xf32>
      %sub3A_461 = arith.subf %get3A_441, %get3A_437 : vector<16xf32>
      %mul3A_462 = arith.mulf %convert_element_type3A_414, %sub3A_461 : vector<16xf32>
      %add3A_463 = arith.addf %get3A_437, %mul3A_462 : vector<16xf32>
      %sub3A_464 = arith.subf %get3A_449, %get3A_445 : vector<16xf32>
      %mul3A_465 = arith.mulf %convert_element_type3A_414, %sub3A_464 : vector<16xf32>
      %add3A_466 = arith.addf %get3A_445, %mul3A_465 : vector<16xf32>
      %sub3A_467 = arith.subf %get3A_457, %get3A_453 : vector<16xf32>
      %mul3A_468 = arith.mulf %convert_element_type3A_414, %sub3A_467 : vector<16xf32>
      %add3A_469 = arith.addf %get3A_453, %mul3A_468 : vector<16xf32>
      %sub3A_470 = arith.subf %add3A_463, %add3A_460 : vector<16xf32>
      %mul3A_471 = arith.mulf %convert_element_type3A_421, %sub3A_470 : vector<16xf32>
      %add3A_472 = arith.addf %add3A_460, %mul3A_471 : vector<16xf32>
      %sub3A_473 = arith.subf %add3A_469, %add3A_466 : vector<16xf32>
      %mul3A_474 = arith.mulf %convert_element_type3A_421, %sub3A_473 : vector<16xf32>
      %add3A_475 = arith.addf %add3A_466, %mul3A_474 : vector<16xf32>
      %sub3A_476 = arith.subf %add3A_475, %add3A_472 : vector<16xf32>
      %mul3A_477 = arith.mulf %convert_element_type3A_425, %sub3A_476 : vector<16xf32>
      %add3A_478 = arith.addf %add3A_472, %mul3A_477 : vector<16xf32>
      %lt3A_479 = arith.constant 0 : i32
      %lt3A_480 = vector.broadcast %lt3A_479 : i32 to vector<16xi32>
      %lt3A_481 = arith.cmpi slt, %and3A_407, %lt3A_480 : vector<16xi32>
      %add3A_482 = arith.constant 16 : i32
      %add3A_483 = vector.broadcast %add3A_482 : i32 to vector<16xi32>
      %add3A_484 = arith.addi %and3A_407, %add3A_483 : vector<16xi32>
      %select_n3A_485 = arith.select %lt3A_481, %add3A_484, %and3A_407 : vector<16xi1>, vector<16xi32>
      %broadcast_in_dim3A_486 = vector.shape_cast %select_n3A_485 : vector<16xi32> to vector<16x1xi32>
      %gather3A_487 = vector.shape_cast %broadcast_in_dim3A_486 : vector<16x1xi32> to vector<16xi32>
      %gather3A_488 = tpu.dynamic_gather %add3A_478[%gather3A_487] in [0] : vector<16xf32>, vector<16xi32> -> vector<16xf32>
      %eq3A_489 = arith.constant 3 : i32
      %eq3A_490 = vector.broadcast %eq3A_489 : i32 to vector<16xi32>
      %eq3A_491 = arith.cmpi eq, %iota3A, %eq3A_490 : vector<16xi32>
      %select_n3A_492 = arith.select %eq3A_491, %gather3A_488, %select_n3A_388 : vector<16xi1>, vector<16xf32>
      %mul3A_493 = arith.constant 16 : i32
      %mul3A_494 = arith.muli %scan3A_76, %mul3A_493 : i32
      %add3A_495 = arith.constant 4 : i32
      %add3A_496 = arith.addi %mul3A_494, %add3A_495 : i32
      %broadcast_in_dim3A_497 = arith.constant 4 : i32
      %broadcast_in_dim3A_498 = vector.broadcast %broadcast_in_dim3A_497 : i32 to vector<16xi32>
      %lt3A_499 = arith.constant 0 : i32
      %lt3A_500 = vector.broadcast %lt3A_499 : i32 to vector<16xi32>
      %lt3A_501 = arith.cmpi slt, %broadcast_in_dim3A_498, %lt3A_500 : vector<16xi32>
      %add3A_502 = arith.constant 16 : i32
      %add3A_503 = vector.broadcast %add3A_502 : i32 to vector<16xi32>
      %add3A_504 = arith.addi %broadcast_in_dim3A_498, %add3A_503 : vector<16xi32>
      %select_n3A_505 = arith.select %lt3A_501, %add3A_504, %broadcast_in_dim3A_498 : vector<16xi1>, vector<16xi32>
      %broadcast_in_dim3A_506 = vector.shape_cast %select_n3A_505 : vector<16xi32> to vector<16x1xi32>
      %gather3A_507 = vector.shape_cast %broadcast_in_dim3A_506 : vector<16x1xi32> to vector<16xi32>
      %gather3A_508 = tpu.dynamic_gather %and3A_82[%gather3A_507] in [0] : vector<16xi32>, vector<16xi32> -> vector<16xi32>
      %and3A_509 = arith.constant 15 : i32
      %and3A_510 = vector.broadcast %and3A_509 : i32 to vector<16xi32>
      %and3A_511 = arith.andi %gather3A_508, %and3A_510 : vector<16xi32>
      %shift_right_logical3A_512 = arith.constant 4 : i32
      %shift_right_logical3A_513 = vector.broadcast %shift_right_logical3A_512 : i32 to vector<16xi32>
      %shift_right_logical3A_514 = arith.shrui %gather3A_508, %shift_right_logical3A_513 : vector<16xi32>
      %and3A_515 = arith.constant 1 : i32
      %and3A_516 = vector.broadcast %and3A_515 : i32 to vector<16xi32>
      %and3A_517 = arith.andi %shift_right_logical3A_514, %and3A_516 : vector<16xi32>
      %convert_element_type3A_518 = arith.sitofp %and3A_517 : vector<16xi32> to vector<16xf32>
      %shift_right_logical3A_519 = arith.constant 5 : i32
      %shift_right_logical3A_520 = vector.broadcast %shift_right_logical3A_519 : i32 to vector<16xi32>
      %shift_right_logical3A_521 = arith.shrui %gather3A_508, %shift_right_logical3A_520 : vector<16xi32>
      %and3A_522 = arith.constant 1 : i32
      %and3A_523 = vector.broadcast %and3A_522 : i32 to vector<16xi32>
      %and3A_524 = arith.andi %shift_right_logical3A_521, %and3A_523 : vector<16xi32>
      %convert_element_type3A_525 = arith.sitofp %and3A_524 : vector<16xi32> to vector<16xf32>
      %shift_right_logical3A_526 = arith.constant 6 : i32
      %shift_right_logical3A_527 = vector.broadcast %shift_right_logical3A_526 : i32 to vector<16xi32>
      %shift_right_logical3A_528 = arith.shrui %gather3A_508, %shift_right_logical3A_527 : vector<16xi32>
      %convert_element_type3A_529 = arith.sitofp %shift_right_logical3A_528 : vector<16xi32> to vector<16xf32>
      %get3A_530 = arith.index_cast %add3A_496 : i32 to index
      %get3A_531 = arith.constant 0 : index
      %get3A_532 = tpu.vector_load %arg8[%get3A_530, %get3A_531] {strides = array<i32>} : memref<512x128xf32, #tpu.memory_space<vmem>>, vector<1x16xf32>,
      %get3A_533 = vector.shape_cast %get3A_532 : vector<1x16xf32> to vector<16xf32>
      %get3A_534 = arith.index_cast %add3A_496 : i32 to index
      %get3A_535 = arith.constant 16 : index
      %get3A_536 = tpu.vector_load %arg8[%get3A_534, %get3A_535] {strides = array<i32>} : memref<512x128xf32, #tpu.memory_space<vmem>>, vector<1x16xf32>,
      %get3A_537 = vector.shape_cast %get3A_536 : vector<1x16xf32> to vector<16xf32>
      %get3A_538 = arith.index_cast %add3A_496 : i32 to index
      %get3A_539 = arith.constant 32 : index
      %get3A_540 = tpu.vector_load %arg8[%get3A_538, %get3A_539] {strides = array<i32>} : memref<512x128xf32, #tpu.memory_space<vmem>>, vector<1x16xf32>,
      %get3A_541 = vector.shape_cast %get3A_540 : vector<1x16xf32> to vector<16xf32>
      %get3A_542 = arith.index_cast %add3A_496 : i32 to index
      %get3A_543 = arith.constant 48 : index
      %get3A_544 = tpu.vector_load %arg8[%get3A_542, %get3A_543] {strides = array<i32>} : memref<512x128xf32, #tpu.memory_space<vmem>>, vector<1x16xf32>,
      %get3A_545 = vector.shape_cast %get3A_544 : vector<1x16xf32> to vector<16xf32>
      %get3A_546 = arith.index_cast %add3A_496 : i32 to index
      %get3A_547 = arith.constant 64 : index
      %get3A_548 = tpu.vector_load %arg8[%get3A_546, %get3A_547] {strides = array<i32>} : memref<512x128xf32, #tpu.memory_space<vmem>>, vector<1x16xf32>,
      %get3A_549 = vector.shape_cast %get3A_548 : vector<1x16xf32> to vector<16xf32>
      %get3A_550 = arith.index_cast %add3A_496 : i32 to index
      %get3A_551 = arith.constant 80 : index
      %get3A_552 = tpu.vector_load %arg8[%get3A_550, %get3A_551] {strides = array<i32>} : memref<512x128xf32, #tpu.memory_space<vmem>>, vector<1x16xf32>,
      %get3A_553 = vector.shape_cast %get3A_552 : vector<1x16xf32> to vector<16xf32>
      %get3A_554 = arith.index_cast %add3A_496 : i32 to index
      %get3A_555 = arith.constant 96 : index
      %get3A_556 = tpu.vector_load %arg8[%get3A_554, %get3A_555] {strides = array<i32>} : memref<512x128xf32, #tpu.memory_space<vmem>>, vector<1x16xf32>,
      %get3A_557 = vector.shape_cast %get3A_556 : vector<1x16xf32> to vector<16xf32>
      %get3A_558 = arith.index_cast %add3A_496 : i32 to index
      %get3A_559 = arith.constant 112 : index
      %get3A_560 = tpu.vector_load %arg8[%get3A_558, %get3A_559] {strides = array<i32>} : memref<512x128xf32, #tpu.memory_space<vmem>>, vector<1x16xf32>,
      %get3A_561 = vector.shape_cast %get3A_560 : vector<1x16xf32> to vector<16xf32>
      %sub3A_562 = arith.subf %get3A_537, %get3A_533 : vector<16xf32>
      %mul3A_563 = arith.mulf %convert_element_type3A_518, %sub3A_562 : vector<16xf32>
      %add3A_564 = arith.addf %get3A_533, %mul3A_563 : vector<16xf32>
      %sub3A_565 = arith.subf %get3A_545, %get3A_541 : vector<16xf32>
      %mul3A_566 = arith.mulf %convert_element_type3A_518, %sub3A_565 : vector<16xf32>
      %add3A_567 = arith.addf %get3A_541, %mul3A_566 : vector<16xf32>
      %sub3A_568 = arith.subf %get3A_553, %get3A_549 : vector<16xf32>
      %mul3A_569 = arith.mulf %convert_element_type3A_518, %sub3A_568 : vector<16xf32>
      %add3A_570 = arith.addf %get3A_549, %mul3A_569 : vector<16xf32>
      %sub3A_571 = arith.subf %get3A_561, %get3A_557 : vector<16xf32>
      %mul3A_572 = arith.mulf %convert_element_type3A_518, %sub3A_571 : vector<16xf32>
      %add3A_573 = arith.addf %get3A_557, %mul3A_572 : vector<16xf32>
      %sub3A_574 = arith.subf %add3A_567, %add3A_564 : vector<16xf32>
      %mul3A_575 = arith.mulf %convert_element_type3A_525, %sub3A_574 : vector<16xf32>
      %add3A_576 = arith.addf %add3A_564, %mul3A_575 : vector<16xf32>
      %sub3A_577 = arith.subf %add3A_573, %add3A_570 : vector<16xf32>
      %mul3A_578 = arith.mulf %convert_element_type3A_525, %sub3A_577 : vector<16xf32>
      %add3A_579 = arith.addf %add3A_570, %mul3A_578 : vector<16xf32>
      %sub3A_580 = arith.subf %add3A_579, %add3A_576 : vector<16xf32>
      %mul3A_581 = arith.mulf %convert_element_type3A_529, %sub3A_580 : vector<16xf32>
      %add3A_582 = arith.addf %add3A_576, %mul3A_581 : vector<16xf32>
      %lt3A_583 = arith.constant 0 : i32
      %lt3A_584 = vector.broadcast %lt3A_583 : i32 to vector<16xi32>
      %lt3A_585 = arith.cmpi slt, %and3A_511, %lt3A_584 : vector<16xi32>
      %add3A_586 = arith.constant 16 : i32
      %add3A_587 = vector.broadcast %add3A_586 : i32 to vector<16xi32>
      %add3A_588 = arith.addi %and3A_511, %add3A_587 : vector<16xi32>
      %select_n3A_589 = arith.select %lt3A_585, %add3A_588, %and3A_511 : vector<16xi1>, vector<16xi32>
      %broadcast_in_dim3A_590 = vector.shape_cast %select_n3A_589 : vector<16xi32> to vector<16x1xi32>
      %gather3A_591 = vector.shape_cast %broadcast_in_dim3A_590 : vector<16x1xi32> to vector<16xi32>
      %gather3A_592 = tpu.dynamic_gather %add3A_582[%gather3A_591] in [0] : vector<16xf32>, vector<16xi32> -> vector<16xf32>
      %eq3A_593 = arith.constant 4 : i32
      %eq3A_594 = vector.broadcast %eq3A_593 : i32 to vector<16xi32>
      %eq3A_595 = arith.cmpi eq, %iota3A, %eq3A_594 : vector<16xi32>
      %select_n3A_596 = arith.select %eq3A_595, %gather3A_592, %select_n3A_492 : vector<16xi1>, vector<16xf32>
      %mul3A_597 = arith.constant 16 : i32
      %mul3A_598 = arith.muli %scan3A_76, %mul3A_597 : i32
      %add3A_599 = arith.constant 5 : i32
      %add3A_600 = arith.addi %mul3A_598, %add3A_599 : i32
      %broadcast_in_dim3A_601 = arith.constant 5 : i32
      %broadcast_in_dim3A_602 = vector.broadcast %broadcast_in_dim3A_601 : i32 to vector<16xi32>
      %lt3A_603 = arith.constant 0 : i32
      %lt3A_604 = vector.broadcast %lt3A_603 : i32 to vector<16xi32>
      %lt3A_605 = arith.cmpi slt, %broadcast_in_dim3A_602, %lt3A_604 : vector<16xi32>
      %add3A_606 = arith.constant 16 : i32
      %add3A_607 = vector.broadcast %add3A_606 : i32 to vector<16xi32>
      %add3A_608 = arith.addi %broadcast_in_dim3A_602, %add3A_607 : vector<16xi32>
      %select_n3A_609 = arith.select %lt3A_605, %add3A_608, %broadcast_in_dim3A_602 : vector<16xi1>, vector<16xi32>
      %broadcast_in_dim3A_610 = vector.shape_cast %select_n3A_609 : vector<16xi32> to vector<16x1xi32>
      %gather3A_611 = vector.shape_cast %broadcast_in_dim3A_610 : vector<16x1xi32> to vector<16xi32>
      %gather3A_612 = tpu.dynamic_gather %and3A_82[%gather3A_611] in [0] : vector<16xi32>, vector<16xi32> -> vector<16xi32>
      %and3A_613 = arith.constant 15 : i32
      %and3A_614 = vector.broadcast %and3A_613 : i32 to vector<16xi32>
      %and3A_615 = arith.andi %gather3A_612, %and3A_614 : vector<16xi32>
      %shift_right_logical3A_616 = arith.constant 4 : i32
      %shift_right_logical3A_617 = vector.broadcast %shift_right_logical3A_616 : i32 to vector<16xi32>
      %shift_right_logical3A_618 = arith.shrui %gather3A_612, %shift_right_logical3A_617 : vector<16xi32>
      %and3A_619 = arith.constant 1 : i32
      %and3A_620 = vector.broadcast %and3A_619 : i32 to vector<16xi32>
      %and3A_621 = arith.andi %shift_right_logical3A_618, %and3A_620 : vector<16xi32>
      %convert_element_type3A_622 = arith.sitofp %and3A_621 : vector<16xi32> to vector<16xf32>
      %shift_right_logical3A_623 = arith.constant 5 : i32
      %shift_right_logical3A_624 = vector.broadcast %shift_right_logical3A_623 : i32 to vector<16xi32>
      %shift_right_logical3A_625 = arith.shrui %gather3A_612, %shift_right_logical3A_624 : vector<16xi32>
      %and3A_626 = arith.constant 1 : i32
      %and3A_627 = vector.broadcast %and3A_626 : i32 to vector<16xi32>
      %and3A_628 = arith.andi %shift_right_logical3A_625, %and3A_627 : vector<16xi32>
      %convert_element_type3A_629 = arith.sitofp %and3A_628 : vector<16xi32> to vector<16xf32>
      %shift_right_logical3A_630 = arith.constant 6 : i32
      %shift_right_logical3A_631 = vector.broadcast %shift_right_logical3A_630 : i32 to vector<16xi32>
      %shift_right_logical3A_632 = arith.shrui %gather3A_612, %shift_right_logical3A_631 : vector<16xi32>
      %convert_element_type3A_633 = arith.sitofp %shift_right_logical3A_632 : vector<16xi32> to vector<16xf32>
      %get3A_634 = arith.index_cast %add3A_600 : i32 to index
      %get3A_635 = arith.constant 0 : index
      %get3A_636 = tpu.vector_load %arg8[%get3A_634, %get3A_635] {strides = array<i32>} : memref<512x128xf32, #tpu.memory_space<vmem>>, vector<1x16xf32>,
      %get3A_637 = vector.shape_cast %get3A_636 : vector<1x16xf32> to vector<16xf32>
      %get3A_638 = arith.index_cast %add3A_600 : i32 to index
      %get3A_639 = arith.constant 16 : index
      %get3A_640 = tpu.vector_load %arg8[%get3A_638, %get3A_639] {strides = array<i32>} : memref<512x128xf32, #tpu.memory_space<vmem>>, vector<1x16xf32>,
      %get3A_641 = vector.shape_cast %get3A_640 : vector<1x16xf32> to vector<16xf32>
      %get3A_642 = arith.index_cast %add3A_600 : i32 to index
      %get3A_643 = arith.constant 32 : index
      %get3A_644 = tpu.vector_load %arg8[%get3A_642, %get3A_643] {strides = array<i32>} : memref<512x128xf32, #tpu.memory_space<vmem>>, vector<1x16xf32>,
      %get3A_645 = vector.shape_cast %get3A_644 : vector<1x16xf32> to vector<16xf32>
      %get3A_646 = arith.index_cast %add3A_600 : i32 to index
      %get3A_647 = arith.constant 48 : index
      %get3A_648 = tpu.vector_load %arg8[%get3A_646, %get3A_647] {strides = array<i32>} : memref<512x128xf32, #tpu.memory_space<vmem>>, vector<1x16xf32>,
      %get3A_649 = vector.shape_cast %get3A_648 : vector<1x16xf32> to vector<16xf32>
      %get3A_650 = arith.index_cast %add3A_600 : i32 to index
      %get3A_651 = arith.constant 64 : index
      %get3A_652 = tpu.vector_load %arg8[%get3A_650, %get3A_651] {strides = array<i32>} : memref<512x128xf32, #tpu.memory_space<vmem>>, vector<1x16xf32>,
      %get3A_653 = vector.shape_cast %get3A_652 : vector<1x16xf32> to vector<16xf32>
      %get3A_654 = arith.index_cast %add3A_600 : i32 to index
      %get3A_655 = arith.constant 80 : index
      %get3A_656 = tpu.vector_load %arg8[%get3A_654, %get3A_655] {strides = array<i32>} : memref<512x128xf32, #tpu.memory_space<vmem>>, vector<1x16xf32>,
      %get3A_657 = vector.shape_cast %get3A_656 : vector<1x16xf32> to vector<16xf32>
      %get3A_658 = arith.index_cast %add3A_600 : i32 to index
      %get3A_659 = arith.constant 96 : index
      %get3A_660 = tpu.vector_load %arg8[%get3A_658, %get3A_659] {strides = array<i32>} : memref<512x128xf32, #tpu.memory_space<vmem>>, vector<1x16xf32>,
      %get3A_661 = vector.shape_cast %get3A_660 : vector<1x16xf32> to vector<16xf32>
      %get3A_662 = arith.index_cast %add3A_600 : i32 to index
      %get3A_663 = arith.constant 112 : index
      %get3A_664 = tpu.vector_load %arg8[%get3A_662, %get3A_663] {strides = array<i32>} : memref<512x128xf32, #tpu.memory_space<vmem>>, vector<1x16xf32>,
      %get3A_665 = vector.shape_cast %get3A_664 : vector<1x16xf32> to vector<16xf32>
      %sub3A_666 = arith.subf %get3A_641, %get3A_637 : vector<16xf32>
      %mul3A_667 = arith.mulf %convert_element_type3A_622, %sub3A_666 : vector<16xf32>
      %add3A_668 = arith.addf %get3A_637, %mul3A_667 : vector<16xf32>
      %sub3A_669 = arith.subf %get3A_649, %get3A_645 : vector<16xf32>
      %mul3A_670 = arith.mulf %convert_element_type3A_622, %sub3A_669 : vector<16xf32>
      %add3A_671 = arith.addf %get3A_645, %mul3A_670 : vector<16xf32>
      %sub3A_672 = arith.subf %get3A_657, %get3A_653 : vector<16xf32>
      %mul3A_673 = arith.mulf %convert_element_type3A_622, %sub3A_672 : vector<16xf32>
      %add3A_674 = arith.addf %get3A_653, %mul3A_673 : vector<16xf32>
      %sub3A_675 = arith.subf %get3A_665, %get3A_661 : vector<16xf32>
      %mul3A_676 = arith.mulf %convert_element_type3A_622, %sub3A_675 : vector<16xf32>
      %add3A_677 = arith.addf %get3A_661, %mul3A_676 : vector<16xf32>
      %sub3A_678 = arith.subf %add3A_671, %add3A_668 : vector<16xf32>
      %mul3A_679 = arith.mulf %convert_element_type3A_629, %sub3A_678 : vector<16xf32>
      %add3A_680 = arith.addf %add3A_668, %mul3A_679 : vector<16xf32>
      %sub3A_681 = arith.subf %add3A_677, %add3A_674 : vector<16xf32>
      %mul3A_682 = arith.mulf %convert_element_type3A_629, %sub3A_681 : vector<16xf32>
      %add3A_683 = arith.addf %add3A_674, %mul3A_682 : vector<16xf32>
      %sub3A_684 = arith.subf %add3A_683, %add3A_680 : vector<16xf32>
      %mul3A_685 = arith.mulf %convert_element_type3A_633, %sub3A_684 : vector<16xf32>
      %add3A_686 = arith.addf %add3A_680, %mul3A_685 : vector<16xf32>
      %lt3A_687 = arith.constant 0 : i32
      %lt3A_688 = vector.broadcast %lt3A_687 : i32 to vector<16xi32>
      %lt3A_689 = arith.cmpi slt, %and3A_615, %lt3A_688 : vector<16xi32>
      %add3A_690 = arith.constant 16 : i32
      %add3A_691 = vector.broadcast %add3A_690 : i32 to vector<16xi32>
      %add3A_692 = arith.addi %and3A_615, %add3A_691 : vector<16xi32>
      %select_n3A_693 = arith.select %lt3A_689, %add3A_692, %and3A_615 : vector<16xi1>, vector<16xi32>
      %broadcast_in_dim3A_694 = vector.shape_cast %select_n3A_693 : vector<16xi32> to vector<16x1xi32>
      %gather3A_695 = vector.shape_cast %broadcast_in_dim3A_694 : vector<16x1xi32> to vector<16xi32>
      %gather3A_696 = tpu.dynamic_gather %add3A_686[%gather3A_695] in [0] : vector<16xf32>, vector<16xi32> -> vector<16xf32>
      %eq3A_697 = arith.constant 5 : i32
      %eq3A_698 = vector.broadcast %eq3A_697 : i32 to vector<16xi32>
      %eq3A_699 = arith.cmpi eq, %iota3A, %eq3A_698 : vector<16xi32>
      %select_n3A_700 = arith.select %eq3A_699, %gather3A_696, %select_n3A_596 : vector<16xi1>, vector<16xf32>
      %mul3A_701 = arith.constant 16 : i32
      %mul3A_702 = arith.muli %scan3A_76, %mul3A_701 : i32
      %add3A_703 = arith.constant 6 : i32
      %add3A_704 = arith.addi %mul3A_702, %add3A_703 : i32
      %broadcast_in_dim3A_705 = arith.constant 6 : i32
      %broadcast_in_dim3A_706 = vector.broadcast %broadcast_in_dim3A_705 : i32 to vector<16xi32>
      %lt3A_707 = arith.constant 0 : i32
      %lt3A_708 = vector.broadcast %lt3A_707 : i32 to vector<16xi32>
      %lt3A_709 = arith.cmpi slt, %broadcast_in_dim3A_706, %lt3A_708 : vector<16xi32>
      %add3A_710 = arith.constant 16 : i32
      %add3A_711 = vector.broadcast %add3A_710 : i32 to vector<16xi32>
      %add3A_712 = arith.addi %broadcast_in_dim3A_706, %add3A_711 : vector<16xi32>
      %select_n3A_713 = arith.select %lt3A_709, %add3A_712, %broadcast_in_dim3A_706 : vector<16xi1>, vector<16xi32>
      %broadcast_in_dim3A_714 = vector.shape_cast %select_n3A_713 : vector<16xi32> to vector<16x1xi32>
      %gather3A_715 = vector.shape_cast %broadcast_in_dim3A_714 : vector<16x1xi32> to vector<16xi32>
      %gather3A_716 = tpu.dynamic_gather %and3A_82[%gather3A_715] in [0] : vector<16xi32>, vector<16xi32> -> vector<16xi32>
      %and3A_717 = arith.constant 15 : i32
      %and3A_718 = vector.broadcast %and3A_717 : i32 to vector<16xi32>
      %and3A_719 = arith.andi %gather3A_716, %and3A_718 : vector<16xi32>
      %shift_right_logical3A_720 = arith.constant 4 : i32
      %shift_right_logical3A_721 = vector.broadcast %shift_right_logical3A_720 : i32 to vector<16xi32>
      %shift_right_logical3A_722 = arith.shrui %gather3A_716, %shift_right_logical3A_721 : vector<16xi32>
      %and3A_723 = arith.constant 1 : i32
      %and3A_724 = vector.broadcast %and3A_723 : i32 to vector<16xi32>
      %and3A_725 = arith.andi %shift_right_logical3A_722, %and3A_724 : vector<16xi32>
      %convert_element_type3A_726 = arith.sitofp %and3A_725 : vector<16xi32> to vector<16xf32>
      %shift_right_logical3A_727 = arith.constant 5 : i32
      %shift_right_logical3A_728 = vector.broadcast %shift_right_logical3A_727 : i32 to vector<16xi32>
      %shift_right_logical3A_729 = arith.shrui %gather3A_716, %shift_right_logical3A_728 : vector<16xi32>
      %and3A_730 = arith.constant 1 : i32
      %and3A_731 = vector.broadcast %and3A_730 : i32 to vector<16xi32>
      %and3A_732 = arith.andi %shift_right_logical3A_729, %and3A_731 : vector<16xi32>
      %convert_element_type3A_733 = arith.sitofp %and3A_732 : vector<16xi32> to vector<16xf32>
      %shift_right_logical3A_734 = arith.constant 6 : i32
      %shift_right_logical3A_735 = vector.broadcast %shift_right_logical3A_734 : i32 to vector<16xi32>
      %shift_right_logical3A_736 = arith.shrui %gather3A_716, %shift_right_logical3A_735 : vector<16xi32>
      %convert_element_type3A_737 = arith.sitofp %shift_right_logical3A_736 : vector<16xi32> to vector<16xf32>
      %get3A_738 = arith.index_cast %add3A_704 : i32 to index
      %get3A_739 = arith.constant 0 : index
      %get3A_740 = tpu.vector_load %arg8[%get3A_738, %get3A_739] {strides = array<i32>} : memref<512x128xf32, #tpu.memory_space<vmem>>, vector<1x16xf32>,
      %get3A_741 = vector.shape_cast %get3A_740 : vector<1x16xf32> to vector<16xf32>
      %get3A_742 = arith.index_cast %add3A_704 : i32 to index
      %get3A_743 = arith.constant 16 : index
      %get3A_744 = tpu.vector_load %arg8[%get3A_742, %get3A_743] {strides = array<i32>} : memref<512x128xf32, #tpu.memory_space<vmem>>, vector<1x16xf32>,
      %get3A_745 = vector.shape_cast %get3A_744 : vector<1x16xf32> to vector<16xf32>
      %get3A_746 = arith.index_cast %add3A_704 : i32 to index
      %get3A_747 = arith.constant 32 : index
      %get3A_748 = tpu.vector_load %arg8[%get3A_746, %get3A_747] {strides = array<i32>} : memref<512x128xf32, #tpu.memory_space<vmem>>, vector<1x16xf32>,
      %get3A_749 = vector.shape_cast %get3A_748 : vector<1x16xf32> to vector<16xf32>
      %get3A_750 = arith.index_cast %add3A_704 : i32 to index
      %get3A_751 = arith.constant 48 : index
      %get3A_752 = tpu.vector_load %arg8[%get3A_750, %get3A_751] {strides = array<i32>} : memref<512x128xf32, #tpu.memory_space<vmem>>, vector<1x16xf32>,
      %get3A_753 = vector.shape_cast %get3A_752 : vector<1x16xf32> to vector<16xf32>
      %get3A_754 = arith.index_cast %add3A_704 : i32 to index
      %get3A_755 = arith.constant 64 : index
      %get3A_756 = tpu.vector_load %arg8[%get3A_754, %get3A_755] {strides = array<i32>} : memref<512x128xf32, #tpu.memory_space<vmem>>, vector<1x16xf32>,
      %get3A_757 = vector.shape_cast %get3A_756 : vector<1x16xf32> to vector<16xf32>
      %get3A_758 = arith.index_cast %add3A_704 : i32 to index
      %get3A_759 = arith.constant 80 : index
      %get3A_760 = tpu.vector_load %arg8[%get3A_758, %get3A_759] {strides = array<i32>} : memref<512x128xf32, #tpu.memory_space<vmem>>, vector<1x16xf32>,
      %get3A_761 = vector.shape_cast %get3A_760 : vector<1x16xf32> to vector<16xf32>
      %get3A_762 = arith.index_cast %add3A_704 : i32 to index
      %get3A_763 = arith.constant 96 : index
      %get3A_764 = tpu.vector_load %arg8[%get3A_762, %get3A_763] {strides = array<i32>} : memref<512x128xf32, #tpu.memory_space<vmem>>, vector<1x16xf32>,
      %get3A_765 = vector.shape_cast %get3A_764 : vector<1x16xf32> to vector<16xf32>
      %get3A_766 = arith.index_cast %add3A_704 : i32 to index
      %get3A_767 = arith.constant 112 : index
      %get3A_768 = tpu.vector_load %arg8[%get3A_766, %get3A_767] {strides = array<i32>} : memref<512x128xf32, #tpu.memory_space<vmem>>, vector<1x16xf32>,
      %get3A_769 = vector.shape_cast %get3A_768 : vector<1x16xf32> to vector<16xf32>
      %sub3A_770 = arith.subf %get3A_745, %get3A_741 : vector<16xf32>
      %mul3A_771 = arith.mulf %convert_element_type3A_726, %sub3A_770 : vector<16xf32>
      %add3A_772 = arith.addf %get3A_741, %mul3A_771 : vector<16xf32>
      %sub3A_773 = arith.subf %get3A_753, %get3A_749 : vector<16xf32>
      %mul3A_774 = arith.mulf %convert_element_type3A_726, %sub3A_773 : vector<16xf32>
      %add3A_775 = arith.addf %get3A_749, %mul3A_774 : vector<16xf32>
      %sub3A_776 = arith.subf %get3A_761, %get3A_757 : vector<16xf32>
      %mul3A_777 = arith.mulf %convert_element_type3A_726, %sub3A_776 : vector<16xf32>
      %add3A_778 = arith.addf %get3A_757, %mul3A_777 : vector<16xf32>
      %sub3A_779 = arith.subf %get3A_769, %get3A_765 : vector<16xf32>
      %mul3A_780 = arith.mulf %convert_element_type3A_726, %sub3A_779 : vector<16xf32>
      %add3A_781 = arith.addf %get3A_765, %mul3A_780 : vector<16xf32>
      %sub3A_782 = arith.subf %add3A_775, %add3A_772 : vector<16xf32>
      %mul3A_783 = arith.mulf %convert_element_type3A_733, %sub3A_782 : vector<16xf32>
      %add3A_784 = arith.addf %add3A_772, %mul3A_783 : vector<16xf32>
      %sub3A_785 = arith.subf %add3A_781, %add3A_778 : vector<16xf32>
      %mul3A_786 = arith.mulf %convert_element_type3A_733, %sub3A_785 : vector<16xf32>
      %add3A_787 = arith.addf %add3A_778, %mul3A_786 : vector<16xf32>
      %sub3A_788 = arith.subf %add3A_787, %add3A_784 : vector<16xf32>
      %mul3A_789 = arith.mulf %convert_element_type3A_737, %sub3A_788 : vector<16xf32>
      %add3A_790 = arith.addf %add3A_784, %mul3A_789 : vector<16xf32>
      %lt3A_791 = arith.constant 0 : i32
      %lt3A_792 = vector.broadcast %lt3A_791 : i32 to vector<16xi32>
      %lt3A_793 = arith.cmpi slt, %and3A_719, %lt3A_792 : vector<16xi32>
      %add3A_794 = arith.constant 16 : i32
      %add3A_795 = vector.broadcast %add3A_794 : i32 to vector<16xi32>
      %add3A_796 = arith.addi %and3A_719, %add3A_795 : vector<16xi32>
      %select_n3A_797 = arith.select %lt3A_793, %add3A_796, %and3A_719 : vector<16xi1>, vector<16xi32>
      %broadcast_in_dim3A_798 = vector.shape_cast %select_n3A_797 : vector<16xi32> to vector<16x1xi32>
      %gather3A_799 = vector.shape_cast %broadcast_in_dim3A_798 : vector<16x1xi32> to vector<16xi32>
      %gather3A_800 = tpu.dynamic_gather %add3A_790[%gather3A_799] in [0] : vector<16xf32>, vector<16xi32> -> vector<16xf32>
      %eq3A_801 = arith.constant 6 : i32
      %eq3A_802 = vector.broadcast %eq3A_801 : i32 to vector<16xi32>
      %eq3A_803 = arith.cmpi eq, %iota3A, %eq3A_802 : vector<16xi32>
      %select_n3A_804 = arith.select %eq3A_803, %gather3A_800, %select_n3A_700 : vector<16xi1>, vector<16xf32>
      %mul3A_805 = arith.constant 16 : i32
      %mul3A_806 = arith.muli %scan3A_76, %mul3A_805 : i32
      %add3A_807 = arith.constant 7 : i32
      %add3A_808 = arith.addi %mul3A_806, %add3A_807 : i32
      %broadcast_in_dim3A_809 = arith.constant 7 : i32
      %broadcast_in_dim3A_810 = vector.broadcast %broadcast_in_dim3A_809 : i32 to vector<16xi32>
      %lt3A_811 = arith.constant 0 : i32
      %lt3A_812 = vector.broadcast %lt3A_811 : i32 to vector<16xi32>
      %lt3A_813 = arith.cmpi slt, %broadcast_in_dim3A_810, %lt3A_812 : vector<16xi32>
      %add3A_814 = arith.constant 16 : i32
      %add3A_815 = vector.broadcast %add3A_814 : i32 to vector<16xi32>
      %add3A_816 = arith.addi %broadcast_in_dim3A_810, %add3A_815 : vector<16xi32>
      %select_n3A_817 = arith.select %lt3A_813, %add3A_816, %broadcast_in_dim3A_810 : vector<16xi1>, vector<16xi32>
      %broadcast_in_dim3A_818 = vector.shape_cast %select_n3A_817 : vector<16xi32> to vector<16x1xi32>
      %gather3A_819 = vector.shape_cast %broadcast_in_dim3A_818 : vector<16x1xi32> to vector<16xi32>
      %gather3A_820 = tpu.dynamic_gather %and3A_82[%gather3A_819] in [0] : vector<16xi32>, vector<16xi32> -> vector<16xi32>
      %and3A_821 = arith.constant 15 : i32
      %and3A_822 = vector.broadcast %and3A_821 : i32 to vector<16xi32>
      %and3A_823 = arith.andi %gather3A_820, %and3A_822 : vector<16xi32>
      %shift_right_logical3A_824 = arith.constant 4 : i32
      %shift_right_logical3A_825 = vector.broadcast %shift_right_logical3A_824 : i32 to vector<16xi32>
      %shift_right_logical3A_826 = arith.shrui %gather3A_820, %shift_right_logical3A_825 : vector<16xi32>
      %and3A_827 = arith.constant 1 : i32
      %and3A_828 = vector.broadcast %and3A_827 : i32 to vector<16xi32>
      %and3A_829 = arith.andi %shift_right_logical3A_826, %and3A_828 : vector<16xi32>
      %convert_element_type3A_830 = arith.sitofp %and3A_829 : vector<16xi32> to vector<16xf32>
      %shift_right_logical3A_831 = arith.constant 5 : i32
      %shift_right_logical3A_832 = vector.broadcast %shift_right_logical3A_831 : i32 to vector<16xi32>
      %shift_right_logical3A_833 = arith.shrui %gather3A_820, %shift_right_logical3A_832 : vector<16xi32>
      %and3A_834 = arith.constant 1 : i32
      %and3A_835 = vector.broadcast %and3A_834 : i32 to vector<16xi32>
      %and3A_836 = arith.andi %shift_right_logical3A_833, %and3A_835 : vector<16xi32>
      %convert_element_type3A_837 = arith.sitofp %and3A_836 : vector<16xi32> to vector<16xf32>
      %shift_right_logical3A_838 = arith.constant 6 : i32
      %shift_right_logical3A_839 = vector.broadcast %shift_right_logical3A_838 : i32 to vector<16xi32>
      %shift_right_logical3A_840 = arith.shrui %gather3A_820, %shift_right_logical3A_839 : vector<16xi32>
      %convert_element_type3A_841 = arith.sitofp %shift_right_logical3A_840 : vector<16xi32> to vector<16xf32>
      %get3A_842 = arith.index_cast %add3A_808 : i32 to index
      %get3A_843 = arith.constant 0 : index
      %get3A_844 = tpu.vector_load %arg8[%get3A_842, %get3A_843] {strides = array<i32>} : memref<512x128xf32, #tpu.memory_space<vmem>>, vector<1x16xf32>,
      %get3A_845 = vector.shape_cast %get3A_844 : vector<1x16xf32> to vector<16xf32>
      %get3A_846 = arith.index_cast %add3A_808 : i32 to index
      %get3A_847 = arith.constant 16 : index
      %get3A_848 = tpu.vector_load %arg8[%get3A_846, %get3A_847] {strides = array<i32>} : memref<512x128xf32, #tpu.memory_space<vmem>>, vector<1x16xf32>,
      %get3A_849 = vector.shape_cast %get3A_848 : vector<1x16xf32> to vector<16xf32>
      %get3A_850 = arith.index_cast %add3A_808 : i32 to index
      %get3A_851 = arith.constant 32 : index
      %get3A_852 = tpu.vector_load %arg8[%get3A_850, %get3A_851] {strides = array<i32>} : memref<512x128xf32, #tpu.memory_space<vmem>>, vector<1x16xf32>,
      %get3A_853 = vector.shape_cast %get3A_852 : vector<1x16xf32> to vector<16xf32>
      %get3A_854 = arith.index_cast %add3A_808 : i32 to index
      %get3A_855 = arith.constant 48 : index
      %get3A_856 = tpu.vector_load %arg8[%get3A_854, %get3A_855] {strides = array<i32>} : memref<512x128xf32, #tpu.memory_space<vmem>>, vector<1x16xf32>,
      %get3A_857 = vector.shape_cast %get3A_856 : vector<1x16xf32> to vector<16xf32>
      %get3A_858 = arith.index_cast %add3A_808 : i32 to index
      %get3A_859 = arith.constant 64 : index
      %get3A_860 = tpu.vector_load %arg8[%get3A_858, %get3A_859] {strides = array<i32>} : memref<512x128xf32, #tpu.memory_space<vmem>>, vector<1x16xf32>,
      %get3A_861 = vector.shape_cast %get3A_860 : vector<1x16xf32> to vector<16xf32>
      %get3A_862 = arith.index_cast %add3A_808 : i32 to index
      %get3A_863 = arith.constant 80 : index
      %get3A_864 = tpu.vector_load %arg8[%get3A_862, %get3A_863] {strides = array<i32>} : memref<512x128xf32, #tpu.memory_space<vmem>>, vector<1x16xf32>,
      %get3A_865 = vector.shape_cast %get3A_864 : vector<1x16xf32> to vector<16xf32>
      %get3A_866 = arith.index_cast %add3A_808 : i32 to index
      %get3A_867 = arith.constant 96 : index
      %get3A_868 = tpu.vector_load %arg8[%get3A_866, %get3A_867] {strides = array<i32>} : memref<512x128xf32, #tpu.memory_space<vmem>>, vector<1x16xf32>,
      %get3A_869 = vector.shape_cast %get3A_868 : vector<1x16xf32> to vector<16xf32>
      %get3A_870 = arith.index_cast %add3A_808 : i32 to index
      %get3A_871 = arith.constant 112 : index
      %get3A_872 = tpu.vector_load %arg8[%get3A_870, %get3A_871] {strides = array<i32>} : memref<512x128xf32, #tpu.memory_space<vmem>>, vector<1x16xf32>,
      %get3A_873 = vector.shape_cast %get3A_872 : vector<1x16xf32> to vector<16xf32>
      %sub3A_874 = arith.subf %get3A_849, %get3A_845 : vector<16xf32>
      %mul3A_875 = arith.mulf %convert_element_type3A_830, %sub3A_874 : vector<16xf32>
      %add3A_876 = arith.addf %get3A_845, %mul3A_875 : vector<16xf32>
      %sub3A_877 = arith.subf %get3A_857, %get3A_853 : vector<16xf32>
      %mul3A_878 = arith.mulf %convert_element_type3A_830, %sub3A_877 : vector<16xf32>
      %add3A_879 = arith.addf %get3A_853, %mul3A_878 : vector<16xf32>
      %sub3A_880 = arith.subf %get3A_865, %get3A_861 : vector<16xf32>
      %mul3A_881 = arith.mulf %convert_element_type3A_830, %sub3A_880 : vector<16xf32>
      %add3A_882 = arith.addf %get3A_861, %mul3A_881 : vector<16xf32>
      %sub3A_883 = arith.subf %get3A_873, %get3A_869 : vector<16xf32>
      %mul3A_884 = arith.mulf %convert_element_type3A_830, %sub3A_883 : vector<16xf32>
      %add3A_885 = arith.addf %get3A_869, %mul3A_884 : vector<16xf32>
      %sub3A_886 = arith.subf %add3A_879, %add3A_876 : vector<16xf32>
      %mul3A_887 = arith.mulf %convert_element_type3A_837, %sub3A_886 : vector<16xf32>
      %add3A_888 = arith.addf %add3A_876, %mul3A_887 : vector<16xf32>
      %sub3A_889 = arith.subf %add3A_885, %add3A_882 : vector<16xf32>
      %mul3A_890 = arith.mulf %convert_element_type3A_837, %sub3A_889 : vector<16xf32>
      %add3A_891 = arith.addf %add3A_882, %mul3A_890 : vector<16xf32>
      %sub3A_892 = arith.subf %add3A_891, %add3A_888 : vector<16xf32>
      %mul3A_893 = arith.mulf %convert_element_type3A_841, %sub3A_892 : vector<16xf32>
      %add3A_894 = arith.addf %add3A_888, %mul3A_893 : vector<16xf32>
      %lt3A_895 = arith.constant 0 : i32
      %lt3A_896 = vector.broadcast %lt3A_895 : i32 to vector<16xi32>
      %lt3A_897 = arith.cmpi slt, %and3A_823, %lt3A_896 : vector<16xi32>
      %add3A_898 = arith.constant 16 : i32
      %add3A_899 = vector.broadcast %add3A_898 : i32 to vector<16xi32>
      %add3A_900 = arith.addi %and3A_823, %add3A_899 : vector<16xi32>
      %select_n3A_901 = arith.select %lt3A_897, %add3A_900, %and3A_823 : vector<16xi1>, vector<16xi32>
      %broadcast_in_dim3A_902 = vector.shape_cast %select_n3A_901 : vector<16xi32> to vector<16x1xi32>
      %gather3A_903 = vector.shape_cast %broadcast_in_dim3A_902 : vector<16x1xi32> to vector<16xi32>
      %gather3A_904 = tpu.dynamic_gather %add3A_894[%gather3A_903] in [0] : vector<16xf32>, vector<16xi32> -> vector<16xf32>
      %eq3A_905 = arith.constant 7 : i32
      %eq3A_906 = vector.broadcast %eq3A_905 : i32 to vector<16xi32>
      %eq3A_907 = arith.cmpi eq, %iota3A, %eq3A_906 : vector<16xi32>
      %select_n3A_908 = arith.select %eq3A_907, %gather3A_904, %select_n3A_804 : vector<16xi1>, vector<16xf32>
      %mul3A_909 = arith.constant 16 : i32
      %mul3A_910 = arith.muli %scan3A_76, %mul3A_909 : i32
      %add3A_911 = arith.constant 8 : i32
      %add3A_912 = arith.addi %mul3A_910, %add3A_911 : i32
      %broadcast_in_dim3A_913 = arith.constant 8 : i32
      %broadcast_in_dim3A_914 = vector.broadcast %broadcast_in_dim3A_913 : i32 to vector<16xi32>
      %lt3A_915 = arith.constant 0 : i32
      %lt3A_916 = vector.broadcast %lt3A_915 : i32 to vector<16xi32>
      %lt3A_917 = arith.cmpi slt, %broadcast_in_dim3A_914, %lt3A_916 : vector<16xi32>
      %add3A_918 = arith.constant 16 : i32
      %add3A_919 = vector.broadcast %add3A_918 : i32 to vector<16xi32>
      %add3A_920 = arith.addi %broadcast_in_dim3A_914, %add3A_919 : vector<16xi32>
      %select_n3A_921 = arith.select %lt3A_917, %add3A_920, %broadcast_in_dim3A_914 : vector<16xi1>, vector<16xi32>
      %broadcast_in_dim3A_922 = vector.shape_cast %select_n3A_921 : vector<16xi32> to vector<16x1xi32>
      %gather3A_923 = vector.shape_cast %broadcast_in_dim3A_922 : vector<16x1xi32> to vector<16xi32>
      %gather3A_924 = tpu.dynamic_gather %and3A_82[%gather3A_923] in [0] : vector<16xi32>, vector<16xi32> -> vector<16xi32>
      %and3A_925 = arith.constant 15 : i32
      %and3A_926 = vector.broadcast %and3A_925 : i32 to vector<16xi32>
      %and3A_927 = arith.andi %gather3A_924, %and3A_926 : vector<16xi32>
      %shift_right_logical3A_928 = arith.constant 4 : i32
      %shift_right_logical3A_929 = vector.broadcast %shift_right_logical3A_928 : i32 to vector<16xi32>
      %shift_right_logical3A_930 = arith.shrui %gather3A_924, %shift_right_logical3A_929 : vector<16xi32>
      %and3A_931 = arith.constant 1 : i32
      %and3A_932 = vector.broadcast %and3A_931 : i32 to vector<16xi32>
      %and3A_933 = arith.andi %shift_right_logical3A_930, %and3A_932 : vector<16xi32>
      %convert_element_type3A_934 = arith.sitofp %and3A_933 : vector<16xi32> to vector<16xf32>
      %shift_right_logical3A_935 = arith.constant 5 : i32
      %shift_right_logical3A_936 = vector.broadcast %shift_right_logical3A_935 : i32 to vector<16xi32>
      %shift_right_logical3A_937 = arith.shrui %gather3A_924, %shift_right_logical3A_936 : vector<16xi32>
      %and3A_938 = arith.constant 1 : i32
      %and3A_939 = vector.broadcast %and3A_938 : i32 to vector<16xi32>
      %and3A_940 = arith.andi %shift_right_logical3A_937, %and3A_939 : vector<16xi32>
      %convert_element_type3A_941 = arith.sitofp %and3A_940 : vector<16xi32> to vector<16xf32>
      %shift_right_logical3A_942 = arith.constant 6 : i32
      %shift_right_logical3A_943 = vector.broadcast %shift_right_logical3A_942 : i32 to vector<16xi32>
      %shift_right_logical3A_944 = arith.shrui %gather3A_924, %shift_right_logical3A_943 : vector<16xi32>
      %convert_element_type3A_945 = arith.sitofp %shift_right_logical3A_944 : vector<16xi32> to vector<16xf32>
      %get3A_946 = arith.index_cast %add3A_912 : i32 to index
      %get3A_947 = arith.constant 0 : index
      %get3A_948 = tpu.vector_load %arg8[%get3A_946, %get3A_947] {strides = array<i32>} : memref<512x128xf32, #tpu.memory_space<vmem>>, vector<1x16xf32>,
      %get3A_949 = vector.shape_cast %get3A_948 : vector<1x16xf32> to vector<16xf32>
      %get3A_950 = arith.index_cast %add3A_912 : i32 to index
      %get3A_951 = arith.constant 16 : index
      %get3A_952 = tpu.vector_load %arg8[%get3A_950, %get3A_951] {strides = array<i32>} : memref<512x128xf32, #tpu.memory_space<vmem>>, vector<1x16xf32>,
      %get3A_953 = vector.shape_cast %get3A_952 : vector<1x16xf32> to vector<16xf32>
      %get3A_954 = arith.index_cast %add3A_912 : i32 to index
      %get3A_955 = arith.constant 32 : index
      %get3A_956 = tpu.vector_load %arg8[%get3A_954, %get3A_955] {strides = array<i32>} : memref<512x128xf32, #tpu.memory_space<vmem>>, vector<1x16xf32>,
      %get3A_957 = vector.shape_cast %get3A_956 : vector<1x16xf32> to vector<16xf32>
      %get3A_958 = arith.index_cast %add3A_912 : i32 to index
      %get3A_959 = arith.constant 48 : index
      %get3A_960 = tpu.vector_load %arg8[%get3A_958, %get3A_959] {strides = array<i32>} : memref<512x128xf32, #tpu.memory_space<vmem>>, vector<1x16xf32>,
      %get3A_961 = vector.shape_cast %get3A_960 : vector<1x16xf32> to vector<16xf32>
      %get3A_962 = arith.index_cast %add3A_912 : i32 to index
      %get3A_963 = arith.constant 64 : index
      %get3A_964 = tpu.vector_load %arg8[%get3A_962, %get3A_963] {strides = array<i32>} : memref<512x128xf32, #tpu.memory_space<vmem>>, vector<1x16xf32>,
      %get3A_965 = vector.shape_cast %get3A_964 : vector<1x16xf32> to vector<16xf32>
      %get3A_966 = arith.index_cast %add3A_912 : i32 to index
      %get3A_967 = arith.constant 80 : index
      %get3A_968 = tpu.vector_load %arg8[%get3A_966, %get3A_967] {strides = array<i32>} : memref<512x128xf32, #tpu.memory_space<vmem>>, vector<1x16xf32>,
      %get3A_969 = vector.shape_cast %get3A_968 : vector<1x16xf32> to vector<16xf32>
      %get3A_970 = arith.index_cast %add3A_912 : i32 to index
      %get3A_971 = arith.constant 96 : index
      %get3A_972 = tpu.vector_load %arg8[%get3A_970, %get3A_971] {strides = array<i32>} : memref<512x128xf32, #tpu.memory_space<vmem>>, vector<1x16xf32>,
      %get3A_973 = vector.shape_cast %get3A_972 : vector<1x16xf32> to vector<16xf32>
      %get3A_974 = arith.index_cast %add3A_912 : i32 to index
      %get3A_975 = arith.constant 112 : index
      %get3A_976 = tpu.vector_load %arg8[%get3A_974, %get3A_975] {strides = array<i32>} : memref<512x128xf32, #tpu.memory_space<vmem>>, vector<1x16xf32>,
      %get3A_977 = vector.shape_cast %get3A_976 : vector<1x16xf32> to vector<16xf32>
      %sub3A_978 = arith.subf %get3A_953, %get3A_949 : vector<16xf32>
      %mul3A_979 = arith.mulf %convert_element_type3A_934, %sub3A_978 : vector<16xf32>
      %add3A_980 = arith.addf %get3A_949, %mul3A_979 : vector<16xf32>
      %sub3A_981 = arith.subf %get3A_961, %get3A_957 : vector<16xf32>
      %mul3A_982 = arith.mulf %convert_element_type3A_934, %sub3A_981 : vector<16xf32>
      %add3A_983 = arith.addf %get3A_957, %mul3A_982 : vector<16xf32>
      %sub3A_984 = arith.subf %get3A_969, %get3A_965 : vector<16xf32>
      %mul3A_985 = arith.mulf %convert_element_type3A_934, %sub3A_984 : vector<16xf32>
      %add3A_986 = arith.addf %get3A_965, %mul3A_985 : vector<16xf32>
      %sub3A_987 = arith.subf %get3A_977, %get3A_973 : vector<16xf32>
      %mul3A_988 = arith.mulf %convert_element_type3A_934, %sub3A_987 : vector<16xf32>
      %add3A_989 = arith.addf %get3A_973, %mul3A_988 : vector<16xf32>
      %sub3A_990 = arith.subf %add3A_983, %add3A_980 : vector<16xf32>
      %mul3A_991 = arith.mulf %convert_element_type3A_941, %sub3A_990 : vector<16xf32>
      %add3A_992 = arith.addf %add3A_980, %mul3A_991 : vector<16xf32>
      %sub3A_993 = arith.subf %add3A_989, %add3A_986 : vector<16xf32>
      %mul3A_994 = arith.mulf %convert_element_type3A_941, %sub3A_993 : vector<16xf32>
      %add3A_995 = arith.addf %add3A_986, %mul3A_994 : vector<16xf32>
      %sub3A_996 = arith.subf %add3A_995, %add3A_992 : vector<16xf32>
      %mul3A_997 = arith.mulf %convert_element_type3A_945, %sub3A_996 : vector<16xf32>
      %add3A_998 = arith.addf %add3A_992, %mul3A_997 : vector<16xf32>
      %lt3A_999 = arith.constant 0 : i32
      %lt3A_1000 = vector.broadcast %lt3A_999 : i32 to vector<16xi32>
      %lt3A_1001 = arith.cmpi slt, %and3A_927, %lt3A_1000 : vector<16xi32>
      %add3A_1002 = arith.constant 16 : i32
      %add3A_1003 = vector.broadcast %add3A_1002 : i32 to vector<16xi32>
      %add3A_1004 = arith.addi %and3A_927, %add3A_1003 : vector<16xi32>
      %select_n3A_1005 = arith.select %lt3A_1001, %add3A_1004, %and3A_927 : vector<16xi1>, vector<16xi32>
      %broadcast_in_dim3A_1006 = vector.shape_cast %select_n3A_1005 : vector<16xi32> to vector<16x1xi32>
      %gather3A_1007 = vector.shape_cast %broadcast_in_dim3A_1006 : vector<16x1xi32> to vector<16xi32>
      %gather3A_1008 = tpu.dynamic_gather %add3A_998[%gather3A_1007] in [0] : vector<16xf32>, vector<16xi32> -> vector<16xf32>
      %eq3A_1009 = arith.constant 8 : i32
      %eq3A_1010 = vector.broadcast %eq3A_1009 : i32 to vector<16xi32>
      %eq3A_1011 = arith.cmpi eq, %iota3A, %eq3A_1010 : vector<16xi32>
      %select_n3A_1012 = arith.select %eq3A_1011, %gather3A_1008, %select_n3A_908 : vector<16xi1>, vector<16xf32>
      %mul3A_1013 = arith.constant 16 : i32
      %mul3A_1014 = arith.muli %scan3A_76, %mul3A_1013 : i32
      %add3A_1015 = arith.constant 9 : i32
      %add3A_1016 = arith.addi %mul3A_1014, %add3A_1015 : i32
      %broadcast_in_dim3A_1017 = arith.constant 9 : i32
      %broadcast_in_dim3A_1018 = vector.broadcast %broadcast_in_dim3A_1017 : i32 to vector<16xi32>
      %lt3A_1019 = arith.constant 0 : i32
      %lt3A_1020 = vector.broadcast %lt3A_1019 : i32 to vector<16xi32>
      %lt3A_1021 = arith.cmpi slt, %broadcast_in_dim3A_1018, %lt3A_1020 : vector<16xi32>
      %add3A_1022 = arith.constant 16 : i32
      %add3A_1023 = vector.broadcast %add3A_1022 : i32 to vector<16xi32>
      %add3A_1024 = arith.addi %broadcast_in_dim3A_1018, %add3A_1023 : vector<16xi32>
      %select_n3A_1025 = arith.select %lt3A_1021, %add3A_1024, %broadcast_in_dim3A_1018 : vector<16xi1>, vector<16xi32>
      %broadcast_in_dim3A_1026 = vector.shape_cast %select_n3A_1025 : vector<16xi32> to vector<16x1xi32>
      %gather3A_1027 = vector.shape_cast %broadcast_in_dim3A_1026 : vector<16x1xi32> to vector<16xi32>
      %gather3A_1028 = tpu.dynamic_gather %and3A_82[%gather3A_1027] in [0] : vector<16xi32>, vector<16xi32> -> vector<16xi32>
      %and3A_1029 = arith.constant 15 : i32
      %and3A_1030 = vector.broadcast %and3A_1029 : i32 to vector<16xi32>
      %and3A_1031 = arith.andi %gather3A_1028, %and3A_1030 : vector<16xi32>
      %shift_right_logical3A_1032 = arith.constant 4 : i32
      %shift_right_logical3A_1033 = vector.broadcast %shift_right_logical3A_1032 : i32 to vector<16xi32>
      %shift_right_logical3A_1034 = arith.shrui %gather3A_1028, %shift_right_logical3A_1033 : vector<16xi32>
      %and3A_1035 = arith.constant 1 : i32
      %and3A_1036 = vector.broadcast %and3A_1035 : i32 to vector<16xi32>
      %and3A_1037 = arith.andi %shift_right_logical3A_1034, %and3A_1036 : vector<16xi32>
      %convert_element_type3A_1038 = arith.sitofp %and3A_1037 : vector<16xi32> to vector<16xf32>
      %shift_right_logical3A_1039 = arith.constant 5 : i32
      %shift_right_logical3A_1040 = vector.broadcast %shift_right_logical3A_1039 : i32 to vector<16xi32>
      %shift_right_logical3A_1041 = arith.shrui %gather3A_1028, %shift_right_logical3A_1040 : vector<16xi32>
      %and3A_1042 = arith.constant 1 : i32
      %and3A_1043 = vector.broadcast %and3A_1042 : i32 to vector<16xi32>
      %and3A_1044 = arith.andi %shift_right_logical3A_1041, %and3A_1043 : vector<16xi32>
      %convert_element_type3A_1045 = arith.sitofp %and3A_1044 : vector<16xi32> to vector<16xf32>
      %shift_right_logical3A_1046 = arith.constant 6 : i32
      %shift_right_logical3A_1047 = vector.broadcast %shift_right_logical3A_1046 : i32 to vector<16xi32>
      %shift_right_logical3A_1048 = arith.shrui %gather3A_1028, %shift_right_logical3A_1047 : vector<16xi32>
      %convert_element_type3A_1049 = arith.sitofp %shift_right_logical3A_1048 : vector<16xi32> to vector<16xf32>
      %get3A_1050 = arith.index_cast %add3A_1016 : i32 to index
      %get3A_1051 = arith.constant 0 : index
      %get3A_1052 = tpu.vector_load %arg8[%get3A_1050, %get3A_1051] {strides = array<i32>} : memref<512x128xf32, #tpu.memory_space<vmem>>, vector<1x16xf32>,
      %get3A_1053 = vector.shape_cast %get3A_1052 : vector<1x16xf32> to vector<16xf32>
      %get3A_1054 = arith.index_cast %add3A_1016 : i32 to index
      %get3A_1055 = arith.constant 16 : index
      %get3A_1056 = tpu.vector_load %arg8[%get3A_1054, %get3A_1055] {strides = array<i32>} : memref<512x128xf32, #tpu.memory_space<vmem>>, vector<1x16xf32>,
      %get3A_1057 = vector.shape_cast %get3A_1056 : vector<1x16xf32> to vector<16xf32>
      %get3A_1058 = arith.index_cast %add3A_1016 : i32 to index
      %get3A_1059 = arith.constant 32 : index
      %get3A_1060 = tpu.vector_load %arg8[%get3A_1058, %get3A_1059] {strides = array<i32>} : memref<512x128xf32, #tpu.memory_space<vmem>>, vector<1x16xf32>,
      %get3A_1061 = vector.shape_cast %get3A_1060 : vector<1x16xf32> to vector<16xf32>
      %get3A_1062 = arith.index_cast %add3A_1016 : i32 to index
      %get3A_1063 = arith.constant 48 : index
      %get3A_1064 = tpu.vector_load %arg8[%get3A_1062, %get3A_1063] {strides = array<i32>} : memref<512x128xf32, #tpu.memory_space<vmem>>, vector<1x16xf32>,
      %get3A_1065 = vector.shape_cast %get3A_1064 : vector<1x16xf32> to vector<16xf32>
      %get3A_1066 = arith.index_cast %add3A_1016 : i32 to index
      %get3A_1067 = arith.constant 64 : index
      %get3A_1068 = tpu.vector_load %arg8[%get3A_1066, %get3A_1067] {strides = array<i32>} : memref<512x128xf32, #tpu.memory_space<vmem>>, vector<1x16xf32>,
      %get3A_1069 = vector.shape_cast %get3A_1068 : vector<1x16xf32> to vector<16xf32>
      %get3A_1070 = arith.index_cast %add3A_1016 : i32 to index
      %get3A_1071 = arith.constant 80 : index
      %get3A_1072 = tpu.vector_load %arg8[%get3A_1070, %get3A_1071] {strides = array<i32>} : memref<512x128xf32, #tpu.memory_space<vmem>>, vector<1x16xf32>,
      %get3A_1073 = vector.shape_cast %get3A_1072 : vector<1x16xf32> to vector<16xf32>
      %get3A_1074 = arith.index_cast %add3A_1016 : i32 to index
      %get3A_1075 = arith.constant 96 : index
      %get3A_1076 = tpu.vector_load %arg8[%get3A_1074, %get3A_1075] {strides = array<i32>} : memref<512x128xf32, #tpu.memory_space<vmem>>, vector<1x16xf32>,
      %get3A_1077 = vector.shape_cast %get3A_1076 : vector<1x16xf32> to vector<16xf32>
      %get3A_1078 = arith.index_cast %add3A_1016 : i32 to index
      %get3A_1079 = arith.constant 112 : index
      %get3A_1080 = tpu.vector_load %arg8[%get3A_1078, %get3A_1079] {strides = array<i32>} : memref<512x128xf32, #tpu.memory_space<vmem>>, vector<1x16xf32>,
      %get3A_1081 = vector.shape_cast %get3A_1080 : vector<1x16xf32> to vector<16xf32>
      %sub3A_1082 = arith.subf %get3A_1057, %get3A_1053 : vector<16xf32>
      %mul3A_1083 = arith.mulf %convert_element_type3A_1038, %sub3A_1082 : vector<16xf32>
      %add3A_1084 = arith.addf %get3A_1053, %mul3A_1083 : vector<16xf32>
      %sub3A_1085 = arith.subf %get3A_1065, %get3A_1061 : vector<16xf32>
      %mul3A_1086 = arith.mulf %convert_element_type3A_1038, %sub3A_1085 : vector<16xf32>
      %add3A_1087 = arith.addf %get3A_1061, %mul3A_1086 : vector<16xf32>
      %sub3A_1088 = arith.subf %get3A_1073, %get3A_1069 : vector<16xf32>
      %mul3A_1089 = arith.mulf %convert_element_type3A_1038, %sub3A_1088 : vector<16xf32>
      %add3A_1090 = arith.addf %get3A_1069, %mul3A_1089 : vector<16xf32>
      %sub3A_1091 = arith.subf %get3A_1081, %get3A_1077 : vector<16xf32>
      %mul3A_1092 = arith.mulf %convert_element_type3A_1038, %sub3A_1091 : vector<16xf32>
      %add3A_1093 = arith.addf %get3A_1077, %mul3A_1092 : vector<16xf32>
      %sub3A_1094 = arith.subf %add3A_1087, %add3A_1084 : vector<16xf32>
      %mul3A_1095 = arith.mulf %convert_element_type3A_1045, %sub3A_1094 : vector<16xf32>
      %add3A_1096 = arith.addf %add3A_1084, %mul3A_1095 : vector<16xf32>
      %sub3A_1097 = arith.subf %add3A_1093, %add3A_1090 : vector<16xf32>
      %mul3A_1098 = arith.mulf %convert_element_type3A_1045, %sub3A_1097 : vector<16xf32>
      %add3A_1099 = arith.addf %add3A_1090, %mul3A_1098 : vector<16xf32>
      %sub3A_1100 = arith.subf %add3A_1099, %add3A_1096 : vector<16xf32>
      %mul3A_1101 = arith.mulf %convert_element_type3A_1049, %sub3A_1100 : vector<16xf32>
      %add3A_1102 = arith.addf %add3A_1096, %mul3A_1101 : vector<16xf32>
      %lt3A_1103 = arith.constant 0 : i32
      %lt3A_1104 = vector.broadcast %lt3A_1103 : i32 to vector<16xi32>
      %lt3A_1105 = arith.cmpi slt, %and3A_1031, %lt3A_1104 : vector<16xi32>
      %add3A_1106 = arith.constant 16 : i32
      %add3A_1107 = vector.broadcast %add3A_1106 : i32 to vector<16xi32>
      %add3A_1108 = arith.addi %and3A_1031, %add3A_1107 : vector<16xi32>
      %select_n3A_1109 = arith.select %lt3A_1105, %add3A_1108, %and3A_1031 : vector<16xi1>, vector<16xi32>
      %broadcast_in_dim3A_1110 = vector.shape_cast %select_n3A_1109 : vector<16xi32> to vector<16x1xi32>
      %gather3A_1111 = vector.shape_cast %broadcast_in_dim3A_1110 : vector<16x1xi32> to vector<16xi32>
      %gather3A_1112 = tpu.dynamic_gather %add3A_1102[%gather3A_1111] in [0] : vector<16xf32>, vector<16xi32> -> vector<16xf32>
      %eq3A_1113 = arith.constant 9 : i32
      %eq3A_1114 = vector.broadcast %eq3A_1113 : i32 to vector<16xi32>
      %eq3A_1115 = arith.cmpi eq, %iota3A, %eq3A_1114 : vector<16xi32>
      %select_n3A_1116 = arith.select %eq3A_1115, %gather3A_1112, %select_n3A_1012 : vector<16xi1>, vector<16xf32>
      %mul3A_1117 = arith.constant 16 : i32
      %mul3A_1118 = arith.muli %scan3A_76, %mul3A_1117 : i32
      %add3A_1119 = arith.constant 10 : i32
      %add3A_1120 = arith.addi %mul3A_1118, %add3A_1119 : i32
      %broadcast_in_dim3A_1121 = arith.constant 10 : i32
      %broadcast_in_dim3A_1122 = vector.broadcast %broadcast_in_dim3A_1121 : i32 to vector<16xi32>
      %lt3A_1123 = arith.constant 0 : i32
      %lt3A_1124 = vector.broadcast %lt3A_1123 : i32 to vector<16xi32>
      %lt3A_1125 = arith.cmpi slt, %broadcast_in_dim3A_1122, %lt3A_1124 : vector<16xi32>
      %add3A_1126 = arith.constant 16 : i32
      %add3A_1127 = vector.broadcast %add3A_1126 : i32 to vector<16xi32>
      %add3A_1128 = arith.addi %broadcast_in_dim3A_1122, %add3A_1127 : vector<16xi32>
      %select_n3A_1129 = arith.select %lt3A_1125, %add3A_1128, %broadcast_in_dim3A_1122 : vector<16xi1>, vector<16xi32>
      %broadcast_in_dim3A_1130 = vector.shape_cast %select_n3A_1129 : vector<16xi32> to vector<16x1xi32>
      %gather3A_1131 = vector.shape_cast %broadcast_in_dim3A_1130 : vector<16x1xi32> to vector<16xi32>
      %gather3A_1132 = tpu.dynamic_gather %and3A_82[%gather3A_1131] in [0] : vector<16xi32>, vector<16xi32> -> vector<16xi32>
      %and3A_1133 = arith.constant 15 : i32
      %and3A_1134 = vector.broadcast %and3A_1133 : i32 to vector<16xi32>
      %and3A_1135 = arith.andi %gather3A_1132, %and3A_1134 : vector<16xi32>
      %shift_right_logical3A_1136 = arith.constant 4 : i32
      %shift_right_logical3A_1137 = vector.broadcast %shift_right_logical3A_1136 : i32 to vector<16xi32>
      %shift_right_logical3A_1138 = arith.shrui %gather3A_1132, %shift_right_logical3A_1137 : vector<16xi32>
      %and3A_1139 = arith.constant 1 : i32
      %and3A_1140 = vector.broadcast %and3A_1139 : i32 to vector<16xi32>
      %and3A_1141 = arith.andi %shift_right_logical3A_1138, %and3A_1140 : vector<16xi32>
      %convert_element_type3A_1142 = arith.sitofp %and3A_1141 : vector<16xi32> to vector<16xf32>
      %shift_right_logical3A_1143 = arith.constant 5 : i32
      %shift_right_logical3A_1144 = vector.broadcast %shift_right_logical3A_1143 : i32 to vector<16xi32>
      %shift_right_logical3A_1145 = arith.shrui %gather3A_1132, %shift_right_logical3A_1144 : vector<16xi32>
      %and3A_1146 = arith.constant 1 : i32
      %and3A_1147 = vector.broadcast %and3A_1146 : i32 to vector<16xi32>
      %and3A_1148 = arith.andi %shift_right_logical3A_1145, %and3A_1147 : vector<16xi32>
      %convert_element_type3A_1149 = arith.sitofp %and3A_1148 : vector<16xi32> to vector<16xf32>
      %shift_right_logical3A_1150 = arith.constant 6 : i32
      %shift_right_logical3A_1151 = vector.broadcast %shift_right_logical3A_1150 : i32 to vector<16xi32>
      %shift_right_logical3A_1152 = arith.shrui %gather3A_1132, %shift_right_logical3A_1151 : vector<16xi32>
      %convert_element_type3A_1153 = arith.sitofp %shift_right_logical3A_1152 : vector<16xi32> to vector<16xf32>
      %get3A_1154 = arith.index_cast %add3A_1120 : i32 to index
      %get3A_1155 = arith.constant 0 : index
      %get3A_1156 = tpu.vector_load %arg8[%get3A_1154, %get3A_1155] {strides = array<i32>} : memref<512x128xf32, #tpu.memory_space<vmem>>, vector<1x16xf32>,
      %get3A_1157 = vector.shape_cast %get3A_1156 : vector<1x16xf32> to vector<16xf32>
      %get3A_1158 = arith.index_cast %add3A_1120 : i32 to index
      %get3A_1159 = arith.constant 16 : index
      %get3A_1160 = tpu.vector_load %arg8[%get3A_1158, %get3A_1159] {strides = array<i32>} : memref<512x128xf32, #tpu.memory_space<vmem>>, vector<1x16xf32>,
      %get3A_1161 = vector.shape_cast %get3A_1160 : vector<1x16xf32> to vector<16xf32>
      %get3A_1162 = arith.index_cast %add3A_1120 : i32 to index
      %get3A_1163 = arith.constant 32 : index
      %get3A_1164 = tpu.vector_load %arg8[%get3A_1162, %get3A_1163] {strides = array<i32>} : memref<512x128xf32, #tpu.memory_space<vmem>>, vector<1x16xf32>,
      %get3A_1165 = vector.shape_cast %get3A_1164 : vector<1x16xf32> to vector<16xf32>
      %get3A_1166 = arith.index_cast %add3A_1120 : i32 to index
      %get3A_1167 = arith.constant 48 : index
      %get3A_1168 = tpu.vector_load %arg8[%get3A_1166, %get3A_1167] {strides = array<i32>} : memref<512x128xf32, #tpu.memory_space<vmem>>, vector<1x16xf32>,
      %get3A_1169 = vector.shape_cast %get3A_1168 : vector<1x16xf32> to vector<16xf32>
      %get3A_1170 = arith.index_cast %add3A_1120 : i32 to index
      %get3A_1171 = arith.constant 64 : index
      %get3A_1172 = tpu.vector_load %arg8[%get3A_1170, %get3A_1171] {strides = array<i32>} : memref<512x128xf32, #tpu.memory_space<vmem>>, vector<1x16xf32>,
      %get3A_1173 = vector.shape_cast %get3A_1172 : vector<1x16xf32> to vector<16xf32>
      %get3A_1174 = arith.index_cast %add3A_1120 : i32 to index
      %get3A_1175 = arith.constant 80 : index
      %get3A_1176 = tpu.vector_load %arg8[%get3A_1174, %get3A_1175] {strides = array<i32>} : memref<512x128xf32, #tpu.memory_space<vmem>>, vector<1x16xf32>,
      %get3A_1177 = vector.shape_cast %get3A_1176 : vector<1x16xf32> to vector<16xf32>
      %get3A_1178 = arith.index_cast %add3A_1120 : i32 to index
      %get3A_1179 = arith.constant 96 : index
      %get3A_1180 = tpu.vector_load %arg8[%get3A_1178, %get3A_1179] {strides = array<i32>} : memref<512x128xf32, #tpu.memory_space<vmem>>, vector<1x16xf32>,
      %get3A_1181 = vector.shape_cast %get3A_1180 : vector<1x16xf32> to vector<16xf32>
      %get3A_1182 = arith.index_cast %add3A_1120 : i32 to index
      %get3A_1183 = arith.constant 112 : index
      %get3A_1184 = tpu.vector_load %arg8[%get3A_1182, %get3A_1183] {strides = array<i32>} : memref<512x128xf32, #tpu.memory_space<vmem>>, vector<1x16xf32>,
      %get3A_1185 = vector.shape_cast %get3A_1184 : vector<1x16xf32> to vector<16xf32>
      %sub3A_1186 = arith.subf %get3A_1161, %get3A_1157 : vector<16xf32>
      %mul3A_1187 = arith.mulf %convert_element_type3A_1142, %sub3A_1186 : vector<16xf32>
      %add3A_1188 = arith.addf %get3A_1157, %mul3A_1187 : vector<16xf32>
      %sub3A_1189 = arith.subf %get3A_1169, %get3A_1165 : vector<16xf32>
      %mul3A_1190 = arith.mulf %convert_element_type3A_1142, %sub3A_1189 : vector<16xf32>
      %add3A_1191 = arith.addf %get3A_1165, %mul3A_1190 : vector<16xf32>
      %sub3A_1192 = arith.subf %get3A_1177, %get3A_1173 : vector<16xf32>
      %mul3A_1193 = arith.mulf %convert_element_type3A_1142, %sub3A_1192 : vector<16xf32>
      %add3A_1194 = arith.addf %get3A_1173, %mul3A_1193 : vector<16xf32>
      %sub3A_1195 = arith.subf %get3A_1185, %get3A_1181 : vector<16xf32>
      %mul3A_1196 = arith.mulf %convert_element_type3A_1142, %sub3A_1195 : vector<16xf32>
      %add3A_1197 = arith.addf %get3A_1181, %mul3A_1196 : vector<16xf32>
      %sub3A_1198 = arith.subf %add3A_1191, %add3A_1188 : vector<16xf32>
      %mul3A_1199 = arith.mulf %convert_element_type3A_1149, %sub3A_1198 : vector<16xf32>
      %add3A_1200 = arith.addf %add3A_1188, %mul3A_1199 : vector<16xf32>
      %sub3A_1201 = arith.subf %add3A_1197, %add3A_1194 : vector<16xf32>
      %mul3A_1202 = arith.mulf %convert_element_type3A_1149, %sub3A_1201 : vector<16xf32>
      %add3A_1203 = arith.addf %add3A_1194, %mul3A_1202 : vector<16xf32>
      %sub3A_1204 = arith.subf %add3A_1203, %add3A_1200 : vector<16xf32>
      %mul3A_1205 = arith.mulf %convert_element_type3A_1153, %sub3A_1204 : vector<16xf32>
      %add3A_1206 = arith.addf %add3A_1200, %mul3A_1205 : vector<16xf32>
      %lt3A_1207 = arith.constant 0 : i32
      %lt3A_1208 = vector.broadcast %lt3A_1207 : i32 to vector<16xi32>
      %lt3A_1209 = arith.cmpi slt, %and3A_1135, %lt3A_1208 : vector<16xi32>
      %add3A_1210 = arith.constant 16 : i32
      %add3A_1211 = vector.broadcast %add3A_1210 : i32 to vector<16xi32>
      %add3A_1212 = arith.addi %and3A_1135, %add3A_1211 : vector<16xi32>
      %select_n3A_1213 = arith.select %lt3A_1209, %add3A_1212, %and3A_1135 : vector<16xi1>, vector<16xi32>
      %broadcast_in_dim3A_1214 = vector.shape_cast %select_n3A_1213 : vector<16xi32> to vector<16x1xi32>
      %gather3A_1215 = vector.shape_cast %broadcast_in_dim3A_1214 : vector<16x1xi32> to vector<16xi32>
      %gather3A_1216 = tpu.dynamic_gather %add3A_1206[%gather3A_1215] in [0] : vector<16xf32>, vector<16xi32> -> vector<16xf32>
      %eq3A_1217 = arith.constant 10 : i32
      %eq3A_1218 = vector.broadcast %eq3A_1217 : i32 to vector<16xi32>
      %eq3A_1219 = arith.cmpi eq, %iota3A, %eq3A_1218 : vector<16xi32>
      %select_n3A_1220 = arith.select %eq3A_1219, %gather3A_1216, %select_n3A_1116 : vector<16xi1>, vector<16xf32>
      %mul3A_1221 = arith.constant 16 : i32
      %mul3A_1222 = arith.muli %scan3A_76, %mul3A_1221 : i32
      %add3A_1223 = arith.constant 11 : i32
      %add3A_1224 = arith.addi %mul3A_1222, %add3A_1223 : i32
      %broadcast_in_dim3A_1225 = arith.constant 11 : i32
      %broadcast_in_dim3A_1226 = vector.broadcast %broadcast_in_dim3A_1225 : i32 to vector<16xi32>
      %lt3A_1227 = arith.constant 0 : i32
      %lt3A_1228 = vector.broadcast %lt3A_1227 : i32 to vector<16xi32>
      %lt3A_1229 = arith.cmpi slt, %broadcast_in_dim3A_1226, %lt3A_1228 : vector<16xi32>
      %add3A_1230 = arith.constant 16 : i32
      %add3A_1231 = vector.broadcast %add3A_1230 : i32 to vector<16xi32>
      %add3A_1232 = arith.addi %broadcast_in_dim3A_1226, %add3A_1231 : vector<16xi32>
      %select_n3A_1233 = arith.select %lt3A_1229, %add3A_1232, %broadcast_in_dim3A_1226 : vector<16xi1>, vector<16xi32>
      %broadcast_in_dim3A_1234 = vector.shape_cast %select_n3A_1233 : vector<16xi32> to vector<16x1xi32>
      %gather3A_1235 = vector.shape_cast %broadcast_in_dim3A_1234 : vector<16x1xi32> to vector<16xi32>
      %gather3A_1236 = tpu.dynamic_gather %and3A_82[%gather3A_1235] in [0] : vector<16xi32>, vector<16xi32> -> vector<16xi32>
      %and3A_1237 = arith.constant 15 : i32
      %and3A_1238 = vector.broadcast %and3A_1237 : i32 to vector<16xi32>
      %and3A_1239 = arith.andi %gather3A_1236, %and3A_1238 : vector<16xi32>
      %shift_right_logical3A_1240 = arith.constant 4 : i32
      %shift_right_logical3A_1241 = vector.broadcast %shift_right_logical3A_1240 : i32 to vector<16xi32>
      %shift_right_logical3A_1242 = arith.shrui %gather3A_1236, %shift_right_logical3A_1241 : vector<16xi32>
      %and3A_1243 = arith.constant 1 : i32
      %and3A_1244 = vector.broadcast %and3A_1243 : i32 to vector<16xi32>
      %and3A_1245 = arith.andi %shift_right_logical3A_1242, %and3A_1244 : vector<16xi32>
      %convert_element_type3A_1246 = arith.sitofp %and3A_1245 : vector<16xi32> to vector<16xf32>
      %shift_right_logical3A_1247 = arith.constant 5 : i32
      %shift_right_logical3A_1248 = vector.broadcast %shift_right_logical3A_1247 : i32 to vector<16xi32>
      %shift_right_logical3A_1249 = arith.shrui %gather3A_1236, %shift_right_logical3A_1248 : vector<16xi32>
      %and3A_1250 = arith.constant 1 : i32
      %and3A_1251 = vector.broadcast %and3A_1250 : i32 to vector<16xi32>
      %and3A_1252 = arith.andi %shift_right_logical3A_1249, %and3A_1251 : vector<16xi32>
      %convert_element_type3A_1253 = arith.sitofp %and3A_1252 : vector<16xi32> to vector<16xf32>
      %shift_right_logical3A_1254 = arith.constant 6 : i32
      %shift_right_logical3A_1255 = vector.broadcast %shift_right_logical3A_1254 : i32 to vector<16xi32>
      %shift_right_logical3A_1256 = arith.shrui %gather3A_1236, %shift_right_logical3A_1255 : vector<16xi32>
      %convert_element_type3A_1257 = arith.sitofp %shift_right_logical3A_1256 : vector<16xi32> to vector<16xf32>
      %get3A_1258 = arith.index_cast %add3A_1224 : i32 to index
      %get3A_1259 = arith.constant 0 : index
      %get3A_1260 = tpu.vector_load %arg8[%get3A_1258, %get3A_1259] {strides = array<i32>} : memref<512x128xf32, #tpu.memory_space<vmem>>, vector<1x16xf32>,
      %get3A_1261 = vector.shape_cast %get3A_1260 : vector<1x16xf32> to vector<16xf32>
      %get3A_1262 = arith.index_cast %add3A_1224 : i32 to index
      %get3A_1263 = arith.constant 16 : index
      %get3A_1264 = tpu.vector_load %arg8[%get3A_1262, %get3A_1263] {strides = array<i32>} : memref<512x128xf32, #tpu.memory_space<vmem>>, vector<1x16xf32>,
      %get3A_1265 = vector.shape_cast %get3A_1264 : vector<1x16xf32> to vector<16xf32>
      %get3A_1266 = arith.index_cast %add3A_1224 : i32 to index
      %get3A_1267 = arith.constant 32 : index
      %get3A_1268 = tpu.vector_load %arg8[%get3A_1266, %get3A_1267] {strides = array<i32>} : memref<512x128xf32, #tpu.memory_space<vmem>>, vector<1x16xf32>,
      %get3A_1269 = vector.shape_cast %get3A_1268 : vector<1x16xf32> to vector<16xf32>
      %get3A_1270 = arith.index_cast %add3A_1224 : i32 to index
      %get3A_1271 = arith.constant 48 : index
      %get3A_1272 = tpu.vector_load %arg8[%get3A_1270, %get3A_1271] {strides = array<i32>} : memref<512x128xf32, #tpu.memory_space<vmem>>, vector<1x16xf32>,
      %get3A_1273 = vector.shape_cast %get3A_1272 : vector<1x16xf32> to vector<16xf32>
      %get3A_1274 = arith.index_cast %add3A_1224 : i32 to index
      %get3A_1275 = arith.constant 64 : index
      %get3A_1276 = tpu.vector_load %arg8[%get3A_1274, %get3A_1275] {strides = array<i32>} : memref<512x128xf32, #tpu.memory_space<vmem>>, vector<1x16xf32>,
      %get3A_1277 = vector.shape_cast %get3A_1276 : vector<1x16xf32> to vector<16xf32>
      %get3A_1278 = arith.index_cast %add3A_1224 : i32 to index
      %get3A_1279 = arith.constant 80 : index
      %get3A_1280 = tpu.vector_load %arg8[%get3A_1278, %get3A_1279] {strides = array<i32>} : memref<512x128xf32, #tpu.memory_space<vmem>>, vector<1x16xf32>,
      %get3A_1281 = vector.shape_cast %get3A_1280 : vector<1x16xf32> to vector<16xf32>
      %get3A_1282 = arith.index_cast %add3A_1224 : i32 to index
      %get3A_1283 = arith.constant 96 : index
      %get3A_1284 = tpu.vector_load %arg8[%get3A_1282, %get3A_1283] {strides = array<i32>} : memref<512x128xf32, #tpu.memory_space<vmem>>, vector<1x16xf32>,
      %get3A_1285 = vector.shape_cast %get3A_1284 : vector<1x16xf32> to vector<16xf32>
      %get3A_1286 = arith.index_cast %add3A_1224 : i32 to index
      %get3A_1287 = arith.constant 112 : index
      %get3A_1288 = tpu.vector_load %arg8[%get3A_1286, %get3A_1287] {strides = array<i32>} : memref<512x128xf32, #tpu.memory_space<vmem>>, vector<1x16xf32>,
      %get3A_1289 = vector.shape_cast %get3A_1288 : vector<1x16xf32> to vector<16xf32>
      %sub3A_1290 = arith.subf %get3A_1265, %get3A_1261 : vector<16xf32>
      %mul3A_1291 = arith.mulf %convert_element_type3A_1246, %sub3A_1290 : vector<16xf32>
      %add3A_1292 = arith.addf %get3A_1261, %mul3A_1291 : vector<16xf32>
      %sub3A_1293 = arith.subf %get3A_1273, %get3A_1269 : vector<16xf32>
      %mul3A_1294 = arith.mulf %convert_element_type3A_1246, %sub3A_1293 : vector<16xf32>
      %add3A_1295 = arith.addf %get3A_1269, %mul3A_1294 : vector<16xf32>
      %sub3A_1296 = arith.subf %get3A_1281, %get3A_1277 : vector<16xf32>
      %mul3A_1297 = arith.mulf %convert_element_type3A_1246, %sub3A_1296 : vector<16xf32>
      %add3A_1298 = arith.addf %get3A_1277, %mul3A_1297 : vector<16xf32>
      %sub3A_1299 = arith.subf %get3A_1289, %get3A_1285 : vector<16xf32>
      %mul3A_1300 = arith.mulf %convert_element_type3A_1246, %sub3A_1299 : vector<16xf32>
      %add3A_1301 = arith.addf %get3A_1285, %mul3A_1300 : vector<16xf32>
      %sub3A_1302 = arith.subf %add3A_1295, %add3A_1292 : vector<16xf32>
      %mul3A_1303 = arith.mulf %convert_element_type3A_1253, %sub3A_1302 : vector<16xf32>
      %add3A_1304 = arith.addf %add3A_1292, %mul3A_1303 : vector<16xf32>
      %sub3A_1305 = arith.subf %add3A_1301, %add3A_1298 : vector<16xf32>
      %mul3A_1306 = arith.mulf %convert_element_type3A_1253, %sub3A_1305 : vector<16xf32>
      %add3A_1307 = arith.addf %add3A_1298, %mul3A_1306 : vector<16xf32>
      %sub3A_1308 = arith.subf %add3A_1307, %add3A_1304 : vector<16xf32>
      %mul3A_1309 = arith.mulf %convert_element_type3A_1257, %sub3A_1308 : vector<16xf32>
      %add3A_1310 = arith.addf %add3A_1304, %mul3A_1309 : vector<16xf32>
      %lt3A_1311 = arith.constant 0 : i32
      %lt3A_1312 = vector.broadcast %lt3A_1311 : i32 to vector<16xi32>
      %lt3A_1313 = arith.cmpi slt, %and3A_1239, %lt3A_1312 : vector<16xi32>
      %add3A_1314 = arith.constant 16 : i32
      %add3A_1315 = vector.broadcast %add3A_1314 : i32 to vector<16xi32>
      %add3A_1316 = arith.addi %and3A_1239, %add3A_1315 : vector<16xi32>
      %select_n3A_1317 = arith.select %lt3A_1313, %add3A_1316, %and3A_1239 : vector<16xi1>, vector<16xi32>
      %broadcast_in_dim3A_1318 = vector.shape_cast %select_n3A_1317 : vector<16xi32> to vector<16x1xi32>
      %gather3A_1319 = vector.shape_cast %broadcast_in_dim3A_1318 : vector<16x1xi32> to vector<16xi32>
      %gather3A_1320 = tpu.dynamic_gather %add3A_1310[%gather3A_1319] in [0] : vector<16xf32>, vector<16xi32> -> vector<16xf32>
      %eq3A_1321 = arith.constant 11 : i32
      %eq3A_1322 = vector.broadcast %eq3A_1321 : i32 to vector<16xi32>
      %eq3A_1323 = arith.cmpi eq, %iota3A, %eq3A_1322 : vector<16xi32>
      %select_n3A_1324 = arith.select %eq3A_1323, %gather3A_1320, %select_n3A_1220 : vector<16xi1>, vector<16xf32>
      %mul3A_1325 = arith.constant 16 : i32
      %mul3A_1326 = arith.muli %scan3A_76, %mul3A_1325 : i32
      %add3A_1327 = arith.constant 12 : i32
      %add3A_1328 = arith.addi %mul3A_1326, %add3A_1327 : i32
      %broadcast_in_dim3A_1329 = arith.constant 12 : i32
      %broadcast_in_dim3A_1330 = vector.broadcast %broadcast_in_dim3A_1329 : i32 to vector<16xi32>
      %lt3A_1331 = arith.constant 0 : i32
      %lt3A_1332 = vector.broadcast %lt3A_1331 : i32 to vector<16xi32>
      %lt3A_1333 = arith.cmpi slt, %broadcast_in_dim3A_1330, %lt3A_1332 : vector<16xi32>
      %add3A_1334 = arith.constant 16 : i32
      %add3A_1335 = vector.broadcast %add3A_1334 : i32 to vector<16xi32>
      %add3A_1336 = arith.addi %broadcast_in_dim3A_1330, %add3A_1335 : vector<16xi32>
      %select_n3A_1337 = arith.select %lt3A_1333, %add3A_1336, %broadcast_in_dim3A_1330 : vector<16xi1>, vector<16xi32>
      %broadcast_in_dim3A_1338 = vector.shape_cast %select_n3A_1337 : vector<16xi32> to vector<16x1xi32>
      %gather3A_1339 = vector.shape_cast %broadcast_in_dim3A_1338 : vector<16x1xi32> to vector<16xi32>
      %gather3A_1340 = tpu.dynamic_gather %and3A_82[%gather3A_1339] in [0] : vector<16xi32>, vector<16xi32> -> vector<16xi32>
      %and3A_1341 = arith.constant 15 : i32
      %and3A_1342 = vector.broadcast %and3A_1341 : i32 to vector<16xi32>
      %and3A_1343 = arith.andi %gather3A_1340, %and3A_1342 : vector<16xi32>
      %shift_right_logical3A_1344 = arith.constant 4 : i32
      %shift_right_logical3A_1345 = vector.broadcast %shift_right_logical3A_1344 : i32 to vector<16xi32>
      %shift_right_logical3A_1346 = arith.shrui %gather3A_1340, %shift_right_logical3A_1345 : vector<16xi32>
      %and3A_1347 = arith.constant 1 : i32
      %and3A_1348 = vector.broadcast %and3A_1347 : i32 to vector<16xi32>
      %and3A_1349 = arith.andi %shift_right_logical3A_1346, %and3A_1348 : vector<16xi32>
      %convert_element_type3A_1350 = arith.sitofp %and3A_1349 : vector<16xi32> to vector<16xf32>
      %shift_right_logical3A_1351 = arith.constant 5 : i32
      %shift_right_logical3A_1352 = vector.broadcast %shift_right_logical3A_1351 : i32 to vector<16xi32>
      %shift_right_logical3A_1353 = arith.shrui %gather3A_1340, %shift_right_logical3A_1352 : vector<16xi32>
      %and3A_1354 = arith.constant 1 : i32
      %and3A_1355 = vector.broadcast %and3A_1354 : i32 to vector<16xi32>
      %and3A_1356 = arith.andi %shift_right_logical3A_1353, %and3A_1355 : vector<16xi32>
      %convert_element_type3A_1357 = arith.sitofp %and3A_1356 : vector<16xi32> to vector<16xf32>
      %shift_right_logical3A_1358 = arith.constant 6 : i32
      %shift_right_logical3A_1359 = vector.broadcast %shift_right_logical3A_1358 : i32 to vector<16xi32>
      %shift_right_logical3A_1360 = arith.shrui %gather3A_1340, %shift_right_logical3A_1359 : vector<16xi32>
      %convert_element_type3A_1361 = arith.sitofp %shift_right_logical3A_1360 : vector<16xi32> to vector<16xf32>
      %get3A_1362 = arith.index_cast %add3A_1328 : i32 to index
      %get3A_1363 = arith.constant 0 : index
      %get3A_1364 = tpu.vector_load %arg8[%get3A_1362, %get3A_1363] {strides = array<i32>} : memref<512x128xf32, #tpu.memory_space<vmem>>, vector<1x16xf32>,
      %get3A_1365 = vector.shape_cast %get3A_1364 : vector<1x16xf32> to vector<16xf32>
      %get3A_1366 = arith.index_cast %add3A_1328 : i32 to index
      %get3A_1367 = arith.constant 16 : index
      %get3A_1368 = tpu.vector_load %arg8[%get3A_1366, %get3A_1367] {strides = array<i32>} : memref<512x128xf32, #tpu.memory_space<vmem>>, vector<1x16xf32>,
      %get3A_1369 = vector.shape_cast %get3A_1368 : vector<1x16xf32> to vector<16xf32>
      %get3A_1370 = arith.index_cast %add3A_1328 : i32 to index
      %get3A_1371 = arith.constant 32 : index
      %get3A_1372 = tpu.vector_load %arg8[%get3A_1370, %get3A_1371] {strides = array<i32>} : memref<512x128xf32, #tpu.memory_space<vmem>>, vector<1x16xf32>,
      %get3A_1373 = vector.shape_cast %get3A_1372 : vector<1x16xf32> to vector<16xf32>
      %get3A_1374 = arith.index_cast %add3A_1328 : i32 to index
      %get3A_1375 = arith.constant 48 : index
      %get3A_1376 = tpu.vector_load %arg8[%get3A_1374, %get3A_1375] {strides = array<i32>} : memref<512x128xf32, #tpu.memory_space<vmem>>, vector<1x16xf32>,
      %get3A_1377 = vector.shape_cast %get3A_1376 : vector<1x16xf32> to vector<16xf32>
      %get3A_1378 = arith.index_cast %add3A_1328 : i32 to index
      %get3A_1379 = arith.constant 64 : index
      %get3A_1380 = tpu.vector_load %arg8[%get3A_1378, %get3A_1379] {strides = array<i32>} : memref<512x128xf32, #tpu.memory_space<vmem>>, vector<1x16xf32>,
      %get3A_1381 = vector.shape_cast %get3A_1380 : vector<1x16xf32> to vector<16xf32>
      %get3A_1382 = arith.index_cast %add3A_1328 : i32 to index
      %get3A_1383 = arith.constant 80 : index
      %get3A_1384 = tpu.vector_load %arg8[%get3A_1382, %get3A_1383] {strides = array<i32>} : memref<512x128xf32, #tpu.memory_space<vmem>>, vector<1x16xf32>,
      %get3A_1385 = vector.shape_cast %get3A_1384 : vector<1x16xf32> to vector<16xf32>
      %get3A_1386 = arith.index_cast %add3A_1328 : i32 to index
      %get3A_1387 = arith.constant 96 : index
      %get3A_1388 = tpu.vector_load %arg8[%get3A_1386, %get3A_1387] {strides = array<i32>} : memref<512x128xf32, #tpu.memory_space<vmem>>, vector<1x16xf32>,
      %get3A_1389 = vector.shape_cast %get3A_1388 : vector<1x16xf32> to vector<16xf32>
      %get3A_1390 = arith.index_cast %add3A_1328 : i32 to index
      %get3A_1391 = arith.constant 112 : index
      %get3A_1392 = tpu.vector_load %arg8[%get3A_1390, %get3A_1391] {strides = array<i32>} : memref<512x128xf32, #tpu.memory_space<vmem>>, vector<1x16xf32>,
      %get3A_1393 = vector.shape_cast %get3A_1392 : vector<1x16xf32> to vector<16xf32>
      %sub3A_1394 = arith.subf %get3A_1369, %get3A_1365 : vector<16xf32>
      %mul3A_1395 = arith.mulf %convert_element_type3A_1350, %sub3A_1394 : vector<16xf32>
      %add3A_1396 = arith.addf %get3A_1365, %mul3A_1395 : vector<16xf32>
      %sub3A_1397 = arith.subf %get3A_1377, %get3A_1373 : vector<16xf32>
      %mul3A_1398 = arith.mulf %convert_element_type3A_1350, %sub3A_1397 : vector<16xf32>
      %add3A_1399 = arith.addf %get3A_1373, %mul3A_1398 : vector<16xf32>
      %sub3A_1400 = arith.subf %get3A_1385, %get3A_1381 : vector<16xf32>
      %mul3A_1401 = arith.mulf %convert_element_type3A_1350, %sub3A_1400 : vector<16xf32>
      %add3A_1402 = arith.addf %get3A_1381, %mul3A_1401 : vector<16xf32>
      %sub3A_1403 = arith.subf %get3A_1393, %get3A_1389 : vector<16xf32>
      %mul3A_1404 = arith.mulf %convert_element_type3A_1350, %sub3A_1403 : vector<16xf32>
      %add3A_1405 = arith.addf %get3A_1389, %mul3A_1404 : vector<16xf32>
      %sub3A_1406 = arith.subf %add3A_1399, %add3A_1396 : vector<16xf32>
      %mul3A_1407 = arith.mulf %convert_element_type3A_1357, %sub3A_1406 : vector<16xf32>
      %add3A_1408 = arith.addf %add3A_1396, %mul3A_1407 : vector<16xf32>
      %sub3A_1409 = arith.subf %add3A_1405, %add3A_1402 : vector<16xf32>
      %mul3A_1410 = arith.mulf %convert_element_type3A_1357, %sub3A_1409 : vector<16xf32>
      %add3A_1411 = arith.addf %add3A_1402, %mul3A_1410 : vector<16xf32>
      %sub3A_1412 = arith.subf %add3A_1411, %add3A_1408 : vector<16xf32>
      %mul3A_1413 = arith.mulf %convert_element_type3A_1361, %sub3A_1412 : vector<16xf32>
      %add3A_1414 = arith.addf %add3A_1408, %mul3A_1413 : vector<16xf32>
      %lt3A_1415 = arith.constant 0 : i32
      %lt3A_1416 = vector.broadcast %lt3A_1415 : i32 to vector<16xi32>
      %lt3A_1417 = arith.cmpi slt, %and3A_1343, %lt3A_1416 : vector<16xi32>
      %add3A_1418 = arith.constant 16 : i32
      %add3A_1419 = vector.broadcast %add3A_1418 : i32 to vector<16xi32>
      %add3A_1420 = arith.addi %and3A_1343, %add3A_1419 : vector<16xi32>
      %select_n3A_1421 = arith.select %lt3A_1417, %add3A_1420, %and3A_1343 : vector<16xi1>, vector<16xi32>
      %broadcast_in_dim3A_1422 = vector.shape_cast %select_n3A_1421 : vector<16xi32> to vector<16x1xi32>
      %gather3A_1423 = vector.shape_cast %broadcast_in_dim3A_1422 : vector<16x1xi32> to vector<16xi32>
      %gather3A_1424 = tpu.dynamic_gather %add3A_1414[%gather3A_1423] in [0] : vector<16xf32>, vector<16xi32> -> vector<16xf32>
      %eq3A_1425 = arith.constant 12 : i32
      %eq3A_1426 = vector.broadcast %eq3A_1425 : i32 to vector<16xi32>
      %eq3A_1427 = arith.cmpi eq, %iota3A, %eq3A_1426 : vector<16xi32>
      %select_n3A_1428 = arith.select %eq3A_1427, %gather3A_1424, %select_n3A_1324 : vector<16xi1>, vector<16xf32>
      %mul3A_1429 = arith.constant 16 : i32
      %mul3A_1430 = arith.muli %scan3A_76, %mul3A_1429 : i32
      %add3A_1431 = arith.constant 13 : i32
      %add3A_1432 = arith.addi %mul3A_1430, %add3A_1431 : i32
      %broadcast_in_dim3A_1433 = arith.constant 13 : i32
      %broadcast_in_dim3A_1434 = vector.broadcast %broadcast_in_dim3A_1433 : i32 to vector<16xi32>
      %lt3A_1435 = arith.constant 0 : i32
      %lt3A_1436 = vector.broadcast %lt3A_1435 : i32 to vector<16xi32>
      %lt3A_1437 = arith.cmpi slt, %broadcast_in_dim3A_1434, %lt3A_1436 : vector<16xi32>
      %add3A_1438 = arith.constant 16 : i32
      %add3A_1439 = vector.broadcast %add3A_1438 : i32 to vector<16xi32>
      %add3A_1440 = arith.addi %broadcast_in_dim3A_1434, %add3A_1439 : vector<16xi32>
      %select_n3A_1441 = arith.select %lt3A_1437, %add3A_1440, %broadcast_in_dim3A_1434 : vector<16xi1>, vector<16xi32>
      %broadcast_in_dim3A_1442 = vector.shape_cast %select_n3A_1441 : vector<16xi32> to vector<16x1xi32>
      %gather3A_1443 = vector.shape_cast %broadcast_in_dim3A_1442 : vector<16x1xi32> to vector<16xi32>
      %gather3A_1444 = tpu.dynamic_gather %and3A_82[%gather3A_1443] in [0] : vector<16xi32>, vector<16xi32> -> vector<16xi32>
      %and3A_1445 = arith.constant 15 : i32
      %and3A_1446 = vector.broadcast %and3A_1445 : i32 to vector<16xi32>
      %and3A_1447 = arith.andi %gather3A_1444, %and3A_1446 : vector<16xi32>
      %shift_right_logical3A_1448 = arith.constant 4 : i32
      %shift_right_logical3A_1449 = vector.broadcast %shift_right_logical3A_1448 : i32 to vector<16xi32>
      %shift_right_logical3A_1450 = arith.shrui %gather3A_1444, %shift_right_logical3A_1449 : vector<16xi32>
      %and3A_1451 = arith.constant 1 : i32
      %and3A_1452 = vector.broadcast %and3A_1451 : i32 to vector<16xi32>
      %and3A_1453 = arith.andi %shift_right_logical3A_1450, %and3A_1452 : vector<16xi32>
      %convert_element_type3A_1454 = arith.sitofp %and3A_1453 : vector<16xi32> to vector<16xf32>
      %shift_right_logical3A_1455 = arith.constant 5 : i32
      %shift_right_logical3A_1456 = vector.broadcast %shift_right_logical3A_1455 : i32 to vector<16xi32>
      %shift_right_logical3A_1457 = arith.shrui %gather3A_1444, %shift_right_logical3A_1456 : vector<16xi32>
      %and3A_1458 = arith.constant 1 : i32
      %and3A_1459 = vector.broadcast %and3A_1458 : i32 to vector<16xi32>
      %and3A_1460 = arith.andi %shift_right_logical3A_1457, %and3A_1459 : vector<16xi32>
      %convert_element_type3A_1461 = arith.sitofp %and3A_1460 : vector<16xi32> to vector<16xf32>
      %shift_right_logical3A_1462 = arith.constant 6 : i32
      %shift_right_logical3A_1463 = vector.broadcast %shift_right_logical3A_1462 : i32 to vector<16xi32>
      %shift_right_logical3A_1464 = arith.shrui %gather3A_1444, %shift_right_logical3A_1463 : vector<16xi32>
      %convert_element_type3A_1465 = arith.sitofp %shift_right_logical3A_1464 : vector<16xi32> to vector<16xf32>
      %get3A_1466 = arith.index_cast %add3A_1432 : i32 to index
      %get3A_1467 = arith.constant 0 : index
      %get3A_1468 = tpu.vector_load %arg8[%get3A_1466, %get3A_1467] {strides = array<i32>} : memref<512x128xf32, #tpu.memory_space<vmem>>, vector<1x16xf32>,
      %get3A_1469 = vector.shape_cast %get3A_1468 : vector<1x16xf32> to vector<16xf32>
      %get3A_1470 = arith.index_cast %add3A_1432 : i32 to index
      %get3A_1471 = arith.constant 16 : index
      %get3A_1472 = tpu.vector_load %arg8[%get3A_1470, %get3A_1471] {strides = array<i32>} : memref<512x128xf32, #tpu.memory_space<vmem>>, vector<1x16xf32>,
      %get3A_1473 = vector.shape_cast %get3A_1472 : vector<1x16xf32> to vector<16xf32>
      %get3A_1474 = arith.index_cast %add3A_1432 : i32 to index
      %get3A_1475 = arith.constant 32 : index
      %get3A_1476 = tpu.vector_load %arg8[%get3A_1474, %get3A_1475] {strides = array<i32>} : memref<512x128xf32, #tpu.memory_space<vmem>>, vector<1x16xf32>,
      %get3A_1477 = vector.shape_cast %get3A_1476 : vector<1x16xf32> to vector<16xf32>
      %get3A_1478 = arith.index_cast %add3A_1432 : i32 to index
      %get3A_1479 = arith.constant 48 : index
      %get3A_1480 = tpu.vector_load %arg8[%get3A_1478, %get3A_1479] {strides = array<i32>} : memref<512x128xf32, #tpu.memory_space<vmem>>, vector<1x16xf32>,
      %get3A_1481 = vector.shape_cast %get3A_1480 : vector<1x16xf32> to vector<16xf32>
      %get3A_1482 = arith.index_cast %add3A_1432 : i32 to index
      %get3A_1483 = arith.constant 64 : index
      %get3A_1484 = tpu.vector_load %arg8[%get3A_1482, %get3A_1483] {strides = array<i32>} : memref<512x128xf32, #tpu.memory_space<vmem>>, vector<1x16xf32>,
      %get3A_1485 = vector.shape_cast %get3A_1484 : vector<1x16xf32> to vector<16xf32>
      %get3A_1486 = arith.index_cast %add3A_1432 : i32 to index
      %get3A_1487 = arith.constant 80 : index
      %get3A_1488 = tpu.vector_load %arg8[%get3A_1486, %get3A_1487] {strides = array<i32>} : memref<512x128xf32, #tpu.memory_space<vmem>>, vector<1x16xf32>,
      %get3A_1489 = vector.shape_cast %get3A_1488 : vector<1x16xf32> to vector<16xf32>
      %get3A_1490 = arith.index_cast %add3A_1432 : i32 to index
      %get3A_1491 = arith.constant 96 : index
      %get3A_1492 = tpu.vector_load %arg8[%get3A_1490, %get3A_1491] {strides = array<i32>} : memref<512x128xf32, #tpu.memory_space<vmem>>, vector<1x16xf32>,
      %get3A_1493 = vector.shape_cast %get3A_1492 : vector<1x16xf32> to vector<16xf32>
      %get3A_1494 = arith.index_cast %add3A_1432 : i32 to index
      %get3A_1495 = arith.constant 112 : index
      %get3A_1496 = tpu.vector_load %arg8[%get3A_1494, %get3A_1495] {strides = array<i32>} : memref<512x128xf32, #tpu.memory_space<vmem>>, vector<1x16xf32>,
      %get3A_1497 = vector.shape_cast %get3A_1496 : vector<1x16xf32> to vector<16xf32>
      %sub3A_1498 = arith.subf %get3A_1473, %get3A_1469 : vector<16xf32>
      %mul3A_1499 = arith.mulf %convert_element_type3A_1454, %sub3A_1498 : vector<16xf32>
      %add3A_1500 = arith.addf %get3A_1469, %mul3A_1499 : vector<16xf32>
      %sub3A_1501 = arith.subf %get3A_1481, %get3A_1477 : vector<16xf32>
      %mul3A_1502 = arith.mulf %convert_element_type3A_1454, %sub3A_1501 : vector<16xf32>
      %add3A_1503 = arith.addf %get3A_1477, %mul3A_1502 : vector<16xf32>
      %sub3A_1504 = arith.subf %get3A_1489, %get3A_1485 : vector<16xf32>
      %mul3A_1505 = arith.mulf %convert_element_type3A_1454, %sub3A_1504 : vector<16xf32>
      %add3A_1506 = arith.addf %get3A_1485, %mul3A_1505 : vector<16xf32>
      %sub3A_1507 = arith.subf %get3A_1497, %get3A_1493 : vector<16xf32>
      %mul3A_1508 = arith.mulf %convert_element_type3A_1454, %sub3A_1507 : vector<16xf32>
      %add3A_1509 = arith.addf %get3A_1493, %mul3A_1508 : vector<16xf32>
      %sub3A_1510 = arith.subf %add3A_1503, %add3A_1500 : vector<16xf32>
      %mul3A_1511 = arith.mulf %convert_element_type3A_1461, %sub3A_1510 : vector<16xf32>
      %add3A_1512 = arith.addf %add3A_1500, %mul3A_1511 : vector<16xf32>
      %sub3A_1513 = arith.subf %add3A_1509, %add3A_1506 : vector<16xf32>
      %mul3A_1514 = arith.mulf %convert_element_type3A_1461, %sub3A_1513 : vector<16xf32>
      %add3A_1515 = arith.addf %add3A_1506, %mul3A_1514 : vector<16xf32>
      %sub3A_1516 = arith.subf %add3A_1515, %add3A_1512 : vector<16xf32>
      %mul3A_1517 = arith.mulf %convert_element_type3A_1465, %sub3A_1516 : vector<16xf32>
      %add3A_1518 = arith.addf %add3A_1512, %mul3A_1517 : vector<16xf32>
      %lt3A_1519 = arith.constant 0 : i32
      %lt3A_1520 = vector.broadcast %lt3A_1519 : i32 to vector<16xi32>
      %lt3A_1521 = arith.cmpi slt, %and3A_1447, %lt3A_1520 : vector<16xi32>
      %add3A_1522 = arith.constant 16 : i32
      %add3A_1523 = vector.broadcast %add3A_1522 : i32 to vector<16xi32>
      %add3A_1524 = arith.addi %and3A_1447, %add3A_1523 : vector<16xi32>
      %select_n3A_1525 = arith.select %lt3A_1521, %add3A_1524, %and3A_1447 : vector<16xi1>, vector<16xi32>
      %broadcast_in_dim3A_1526 = vector.shape_cast %select_n3A_1525 : vector<16xi32> to vector<16x1xi32>
      %gather3A_1527 = vector.shape_cast %broadcast_in_dim3A_1526 : vector<16x1xi32> to vector<16xi32>
      %gather3A_1528 = tpu.dynamic_gather %add3A_1518[%gather3A_1527] in [0] : vector<16xf32>, vector<16xi32> -> vector<16xf32>
      %eq3A_1529 = arith.constant 13 : i32
      %eq3A_1530 = vector.broadcast %eq3A_1529 : i32 to vector<16xi32>
      %eq3A_1531 = arith.cmpi eq, %iota3A, %eq3A_1530 : vector<16xi32>
      %select_n3A_1532 = arith.select %eq3A_1531, %gather3A_1528, %select_n3A_1428 : vector<16xi1>, vector<16xf32>
      %mul3A_1533 = arith.constant 16 : i32
      %mul3A_1534 = arith.muli %scan3A_76, %mul3A_1533 : i32
      %add3A_1535 = arith.constant 14 : i32
      %add3A_1536 = arith.addi %mul3A_1534, %add3A_1535 : i32
      %broadcast_in_dim3A_1537 = arith.constant 14 : i32
      %broadcast_in_dim3A_1538 = vector.broadcast %broadcast_in_dim3A_1537 : i32 to vector<16xi32>
      %lt3A_1539 = arith.constant 0 : i32
      %lt3A_1540 = vector.broadcast %lt3A_1539 : i32 to vector<16xi32>
      %lt3A_1541 = arith.cmpi slt, %broadcast_in_dim3A_1538, %lt3A_1540 : vector<16xi32>
      %add3A_1542 = arith.constant 16 : i32
      %add3A_1543 = vector.broadcast %add3A_1542 : i32 to vector<16xi32>
      %add3A_1544 = arith.addi %broadcast_in_dim3A_1538, %add3A_1543 : vector<16xi32>
      %select_n3A_1545 = arith.select %lt3A_1541, %add3A_1544, %broadcast_in_dim3A_1538 : vector<16xi1>, vector<16xi32>
      %broadcast_in_dim3A_1546 = vector.shape_cast %select_n3A_1545 : vector<16xi32> to vector<16x1xi32>
      %gather3A_1547 = vector.shape_cast %broadcast_in_dim3A_1546 : vector<16x1xi32> to vector<16xi32>
      %gather3A_1548 = tpu.dynamic_gather %and3A_82[%gather3A_1547] in [0] : vector<16xi32>, vector<16xi32> -> vector<16xi32>
      %and3A_1549 = arith.constant 15 : i32
      %and3A_1550 = vector.broadcast %and3A_1549 : i32 to vector<16xi32>
      %and3A_1551 = arith.andi %gather3A_1548, %and3A_1550 : vector<16xi32>
      %shift_right_logical3A_1552 = arith.constant 4 : i32
      %shift_right_logical3A_1553 = vector.broadcast %shift_right_logical3A_1552 : i32 to vector<16xi32>
      %shift_right_logical3A_1554 = arith.shrui %gather3A_1548, %shift_right_logical3A_1553 : vector<16xi32>
      %and3A_1555 = arith.constant 1 : i32
      %and3A_1556 = vector.broadcast %and3A_1555 : i32 to vector<16xi32>
      %and3A_1557 = arith.andi %shift_right_logical3A_1554, %and3A_1556 : vector<16xi32>
      %convert_element_type3A_1558 = arith.sitofp %and3A_1557 : vector<16xi32> to vector<16xf32>
      %shift_right_logical3A_1559 = arith.constant 5 : i32
      %shift_right_logical3A_1560 = vector.broadcast %shift_right_logical3A_1559 : i32 to vector<16xi32>
      %shift_right_logical3A_1561 = arith.shrui %gather3A_1548, %shift_right_logical3A_1560 : vector<16xi32>
      %and3A_1562 = arith.constant 1 : i32
      %and3A_1563 = vector.broadcast %and3A_1562 : i32 to vector<16xi32>
      %and3A_1564 = arith.andi %shift_right_logical3A_1561, %and3A_1563 : vector<16xi32>
      %convert_element_type3A_1565 = arith.sitofp %and3A_1564 : vector<16xi32> to vector<16xf32>
      %shift_right_logical3A_1566 = arith.constant 6 : i32
      %shift_right_logical3A_1567 = vector.broadcast %shift_right_logical3A_1566 : i32 to vector<16xi32>
      %shift_right_logical3A_1568 = arith.shrui %gather3A_1548, %shift_right_logical3A_1567 : vector<16xi32>
      %convert_element_type3A_1569 = arith.sitofp %shift_right_logical3A_1568 : vector<16xi32> to vector<16xf32>
      %get3A_1570 = arith.index_cast %add3A_1536 : i32 to index
      %get3A_1571 = arith.constant 0 : index
      %get3A_1572 = tpu.vector_load %arg8[%get3A_1570, %get3A_1571] {strides = array<i32>} : memref<512x128xf32, #tpu.memory_space<vmem>>, vector<1x16xf32>,
      %get3A_1573 = vector.shape_cast %get3A_1572 : vector<1x16xf32> to vector<16xf32>
      %get3A_1574 = arith.index_cast %add3A_1536 : i32 to index
      %get3A_1575 = arith.constant 16 : index
      %get3A_1576 = tpu.vector_load %arg8[%get3A_1574, %get3A_1575] {strides = array<i32>} : memref<512x128xf32, #tpu.memory_space<vmem>>, vector<1x16xf32>,
      %get3A_1577 = vector.shape_cast %get3A_1576 : vector<1x16xf32> to vector<16xf32>
      %get3A_1578 = arith.index_cast %add3A_1536 : i32 to index
      %get3A_1579 = arith.constant 32 : index
      %get3A_1580 = tpu.vector_load %arg8[%get3A_1578, %get3A_1579] {strides = array<i32>} : memref<512x128xf32, #tpu.memory_space<vmem>>, vector<1x16xf32>,
      %get3A_1581 = vector.shape_cast %get3A_1580 : vector<1x16xf32> to vector<16xf32>
      %get3A_1582 = arith.index_cast %add3A_1536 : i32 to index
      %get3A_1583 = arith.constant 48 : index
      %get3A_1584 = tpu.vector_load %arg8[%get3A_1582, %get3A_1583] {strides = array<i32>} : memref<512x128xf32, #tpu.memory_space<vmem>>, vector<1x16xf32>,
      %get3A_1585 = vector.shape_cast %get3A_1584 : vector<1x16xf32> to vector<16xf32>
      %get3A_1586 = arith.index_cast %add3A_1536 : i32 to index
      %get3A_1587 = arith.constant 64 : index
      %get3A_1588 = tpu.vector_load %arg8[%get3A_1586, %get3A_1587] {strides = array<i32>} : memref<512x128xf32, #tpu.memory_space<vmem>>, vector<1x16xf32>,
      %get3A_1589 = vector.shape_cast %get3A_1588 : vector<1x16xf32> to vector<16xf32>
      %get3A_1590 = arith.index_cast %add3A_1536 : i32 to index
      %get3A_1591 = arith.constant 80 : index
      %get3A_1592 = tpu.vector_load %arg8[%get3A_1590, %get3A_1591] {strides = array<i32>} : memref<512x128xf32, #tpu.memory_space<vmem>>, vector<1x16xf32>,
      %get3A_1593 = vector.shape_cast %get3A_1592 : vector<1x16xf32> to vector<16xf32>
      %get3A_1594 = arith.index_cast %add3A_1536 : i32 to index
      %get3A_1595 = arith.constant 96 : index
      %get3A_1596 = tpu.vector_load %arg8[%get3A_1594, %get3A_1595] {strides = array<i32>} : memref<512x128xf32, #tpu.memory_space<vmem>>, vector<1x16xf32>,
      %get3A_1597 = vector.shape_cast %get3A_1596 : vector<1x16xf32> to vector<16xf32>
      %get3A_1598 = arith.index_cast %add3A_1536 : i32 to index
      %get3A_1599 = arith.constant 112 : index
      %get3A_1600 = tpu.vector_load %arg8[%get3A_1598, %get3A_1599] {strides = array<i32>} : memref<512x128xf32, #tpu.memory_space<vmem>>, vector<1x16xf32>,
      %get3A_1601 = vector.shape_cast %get3A_1600 : vector<1x16xf32> to vector<16xf32>
      %sub3A_1602 = arith.subf %get3A_1577, %get3A_1573 : vector<16xf32>
      %mul3A_1603 = arith.mulf %convert_element_type3A_1558, %sub3A_1602 : vector<16xf32>
      %add3A_1604 = arith.addf %get3A_1573, %mul3A_1603 : vector<16xf32>
      %sub3A_1605 = arith.subf %get3A_1585, %get3A_1581 : vector<16xf32>
      %mul3A_1606 = arith.mulf %convert_element_type3A_1558, %sub3A_1605 : vector<16xf32>
      %add3A_1607 = arith.addf %get3A_1581, %mul3A_1606 : vector<16xf32>
      %sub3A_1608 = arith.subf %get3A_1593, %get3A_1589 : vector<16xf32>
      %mul3A_1609 = arith.mulf %convert_element_type3A_1558, %sub3A_1608 : vector<16xf32>
      %add3A_1610 = arith.addf %get3A_1589, %mul3A_1609 : vector<16xf32>
      %sub3A_1611 = arith.subf %get3A_1601, %get3A_1597 : vector<16xf32>
      %mul3A_1612 = arith.mulf %convert_element_type3A_1558, %sub3A_1611 : vector<16xf32>
      %add3A_1613 = arith.addf %get3A_1597, %mul3A_1612 : vector<16xf32>
      %sub3A_1614 = arith.subf %add3A_1607, %add3A_1604 : vector<16xf32>
      %mul3A_1615 = arith.mulf %convert_element_type3A_1565, %sub3A_1614 : vector<16xf32>
      %add3A_1616 = arith.addf %add3A_1604, %mul3A_1615 : vector<16xf32>
      %sub3A_1617 = arith.subf %add3A_1613, %add3A_1610 : vector<16xf32>
      %mul3A_1618 = arith.mulf %convert_element_type3A_1565, %sub3A_1617 : vector<16xf32>
      %add3A_1619 = arith.addf %add3A_1610, %mul3A_1618 : vector<16xf32>
      %sub3A_1620 = arith.subf %add3A_1619, %add3A_1616 : vector<16xf32>
      %mul3A_1621 = arith.mulf %convert_element_type3A_1569, %sub3A_1620 : vector<16xf32>
      %add3A_1622 = arith.addf %add3A_1616, %mul3A_1621 : vector<16xf32>
      %lt3A_1623 = arith.constant 0 : i32
      %lt3A_1624 = vector.broadcast %lt3A_1623 : i32 to vector<16xi32>
      %lt3A_1625 = arith.cmpi slt, %and3A_1551, %lt3A_1624 : vector<16xi32>
      %add3A_1626 = arith.constant 16 : i32
      %add3A_1627 = vector.broadcast %add3A_1626 : i32 to vector<16xi32>
      %add3A_1628 = arith.addi %and3A_1551, %add3A_1627 : vector<16xi32>
      %select_n3A_1629 = arith.select %lt3A_1625, %add3A_1628, %and3A_1551 : vector<16xi1>, vector<16xi32>
      %broadcast_in_dim3A_1630 = vector.shape_cast %select_n3A_1629 : vector<16xi32> to vector<16x1xi32>
      %gather3A_1631 = vector.shape_cast %broadcast_in_dim3A_1630 : vector<16x1xi32> to vector<16xi32>
      %gather3A_1632 = tpu.dynamic_gather %add3A_1622[%gather3A_1631] in [0] : vector<16xf32>, vector<16xi32> -> vector<16xf32>
      %eq3A_1633 = arith.constant 14 : i32
      %eq3A_1634 = vector.broadcast %eq3A_1633 : i32 to vector<16xi32>
      %eq3A_1635 = arith.cmpi eq, %iota3A, %eq3A_1634 : vector<16xi32>
      %select_n3A_1636 = arith.select %eq3A_1635, %gather3A_1632, %select_n3A_1532 : vector<16xi1>, vector<16xf32>
      %mul3A_1637 = arith.constant 16 : i32
      %mul3A_1638 = arith.muli %scan3A_76, %mul3A_1637 : i32
      %add3A_1639 = arith.constant 15 : i32
      %add3A_1640 = arith.addi %mul3A_1638, %add3A_1639 : i32
      %broadcast_in_dim3A_1641 = arith.constant 15 : i32
      %broadcast_in_dim3A_1642 = vector.broadcast %broadcast_in_dim3A_1641 : i32 to vector<16xi32>
      %lt3A_1643 = arith.constant 0 : i32
      %lt3A_1644 = vector.broadcast %lt3A_1643 : i32 to vector<16xi32>
      %lt3A_1645 = arith.cmpi slt, %broadcast_in_dim3A_1642, %lt3A_1644 : vector<16xi32>
      %add3A_1646 = arith.constant 16 : i32
      %add3A_1647 = vector.broadcast %add3A_1646 : i32 to vector<16xi32>
      %add3A_1648 = arith.addi %broadcast_in_dim3A_1642, %add3A_1647 : vector<16xi32>
      %select_n3A_1649 = arith.select %lt3A_1645, %add3A_1648, %broadcast_in_dim3A_1642 : vector<16xi1>, vector<16xi32>
      %broadcast_in_dim3A_1650 = vector.shape_cast %select_n3A_1649 : vector<16xi32> to vector<16x1xi32>
      %gather3A_1651 = vector.shape_cast %broadcast_in_dim3A_1650 : vector<16x1xi32> to vector<16xi32>
      %gather3A_1652 = tpu.dynamic_gather %and3A_82[%gather3A_1651] in [0] : vector<16xi32>, vector<16xi32> -> vector<16xi32>
      %and3A_1653 = arith.constant 15 : i32
      %and3A_1654 = vector.broadcast %and3A_1653 : i32 to vector<16xi32>
      %and3A_1655 = arith.andi %gather3A_1652, %and3A_1654 : vector<16xi32>
      %shift_right_logical3A_1656 = arith.constant 4 : i32
      %shift_right_logical3A_1657 = vector.broadcast %shift_right_logical3A_1656 : i32 to vector<16xi32>
      %shift_right_logical3A_1658 = arith.shrui %gather3A_1652, %shift_right_logical3A_1657 : vector<16xi32>
      %and3A_1659 = arith.constant 1 : i32
      %and3A_1660 = vector.broadcast %and3A_1659 : i32 to vector<16xi32>
      %and3A_1661 = arith.andi %shift_right_logical3A_1658, %and3A_1660 : vector<16xi32>
      %convert_element_type3A_1662 = arith.sitofp %and3A_1661 : vector<16xi32> to vector<16xf32>
      %shift_right_logical3A_1663 = arith.constant 5 : i32
      %shift_right_logical3A_1664 = vector.broadcast %shift_right_logical3A_1663 : i32 to vector<16xi32>
      %shift_right_logical3A_1665 = arith.shrui %gather3A_1652, %shift_right_logical3A_1664 : vector<16xi32>
      %and3A_1666 = arith.constant 1 : i32
      %and3A_1667 = vector.broadcast %and3A_1666 : i32 to vector<16xi32>
      %and3A_1668 = arith.andi %shift_right_logical3A_1665, %and3A_1667 : vector<16xi32>
      %convert_element_type3A_1669 = arith.sitofp %and3A_1668 : vector<16xi32> to vector<16xf32>
      %shift_right_logical3A_1670 = arith.constant 6 : i32
      %shift_right_logical3A_1671 = vector.broadcast %shift_right_logical3A_1670 : i32 to vector<16xi32>
      %shift_right_logical3A_1672 = arith.shrui %gather3A_1652, %shift_right_logical3A_1671 : vector<16xi32>
      %convert_element_type3A_1673 = arith.sitofp %shift_right_logical3A_1672 : vector<16xi32> to vector<16xf32>
      %get3A_1674 = arith.index_cast %add3A_1640 : i32 to index
      %get3A_1675 = arith.constant 0 : index
      %get3A_1676 = tpu.vector_load %arg8[%get3A_1674, %get3A_1675] {strides = array<i32>} : memref<512x128xf32, #tpu.memory_space<vmem>>, vector<1x16xf32>,
      %get3A_1677 = vector.shape_cast %get3A_1676 : vector<1x16xf32> to vector<16xf32>
      %get3A_1678 = arith.index_cast %add3A_1640 : i32 to index
      %get3A_1679 = arith.constant 16 : index
      %get3A_1680 = tpu.vector_load %arg8[%get3A_1678, %get3A_1679] {strides = array<i32>} : memref<512x128xf32, #tpu.memory_space<vmem>>, vector<1x16xf32>,
      %get3A_1681 = vector.shape_cast %get3A_1680 : vector<1x16xf32> to vector<16xf32>
      %get3A_1682 = arith.index_cast %add3A_1640 : i32 to index
      %get3A_1683 = arith.constant 32 : index
      %get3A_1684 = tpu.vector_load %arg8[%get3A_1682, %get3A_1683] {strides = array<i32>} : memref<512x128xf32, #tpu.memory_space<vmem>>, vector<1x16xf32>,
      %get3A_1685 = vector.shape_cast %get3A_1684 : vector<1x16xf32> to vector<16xf32>
      %get3A_1686 = arith.index_cast %add3A_1640 : i32 to index
      %get3A_1687 = arith.constant 48 : index
      %get3A_1688 = tpu.vector_load %arg8[%get3A_1686, %get3A_1687] {strides = array<i32>} : memref<512x128xf32, #tpu.memory_space<vmem>>, vector<1x16xf32>,
      %get3A_1689 = vector.shape_cast %get3A_1688 : vector<1x16xf32> to vector<16xf32>
      %get3A_1690 = arith.index_cast %add3A_1640 : i32 to index
      %get3A_1691 = arith.constant 64 : index
      %get3A_1692 = tpu.vector_load %arg8[%get3A_1690, %get3A_1691] {strides = array<i32>} : memref<512x128xf32, #tpu.memory_space<vmem>>, vector<1x16xf32>,
      %get3A_1693 = vector.shape_cast %get3A_1692 : vector<1x16xf32> to vector<16xf32>
      %get3A_1694 = arith.index_cast %add3A_1640 : i32 to index
      %get3A_1695 = arith.constant 80 : index
      %get3A_1696 = tpu.vector_load %arg8[%get3A_1694, %get3A_1695] {strides = array<i32>} : memref<512x128xf32, #tpu.memory_space<vmem>>, vector<1x16xf32>,
      %get3A_1697 = vector.shape_cast %get3A_1696 : vector<1x16xf32> to vector<16xf32>
      %get3A_1698 = arith.index_cast %add3A_1640 : i32 to index
      %get3A_1699 = arith.constant 96 : index
      %get3A_1700 = tpu.vector_load %arg8[%get3A_1698, %get3A_1699] {strides = array<i32>} : memref<512x128xf32, #tpu.memory_space<vmem>>, vector<1x16xf32>,
      %get3A_1701 = vector.shape_cast %get3A_1700 : vector<1x16xf32> to vector<16xf32>
      %get3A_1702 = arith.index_cast %add3A_1640 : i32 to index
      %get3A_1703 = arith.constant 112 : index
      %get3A_1704 = tpu.vector_load %arg8[%get3A_1702, %get3A_1703] {strides = array<i32>} : memref<512x128xf32, #tpu.memory_space<vmem>>, vector<1x16xf32>,
      %get3A_1705 = vector.shape_cast %get3A_1704 : vector<1x16xf32> to vector<16xf32>
      %sub3A_1706 = arith.subf %get3A_1681, %get3A_1677 : vector<16xf32>
      %mul3A_1707 = arith.mulf %convert_element_type3A_1662, %sub3A_1706 : vector<16xf32>
      %add3A_1708 = arith.addf %get3A_1677, %mul3A_1707 : vector<16xf32>
      %sub3A_1709 = arith.subf %get3A_1689, %get3A_1685 : vector<16xf32>
      %mul3A_1710 = arith.mulf %convert_element_type3A_1662, %sub3A_1709 : vector<16xf32>
      %add3A_1711 = arith.addf %get3A_1685, %mul3A_1710 : vector<16xf32>
      %sub3A_1712 = arith.subf %get3A_1697, %get3A_1693 : vector<16xf32>
      %mul3A_1713 = arith.mulf %convert_element_type3A_1662, %sub3A_1712 : vector<16xf32>
      %add3A_1714 = arith.addf %get3A_1693, %mul3A_1713 : vector<16xf32>
      %sub3A_1715 = arith.subf %get3A_1705, %get3A_1701 : vector<16xf32>
      %mul3A_1716 = arith.mulf %convert_element_type3A_1662, %sub3A_1715 : vector<16xf32>
      %add3A_1717 = arith.addf %get3A_1701, %mul3A_1716 : vector<16xf32>
      %sub3A_1718 = arith.subf %add3A_1711, %add3A_1708 : vector<16xf32>
      %mul3A_1719 = arith.mulf %convert_element_type3A_1669, %sub3A_1718 : vector<16xf32>
      %add3A_1720 = arith.addf %add3A_1708, %mul3A_1719 : vector<16xf32>
      %sub3A_1721 = arith.subf %add3A_1717, %add3A_1714 : vector<16xf32>
      %mul3A_1722 = arith.mulf %convert_element_type3A_1669, %sub3A_1721 : vector<16xf32>
      %add3A_1723 = arith.addf %add3A_1714, %mul3A_1722 : vector<16xf32>
      %sub3A_1724 = arith.subf %add3A_1723, %add3A_1720 : vector<16xf32>
      %mul3A_1725 = arith.mulf %convert_element_type3A_1673, %sub3A_1724 : vector<16xf32>
      %add3A_1726 = arith.addf %add3A_1720, %mul3A_1725 : vector<16xf32>
      %lt3A_1727 = arith.constant 0 : i32
      %lt3A_1728 = vector.broadcast %lt3A_1727 : i32 to vector<16xi32>
      %lt3A_1729 = arith.cmpi slt, %and3A_1655, %lt3A_1728 : vector<16xi32>
      %add3A_1730 = arith.constant 16 : i32
      %add3A_1731 = vector.broadcast %add3A_1730 : i32 to vector<16xi32>
      %add3A_1732 = arith.addi %and3A_1655, %add3A_1731 : vector<16xi32>
      %select_n3A_1733 = arith.select %lt3A_1729, %add3A_1732, %and3A_1655 : vector<16xi1>, vector<16xi32>
      %broadcast_in_dim3A_1734 = vector.shape_cast %select_n3A_1733 : vector<16xi32> to vector<16x1xi32>
      %gather3A_1735 = vector.shape_cast %broadcast_in_dim3A_1734 : vector<16x1xi32> to vector<16xi32>
      %gather3A_1736 = tpu.dynamic_gather %add3A_1726[%gather3A_1735] in [0] : vector<16xf32>, vector<16xi32> -> vector<16xf32>
      %eq3A_1737 = arith.constant 15 : i32
      %eq3A_1738 = vector.broadcast %eq3A_1737 : i32 to vector<16xi32>
      %eq3A_1739 = arith.cmpi eq, %iota3A, %eq3A_1738 : vector<16xi32>
      %select_n3A_1740 = arith.select %eq3A_1739, %gather3A_1736, %select_n3A_1636 : vector<16xi1>, vector<16xf32>
      %mul3A_1741 = arith.constant 16 : i32
      %mul3A_1742 = arith.muli %scan3A_76, %mul3A_1741 : i32
      %get3A_1743 = arith.index_cast %mul3A_1742 : i32 to index
      %get3A_1744 = tpu.vector_load %arg9[%get3A_1743] {strides = array<i32>} : memref<512xf32, #tpu.memory_space<vmem>>, vector<16xf32>,
      %get3A_1745 = vector.shape_cast %get3A_1744 : vector<16xf32> to vector<16xf32>
      %add3A_1746 = arith.addf %select_n3A_1740, %get3A_1745 : vector<16xf32>
      %mul3A_1747 = arith.constant 16 : i32
      %mul3A_1748 = arith.muli %scan3A_76, %mul3A_1747 : i32
      %swap3A = arith.index_cast %mul3A_1748 : i32 to index
      %swap3A_1749 = tpu.vector_load %arg10[%swap3A] {strides = array<i32>} : memref<512xf32, #tpu.memory_space<vmem>>, vector<16xf32>,
      %swap3A_1750 = vector.shape_cast %swap3A_1749 : vector<16xf32> to vector<16xf32>
      %swap3A_1751 = vector.shape_cast %add3A_1746 : vector<16xf32> to vector<16xf32>
      tpu.vector_store %arg10[%swap3A], %swap3A_1751 {strides = array<i32>} : memref<512xf32, #tpu.memory_space<vmem>>, vector<16xf32>,
    }
    %scan3A_75 = arith.constant 32 : i32
    "tpu.region"() ({
      %run_scoped3A = tpu.sem_alloc : memref<!tpu.dma_semaphore, #tpu.memory_space<semaphore_mem>>
      %dma_start3A_76 = tpu.memref_slice %arg5[%mul3A_2] : memref<16384xf32, #tpu.memory_space<hbm>> -> memref<512xf32, #tpu.memory_space<hbm>>
      %dma_start3A_77 = tpu.memref_slice %arg5[%mul3A_2] : memref<16384xf32, #tpu.memory_space<hbm>> -> memref<512xf32, #tpu.memory_space<hbm>>
      tpu.enqueue_dma source(%arg10 : memref<512xf32, #tpu.memory_space<vmem>>) target(%dma_start3A_77 : memref<512xf32, #tpu.memory_space<hbm>>) target_semaphore(%run_scoped3A : memref<!tpu.dma_semaphore, #tpu.memory_space<semaphore_mem>>)
      %dma_wait3A_78 = tpu.memref_slice %arg5[%mul3A_2] : memref<16384xf32, #tpu.memory_space<hbm>> -> memref<512xf32, #tpu.memory_space<hbm>>
      %dma_wait3A_79 = tpu.memref_slice %arg5[%mul3A_2] : memref<16384xf32, #tpu.memory_space<hbm>> -> memref<512xf32, #tpu.memory_space<hbm>>
      tpu.wait_dma2 semaphore(%run_scoped3A : memref<!tpu.dma_semaphore, #tpu.memory_space<semaphore_mem>>) src(%arg10 : memref<512xf32, #tpu.memory_space<vmem>>) dst(%dma_wait3A_79 : memref<512xf32, #tpu.memory_space<hbm>>)
      tpu.yield
    }) : () -> ()
    return
  }
}

#map = affine_map<(d0, d1) -> (0)>
#map1 = affine_map<(d0, d1) -> (0, 0)>
module attributes {stable_mosaic.version = 14 : i64} {
  func.func @_sc_body(%arg0: i32, %arg1: i32, %arg2: memref<16384xi32, #tpu.memory_space<hbm>>, %arg3: memref<8000x128xf32, #tpu.memory_space<hbm>>, %arg4: memref<16384xf32, #tpu.memory_space<hbm>>, %arg5: memref<16384xf32, #tpu.memory_space<hbm>>, %arg6: memref<512xi32, #tpu.memory_space<vmem>>, %arg7: memref<512xi32, #tpu.memory_space<vmem>>, %arg8: memref<512x128xf32, #tpu.memory_space<vmem>>, %arg9: memref<512xf32, #tpu.memory_space<vmem>>, %arg10: memref<512xf32, #tpu.memory_space<vmem>>, %arg11: memref<!tpu.dma_semaphore, #tpu.memory_space<semaphore_mem>>) attributes {dimension_semantics = [#tpu.dimension_semantics<core_parallel>, #tpu.dimension_semantics<subcore_parallel>], iteration_bounds = array<i64: 2, 16>, scalar_prefetch = 0 : i64, scratch_operands = 6 : i64, tpu.core_type = #tpu.core_type<sc_vector_subcore>, window_params = [{transform_indices = #map}, {transform_indices = #map1}, {transform_indices = #map}, {transform_indices = #map}]} {
    %mul3A = arith.constant 2 : i32
    %mul3A_0 = arith.muli %arg1, %mul3A : i32
    %add3A = arith.addi %mul3A_0, %arg0 : i32
    %mul3A_1 = arith.constant 512 : i32
    %mul3A_2 = arith.muli %add3A, %mul3A_1 : i32
    "tpu.region"() ({
      %run_scoped3A = tpu.sem_alloc : memref<!tpu.dma_semaphore, #tpu.memory_space<semaphore_mem>>
      %dma_start3A_76 = tpu.memref_slice %arg2[%mul3A_2] : memref<16384xi32, #tpu.memory_space<hbm>> -> memref<512xi32, #tpu.memory_space<hbm>>
      %dma_start3A_77 = tpu.memref_slice %arg2[%mul3A_2] : memref<16384xi32, #tpu.memory_space<hbm>> -> memref<512xi32, #tpu.memory_space<hbm>>
      tpu.enqueue_dma source(%dma_start3A_77 : memref<512xi32, #tpu.memory_space<hbm>>) target(%arg6 : memref<512xi32, #tpu.memory_space<vmem>>) target_semaphore(%run_scoped3A : memref<!tpu.dma_semaphore, #tpu.memory_space<semaphore_mem>>)
      %dma_wait3A_78 = tpu.memref_slice %arg2[%mul3A_2] : memref<16384xi32, #tpu.memory_space<hbm>> -> memref<512xi32, #tpu.memory_space<hbm>>
      %dma_wait3A_79 = tpu.memref_slice %arg2[%mul3A_2] : memref<16384xi32, #tpu.memory_space<hbm>> -> memref<512xi32, #tpu.memory_space<hbm>>
      tpu.wait_dma2 semaphore(%run_scoped3A : memref<!tpu.dma_semaphore, #tpu.memory_space<semaphore_mem>>) src(%dma_wait3A_79 : memref<512xi32, #tpu.memory_space<hbm>>) dst(%arg6 : memref<512xi32, #tpu.memory_space<vmem>>)
      tpu.yield
    }) : () -> ()
    "tpu.region"() ({
      %run_scoped3A = tpu.sem_alloc : memref<!tpu.dma_semaphore, #tpu.memory_space<semaphore_mem>>
      %dma_start3A_76 = tpu.memref_slice %arg4[%mul3A_2] : memref<16384xf32, #tpu.memory_space<hbm>> -> memref<512xf32, #tpu.memory_space<hbm>>
      %dma_start3A_77 = tpu.memref_slice %arg4[%mul3A_2] : memref<16384xf32, #tpu.memory_space<hbm>> -> memref<512xf32, #tpu.memory_space<hbm>>
      tpu.enqueue_dma source(%dma_start3A_77 : memref<512xf32, #tpu.memory_space<hbm>>) target(%arg9 : memref<512xf32, #tpu.memory_space<vmem>>) target_semaphore(%run_scoped3A : memref<!tpu.dma_semaphore, #tpu.memory_space<semaphore_mem>>)
      %dma_wait3A_78 = tpu.memref_slice %arg4[%mul3A_2] : memref<16384xf32, #tpu.memory_space<hbm>> -> memref<512xf32, #tpu.memory_space<hbm>>
      %dma_wait3A_79 = tpu.memref_slice %arg4[%mul3A_2] : memref<16384xf32, #tpu.memory_space<hbm>> -> memref<512xf32, #tpu.memory_space<hbm>>
      tpu.wait_dma2 semaphore(%run_scoped3A : memref<!tpu.dma_semaphore, #tpu.memory_space<semaphore_mem>>) src(%dma_wait3A_79 : memref<512xf32, #tpu.memory_space<hbm>>) dst(%arg9 : memref<512xf32, #tpu.memory_space<vmem>>)
      tpu.yield
    }) : () -> ()
    %iota3A = tpu.iota {dimensions = array<i32: 0>} : vector<16xi32>
    %scan3A = arith.constant 0 : i32
    %scan3A_3 = arith.constant 0 : i32
    %scan3A_4 = arith.constant 32 : i32
    %scan3A_5 = arith.addi %scan3A_3, %scan3A_4 : i32
    %scan3A_6 = arith.constant 1 : i32
    scf.for %scan3A_76 = %scan3A_3 to %scan3A_5 step %scan3A_6  : i32 {
      %mul3A_77 = arith.constant 16 : i32
      %mul3A_78 = arith.muli %scan3A_76, %mul3A_77 : i32
      %get3A = arith.index_cast %mul3A_78 : i32 to index
      %get3A_79 = tpu.vector_load %arg6[%get3A] {strides = array<i32>} : memref<512xi32, #tpu.memory_space<vmem>>, vector<16xi32>,
      %get3A_80 = vector.shape_cast %get3A_79 : vector<16xi32> to vector<16xi32>
      %shift_right_logical3A = arith.constant 7 : i32
      %shift_right_logical3A_81 = vector.broadcast %shift_right_logical3A : i32 to vector<16xi32>
      %shift_right_logical3A_82 = arith.shrui %get3A_80, %shift_right_logical3A_81 : vector<16xi32>
      %mul3A_83 = arith.constant 16 : i32
      %mul3A_84 = arith.muli %scan3A_76, %mul3A_83 : i32
      %swap3A = arith.index_cast %mul3A_84 : i32 to index
      %swap3A_85 = tpu.vector_load %arg7[%swap3A] {strides = array<i32>} : memref<512xi32, #tpu.memory_space<vmem>>, vector<16xi32>,
      %swap3A_86 = vector.shape_cast %swap3A_85 : vector<16xi32> to vector<16xi32>
      %swap3A_87 = vector.shape_cast %shift_right_logical3A_82 : vector<16xi32> to vector<16xi32>
      tpu.vector_store %arg7[%swap3A], %swap3A_87 {strides = array<i32>} : memref<512xi32, #tpu.memory_space<vmem>>, vector<16xi32>,
    }
    %scan3A_7 = arith.constant 32 : i32
    %dma_start3A = arith.constant 0 : i32
    %dma_start3A_8 = arith.constant 0 : i32
    %dma_start3A_9 = tpu.memref_slice %arg8[%dma_start3A, %dma_start3A_8] : memref<512x128xf32, #tpu.memory_space<vmem>> -> memref<128x128xf32, #tpu.memory_space<vmem>>
    %dma_start3A_10 = arith.constant 0 : i32
    %dma_start3A_11 = tpu.memref_slice %arg7[%dma_start3A_10] : memref<512xi32, #tpu.memory_space<vmem>> -> memref<128xi32, #tpu.memory_space<vmem>>
    %dma_start3A_12 = arith.constant 0 : i32
    %dma_start3A_13 = arith.constant 0 : i32
    %dma_start3A_14 = tpu.memref_slice %arg3[%dma_start3A_12, %dma_start3A_13] : memref<8000x128xf32, #tpu.memory_space<hbm>> -> memref<8000x128xf32, #tpu.memory_space<hbm>>
    tpu.enqueue_indirect_dma source(%dma_start3A_14 : memref<8000x128xf32, #tpu.memory_space<hbm>>) target(%dma_start3A_9 : memref<128x128xf32, #tpu.memory_space<vmem>>) offsets(%dma_start3A_11 : memref<128xi32, #tpu.memory_space<vmem>>) semaphore(%arg11 : memref<!tpu.dma_semaphore, #tpu.memory_space<semaphore_mem>>)
    %dma_start3A_15 = arith.constant 128 : i32
    %dma_start3A_16 = arith.constant 0 : i32
    %dma_start3A_17 = tpu.memref_slice %arg8[%dma_start3A_15, %dma_start3A_16] : memref<512x128xf32, #tpu.memory_space<vmem>> -> memref<128x128xf32, #tpu.memory_space<vmem>>
    %dma_start3A_18 = arith.constant 128 : i32
    %dma_start3A_19 = tpu.memref_slice %arg7[%dma_start3A_18] : memref<512xi32, #tpu.memory_space<vmem>> -> memref<128xi32, #tpu.memory_space<vmem>>
    %dma_start3A_20 = arith.constant 0 : i32
    %dma_start3A_21 = arith.constant 0 : i32
    %dma_start3A_22 = tpu.memref_slice %arg3[%dma_start3A_20, %dma_start3A_21] : memref<8000x128xf32, #tpu.memory_space<hbm>> -> memref<8000x128xf32, #tpu.memory_space<hbm>>
    tpu.enqueue_indirect_dma source(%dma_start3A_22 : memref<8000x128xf32, #tpu.memory_space<hbm>>) target(%dma_start3A_17 : memref<128x128xf32, #tpu.memory_space<vmem>>) offsets(%dma_start3A_19 : memref<128xi32, #tpu.memory_space<vmem>>) semaphore(%arg11 : memref<!tpu.dma_semaphore, #tpu.memory_space<semaphore_mem>>)
    %dma_start3A_23 = arith.constant 256 : i32
    %dma_start3A_24 = arith.constant 0 : i32
    %dma_start3A_25 = tpu.memref_slice %arg8[%dma_start3A_23, %dma_start3A_24] : memref<512x128xf32, #tpu.memory_space<vmem>> -> memref<128x128xf32, #tpu.memory_space<vmem>>
    %dma_start3A_26 = arith.constant 256 : i32
    %dma_start3A_27 = tpu.memref_slice %arg7[%dma_start3A_26] : memref<512xi32, #tpu.memory_space<vmem>> -> memref<128xi32, #tpu.memory_space<vmem>>
    %dma_start3A_28 = arith.constant 0 : i32
    %dma_start3A_29 = arith.constant 0 : i32
    %dma_start3A_30 = tpu.memref_slice %arg3[%dma_start3A_28, %dma_start3A_29] : memref<8000x128xf32, #tpu.memory_space<hbm>> -> memref<8000x128xf32, #tpu.memory_space<hbm>>
    tpu.enqueue_indirect_dma source(%dma_start3A_30 : memref<8000x128xf32, #tpu.memory_space<hbm>>) target(%dma_start3A_25 : memref<128x128xf32, #tpu.memory_space<vmem>>) offsets(%dma_start3A_27 : memref<128xi32, #tpu.memory_space<vmem>>) semaphore(%arg11 : memref<!tpu.dma_semaphore, #tpu.memory_space<semaphore_mem>>)
    %dma_start3A_31 = arith.constant 384 : i32
    %dma_start3A_32 = arith.constant 0 : i32
    %dma_start3A_33 = tpu.memref_slice %arg8[%dma_start3A_31, %dma_start3A_32] : memref<512x128xf32, #tpu.memory_space<vmem>> -> memref<128x128xf32, #tpu.memory_space<vmem>>
    %dma_start3A_34 = arith.constant 384 : i32
    %dma_start3A_35 = tpu.memref_slice %arg7[%dma_start3A_34] : memref<512xi32, #tpu.memory_space<vmem>> -> memref<128xi32, #tpu.memory_space<vmem>>
    %dma_start3A_36 = arith.constant 0 : i32
    %dma_start3A_37 = arith.constant 0 : i32
    %dma_start3A_38 = tpu.memref_slice %arg3[%dma_start3A_36, %dma_start3A_37] : memref<8000x128xf32, #tpu.memory_space<hbm>> -> memref<8000x128xf32, #tpu.memory_space<hbm>>
    tpu.enqueue_indirect_dma source(%dma_start3A_38 : memref<8000x128xf32, #tpu.memory_space<hbm>>) target(%dma_start3A_33 : memref<128x128xf32, #tpu.memory_space<vmem>>) offsets(%dma_start3A_35 : memref<128xi32, #tpu.memory_space<vmem>>) semaphore(%arg11 : memref<!tpu.dma_semaphore, #tpu.memory_space<semaphore_mem>>)
    %dma_wait3A = arith.constant 0 : i32
    %dma_wait3A_39 = arith.constant 0 : i32
    %dma_wait3A_40 = tpu.memref_slice %arg8[%dma_wait3A, %dma_wait3A_39] : memref<512x128xf32, #tpu.memory_space<vmem>> -> memref<128x128xf32, #tpu.memory_space<vmem>>
    %dma_wait3A_41 = arith.constant 0 : i32
    %dma_wait3A_42 = tpu.memref_slice %arg7[%dma_wait3A_41] : memref<512xi32, #tpu.memory_space<vmem>> -> memref<128xi32, #tpu.memory_space<vmem>>
    %dma_wait3A_43 = arith.constant 0 : i32
    %dma_wait3A_44 = arith.constant 0 : i32
    %dma_wait3A_45 = tpu.memref_slice %arg3[%dma_wait3A_43, %dma_wait3A_44] : memref<8000x128xf32, #tpu.memory_space<hbm>> -> memref<8000x128xf32, #tpu.memory_space<hbm>>
    tpu.wait_indirect_dma semaphore(%arg11 : memref<!tpu.dma_semaphore, #tpu.memory_space<semaphore_mem>>) src(%dma_wait3A_45 : memref<8000x128xf32, #tpu.memory_space<hbm>>) dst(%dma_wait3A_40 : memref<128x128xf32, #tpu.memory_space<vmem>>)
    %dma_wait3A_46 = arith.constant 128 : i32
    %dma_wait3A_47 = arith.constant 0 : i32
    %dma_wait3A_48 = tpu.memref_slice %arg8[%dma_wait3A_46, %dma_wait3A_47] : memref<512x128xf32, #tpu.memory_space<vmem>> -> memref<128x128xf32, #tpu.memory_space<vmem>>
    %dma_wait3A_49 = arith.constant 128 : i32
    %dma_wait3A_50 = tpu.memref_slice %arg7[%dma_wait3A_49] : memref<512xi32, #tpu.memory_space<vmem>> -> memref<128xi32, #tpu.memory_space<vmem>>
    %dma_wait3A_51 = arith.constant 0 : i32
    %dma_wait3A_52 = arith.constant 0 : i32
    %dma_wait3A_53 = tpu.memref_slice %arg3[%dma_wait3A_51, %dma_wait3A_52] : memref<8000x128xf32, #tpu.memory_space<hbm>> -> memref<8000x128xf32, #tpu.memory_space<hbm>>
    tpu.wait_indirect_dma semaphore(%arg11 : memref<!tpu.dma_semaphore, #tpu.memory_space<semaphore_mem>>) src(%dma_wait3A_53 : memref<8000x128xf32, #tpu.memory_space<hbm>>) dst(%dma_wait3A_48 : memref<128x128xf32, #tpu.memory_space<vmem>>)
    %dma_wait3A_54 = arith.constant 256 : i32
    %dma_wait3A_55 = arith.constant 0 : i32
    %dma_wait3A_56 = tpu.memref_slice %arg8[%dma_wait3A_54, %dma_wait3A_55] : memref<512x128xf32, #tpu.memory_space<vmem>> -> memref<128x128xf32, #tpu.memory_space<vmem>>
    %dma_wait3A_57 = arith.constant 256 : i32
    %dma_wait3A_58 = tpu.memref_slice %arg7[%dma_wait3A_57] : memref<512xi32, #tpu.memory_space<vmem>> -> memref<128xi32, #tpu.memory_space<vmem>>
    %dma_wait3A_59 = arith.constant 0 : i32
    %dma_wait3A_60 = arith.constant 0 : i32
    %dma_wait3A_61 = tpu.memref_slice %arg3[%dma_wait3A_59, %dma_wait3A_60] : memref<8000x128xf32, #tpu.memory_space<hbm>> -> memref<8000x128xf32, #tpu.memory_space<hbm>>
    tpu.wait_indirect_dma semaphore(%arg11 : memref<!tpu.dma_semaphore, #tpu.memory_space<semaphore_mem>>) src(%dma_wait3A_61 : memref<8000x128xf32, #tpu.memory_space<hbm>>) dst(%dma_wait3A_56 : memref<128x128xf32, #tpu.memory_space<vmem>>)
    %dma_wait3A_62 = arith.constant 384 : i32
    %dma_wait3A_63 = arith.constant 0 : i32
    %dma_wait3A_64 = tpu.memref_slice %arg8[%dma_wait3A_62, %dma_wait3A_63] : memref<512x128xf32, #tpu.memory_space<vmem>> -> memref<128x128xf32, #tpu.memory_space<vmem>>
    %dma_wait3A_65 = arith.constant 384 : i32
    %dma_wait3A_66 = tpu.memref_slice %arg7[%dma_wait3A_65] : memref<512xi32, #tpu.memory_space<vmem>> -> memref<128xi32, #tpu.memory_space<vmem>>
    %dma_wait3A_67 = arith.constant 0 : i32
    %dma_wait3A_68 = arith.constant 0 : i32
    %dma_wait3A_69 = tpu.memref_slice %arg3[%dma_wait3A_67, %dma_wait3A_68] : memref<8000x128xf32, #tpu.memory_space<hbm>> -> memref<8000x128xf32, #tpu.memory_space<hbm>>
    tpu.wait_indirect_dma semaphore(%arg11 : memref<!tpu.dma_semaphore, #tpu.memory_space<semaphore_mem>>) src(%dma_wait3A_69 : memref<8000x128xf32, #tpu.memory_space<hbm>>) dst(%dma_wait3A_64 : memref<128x128xf32, #tpu.memory_space<vmem>>)
    %scan3A_70 = arith.constant 0 : i32
    %scan3A_71 = arith.constant 0 : i32
    %scan3A_72 = arith.constant 32 : i32
    %scan3A_73 = arith.addi %scan3A_71, %scan3A_72 : i32
    %scan3A_74 = arith.constant 1 : i32
    scf.for %scan3A_76 = %scan3A_71 to %scan3A_73 step %scan3A_74  : i32 {
      %mul3A_77 = arith.constant 16 : i32
      %mul3A_78 = arith.muli %scan3A_76, %mul3A_77 : i32
      %get3A = arith.index_cast %mul3A_78 : i32 to index
      %get3A_79 = tpu.vector_load %arg6[%get3A] {strides = array<i32>} : memref<512xi32, #tpu.memory_space<vmem>>, vector<16xi32>,
      %get3A_80 = vector.shape_cast %get3A_79 : vector<16xi32> to vector<16xi32>
      %and3A = arith.constant 127 : i32
      %and3A_81 = vector.broadcast %and3A : i32 to vector<16xi32>
      %and3A_82 = arith.andi %get3A_80, %and3A_81 : vector<16xi32>
      %broadcast_in_dim3A = arith.constant 0.000000e+00 : f32
      %broadcast_in_dim3A_83 = vector.broadcast %broadcast_in_dim3A : f32 to vector<16xf32>
      %mul3A_84 = arith.constant 16 : i32
      %mul3A_85 = arith.muli %scan3A_76, %mul3A_84 : i32
      %add3A_86 = arith.constant 0 : i32
      %add3A_87 = arith.addi %mul3A_85, %add3A_86 : i32
      %broadcast_in_dim3A_88 = arith.constant 0 : i32
      %broadcast_in_dim3A_89 = vector.broadcast %broadcast_in_dim3A_88 : i32 to vector<16xi32>
      %lt3A = arith.constant 0 : i32
      %lt3A_90 = vector.broadcast %lt3A : i32 to vector<16xi32>
      %lt3A_91 = arith.cmpi slt, %broadcast_in_dim3A_89, %lt3A_90 : vector<16xi32>
      %add3A_92 = arith.constant 16 : i32
      %add3A_93 = vector.broadcast %add3A_92 : i32 to vector<16xi32>
      %add3A_94 = arith.addi %broadcast_in_dim3A_89, %add3A_93 : vector<16xi32>
      %select_n3A = arith.select %lt3A_91, %add3A_94, %broadcast_in_dim3A_89 : vector<16xi1>, vector<16xi32>
      %broadcast_in_dim3A_95 = vector.shape_cast %select_n3A : vector<16xi32> to vector<16x1xi32>
      %gather3A = vector.shape_cast %broadcast_in_dim3A_95 : vector<16x1xi32> to vector<16xi32>
      %gather3A_96 = tpu.dynamic_gather %and3A_82[%gather3A] in [0] : vector<16xi32>, vector<16xi32> -> vector<16xi32>
      %and3A_97 = arith.constant 15 : i32
      %and3A_98 = vector.broadcast %and3A_97 : i32 to vector<16xi32>
      %and3A_99 = arith.andi %gather3A_96, %and3A_98 : vector<16xi32>
      %shift_right_logical3A = arith.constant 4 : i32
      %shift_right_logical3A_100 = vector.broadcast %shift_right_logical3A : i32 to vector<16xi32>
      %shift_right_logical3A_101 = arith.shrui %gather3A_96, %shift_right_logical3A_100 : vector<16xi32>
      %and3A_102 = arith.constant 1 : i32
      %and3A_103 = vector.broadcast %and3A_102 : i32 to vector<16xi32>
      %and3A_104 = arith.andi %shift_right_logical3A_101, %and3A_103 : vector<16xi32>
      %convert_element_type3A = arith.sitofp %and3A_104 : vector<16xi32> to vector<16xf32>
      %shift_right_logical3A_105 = arith.constant 5 : i32
      %shift_right_logical3A_106 = vector.broadcast %shift_right_logical3A_105 : i32 to vector<16xi32>
      %shift_right_logical3A_107 = arith.shrui %gather3A_96, %shift_right_logical3A_106 : vector<16xi32>
      %and3A_108 = arith.constant 1 : i32
      %and3A_109 = vector.broadcast %and3A_108 : i32 to vector<16xi32>
      %and3A_110 = arith.andi %shift_right_logical3A_107, %and3A_109 : vector<16xi32>
      %convert_element_type3A_111 = arith.sitofp %and3A_110 : vector<16xi32> to vector<16xf32>
      %shift_right_logical3A_112 = arith.constant 6 : i32
      %shift_right_logical3A_113 = vector.broadcast %shift_right_logical3A_112 : i32 to vector<16xi32>
      %shift_right_logical3A_114 = arith.shrui %gather3A_96, %shift_right_logical3A_113 : vector<16xi32>
      %convert_element_type3A_115 = arith.sitofp %shift_right_logical3A_114 : vector<16xi32> to vector<16xf32>
      %get3A_116 = arith.index_cast %add3A_87 : i32 to index
      %get3A_117 = arith.constant 0 : index
      %get3A_118 = tpu.vector_load %arg8[%get3A_116, %get3A_117] {strides = array<i32>} : memref<512x128xf32, #tpu.memory_space<vmem>>, vector<1x16xf32>,
      %get3A_119 = vector.shape_cast %get3A_118 : vector<1x16xf32> to vector<16xf32>
      %get3A_120 = arith.index_cast %add3A_87 : i32 to index
      %get3A_121 = arith.constant 16 : index
      %get3A_122 = tpu.vector_load %arg8[%get3A_120, %get3A_121] {strides = array<i32>} : memref<512x128xf32, #tpu.memory_space<vmem>>, vector<1x16xf32>,
      %get3A_123 = vector.shape_cast %get3A_122 : vector<1x16xf32> to vector<16xf32>
      %get3A_124 = arith.index_cast %add3A_87 : i32 to index
      %get3A_125 = arith.constant 32 : index
      %get3A_126 = tpu.vector_load %arg8[%get3A_124, %get3A_125] {strides = array<i32>} : memref<512x128xf32, #tpu.memory_space<vmem>>, vector<1x16xf32>,
      %get3A_127 = vector.shape_cast %get3A_126 : vector<1x16xf32> to vector<16xf32>
      %get3A_128 = arith.index_cast %add3A_87 : i32 to index
      %get3A_129 = arith.constant 48 : index
      %get3A_130 = tpu.vector_load %arg8[%get3A_128, %get3A_129] {strides = array<i32>} : memref<512x128xf32, #tpu.memory_space<vmem>>, vector<1x16xf32>,
      %get3A_131 = vector.shape_cast %get3A_130 : vector<1x16xf32> to vector<16xf32>
      %get3A_132 = arith.index_cast %add3A_87 : i32 to index
      %get3A_133 = arith.constant 64 : index
      %get3A_134 = tpu.vector_load %arg8[%get3A_132, %get3A_133] {strides = array<i32>} : memref<512x128xf32, #tpu.memory_space<vmem>>, vector<1x16xf32>,
      %get3A_135 = vector.shape_cast %get3A_134 : vector<1x16xf32> to vector<16xf32>
      %get3A_136 = arith.index_cast %add3A_87 : i32 to index
      %get3A_137 = arith.constant 80 : index
      %get3A_138 = tpu.vector_load %arg8[%get3A_136, %get3A_137] {strides = array<i32>} : memref<512x128xf32, #tpu.memory_space<vmem>>, vector<1x16xf32>,
      %get3A_139 = vector.shape_cast %get3A_138 : vector<1x16xf32> to vector<16xf32>
      %get3A_140 = arith.index_cast %add3A_87 : i32 to index
      %get3A_141 = arith.constant 96 : index
      %get3A_142 = tpu.vector_load %arg8[%get3A_140, %get3A_141] {strides = array<i32>} : memref<512x128xf32, #tpu.memory_space<vmem>>, vector<1x16xf32>,
      %get3A_143 = vector.shape_cast %get3A_142 : vector<1x16xf32> to vector<16xf32>
      %get3A_144 = arith.index_cast %add3A_87 : i32 to index
      %get3A_145 = arith.constant 112 : index
      %get3A_146 = tpu.vector_load %arg8[%get3A_144, %get3A_145] {strides = array<i32>} : memref<512x128xf32, #tpu.memory_space<vmem>>, vector<1x16xf32>,
      %get3A_147 = vector.shape_cast %get3A_146 : vector<1x16xf32> to vector<16xf32>
      %sub3A = arith.subf %get3A_123, %get3A_119 : vector<16xf32>
      %mul3A_148 = arith.mulf %convert_element_type3A, %sub3A : vector<16xf32>
      %add3A_149 = arith.addf %get3A_119, %mul3A_148 : vector<16xf32>
      %sub3A_150 = arith.subf %get3A_131, %get3A_127 : vector<16xf32>
      %mul3A_151 = arith.mulf %convert_element_type3A, %sub3A_150 : vector<16xf32>
      %add3A_152 = arith.addf %get3A_127, %mul3A_151 : vector<16xf32>
      %sub3A_153 = arith.subf %get3A_139, %get3A_135 : vector<16xf32>
      %mul3A_154 = arith.mulf %convert_element_type3A, %sub3A_153 : vector<16xf32>
      %add3A_155 = arith.addf %get3A_135, %mul3A_154 : vector<16xf32>
      %sub3A_156 = arith.subf %get3A_147, %get3A_143 : vector<16xf32>
      %mul3A_157 = arith.mulf %convert_element_type3A, %sub3A_156 : vector<16xf32>
      %add3A_158 = arith.addf %get3A_143, %mul3A_157 : vector<16xf32>
      %sub3A_159 = arith.subf %add3A_152, %add3A_149 : vector<16xf32>
      %mul3A_160 = arith.mulf %convert_element_type3A_111, %sub3A_159 : vector<16xf32>
      %add3A_161 = arith.addf %add3A_149, %mul3A_160 : vector<16xf32>
      %sub3A_162 = arith.subf %add3A_158, %add3A_155 : vector<16xf32>
      %mul3A_163 = arith.mulf %convert_element_type3A_111, %sub3A_162 : vector<16xf32>
      %add3A_164 = arith.addf %add3A_155, %mul3A_163 : vector<16xf32>
      %sub3A_165 = arith.subf %add3A_164, %add3A_161 : vector<16xf32>
      %mul3A_166 = arith.mulf %convert_element_type3A_115, %sub3A_165 : vector<16xf32>
      %add3A_167 = arith.addf %add3A_161, %mul3A_166 : vector<16xf32>
      %lt3A_168 = arith.constant 0 : i32
      %lt3A_169 = vector.broadcast %lt3A_168 : i32 to vector<16xi32>
      %lt3A_170 = arith.cmpi slt, %and3A_99, %lt3A_169 : vector<16xi32>
      %add3A_171 = arith.constant 16 : i32
      %add3A_172 = vector.broadcast %add3A_171 : i32 to vector<16xi32>
      %add3A_173 = arith.addi %and3A_99, %add3A_172 : vector<16xi32>
      %select_n3A_174 = arith.select %lt3A_170, %add3A_173, %and3A_99 : vector<16xi1>, vector<16xi32>
      %broadcast_in_dim3A_175 = vector.shape_cast %select_n3A_174 : vector<16xi32> to vector<16x1xi32>
      %gather3A_176 = vector.shape_cast %broadcast_in_dim3A_175 : vector<16x1xi32> to vector<16xi32>
      %gather3A_177 = tpu.dynamic_gather %add3A_167[%gather3A_176] in [0] : vector<16xf32>, vector<16xi32> -> vector<16xf32>
      %eq3A = arith.constant 0 : i32
      %eq3A_178 = vector.broadcast %eq3A : i32 to vector<16xi32>
      %eq3A_179 = arith.cmpi eq, %iota3A, %eq3A_178 : vector<16xi32>
      %select_n3A_180 = arith.select %eq3A_179, %gather3A_177, %broadcast_in_dim3A_83 : vector<16xi1>, vector<16xf32>
      %mul3A_181 = arith.constant 16 : i32
      %mul3A_182 = arith.muli %scan3A_76, %mul3A_181 : i32
      %add3A_183 = arith.constant 1 : i32
      %add3A_184 = arith.addi %mul3A_182, %add3A_183 : i32
      %broadcast_in_dim3A_185 = arith.constant 1 : i32
      %broadcast_in_dim3A_186 = vector.broadcast %broadcast_in_dim3A_185 : i32 to vector<16xi32>
      %lt3A_187 = arith.constant 0 : i32
      %lt3A_188 = vector.broadcast %lt3A_187 : i32 to vector<16xi32>
      %lt3A_189 = arith.cmpi slt, %broadcast_in_dim3A_186, %lt3A_188 : vector<16xi32>
      %add3A_190 = arith.constant 16 : i32
      %add3A_191 = vector.broadcast %add3A_190 : i32 to vector<16xi32>
      %add3A_192 = arith.addi %broadcast_in_dim3A_186, %add3A_191 : vector<16xi32>
      %select_n3A_193 = arith.select %lt3A_189, %add3A_192, %broadcast_in_dim3A_186 : vector<16xi1>, vector<16xi32>
      %broadcast_in_dim3A_194 = vector.shape_cast %select_n3A_193 : vector<16xi32> to vector<16x1xi32>
      %gather3A_195 = vector.shape_cast %broadcast_in_dim3A_194 : vector<16x1xi32> to vector<16xi32>
      %gather3A_196 = tpu.dynamic_gather %and3A_82[%gather3A_195] in [0] : vector<16xi32>, vector<16xi32> -> vector<16xi32>
      %and3A_197 = arith.constant 15 : i32
      %and3A_198 = vector.broadcast %and3A_197 : i32 to vector<16xi32>
      %and3A_199 = arith.andi %gather3A_196, %and3A_198 : vector<16xi32>
      %shift_right_logical3A_200 = arith.constant 4 : i32
      %shift_right_logical3A_201 = vector.broadcast %shift_right_logical3A_200 : i32 to vector<16xi32>
      %shift_right_logical3A_202 = arith.shrui %gather3A_196, %shift_right_logical3A_201 : vector<16xi32>
      %and3A_203 = arith.constant 1 : i32
      %and3A_204 = vector.broadcast %and3A_203 : i32 to vector<16xi32>
      %and3A_205 = arith.andi %shift_right_logical3A_202, %and3A_204 : vector<16xi32>
      %convert_element_type3A_206 = arith.sitofp %and3A_205 : vector<16xi32> to vector<16xf32>
      %shift_right_logical3A_207 = arith.constant 5 : i32
      %shift_right_logical3A_208 = vector.broadcast %shift_right_logical3A_207 : i32 to vector<16xi32>
      %shift_right_logical3A_209 = arith.shrui %gather3A_196, %shift_right_logical3A_208 : vector<16xi32>
      %and3A_210 = arith.constant 1 : i32
      %and3A_211 = vector.broadcast %and3A_210 : i32 to vector<16xi32>
      %and3A_212 = arith.andi %shift_right_logical3A_209, %and3A_211 : vector<16xi32>
      %convert_element_type3A_213 = arith.sitofp %and3A_212 : vector<16xi32> to vector<16xf32>
      %shift_right_logical3A_214 = arith.constant 6 : i32
      %shift_right_logical3A_215 = vector.broadcast %shift_right_logical3A_214 : i32 to vector<16xi32>
      %shift_right_logical3A_216 = arith.shrui %gather3A_196, %shift_right_logical3A_215 : vector<16xi32>
      %convert_element_type3A_217 = arith.sitofp %shift_right_logical3A_216 : vector<16xi32> to vector<16xf32>
      %get3A_218 = arith.index_cast %add3A_184 : i32 to index
      %get3A_219 = arith.constant 0 : index
      %get3A_220 = tpu.vector_load %arg8[%get3A_218, %get3A_219] {strides = array<i32>} : memref<512x128xf32, #tpu.memory_space<vmem>>, vector<1x16xf32>,
      %get3A_221 = vector.shape_cast %get3A_220 : vector<1x16xf32> to vector<16xf32>
      %get3A_222 = arith.index_cast %add3A_184 : i32 to index
      %get3A_223 = arith.constant 16 : index
      %get3A_224 = tpu.vector_load %arg8[%get3A_222, %get3A_223] {strides = array<i32>} : memref<512x128xf32, #tpu.memory_space<vmem>>, vector<1x16xf32>,
      %get3A_225 = vector.shape_cast %get3A_224 : vector<1x16xf32> to vector<16xf32>
      %get3A_226 = arith.index_cast %add3A_184 : i32 to index
      %get3A_227 = arith.constant 32 : index
      %get3A_228 = tpu.vector_load %arg8[%get3A_226, %get3A_227] {strides = array<i32>} : memref<512x128xf32, #tpu.memory_space<vmem>>, vector<1x16xf32>,
      %get3A_229 = vector.shape_cast %get3A_228 : vector<1x16xf32> to vector<16xf32>
      %get3A_230 = arith.index_cast %add3A_184 : i32 to index
      %get3A_231 = arith.constant 48 : index
      %get3A_232 = tpu.vector_load %arg8[%get3A_230, %get3A_231] {strides = array<i32>} : memref<512x128xf32, #tpu.memory_space<vmem>>, vector<1x16xf32>,
      %get3A_233 = vector.shape_cast %get3A_232 : vector<1x16xf32> to vector<16xf32>
      %get3A_234 = arith.index_cast %add3A_184 : i32 to index
      %get3A_235 = arith.constant 64 : index
      %get3A_236 = tpu.vector_load %arg8[%get3A_234, %get3A_235] {strides = array<i32>} : memref<512x128xf32, #tpu.memory_space<vmem>>, vector<1x16xf32>,
      %get3A_237 = vector.shape_cast %get3A_236 : vector<1x16xf32> to vector<16xf32>
      %get3A_238 = arith.index_cast %add3A_184 : i32 to index
      %get3A_239 = arith.constant 80 : index
      %get3A_240 = tpu.vector_load %arg8[%get3A_238, %get3A_239] {strides = array<i32>} : memref<512x128xf32, #tpu.memory_space<vmem>>, vector<1x16xf32>,
      %get3A_241 = vector.shape_cast %get3A_240 : vector<1x16xf32> to vector<16xf32>
      %get3A_242 = arith.index_cast %add3A_184 : i32 to index
      %get3A_243 = arith.constant 96 : index
      %get3A_244 = tpu.vector_load %arg8[%get3A_242, %get3A_243] {strides = array<i32>} : memref<512x128xf32, #tpu.memory_space<vmem>>, vector<1x16xf32>,
      %get3A_245 = vector.shape_cast %get3A_244 : vector<1x16xf32> to vector<16xf32>
      %get3A_246 = arith.index_cast %add3A_184 : i32 to index
      %get3A_247 = arith.constant 112 : index
      %get3A_248 = tpu.vector_load %arg8[%get3A_246, %get3A_247] {strides = array<i32>} : memref<512x128xf32, #tpu.memory_space<vmem>>, vector<1x16xf32>,
      %get3A_249 = vector.shape_cast %get3A_248 : vector<1x16xf32> to vector<16xf32>
      %sub3A_250 = arith.subf %get3A_225, %get3A_221 : vector<16xf32>
      %mul3A_251 = arith.mulf %convert_element_type3A_206, %sub3A_250 : vector<16xf32>
      %add3A_252 = arith.addf %get3A_221, %mul3A_251 : vector<16xf32>
      %sub3A_253 = arith.subf %get3A_233, %get3A_229 : vector<16xf32>
      %mul3A_254 = arith.mulf %convert_element_type3A_206, %sub3A_253 : vector<16xf32>
      %add3A_255 = arith.addf %get3A_229, %mul3A_254 : vector<16xf32>
      %sub3A_256 = arith.subf %get3A_241, %get3A_237 : vector<16xf32>
      %mul3A_257 = arith.mulf %convert_element_type3A_206, %sub3A_256 : vector<16xf32>
      %add3A_258 = arith.addf %get3A_237, %mul3A_257 : vector<16xf32>
      %sub3A_259 = arith.subf %get3A_249, %get3A_245 : vector<16xf32>
      %mul3A_260 = arith.mulf %convert_element_type3A_206, %sub3A_259 : vector<16xf32>
      %add3A_261 = arith.addf %get3A_245, %mul3A_260 : vector<16xf32>
      %sub3A_262 = arith.subf %add3A_255, %add3A_252 : vector<16xf32>
      %mul3A_263 = arith.mulf %convert_element_type3A_213, %sub3A_262 : vector<16xf32>
      %add3A_264 = arith.addf %add3A_252, %mul3A_263 : vector<16xf32>
      %sub3A_265 = arith.subf %add3A_261, %add3A_258 : vector<16xf32>
      %mul3A_266 = arith.mulf %convert_element_type3A_213, %sub3A_265 : vector<16xf32>
      %add3A_267 = arith.addf %add3A_258, %mul3A_266 : vector<16xf32>
      %sub3A_268 = arith.subf %add3A_267, %add3A_264 : vector<16xf32>
      %mul3A_269 = arith.mulf %convert_element_type3A_217, %sub3A_268 : vector<16xf32>
      %add3A_270 = arith.addf %add3A_264, %mul3A_269 : vector<16xf32>
      %lt3A_271 = arith.constant 0 : i32
      %lt3A_272 = vector.broadcast %lt3A_271 : i32 to vector<16xi32>
      %lt3A_273 = arith.cmpi slt, %and3A_199, %lt3A_272 : vector<16xi32>
      %add3A_274 = arith.constant 16 : i32
      %add3A_275 = vector.broadcast %add3A_274 : i32 to vector<16xi32>
      %add3A_276 = arith.addi %and3A_199, %add3A_275 : vector<16xi32>
      %select_n3A_277 = arith.select %lt3A_273, %add3A_276, %and3A_199 : vector<16xi1>, vector<16xi32>
      %broadcast_in_dim3A_278 = vector.shape_cast %select_n3A_277 : vector<16xi32> to vector<16x1xi32>
      %gather3A_279 = vector.shape_cast %broadcast_in_dim3A_278 : vector<16x1xi32> to vector<16xi32>
      %gather3A_280 = tpu.dynamic_gather %add3A_270[%gather3A_279] in [0] : vector<16xf32>, vector<16xi32> -> vector<16xf32>
      %eq3A_281 = arith.constant 1 : i32
      %eq3A_282 = vector.broadcast %eq3A_281 : i32 to vector<16xi32>
      %eq3A_283 = arith.cmpi eq, %iota3A, %eq3A_282 : vector<16xi32>
      %select_n3A_284 = arith.select %eq3A_283, %gather3A_280, %select_n3A_180 : vector<16xi1>, vector<16xf32>
      %mul3A_285 = arith.constant 16 : i32
      %mul3A_286 = arith.muli %scan3A_76, %mul3A_285 : i32
      %add3A_287 = arith.constant 2 : i32
      %add3A_288 = arith.addi %mul3A_286, %add3A_287 : i32
      %broadcast_in_dim3A_289 = arith.constant 2 : i32
      %broadcast_in_dim3A_290 = vector.broadcast %broadcast_in_dim3A_289 : i32 to vector<16xi32>
      %lt3A_291 = arith.constant 0 : i32
      %lt3A_292 = vector.broadcast %lt3A_291 : i32 to vector<16xi32>
      %lt3A_293 = arith.cmpi slt, %broadcast_in_dim3A_290, %lt3A_292 : vector<16xi32>
      %add3A_294 = arith.constant 16 : i32
      %add3A_295 = vector.broadcast %add3A_294 : i32 to vector<16xi32>
      %add3A_296 = arith.addi %broadcast_in_dim3A_290, %add3A_295 : vector<16xi32>
      %select_n3A_297 = arith.select %lt3A_293, %add3A_296, %broadcast_in_dim3A_290 : vector<16xi1>, vector<16xi32>
      %broadcast_in_dim3A_298 = vector.shape_cast %select_n3A_297 : vector<16xi32> to vector<16x1xi32>
      %gather3A_299 = vector.shape_cast %broadcast_in_dim3A_298 : vector<16x1xi32> to vector<16xi32>
      %gather3A_300 = tpu.dynamic_gather %and3A_82[%gather3A_299] in [0] : vector<16xi32>, vector<16xi32> -> vector<16xi32>
      %and3A_301 = arith.constant 15 : i32
      %and3A_302 = vector.broadcast %and3A_301 : i32 to vector<16xi32>
      %and3A_303 = arith.andi %gather3A_300, %and3A_302 : vector<16xi32>
      %shift_right_logical3A_304 = arith.constant 4 : i32
      %shift_right_logical3A_305 = vector.broadcast %shift_right_logical3A_304 : i32 to vector<16xi32>
      %shift_right_logical3A_306 = arith.shrui %gather3A_300, %shift_right_logical3A_305 : vector<16xi32>
      %and3A_307 = arith.constant 1 : i32
      %and3A_308 = vector.broadcast %and3A_307 : i32 to vector<16xi32>
      %and3A_309 = arith.andi %shift_right_logical3A_306, %and3A_308 : vector<16xi32>
      %convert_element_type3A_310 = arith.sitofp %and3A_309 : vector<16xi32> to vector<16xf32>
      %shift_right_logical3A_311 = arith.constant 5 : i32
      %shift_right_logical3A_312 = vector.broadcast %shift_right_logical3A_311 : i32 to vector<16xi32>
      %shift_right_logical3A_313 = arith.shrui %gather3A_300, %shift_right_logical3A_312 : vector<16xi32>
      %and3A_314 = arith.constant 1 : i32
      %and3A_315 = vector.broadcast %and3A_314 : i32 to vector<16xi32>
      %and3A_316 = arith.andi %shift_right_logical3A_313, %and3A_315 : vector<16xi32>
      %convert_element_type3A_317 = arith.sitofp %and3A_316 : vector<16xi32> to vector<16xf32>
      %shift_right_logical3A_318 = arith.constant 6 : i32
      %shift_right_logical3A_319 = vector.broadcast %shift_right_logical3A_318 : i32 to vector<16xi32>
      %shift_right_logical3A_320 = arith.shrui %gather3A_300, %shift_right_logical3A_319 : vector<16xi32>
      %convert_element_type3A_321 = arith.sitofp %shift_right_logical3A_320 : vector<16xi32> to vector<16xf32>
      %get3A_322 = arith.index_cast %add3A_288 : i32 to index
      %get3A_323 = arith.constant 0 : index
      %get3A_324 = tpu.vector_load %arg8[%get3A_322, %get3A_323] {strides = array<i32>} : memref<512x128xf32, #tpu.memory_space<vmem>>, vector<1x16xf32>,
      %get3A_325 = vector.shape_cast %get3A_324 : vector<1x16xf32> to vector<16xf32>
      %get3A_326 = arith.index_cast %add3A_288 : i32 to index
      %get3A_327 = arith.constant 16 : index
      %get3A_328 = tpu.vector_load %arg8[%get3A_326, %get3A_327] {strides = array<i32>} : memref<512x128xf32, #tpu.memory_space<vmem>>, vector<1x16xf32>,
      %get3A_329 = vector.shape_cast %get3A_328 : vector<1x16xf32> to vector<16xf32>
      %get3A_330 = arith.index_cast %add3A_288 : i32 to index
      %get3A_331 = arith.constant 32 : index
      %get3A_332 = tpu.vector_load %arg8[%get3A_330, %get3A_331] {strides = array<i32>} : memref<512x128xf32, #tpu.memory_space<vmem>>, vector<1x16xf32>,
      %get3A_333 = vector.shape_cast %get3A_332 : vector<1x16xf32> to vector<16xf32>
      %get3A_334 = arith.index_cast %add3A_288 : i32 to index
      %get3A_335 = arith.constant 48 : index
      %get3A_336 = tpu.vector_load %arg8[%get3A_334, %get3A_335] {strides = array<i32>} : memref<512x128xf32, #tpu.memory_space<vmem>>, vector<1x16xf32>,
      %get3A_337 = vector.shape_cast %get3A_336 : vector<1x16xf32> to vector<16xf32>
      %get3A_338 = arith.index_cast %add3A_288 : i32 to index
      %get3A_339 = arith.constant 64 : index
      %get3A_340 = tpu.vector_load %arg8[%get3A_338, %get3A_339] {strides = array<i32>} : memref<512x128xf32, #tpu.memory_space<vmem>>, vector<1x16xf32>,
      %get3A_341 = vector.shape_cast %get3A_340 : vector<1x16xf32> to vector<16xf32>
      %get3A_342 = arith.index_cast %add3A_288 : i32 to index
      %get3A_343 = arith.constant 80 : index
      %get3A_344 = tpu.vector_load %arg8[%get3A_342, %get3A_343] {strides = array<i32>} : memref<512x128xf32, #tpu.memory_space<vmem>>, vector<1x16xf32>,
      %get3A_345 = vector.shape_cast %get3A_344 : vector<1x16xf32> to vector<16xf32>
      %get3A_346 = arith.index_cast %add3A_288 : i32 to index
      %get3A_347 = arith.constant 96 : index
      %get3A_348 = tpu.vector_load %arg8[%get3A_346, %get3A_347] {strides = array<i32>} : memref<512x128xf32, #tpu.memory_space<vmem>>, vector<1x16xf32>,
      %get3A_349 = vector.shape_cast %get3A_348 : vector<1x16xf32> to vector<16xf32>
      %get3A_350 = arith.index_cast %add3A_288 : i32 to index
      %get3A_351 = arith.constant 112 : index
      %get3A_352 = tpu.vector_load %arg8[%get3A_350, %get3A_351] {strides = array<i32>} : memref<512x128xf32, #tpu.memory_space<vmem>>, vector<1x16xf32>,
      %get3A_353 = vector.shape_cast %get3A_352 : vector<1x16xf32> to vector<16xf32>
      %sub3A_354 = arith.subf %get3A_329, %get3A_325 : vector<16xf32>
      %mul3A_355 = arith.mulf %convert_element_type3A_310, %sub3A_354 : vector<16xf32>
      %add3A_356 = arith.addf %get3A_325, %mul3A_355 : vector<16xf32>
      %sub3A_357 = arith.subf %get3A_337, %get3A_333 : vector<16xf32>
      %mul3A_358 = arith.mulf %convert_element_type3A_310, %sub3A_357 : vector<16xf32>
      %add3A_359 = arith.addf %get3A_333, %mul3A_358 : vector<16xf32>
      %sub3A_360 = arith.subf %get3A_345, %get3A_341 : vector<16xf32>
      %mul3A_361 = arith.mulf %convert_element_type3A_310, %sub3A_360 : vector<16xf32>
      %add3A_362 = arith.addf %get3A_341, %mul3A_361 : vector<16xf32>
      %sub3A_363 = arith.subf %get3A_353, %get3A_349 : vector<16xf32>
      %mul3A_364 = arith.mulf %convert_element_type3A_310, %sub3A_363 : vector<16xf32>
      %add3A_365 = arith.addf %get3A_349, %mul3A_364 : vector<16xf32>
      %sub3A_366 = arith.subf %add3A_359, %add3A_356 : vector<16xf32>
      %mul3A_367 = arith.mulf %convert_element_type3A_317, %sub3A_366 : vector<16xf32>
      %add3A_368 = arith.addf %add3A_356, %mul3A_367 : vector<16xf32>
      %sub3A_369 = arith.subf %add3A_365, %add3A_362 : vector<16xf32>
      %mul3A_370 = arith.mulf %convert_element_type3A_317, %sub3A_369 : vector<16xf32>
      %add3A_371 = arith.addf %add3A_362, %mul3A_370 : vector<16xf32>
      %sub3A_372 = arith.subf %add3A_371, %add3A_368 : vector<16xf32>
      %mul3A_373 = arith.mulf %convert_element_type3A_321, %sub3A_372 : vector<16xf32>
      %add3A_374 = arith.addf %add3A_368, %mul3A_373 : vector<16xf32>
      %lt3A_375 = arith.constant 0 : i32
      %lt3A_376 = vector.broadcast %lt3A_375 : i32 to vector<16xi32>
      %lt3A_377 = arith.cmpi slt, %and3A_303, %lt3A_376 : vector<16xi32>
      %add3A_378 = arith.constant 16 : i32
      %add3A_379 = vector.broadcast %add3A_378 : i32 to vector<16xi32>
      %add3A_380 = arith.addi %and3A_303, %add3A_379 : vector<16xi32>
      %select_n3A_381 = arith.select %lt3A_377, %add3A_380, %and3A_303 : vector<16xi1>, vector<16xi32>
      %broadcast_in_dim3A_382 = vector.shape_cast %select_n3A_381 : vector<16xi32> to vector<16x1xi32>
      %gather3A_383 = vector.shape_cast %broadcast_in_dim3A_382 : vector<16x1xi32> to vector<16xi32>
      %gather3A_384 = tpu.dynamic_gather %add3A_374[%gather3A_383] in [0] : vector<16xf32>, vector<16xi32> -> vector<16xf32>
      %eq3A_385 = arith.constant 2 : i32
      %eq3A_386 = vector.broadcast %eq3A_385 : i32 to vector<16xi32>
      %eq3A_387 = arith.cmpi eq, %iota3A, %eq3A_386 : vector<16xi32>
      %select_n3A_388 = arith.select %eq3A_387, %gather3A_384, %select_n3A_284 : vector<16xi1>, vector<16xf32>
      %mul3A_389 = arith.constant 16 : i32
      %mul3A_390 = arith.muli %scan3A_76, %mul3A_389 : i32
      %add3A_391 = arith.constant 3 : i32
      %add3A_392 = arith.addi %mul3A_390, %add3A_391 : i32
      %broadcast_in_dim3A_393 = arith.constant 3 : i32
      %broadcast_in_dim3A_394 = vector.broadcast %broadcast_in_dim3A_393 : i32 to vector<16xi32>
      %lt3A_395 = arith.constant 0 : i32
      %lt3A_396 = vector.broadcast %lt3A_395 : i32 to vector<16xi32>
      %lt3A_397 = arith.cmpi slt, %broadcast_in_dim3A_394, %lt3A_396 : vector<16xi32>
      %add3A_398 = arith.constant 16 : i32
      %add3A_399 = vector.broadcast %add3A_398 : i32 to vector<16xi32>
      %add3A_400 = arith.addi %broadcast_in_dim3A_394, %add3A_399 : vector<16xi32>
      %select_n3A_401 = arith.select %lt3A_397, %add3A_400, %broadcast_in_dim3A_394 : vector<16xi1>, vector<16xi32>
      %broadcast_in_dim3A_402 = vector.shape_cast %select_n3A_401 : vector<16xi32> to vector<16x1xi32>
      %gather3A_403 = vector.shape_cast %broadcast_in_dim3A_402 : vector<16x1xi32> to vector<16xi32>
      %gather3A_404 = tpu.dynamic_gather %and3A_82[%gather3A_403] in [0] : vector<16xi32>, vector<16xi32> -> vector<16xi32>
      %and3A_405 = arith.constant 15 : i32
      %and3A_406 = vector.broadcast %and3A_405 : i32 to vector<16xi32>
      %and3A_407 = arith.andi %gather3A_404, %and3A_406 : vector<16xi32>
      %shift_right_logical3A_408 = arith.constant 4 : i32
      %shift_right_logical3A_409 = vector.broadcast %shift_right_logical3A_408 : i32 to vector<16xi32>
      %shift_right_logical3A_410 = arith.shrui %gather3A_404, %shift_right_logical3A_409 : vector<16xi32>
      %and3A_411 = arith.constant 1 : i32
      %and3A_412 = vector.broadcast %and3A_411 : i32 to vector<16xi32>
      %and3A_413 = arith.andi %shift_right_logical3A_410, %and3A_412 : vector<16xi32>
      %convert_element_type3A_414 = arith.sitofp %and3A_413 : vector<16xi32> to vector<16xf32>
      %shift_right_logical3A_415 = arith.constant 5 : i32
      %shift_right_logical3A_416 = vector.broadcast %shift_right_logical3A_415 : i32 to vector<16xi32>
      %shift_right_logical3A_417 = arith.shrui %gather3A_404, %shift_right_logical3A_416 : vector<16xi32>
      %and3A_418 = arith.constant 1 : i32
      %and3A_419 = vector.broadcast %and3A_418 : i32 to vector<16xi32>
      %and3A_420 = arith.andi %shift_right_logical3A_417, %and3A_419 : vector<16xi32>
      %convert_element_type3A_421 = arith.sitofp %and3A_420 : vector<16xi32> to vector<16xf32>
      %shift_right_logical3A_422 = arith.constant 6 : i32
      %shift_right_logical3A_423 = vector.broadcast %shift_right_logical3A_422 : i32 to vector<16xi32>
      %shift_right_logical3A_424 = arith.shrui %gather3A_404, %shift_right_logical3A_423 : vector<16xi32>
      %convert_element_type3A_425 = arith.sitofp %shift_right_logical3A_424 : vector<16xi32> to vector<16xf32>
      %get3A_426 = arith.index_cast %add3A_392 : i32 to index
      %get3A_427 = arith.constant 0 : index
      %get3A_428 = tpu.vector_load %arg8[%get3A_426, %get3A_427] {strides = array<i32>} : memref<512x128xf32, #tpu.memory_space<vmem>>, vector<1x16xf32>,
      %get3A_429 = vector.shape_cast %get3A_428 : vector<1x16xf32> to vector<16xf32>
      %get3A_430 = arith.index_cast %add3A_392 : i32 to index
      %get3A_431 = arith.constant 16 : index
      %get3A_432 = tpu.vector_load %arg8[%get3A_430, %get3A_431] {strides = array<i32>} : memref<512x128xf32, #tpu.memory_space<vmem>>, vector<1x16xf32>,
      %get3A_433 = vector.shape_cast %get3A_432 : vector<1x16xf32> to vector<16xf32>
      %get3A_434 = arith.index_cast %add3A_392 : i32 to index
      %get3A_435 = arith.constant 32 : index
      %get3A_436 = tpu.vector_load %arg8[%get3A_434, %get3A_435] {strides = array<i32>} : memref<512x128xf32, #tpu.memory_space<vmem>>, vector<1x16xf32>,
      %get3A_437 = vector.shape_cast %get3A_436 : vector<1x16xf32> to vector<16xf32>
      %get3A_438 = arith.index_cast %add3A_392 : i32 to index
      %get3A_439 = arith.constant 48 : index
      %get3A_440 = tpu.vector_load %arg8[%get3A_438, %get3A_439] {strides = array<i32>} : memref<512x128xf32, #tpu.memory_space<vmem>>, vector<1x16xf32>,
      %get3A_441 = vector.shape_cast %get3A_440 : vector<1x16xf32> to vector<16xf32>
      %get3A_442 = arith.index_cast %add3A_392 : i32 to index
      %get3A_443 = arith.constant 64 : index
      %get3A_444 = tpu.vector_load %arg8[%get3A_442, %get3A_443] {strides = array<i32>} : memref<512x128xf32, #tpu.memory_space<vmem>>, vector<1x16xf32>,
      %get3A_445 = vector.shape_cast %get3A_444 : vector<1x16xf32> to vector<16xf32>
      %get3A_446 = arith.index_cast %add3A_392 : i32 to index
      %get3A_447 = arith.constant 80 : index
      %get3A_448 = tpu.vector_load %arg8[%get3A_446, %get3A_447] {strides = array<i32>} : memref<512x128xf32, #tpu.memory_space<vmem>>, vector<1x16xf32>,
      %get3A_449 = vector.shape_cast %get3A_448 : vector<1x16xf32> to vector<16xf32>
      %get3A_450 = arith.index_cast %add3A_392 : i32 to index
      %get3A_451 = arith.constant 96 : index
      %get3A_452 = tpu.vector_load %arg8[%get3A_450, %get3A_451] {strides = array<i32>} : memref<512x128xf32, #tpu.memory_space<vmem>>, vector<1x16xf32>,
      %get3A_453 = vector.shape_cast %get3A_452 : vector<1x16xf32> to vector<16xf32>
      %get3A_454 = arith.index_cast %add3A_392 : i32 to index
      %get3A_455 = arith.constant 112 : index
      %get3A_456 = tpu.vector_load %arg8[%get3A_454, %get3A_455] {strides = array<i32>} : memref<512x128xf32, #tpu.memory_space<vmem>>, vector<1x16xf32>,
      %get3A_457 = vector.shape_cast %get3A_456 : vector<1x16xf32> to vector<16xf32>
      %sub3A_458 = arith.subf %get3A_433, %get3A_429 : vector<16xf32>
      %mul3A_459 = arith.mulf %convert_element_type3A_414, %sub3A_458 : vector<16xf32>
      %add3A_460 = arith.addf %get3A_429, %mul3A_459 : vector<16xf32>
      %sub3A_461 = arith.subf %get3A_441, %get3A_437 : vector<16xf32>
      %mul3A_462 = arith.mulf %convert_element_type3A_414, %sub3A_461 : vector<16xf32>
      %add3A_463 = arith.addf %get3A_437, %mul3A_462 : vector<16xf32>
      %sub3A_464 = arith.subf %get3A_449, %get3A_445 : vector<16xf32>
      %mul3A_465 = arith.mulf %convert_element_type3A_414, %sub3A_464 : vector<16xf32>
      %add3A_466 = arith.addf %get3A_445, %mul3A_465 : vector<16xf32>
      %sub3A_467 = arith.subf %get3A_457, %get3A_453 : vector<16xf32>
      %mul3A_468 = arith.mulf %convert_element_type3A_414, %sub3A_467 : vector<16xf32>
      %add3A_469 = arith.addf %get3A_453, %mul3A_468 : vector<16xf32>
      %sub3A_470 = arith.subf %add3A_463, %add3A_460 : vector<16xf32>
      %mul3A_471 = arith.mulf %convert_element_type3A_421, %sub3A_470 : vector<16xf32>
      %add3A_472 = arith.addf %add3A_460, %mul3A_471 : vector<16xf32>
      %sub3A_473 = arith.subf %add3A_469, %add3A_466 : vector<16xf32>
      %mul3A_474 = arith.mulf %convert_element_type3A_421, %sub3A_473 : vector<16xf32>
      %add3A_475 = arith.addf %add3A_466, %mul3A_474 : vector<16xf32>
      %sub3A_476 = arith.subf %add3A_475, %add3A_472 : vector<16xf32>
      %mul3A_477 = arith.mulf %convert_element_type3A_425, %sub3A_476 : vector<16xf32>
      %add3A_478 = arith.addf %add3A_472, %mul3A_477 : vector<16xf32>
      %lt3A_479 = arith.constant 0 : i32
      %lt3A_480 = vector.broadcast %lt3A_479 : i32 to vector<16xi32>
      %lt3A_481 = arith.cmpi slt, %and3A_407, %lt3A_480 : vector<16xi32>
      %add3A_482 = arith.constant 16 : i32
      %add3A_483 = vector.broadcast %add3A_482 : i32 to vector<16xi32>
      %add3A_484 = arith.addi %and3A_407, %add3A_483 : vector<16xi32>
      %select_n3A_485 = arith.select %lt3A_481, %add3A_484, %and3A_407 : vector<16xi1>, vector<16xi32>
      %broadcast_in_dim3A_486 = vector.shape_cast %select_n3A_485 : vector<16xi32> to vector<16x1xi32>
      %gather3A_487 = vector.shape_cast %broadcast_in_dim3A_486 : vector<16x1xi32> to vector<16xi32>
      %gather3A_488 = tpu.dynamic_gather %add3A_478[%gather3A_487] in [0] : vector<16xf32>, vector<16xi32> -> vector<16xf32>
      %eq3A_489 = arith.constant 3 : i32
      %eq3A_490 = vector.broadcast %eq3A_489 : i32 to vector<16xi32>
      %eq3A_491 = arith.cmpi eq, %iota3A, %eq3A_490 : vector<16xi32>
      %select_n3A_492 = arith.select %eq3A_491, %gather3A_488, %select_n3A_388 : vector<16xi1>, vector<16xf32>
      %mul3A_493 = arith.constant 16 : i32
      %mul3A_494 = arith.muli %scan3A_76, %mul3A_493 : i32
      %add3A_495 = arith.constant 4 : i32
      %add3A_496 = arith.addi %mul3A_494, %add3A_495 : i32
      %broadcast_in_dim3A_497 = arith.constant 4 : i32
      %broadcast_in_dim3A_498 = vector.broadcast %broadcast_in_dim3A_497 : i32 to vector<16xi32>
      %lt3A_499 = arith.constant 0 : i32
      %lt3A_500 = vector.broadcast %lt3A_499 : i32 to vector<16xi32>
      %lt3A_501 = arith.cmpi slt, %broadcast_in_dim3A_498, %lt3A_500 : vector<16xi32>
      %add3A_502 = arith.constant 16 : i32
      %add3A_503 = vector.broadcast %add3A_502 : i32 to vector<16xi32>
      %add3A_504 = arith.addi %broadcast_in_dim3A_498, %add3A_503 : vector<16xi32>
      %select_n3A_505 = arith.select %lt3A_501, %add3A_504, %broadcast_in_dim3A_498 : vector<16xi1>, vector<16xi32>
      %broadcast_in_dim3A_506 = vector.shape_cast %select_n3A_505 : vector<16xi32> to vector<16x1xi32>
      %gather3A_507 = vector.shape_cast %broadcast_in_dim3A_506 : vector<16x1xi32> to vector<16xi32>
      %gather3A_508 = tpu.dynamic_gather %and3A_82[%gather3A_507] in [0] : vector<16xi32>, vector<16xi32> -> vector<16xi32>
      %and3A_509 = arith.constant 15 : i32
      %and3A_510 = vector.broadcast %and3A_509 : i32 to vector<16xi32>
      %and3A_511 = arith.andi %gather3A_508, %and3A_510 : vector<16xi32>
      %shift_right_logical3A_512 = arith.constant 4 : i32
      %shift_right_logical3A_513 = vector.broadcast %shift_right_logical3A_512 : i32 to vector<16xi32>
      %shift_right_logical3A_514 = arith.shrui %gather3A_508, %shift_right_logical3A_513 : vector<16xi32>
      %and3A_515 = arith.constant 1 : i32
      %and3A_516 = vector.broadcast %and3A_515 : i32 to vector<16xi32>
      %and3A_517 = arith.andi %shift_right_logical3A_514, %and3A_516 : vector<16xi32>
      %convert_element_type3A_518 = arith.sitofp %and3A_517 : vector<16xi32> to vector<16xf32>
      %shift_right_logical3A_519 = arith.constant 5 : i32
      %shift_right_logical3A_520 = vector.broadcast %shift_right_logical3A_519 : i32 to vector<16xi32>
      %shift_right_logical3A_521 = arith.shrui %gather3A_508, %shift_right_logical3A_520 : vector<16xi32>
      %and3A_522 = arith.constant 1 : i32
      %and3A_523 = vector.broadcast %and3A_522 : i32 to vector<16xi32>
      %and3A_524 = arith.andi %shift_right_logical3A_521, %and3A_523 : vector<16xi32>
      %convert_element_type3A_525 = arith.sitofp %and3A_524 : vector<16xi32> to vector<16xf32>
      %shift_right_logical3A_526 = arith.constant 6 : i32
      %shift_right_logical3A_527 = vector.broadcast %shift_right_logical3A_526 : i32 to vector<16xi32>
      %shift_right_logical3A_528 = arith.shrui %gather3A_508, %shift_right_logical3A_527 : vector<16xi32>
      %convert_element_type3A_529 = arith.sitofp %shift_right_logical3A_528 : vector<16xi32> to vector<16xf32>
      %get3A_530 = arith.index_cast %add3A_496 : i32 to index
      %get3A_531 = arith.constant 0 : index
      %get3A_532 = tpu.vector_load %arg8[%get3A_530, %get3A_531] {strides = array<i32>} : memref<512x128xf32, #tpu.memory_space<vmem>>, vector<1x16xf32>,
      %get3A_533 = vector.shape_cast %get3A_532 : vector<1x16xf32> to vector<16xf32>
      %get3A_534 = arith.index_cast %add3A_496 : i32 to index
      %get3A_535 = arith.constant 16 : index
      %get3A_536 = tpu.vector_load %arg8[%get3A_534, %get3A_535] {strides = array<i32>} : memref<512x128xf32, #tpu.memory_space<vmem>>, vector<1x16xf32>,
      %get3A_537 = vector.shape_cast %get3A_536 : vector<1x16xf32> to vector<16xf32>
      %get3A_538 = arith.index_cast %add3A_496 : i32 to index
      %get3A_539 = arith.constant 32 : index
      %get3A_540 = tpu.vector_load %arg8[%get3A_538, %get3A_539] {strides = array<i32>} : memref<512x128xf32, #tpu.memory_space<vmem>>, vector<1x16xf32>,
      %get3A_541 = vector.shape_cast %get3A_540 : vector<1x16xf32> to vector<16xf32>
      %get3A_542 = arith.index_cast %add3A_496 : i32 to index
      %get3A_543 = arith.constant 48 : index
      %get3A_544 = tpu.vector_load %arg8[%get3A_542, %get3A_543] {strides = array<i32>} : memref<512x128xf32, #tpu.memory_space<vmem>>, vector<1x16xf32>,
      %get3A_545 = vector.shape_cast %get3A_544 : vector<1x16xf32> to vector<16xf32>
      %get3A_546 = arith.index_cast %add3A_496 : i32 to index
      %get3A_547 = arith.constant 64 : index
      %get3A_548 = tpu.vector_load %arg8[%get3A_546, %get3A_547] {strides = array<i32>} : memref<512x128xf32, #tpu.memory_space<vmem>>, vector<1x16xf32>,
      %get3A_549 = vector.shape_cast %get3A_548 : vector<1x16xf32> to vector<16xf32>
      %get3A_550 = arith.index_cast %add3A_496 : i32 to index
      %get3A_551 = arith.constant 80 : index
      %get3A_552 = tpu.vector_load %arg8[%get3A_550, %get3A_551] {strides = array<i32>} : memref<512x128xf32, #tpu.memory_space<vmem>>, vector<1x16xf32>,
      %get3A_553 = vector.shape_cast %get3A_552 : vector<1x16xf32> to vector<16xf32>
      %get3A_554 = arith.index_cast %add3A_496 : i32 to index
      %get3A_555 = arith.constant 96 : index
      %get3A_556 = tpu.vector_load %arg8[%get3A_554, %get3A_555] {strides = array<i32>} : memref<512x128xf32, #tpu.memory_space<vmem>>, vector<1x16xf32>,
      %get3A_557 = vector.shape_cast %get3A_556 : vector<1x16xf32> to vector<16xf32>
      %get3A_558 = arith.index_cast %add3A_496 : i32 to index
      %get3A_559 = arith.constant 112 : index
      %get3A_560 = tpu.vector_load %arg8[%get3A_558, %get3A_559] {strides = array<i32>} : memref<512x128xf32, #tpu.memory_space<vmem>>, vector<1x16xf32>,
      %get3A_561 = vector.shape_cast %get3A_560 : vector<1x16xf32> to vector<16xf32>
      %sub3A_562 = arith.subf %get3A_537, %get3A_533 : vector<16xf32>
      %mul3A_563 = arith.mulf %convert_element_type3A_518, %sub3A_562 : vector<16xf32>
      %add3A_564 = arith.addf %get3A_533, %mul3A_563 : vector<16xf32>
      %sub3A_565 = arith.subf %get3A_545, %get3A_541 : vector<16xf32>
      %mul3A_566 = arith.mulf %convert_element_type3A_518, %sub3A_565 : vector<16xf32>
      %add3A_567 = arith.addf %get3A_541, %mul3A_566 : vector<16xf32>
      %sub3A_568 = arith.subf %get3A_553, %get3A_549 : vector<16xf32>
      %mul3A_569 = arith.mulf %convert_element_type3A_518, %sub3A_568 : vector<16xf32>
      %add3A_570 = arith.addf %get3A_549, %mul3A_569 : vector<16xf32>
      %sub3A_571 = arith.subf %get3A_561, %get3A_557 : vector<16xf32>
      %mul3A_572 = arith.mulf %convert_element_type3A_518, %sub3A_571 : vector<16xf32>
      %add3A_573 = arith.addf %get3A_557, %mul3A_572 : vector<16xf32>
      %sub3A_574 = arith.subf %add3A_567, %add3A_564 : vector<16xf32>
      %mul3A_575 = arith.mulf %convert_element_type3A_525, %sub3A_574 : vector<16xf32>
      %add3A_576 = arith.addf %add3A_564, %mul3A_575 : vector<16xf32>
      %sub3A_577 = arith.subf %add3A_573, %add3A_570 : vector<16xf32>
      %mul3A_578 = arith.mulf %convert_element_type3A_525, %sub3A_577 : vector<16xf32>
      %add3A_579 = arith.addf %add3A_570, %mul3A_578 : vector<16xf32>
      %sub3A_580 = arith.subf %add3A_579, %add3A_576 : vector<16xf32>
      %mul3A_581 = arith.mulf %convert_element_type3A_529, %sub3A_580 : vector<16xf32>
      %add3A_582 = arith.addf %add3A_576, %mul3A_581 : vector<16xf32>
      %lt3A_583 = arith.constant 0 : i32
      %lt3A_584 = vector.broadcast %lt3A_583 : i32 to vector<16xi32>
      %lt3A_585 = arith.cmpi slt, %and3A_511, %lt3A_584 : vector<16xi32>
      %add3A_586 = arith.constant 16 : i32
      %add3A_587 = vector.broadcast %add3A_586 : i32 to vector<16xi32>
      %add3A_588 = arith.addi %and3A_511, %add3A_587 : vector<16xi32>
      %select_n3A_589 = arith.select %lt3A_585, %add3A_588, %and3A_511 : vector<16xi1>, vector<16xi32>
      %broadcast_in_dim3A_590 = vector.shape_cast %select_n3A_589 : vector<16xi32> to vector<16x1xi32>
      %gather3A_591 = vector.shape_cast %broadcast_in_dim3A_590 : vector<16x1xi32> to vector<16xi32>
      %gather3A_592 = tpu.dynamic_gather %add3A_582[%gather3A_591] in [0] : vector<16xf32>, vector<16xi32> -> vector<16xf32>
      %eq3A_593 = arith.constant 4 : i32
      %eq3A_594 = vector.broadcast %eq3A_593 : i32 to vector<16xi32>
      %eq3A_595 = arith.cmpi eq, %iota3A, %eq3A_594 : vector<16xi32>
      %select_n3A_596 = arith.select %eq3A_595, %gather3A_592, %select_n3A_492 : vector<16xi1>, vector<16xf32>
      %mul3A_597 = arith.constant 16 : i32
      %mul3A_598 = arith.muli %scan3A_76, %mul3A_597 : i32
      %add3A_599 = arith.constant 5 : i32
      %add3A_600 = arith.addi %mul3A_598, %add3A_599 : i32
      %broadcast_in_dim3A_601 = arith.constant 5 : i32
      %broadcast_in_dim3A_602 = vector.broadcast %broadcast_in_dim3A_601 : i32 to vector<16xi32>
      %lt3A_603 = arith.constant 0 : i32
      %lt3A_604 = vector.broadcast %lt3A_603 : i32 to vector<16xi32>
      %lt3A_605 = arith.cmpi slt, %broadcast_in_dim3A_602, %lt3A_604 : vector<16xi32>
      %add3A_606 = arith.constant 16 : i32
      %add3A_607 = vector.broadcast %add3A_606 : i32 to vector<16xi32>
      %add3A_608 = arith.addi %broadcast_in_dim3A_602, %add3A_607 : vector<16xi32>
      %select_n3A_609 = arith.select %lt3A_605, %add3A_608, %broadcast_in_dim3A_602 : vector<16xi1>, vector<16xi32>
      %broadcast_in_dim3A_610 = vector.shape_cast %select_n3A_609 : vector<16xi32> to vector<16x1xi32>
      %gather3A_611 = vector.shape_cast %broadcast_in_dim3A_610 : vector<16x1xi32> to vector<16xi32>
      %gather3A_612 = tpu.dynamic_gather %and3A_82[%gather3A_611] in [0] : vector<16xi32>, vector<16xi32> -> vector<16xi32>
      %and3A_613 = arith.constant 15 : i32
      %and3A_614 = vector.broadcast %and3A_613 : i32 to vector<16xi32>
      %and3A_615 = arith.andi %gather3A_612, %and3A_614 : vector<16xi32>
      %shift_right_logical3A_616 = arith.constant 4 : i32
      %shift_right_logical3A_617 = vector.broadcast %shift_right_logical3A_616 : i32 to vector<16xi32>
      %shift_right_logical3A_618 = arith.shrui %gather3A_612, %shift_right_logical3A_617 : vector<16xi32>
      %and3A_619 = arith.constant 1 : i32
      %and3A_620 = vector.broadcast %and3A_619 : i32 to vector<16xi32>
      %and3A_621 = arith.andi %shift_right_logical3A_618, %and3A_620 : vector<16xi32>
      %convert_element_type3A_622 = arith.sitofp %and3A_621 : vector<16xi32> to vector<16xf32>
      %shift_right_logical3A_623 = arith.constant 5 : i32
      %shift_right_logical3A_624 = vector.broadcast %shift_right_logical3A_623 : i32 to vector<16xi32>
      %shift_right_logical3A_625 = arith.shrui %gather3A_612, %shift_right_logical3A_624 : vector<16xi32>
      %and3A_626 = arith.constant 1 : i32
      %and3A_627 = vector.broadcast %and3A_626 : i32 to vector<16xi32>
      %and3A_628 = arith.andi %shift_right_logical3A_625, %and3A_627 : vector<16xi32>
      %convert_element_type3A_629 = arith.sitofp %and3A_628 : vector<16xi32> to vector<16xf32>
      %shift_right_logical3A_630 = arith.constant 6 : i32
      %shift_right_logical3A_631 = vector.broadcast %shift_right_logical3A_630 : i32 to vector<16xi32>
      %shift_right_logical3A_632 = arith.shrui %gather3A_612, %shift_right_logical3A_631 : vector<16xi32>
      %convert_element_type3A_633 = arith.sitofp %shift_right_logical3A_632 : vector<16xi32> to vector<16xf32>
      %get3A_634 = arith.index_cast %add3A_600 : i32 to index
      %get3A_635 = arith.constant 0 : index
      %get3A_636 = tpu.vector_load %arg8[%get3A_634, %get3A_635] {strides = array<i32>} : memref<512x128xf32, #tpu.memory_space<vmem>>, vector<1x16xf32>,
      %get3A_637 = vector.shape_cast %get3A_636 : vector<1x16xf32> to vector<16xf32>
      %get3A_638 = arith.index_cast %add3A_600 : i32 to index
      %get3A_639 = arith.constant 16 : index
      %get3A_640 = tpu.vector_load %arg8[%get3A_638, %get3A_639] {strides = array<i32>} : memref<512x128xf32, #tpu.memory_space<vmem>>, vector<1x16xf32>,
      %get3A_641 = vector.shape_cast %get3A_640 : vector<1x16xf32> to vector<16xf32>
      %get3A_642 = arith.index_cast %add3A_600 : i32 to index
      %get3A_643 = arith.constant 32 : index
      %get3A_644 = tpu.vector_load %arg8[%get3A_642, %get3A_643] {strides = array<i32>} : memref<512x128xf32, #tpu.memory_space<vmem>>, vector<1x16xf32>,
      %get3A_645 = vector.shape_cast %get3A_644 : vector<1x16xf32> to vector<16xf32>
      %get3A_646 = arith.index_cast %add3A_600 : i32 to index
      %get3A_647 = arith.constant 48 : index
      %get3A_648 = tpu.vector_load %arg8[%get3A_646, %get3A_647] {strides = array<i32>} : memref<512x128xf32, #tpu.memory_space<vmem>>, vector<1x16xf32>,
      %get3A_649 = vector.shape_cast %get3A_648 : vector<1x16xf32> to vector<16xf32>
      %get3A_650 = arith.index_cast %add3A_600 : i32 to index
      %get3A_651 = arith.constant 64 : index
      %get3A_652 = tpu.vector_load %arg8[%get3A_650, %get3A_651] {strides = array<i32>} : memref<512x128xf32, #tpu.memory_space<vmem>>, vector<1x16xf32>,
      %get3A_653 = vector.shape_cast %get3A_652 : vector<1x16xf32> to vector<16xf32>
      %get3A_654 = arith.index_cast %add3A_600 : i32 to index
      %get3A_655 = arith.constant 80 : index
      %get3A_656 = tpu.vector_load %arg8[%get3A_654, %get3A_655] {strides = array<i32>} : memref<512x128xf32, #tpu.memory_space<vmem>>, vector<1x16xf32>,
      %get3A_657 = vector.shape_cast %get3A_656 : vector<1x16xf32> to vector<16xf32>
      %get3A_658 = arith.index_cast %add3A_600 : i32 to index
      %get3A_659 = arith.constant 96 : index
      %get3A_660 = tpu.vector_load %arg8[%get3A_658, %get3A_659] {strides = array<i32>} : memref<512x128xf32, #tpu.memory_space<vmem>>, vector<1x16xf32>,
      %get3A_661 = vector.shape_cast %get3A_660 : vector<1x16xf32> to vector<16xf32>
      %get3A_662 = arith.index_cast %add3A_600 : i32 to index
      %get3A_663 = arith.constant 112 : index
      %get3A_664 = tpu.vector_load %arg8[%get3A_662, %get3A_663] {strides = array<i32>} : memref<512x128xf32, #tpu.memory_space<vmem>>, vector<1x16xf32>,
      %get3A_665 = vector.shape_cast %get3A_664 : vector<1x16xf32> to vector<16xf32>
      %sub3A_666 = arith.subf %get3A_641, %get3A_637 : vector<16xf32>
      %mul3A_667 = arith.mulf %convert_element_type3A_622, %sub3A_666 : vector<16xf32>
      %add3A_668 = arith.addf %get3A_637, %mul3A_667 : vector<16xf32>
      %sub3A_669 = arith.subf %get3A_649, %get3A_645 : vector<16xf32>
      %mul3A_670 = arith.mulf %convert_element_type3A_622, %sub3A_669 : vector<16xf32>
      %add3A_671 = arith.addf %get3A_645, %mul3A_670 : vector<16xf32>
      %sub3A_672 = arith.subf %get3A_657, %get3A_653 : vector<16xf32>
      %mul3A_673 = arith.mulf %convert_element_type3A_622, %sub3A_672 : vector<16xf32>
      %add3A_674 = arith.addf %get3A_653, %mul3A_673 : vector<16xf32>
      %sub3A_675 = arith.subf %get3A_665, %get3A_661 : vector<16xf32>
      %mul3A_676 = arith.mulf %convert_element_type3A_622, %sub3A_675 : vector<16xf32>
      %add3A_677 = arith.addf %get3A_661, %mul3A_676 : vector<16xf32>
      %sub3A_678 = arith.subf %add3A_671, %add3A_668 : vector<16xf32>
      %mul3A_679 = arith.mulf %convert_element_type3A_629, %sub3A_678 : vector<16xf32>
      %add3A_680 = arith.addf %add3A_668, %mul3A_679 : vector<16xf32>
      %sub3A_681 = arith.subf %add3A_677, %add3A_674 : vector<16xf32>
      %mul3A_682 = arith.mulf %convert_element_type3A_629, %sub3A_681 : vector<16xf32>
      %add3A_683 = arith.addf %add3A_674, %mul3A_682 : vector<16xf32>
      %sub3A_684 = arith.subf %add3A_683, %add3A_680 : vector<16xf32>
      %mul3A_685 = arith.mulf %convert_element_type3A_633, %sub3A_684 : vector<16xf32>
      %add3A_686 = arith.addf %add3A_680, %mul3A_685 : vector<16xf32>
      %lt3A_687 = arith.constant 0 : i32
      %lt3A_688 = vector.broadcast %lt3A_687 : i32 to vector<16xi32>
      %lt3A_689 = arith.cmpi slt, %and3A_615, %lt3A_688 : vector<16xi32>
      %add3A_690 = arith.constant 16 : i32
      %add3A_691 = vector.broadcast %add3A_690 : i32 to vector<16xi32>
      %add3A_692 = arith.addi %and3A_615, %add3A_691 : vector<16xi32>
      %select_n3A_693 = arith.select %lt3A_689, %add3A_692, %and3A_615 : vector<16xi1>, vector<16xi32>
      %broadcast_in_dim3A_694 = vector.shape_cast %select_n3A_693 : vector<16xi32> to vector<16x1xi32>
      %gather3A_695 = vector.shape_cast %broadcast_in_dim3A_694 : vector<16x1xi32> to vector<16xi32>
      %gather3A_696 = tpu.dynamic_gather %add3A_686[%gather3A_695] in [0] : vector<16xf32>, vector<16xi32> -> vector<16xf32>
      %eq3A_697 = arith.constant 5 : i32
      %eq3A_698 = vector.broadcast %eq3A_697 : i32 to vector<16xi32>
      %eq3A_699 = arith.cmpi eq, %iota3A, %eq3A_698 : vector<16xi32>
      %select_n3A_700 = arith.select %eq3A_699, %gather3A_696, %select_n3A_596 : vector<16xi1>, vector<16xf32>
      %mul3A_701 = arith.constant 16 : i32
      %mul3A_702 = arith.muli %scan3A_76, %mul3A_701 : i32
      %add3A_703 = arith.constant 6 : i32
      %add3A_704 = arith.addi %mul3A_702, %add3A_703 : i32
      %broadcast_in_dim3A_705 = arith.constant 6 : i32
      %broadcast_in_dim3A_706 = vector.broadcast %broadcast_in_dim3A_705 : i32 to vector<16xi32>
      %lt3A_707 = arith.constant 0 : i32
      %lt3A_708 = vector.broadcast %lt3A_707 : i32 to vector<16xi32>
      %lt3A_709 = arith.cmpi slt, %broadcast_in_dim3A_706, %lt3A_708 : vector<16xi32>
      %add3A_710 = arith.constant 16 : i32
      %add3A_711 = vector.broadcast %add3A_710 : i32 to vector<16xi32>
      %add3A_712 = arith.addi %broadcast_in_dim3A_706, %add3A_711 : vector<16xi32>
      %select_n3A_713 = arith.select %lt3A_709, %add3A_712, %broadcast_in_dim3A_706 : vector<16xi1>, vector<16xi32>
      %broadcast_in_dim3A_714 = vector.shape_cast %select_n3A_713 : vector<16xi32> to vector<16x1xi32>
      %gather3A_715 = vector.shape_cast %broadcast_in_dim3A_714 : vector<16x1xi32> to vector<16xi32>
      %gather3A_716 = tpu.dynamic_gather %and3A_82[%gather3A_715] in [0] : vector<16xi32>, vector<16xi32> -> vector<16xi32>
      %and3A_717 = arith.constant 15 : i32
      %and3A_718 = vector.broadcast %and3A_717 : i32 to vector<16xi32>
      %and3A_719 = arith.andi %gather3A_716, %and3A_718 : vector<16xi32>
      %shift_right_logical3A_720 = arith.constant 4 : i32
      %shift_right_logical3A_721 = vector.broadcast %shift_right_logical3A_720 : i32 to vector<16xi32>
      %shift_right_logical3A_722 = arith.shrui %gather3A_716, %shift_right_logical3A_721 : vector<16xi32>
      %and3A_723 = arith.constant 1 : i32
      %and3A_724 = vector.broadcast %and3A_723 : i32 to vector<16xi32>
      %and3A_725 = arith.andi %shift_right_logical3A_722, %and3A_724 : vector<16xi32>
      %convert_element_type3A_726 = arith.sitofp %and3A_725 : vector<16xi32> to vector<16xf32>
      %shift_right_logical3A_727 = arith.constant 5 : i32
      %shift_right_logical3A_728 = vector.broadcast %shift_right_logical3A_727 : i32 to vector<16xi32>
      %shift_right_logical3A_729 = arith.shrui %gather3A_716, %shift_right_logical3A_728 : vector<16xi32>
      %and3A_730 = arith.constant 1 : i32
      %and3A_731 = vector.broadcast %and3A_730 : i32 to vector<16xi32>
      %and3A_732 = arith.andi %shift_right_logical3A_729, %and3A_731 : vector<16xi32>
      %convert_element_type3A_733 = arith.sitofp %and3A_732 : vector<16xi32> to vector<16xf32>
      %shift_right_logical3A_734 = arith.constant 6 : i32
      %shift_right_logical3A_735 = vector.broadcast %shift_right_logical3A_734 : i32 to vector<16xi32>
      %shift_right_logical3A_736 = arith.shrui %gather3A_716, %shift_right_logical3A_735 : vector<16xi32>
      %convert_element_type3A_737 = arith.sitofp %shift_right_logical3A_736 : vector<16xi32> to vector<16xf32>
      %get3A_738 = arith.index_cast %add3A_704 : i32 to index
      %get3A_739 = arith.constant 0 : index
      %get3A_740 = tpu.vector_load %arg8[%get3A_738, %get3A_739] {strides = array<i32>} : memref<512x128xf32, #tpu.memory_space<vmem>>, vector<1x16xf32>,
      %get3A_741 = vector.shape_cast %get3A_740 : vector<1x16xf32> to vector<16xf32>
      %get3A_742 = arith.index_cast %add3A_704 : i32 to index
      %get3A_743 = arith.constant 16 : index
      %get3A_744 = tpu.vector_load %arg8[%get3A_742, %get3A_743] {strides = array<i32>} : memref<512x128xf32, #tpu.memory_space<vmem>>, vector<1x16xf32>,
      %get3A_745 = vector.shape_cast %get3A_744 : vector<1x16xf32> to vector<16xf32>
      %get3A_746 = arith.index_cast %add3A_704 : i32 to index
      %get3A_747 = arith.constant 32 : index
      %get3A_748 = tpu.vector_load %arg8[%get3A_746, %get3A_747] {strides = array<i32>} : memref<512x128xf32, #tpu.memory_space<vmem>>, vector<1x16xf32>,
      %get3A_749 = vector.shape_cast %get3A_748 : vector<1x16xf32> to vector<16xf32>
      %get3A_750 = arith.index_cast %add3A_704 : i32 to index
      %get3A_751 = arith.constant 48 : index
      %get3A_752 = tpu.vector_load %arg8[%get3A_750, %get3A_751] {strides = array<i32>} : memref<512x128xf32, #tpu.memory_space<vmem>>, vector<1x16xf32>,
      %get3A_753 = vector.shape_cast %get3A_752 : vector<1x16xf32> to vector<16xf32>
      %get3A_754 = arith.index_cast %add3A_704 : i32 to index
      %get3A_755 = arith.constant 64 : index
      %get3A_756 = tpu.vector_load %arg8[%get3A_754, %get3A_755] {strides = array<i32>} : memref<512x128xf32, #tpu.memory_space<vmem>>, vector<1x16xf32>,
      %get3A_757 = vector.shape_cast %get3A_756 : vector<1x16xf32> to vector<16xf32>
      %get3A_758 = arith.index_cast %add3A_704 : i32 to index
      %get3A_759 = arith.constant 80 : index
      %get3A_760 = tpu.vector_load %arg8[%get3A_758, %get3A_759] {strides = array<i32>} : memref<512x128xf32, #tpu.memory_space<vmem>>, vector<1x16xf32>,
      %get3A_761 = vector.shape_cast %get3A_760 : vector<1x16xf32> to vector<16xf32>
      %get3A_762 = arith.index_cast %add3A_704 : i32 to index
      %get3A_763 = arith.constant 96 : index
      %get3A_764 = tpu.vector_load %arg8[%get3A_762, %get3A_763] {strides = array<i32>} : memref<512x128xf32, #tpu.memory_space<vmem>>, vector<1x16xf32>,
      %get3A_765 = vector.shape_cast %get3A_764 : vector<1x16xf32> to vector<16xf32>
      %get3A_766 = arith.index_cast %add3A_704 : i32 to index
      %get3A_767 = arith.constant 112 : index
      %get3A_768 = tpu.vector_load %arg8[%get3A_766, %get3A_767] {strides = array<i32>} : memref<512x128xf32, #tpu.memory_space<vmem>>, vector<1x16xf32>,
      %get3A_769 = vector.shape_cast %get3A_768 : vector<1x16xf32> to vector<16xf32>
      %sub3A_770 = arith.subf %get3A_745, %get3A_741 : vector<16xf32>
      %mul3A_771 = arith.mulf %convert_element_type3A_726, %sub3A_770 : vector<16xf32>
      %add3A_772 = arith.addf %get3A_741, %mul3A_771 : vector<16xf32>
      %sub3A_773 = arith.subf %get3A_753, %get3A_749 : vector<16xf32>
      %mul3A_774 = arith.mulf %convert_element_type3A_726, %sub3A_773 : vector<16xf32>
      %add3A_775 = arith.addf %get3A_749, %mul3A_774 : vector<16xf32>
      %sub3A_776 = arith.subf %get3A_761, %get3A_757 : vector<16xf32>
      %mul3A_777 = arith.mulf %convert_element_type3A_726, %sub3A_776 : vector<16xf32>
      %add3A_778 = arith.addf %get3A_757, %mul3A_777 : vector<16xf32>
      %sub3A_779 = arith.subf %get3A_769, %get3A_765 : vector<16xf32>
      %mul3A_780 = arith.mulf %convert_element_type3A_726, %sub3A_779 : vector<16xf32>
      %add3A_781 = arith.addf %get3A_765, %mul3A_780 : vector<16xf32>
      %sub3A_782 = arith.subf %add3A_775, %add3A_772 : vector<16xf32>
      %mul3A_783 = arith.mulf %convert_element_type3A_733, %sub3A_782 : vector<16xf32>
      %add3A_784 = arith.addf %add3A_772, %mul3A_783 : vector<16xf32>
      %sub3A_785 = arith.subf %add3A_781, %add3A_778 : vector<16xf32>
      %mul3A_786 = arith.mulf %convert_element_type3A_733, %sub3A_785 : vector<16xf32>
      %add3A_787 = arith.addf %add3A_778, %mul3A_786 : vector<16xf32>
      %sub3A_788 = arith.subf %add3A_787, %add3A_784 : vector<16xf32>
      %mul3A_789 = arith.mulf %convert_element_type3A_737, %sub3A_788 : vector<16xf32>
      %add3A_790 = arith.addf %add3A_784, %mul3A_789 : vector<16xf32>
      %lt3A_791 = arith.constant 0 : i32
      %lt3A_792 = vector.broadcast %lt3A_791 : i32 to vector<16xi32>
      %lt3A_793 = arith.cmpi slt, %and3A_719, %lt3A_792 : vector<16xi32>
      %add3A_794 = arith.constant 16 : i32
      %add3A_795 = vector.broadcast %add3A_794 : i32 to vector<16xi32>
      %add3A_796 = arith.addi %and3A_719, %add3A_795 : vector<16xi32>
      %select_n3A_797 = arith.select %lt3A_793, %add3A_796, %and3A_719 : vector<16xi1>, vector<16xi32>
      %broadcast_in_dim3A_798 = vector.shape_cast %select_n3A_797 : vector<16xi32> to vector<16x1xi32>
      %gather3A_799 = vector.shape_cast %broadcast_in_dim3A_798 : vector<16x1xi32> to vector<16xi32>
      %gather3A_800 = tpu.dynamic_gather %add3A_790[%gather3A_799] in [0] : vector<16xf32>, vector<16xi32> -> vector<16xf32>
      %eq3A_801 = arith.constant 6 : i32
      %eq3A_802 = vector.broadcast %eq3A_801 : i32 to vector<16xi32>
      %eq3A_803 = arith.cmpi eq, %iota3A, %eq3A_802 : vector<16xi32>
      %select_n3A_804 = arith.select %eq3A_803, %gather3A_800, %select_n3A_700 : vector<16xi1>, vector<16xf32>
      %mul3A_805 = arith.constant 16 : i32
      %mul3A_806 = arith.muli %scan3A_76, %mul3A_805 : i32
      %add3A_807 = arith.constant 7 : i32
      %add3A_808 = arith.addi %mul3A_806, %add3A_807 : i32
      %broadcast_in_dim3A_809 = arith.constant 7 : i32
      %broadcast_in_dim3A_810 = vector.broadcast %broadcast_in_dim3A_809 : i32 to vector<16xi32>
      %lt3A_811 = arith.constant 0 : i32
      %lt3A_812 = vector.broadcast %lt3A_811 : i32 to vector<16xi32>
      %lt3A_813 = arith.cmpi slt, %broadcast_in_dim3A_810, %lt3A_812 : vector<16xi32>
      %add3A_814 = arith.constant 16 : i32
      %add3A_815 = vector.broadcast %add3A_814 : i32 to vector<16xi32>
      %add3A_816 = arith.addi %broadcast_in_dim3A_810, %add3A_815 : vector<16xi32>
      %select_n3A_817 = arith.select %lt3A_813, %add3A_816, %broadcast_in_dim3A_810 : vector<16xi1>, vector<16xi32>
      %broadcast_in_dim3A_818 = vector.shape_cast %select_n3A_817 : vector<16xi32> to vector<16x1xi32>
      %gather3A_819 = vector.shape_cast %broadcast_in_dim3A_818 : vector<16x1xi32> to vector<16xi32>
      %gather3A_820 = tpu.dynamic_gather %and3A_82[%gather3A_819] in [0] : vector<16xi32>, vector<16xi32> -> vector<16xi32>
      %and3A_821 = arith.constant 15 : i32
      %and3A_822 = vector.broadcast %and3A_821 : i32 to vector<16xi32>
      %and3A_823 = arith.andi %gather3A_820, %and3A_822 : vector<16xi32>
      %shift_right_logical3A_824 = arith.constant 4 : i32
      %shift_right_logical3A_825 = vector.broadcast %shift_right_logical3A_824 : i32 to vector<16xi32>
      %shift_right_logical3A_826 = arith.shrui %gather3A_820, %shift_right_logical3A_825 : vector<16xi32>
      %and3A_827 = arith.constant 1 : i32
      %and3A_828 = vector.broadcast %and3A_827 : i32 to vector<16xi32>
      %and3A_829 = arith.andi %shift_right_logical3A_826, %and3A_828 : vector<16xi32>
      %convert_element_type3A_830 = arith.sitofp %and3A_829 : vector<16xi32> to vector<16xf32>
      %shift_right_logical3A_831 = arith.constant 5 : i32
      %shift_right_logical3A_832 = vector.broadcast %shift_right_logical3A_831 : i32 to vector<16xi32>
      %shift_right_logical3A_833 = arith.shrui %gather3A_820, %shift_right_logical3A_832 : vector<16xi32>
      %and3A_834 = arith.constant 1 : i32
      %and3A_835 = vector.broadcast %and3A_834 : i32 to vector<16xi32>
      %and3A_836 = arith.andi %shift_right_logical3A_833, %and3A_835 : vector<16xi32>
      %convert_element_type3A_837 = arith.sitofp %and3A_836 : vector<16xi32> to vector<16xf32>
      %shift_right_logical3A_838 = arith.constant 6 : i32
      %shift_right_logical3A_839 = vector.broadcast %shift_right_logical3A_838 : i32 to vector<16xi32>
      %shift_right_logical3A_840 = arith.shrui %gather3A_820, %shift_right_logical3A_839 : vector<16xi32>
      %convert_element_type3A_841 = arith.sitofp %shift_right_logical3A_840 : vector<16xi32> to vector<16xf32>
      %get3A_842 = arith.index_cast %add3A_808 : i32 to index
      %get3A_843 = arith.constant 0 : index
      %get3A_844 = tpu.vector_load %arg8[%get3A_842, %get3A_843] {strides = array<i32>} : memref<512x128xf32, #tpu.memory_space<vmem>>, vector<1x16xf32>,
      %get3A_845 = vector.shape_cast %get3A_844 : vector<1x16xf32> to vector<16xf32>
      %get3A_846 = arith.index_cast %add3A_808 : i32 to index
      %get3A_847 = arith.constant 16 : index
      %get3A_848 = tpu.vector_load %arg8[%get3A_846, %get3A_847] {strides = array<i32>} : memref<512x128xf32, #tpu.memory_space<vmem>>, vector<1x16xf32>,
      %get3A_849 = vector.shape_cast %get3A_848 : vector<1x16xf32> to vector<16xf32>
      %get3A_850 = arith.index_cast %add3A_808 : i32 to index
      %get3A_851 = arith.constant 32 : index
      %get3A_852 = tpu.vector_load %arg8[%get3A_850, %get3A_851] {strides = array<i32>} : memref<512x128xf32, #tpu.memory_space<vmem>>, vector<1x16xf32>,
      %get3A_853 = vector.shape_cast %get3A_852 : vector<1x16xf32> to vector<16xf32>
      %get3A_854 = arith.index_cast %add3A_808 : i32 to index
      %get3A_855 = arith.constant 48 : index
      %get3A_856 = tpu.vector_load %arg8[%get3A_854, %get3A_855] {strides = array<i32>} : memref<512x128xf32, #tpu.memory_space<vmem>>, vector<1x16xf32>,
      %get3A_857 = vector.shape_cast %get3A_856 : vector<1x16xf32> to vector<16xf32>
      %get3A_858 = arith.index_cast %add3A_808 : i32 to index
      %get3A_859 = arith.constant 64 : index
      %get3A_860 = tpu.vector_load %arg8[%get3A_858, %get3A_859] {strides = array<i32>} : memref<512x128xf32, #tpu.memory_space<vmem>>, vector<1x16xf32>,
      %get3A_861 = vector.shape_cast %get3A_860 : vector<1x16xf32> to vector<16xf32>
      %get3A_862 = arith.index_cast %add3A_808 : i32 to index
      %get3A_863 = arith.constant 80 : index
      %get3A_864 = tpu.vector_load %arg8[%get3A_862, %get3A_863] {strides = array<i32>} : memref<512x128xf32, #tpu.memory_space<vmem>>, vector<1x16xf32>,
      %get3A_865 = vector.shape_cast %get3A_864 : vector<1x16xf32> to vector<16xf32>
      %get3A_866 = arith.index_cast %add3A_808 : i32 to index
      %get3A_867 = arith.constant 96 : index
      %get3A_868 = tpu.vector_load %arg8[%get3A_866, %get3A_867] {strides = array<i32>} : memref<512x128xf32, #tpu.memory_space<vmem>>, vector<1x16xf32>,
      %get3A_869 = vector.shape_cast %get3A_868 : vector<1x16xf32> to vector<16xf32>
      %get3A_870 = arith.index_cast %add3A_808 : i32 to index
      %get3A_871 = arith.constant 112 : index
      %get3A_872 = tpu.vector_load %arg8[%get3A_870, %get3A_871] {strides = array<i32>} : memref<512x128xf32, #tpu.memory_space<vmem>>, vector<1x16xf32>,
      %get3A_873 = vector.shape_cast %get3A_872 : vector<1x16xf32> to vector<16xf32>
      %sub3A_874 = arith.subf %get3A_849, %get3A_845 : vector<16xf32>
      %mul3A_875 = arith.mulf %convert_element_type3A_830, %sub3A_874 : vector<16xf32>
      %add3A_876 = arith.addf %get3A_845, %mul3A_875 : vector<16xf32>
      %sub3A_877 = arith.subf %get3A_857, %get3A_853 : vector<16xf32>
      %mul3A_878 = arith.mulf %convert_element_type3A_830, %sub3A_877 : vector<16xf32>
      %add3A_879 = arith.addf %get3A_853, %mul3A_878 : vector<16xf32>
      %sub3A_880 = arith.subf %get3A_865, %get3A_861 : vector<16xf32>
      %mul3A_881 = arith.mulf %convert_element_type3A_830, %sub3A_880 : vector<16xf32>
      %add3A_882 = arith.addf %get3A_861, %mul3A_881 : vector<16xf32>
      %sub3A_883 = arith.subf %get3A_873, %get3A_869 : vector<16xf32>
      %mul3A_884 = arith.mulf %convert_element_type3A_830, %sub3A_883 : vector<16xf32>
      %add3A_885 = arith.addf %get3A_869, %mul3A_884 : vector<16xf32>
      %sub3A_886 = arith.subf %add3A_879, %add3A_876 : vector<16xf32>
      %mul3A_887 = arith.mulf %convert_element_type3A_837, %sub3A_886 : vector<16xf32>
      %add3A_888 = arith.addf %add3A_876, %mul3A_887 : vector<16xf32>
      %sub3A_889 = arith.subf %add3A_885, %add3A_882 : vector<16xf32>
      %mul3A_890 = arith.mulf %convert_element_type3A_837, %sub3A_889 : vector<16xf32>
      %add3A_891 = arith.addf %add3A_882, %mul3A_890 : vector<16xf32>
      %sub3A_892 = arith.subf %add3A_891, %add3A_888 : vector<16xf32>
      %mul3A_893 = arith.mulf %convert_element_type3A_841, %sub3A_892 : vector<16xf32>
      %add3A_894 = arith.addf %add3A_888, %mul3A_893 : vector<16xf32>
      %lt3A_895 = arith.constant 0 : i32
      %lt3A_896 = vector.broadcast %lt3A_895 : i32 to vector<16xi32>
      %lt3A_897 = arith.cmpi slt, %and3A_823, %lt3A_896 : vector<16xi32>
      %add3A_898 = arith.constant 16 : i32
      %add3A_899 = vector.broadcast %add3A_898 : i32 to vector<16xi32>
      %add3A_900 = arith.addi %and3A_823, %add3A_899 : vector<16xi32>
      %select_n3A_901 = arith.select %lt3A_897, %add3A_900, %and3A_823 : vector<16xi1>, vector<16xi32>
      %broadcast_in_dim3A_902 = vector.shape_cast %select_n3A_901 : vector<16xi32> to vector<16x1xi32>
      %gather3A_903 = vector.shape_cast %broadcast_in_dim3A_902 : vector<16x1xi32> to vector<16xi32>
      %gather3A_904 = tpu.dynamic_gather %add3A_894[%gather3A_903] in [0] : vector<16xf32>, vector<16xi32> -> vector<16xf32>
      %eq3A_905 = arith.constant 7 : i32
      %eq3A_906 = vector.broadcast %eq3A_905 : i32 to vector<16xi32>
      %eq3A_907 = arith.cmpi eq, %iota3A, %eq3A_906 : vector<16xi32>
      %select_n3A_908 = arith.select %eq3A_907, %gather3A_904, %select_n3A_804 : vector<16xi1>, vector<16xf32>
      %mul3A_909 = arith.constant 16 : i32
      %mul3A_910 = arith.muli %scan3A_76, %mul3A_909 : i32
      %add3A_911 = arith.constant 8 : i32
      %add3A_912 = arith.addi %mul3A_910, %add3A_911 : i32
      %broadcast_in_dim3A_913 = arith.constant 8 : i32
      %broadcast_in_dim3A_914 = vector.broadcast %broadcast_in_dim3A_913 : i32 to vector<16xi32>
      %lt3A_915 = arith.constant 0 : i32
      %lt3A_916 = vector.broadcast %lt3A_915 : i32 to vector<16xi32>
      %lt3A_917 = arith.cmpi slt, %broadcast_in_dim3A_914, %lt3A_916 : vector<16xi32>
      %add3A_918 = arith.constant 16 : i32
      %add3A_919 = vector.broadcast %add3A_918 : i32 to vector<16xi32>
      %add3A_920 = arith.addi %broadcast_in_dim3A_914, %add3A_919 : vector<16xi32>
      %select_n3A_921 = arith.select %lt3A_917, %add3A_920, %broadcast_in_dim3A_914 : vector<16xi1>, vector<16xi32>
      %broadcast_in_dim3A_922 = vector.shape_cast %select_n3A_921 : vector<16xi32> to vector<16x1xi32>
      %gather3A_923 = vector.shape_cast %broadcast_in_dim3A_922 : vector<16x1xi32> to vector<16xi32>
      %gather3A_924 = tpu.dynamic_gather %and3A_82[%gather3A_923] in [0] : vector<16xi32>, vector<16xi32> -> vector<16xi32>
      %and3A_925 = arith.constant 15 : i32
      %and3A_926 = vector.broadcast %and3A_925 : i32 to vector<16xi32>
      %and3A_927 = arith.andi %gather3A_924, %and3A_926 : vector<16xi32>
      %shift_right_logical3A_928 = arith.constant 4 : i32
      %shift_right_logical3A_929 = vector.broadcast %shift_right_logical3A_928 : i32 to vector<16xi32>
      %shift_right_logical3A_930 = arith.shrui %gather3A_924, %shift_right_logical3A_929 : vector<16xi32>
      %and3A_931 = arith.constant 1 : i32
      %and3A_932 = vector.broadcast %and3A_931 : i32 to vector<16xi32>
      %and3A_933 = arith.andi %shift_right_logical3A_930, %and3A_932 : vector<16xi32>
      %convert_element_type3A_934 = arith.sitofp %and3A_933 : vector<16xi32> to vector<16xf32>
      %shift_right_logical3A_935 = arith.constant 5 : i32
      %shift_right_logical3A_936 = vector.broadcast %shift_right_logical3A_935 : i32 to vector<16xi32>
      %shift_right_logical3A_937 = arith.shrui %gather3A_924, %shift_right_logical3A_936 : vector<16xi32>
      %and3A_938 = arith.constant 1 : i32
      %and3A_939 = vector.broadcast %and3A_938 : i32 to vector<16xi32>
      %and3A_940 = arith.andi %shift_right_logical3A_937, %and3A_939 : vector<16xi32>
      %convert_element_type3A_941 = arith.sitofp %and3A_940 : vector<16xi32> to vector<16xf32>
      %shift_right_logical3A_942 = arith.constant 6 : i32
      %shift_right_logical3A_943 = vector.broadcast %shift_right_logical3A_942 : i32 to vector<16xi32>
      %shift_right_logical3A_944 = arith.shrui %gather3A_924, %shift_right_logical3A_943 : vector<16xi32>
      %convert_element_type3A_945 = arith.sitofp %shift_right_logical3A_944 : vector<16xi32> to vector<16xf32>
      %get3A_946 = arith.index_cast %add3A_912 : i32 to index
      %get3A_947 = arith.constant 0 : index
      %get3A_948 = tpu.vector_load %arg8[%get3A_946, %get3A_947] {strides = array<i32>} : memref<512x128xf32, #tpu.memory_space<vmem>>, vector<1x16xf32>,
      %get3A_949 = vector.shape_cast %get3A_948 : vector<1x16xf32> to vector<16xf32>
      %get3A_950 = arith.index_cast %add3A_912 : i32 to index
      %get3A_951 = arith.constant 16 : index
      %get3A_952 = tpu.vector_load %arg8[%get3A_950, %get3A_951] {strides = array<i32>} : memref<512x128xf32, #tpu.memory_space<vmem>>, vector<1x16xf32>,
      %get3A_953 = vector.shape_cast %get3A_952 : vector<1x16xf32> to vector<16xf32>
      %get3A_954 = arith.index_cast %add3A_912 : i32 to index
      %get3A_955 = arith.constant 32 : index
      %get3A_956 = tpu.vector_load %arg8[%get3A_954, %get3A_955] {strides = array<i32>} : memref<512x128xf32, #tpu.memory_space<vmem>>, vector<1x16xf32>,
      %get3A_957 = vector.shape_cast %get3A_956 : vector<1x16xf32> to vector<16xf32>
      %get3A_958 = arith.index_cast %add3A_912 : i32 to index
      %get3A_959 = arith.constant 48 : index
      %get3A_960 = tpu.vector_load %arg8[%get3A_958, %get3A_959] {strides = array<i32>} : memref<512x128xf32, #tpu.memory_space<vmem>>, vector<1x16xf32>,
      %get3A_961 = vector.shape_cast %get3A_960 : vector<1x16xf32> to vector<16xf32>
      %get3A_962 = arith.index_cast %add3A_912 : i32 to index
      %get3A_963 = arith.constant 64 : index
      %get3A_964 = tpu.vector_load %arg8[%get3A_962, %get3A_963] {strides = array<i32>} : memref<512x128xf32, #tpu.memory_space<vmem>>, vector<1x16xf32>,
      %get3A_965 = vector.shape_cast %get3A_964 : vector<1x16xf32> to vector<16xf32>
      %get3A_966 = arith.index_cast %add3A_912 : i32 to index
      %get3A_967 = arith.constant 80 : index
      %get3A_968 = tpu.vector_load %arg8[%get3A_966, %get3A_967] {strides = array<i32>} : memref<512x128xf32, #tpu.memory_space<vmem>>, vector<1x16xf32>,
      %get3A_969 = vector.shape_cast %get3A_968 : vector<1x16xf32> to vector<16xf32>
      %get3A_970 = arith.index_cast %add3A_912 : i32 to index
      %get3A_971 = arith.constant 96 : index
      %get3A_972 = tpu.vector_load %arg8[%get3A_970, %get3A_971] {strides = array<i32>} : memref<512x128xf32, #tpu.memory_space<vmem>>, vector<1x16xf32>,
      %get3A_973 = vector.shape_cast %get3A_972 : vector<1x16xf32> to vector<16xf32>
      %get3A_974 = arith.index_cast %add3A_912 : i32 to index
      %get3A_975 = arith.constant 112 : index
      %get3A_976 = tpu.vector_load %arg8[%get3A_974, %get3A_975] {strides = array<i32>} : memref<512x128xf32, #tpu.memory_space<vmem>>, vector<1x16xf32>,
      %get3A_977 = vector.shape_cast %get3A_976 : vector<1x16xf32> to vector<16xf32>
      %sub3A_978 = arith.subf %get3A_953, %get3A_949 : vector<16xf32>
      %mul3A_979 = arith.mulf %convert_element_type3A_934, %sub3A_978 : vector<16xf32>
      %add3A_980 = arith.addf %get3A_949, %mul3A_979 : vector<16xf32>
      %sub3A_981 = arith.subf %get3A_961, %get3A_957 : vector<16xf32>
      %mul3A_982 = arith.mulf %convert_element_type3A_934, %sub3A_981 : vector<16xf32>
      %add3A_983 = arith.addf %get3A_957, %mul3A_982 : vector<16xf32>
      %sub3A_984 = arith.subf %get3A_969, %get3A_965 : vector<16xf32>
      %mul3A_985 = arith.mulf %convert_element_type3A_934, %sub3A_984 : vector<16xf32>
      %add3A_986 = arith.addf %get3A_965, %mul3A_985 : vector<16xf32>
      %sub3A_987 = arith.subf %get3A_977, %get3A_973 : vector<16xf32>
      %mul3A_988 = arith.mulf %convert_element_type3A_934, %sub3A_987 : vector<16xf32>
      %add3A_989 = arith.addf %get3A_973, %mul3A_988 : vector<16xf32>
      %sub3A_990 = arith.subf %add3A_983, %add3A_980 : vector<16xf32>
      %mul3A_991 = arith.mulf %convert_element_type3A_941, %sub3A_990 : vector<16xf32>
      %add3A_992 = arith.addf %add3A_980, %mul3A_991 : vector<16xf32>
      %sub3A_993 = arith.subf %add3A_989, %add3A_986 : vector<16xf32>
      %mul3A_994 = arith.mulf %convert_element_type3A_941, %sub3A_993 : vector<16xf32>
      %add3A_995 = arith.addf %add3A_986, %mul3A_994 : vector<16xf32>
      %sub3A_996 = arith.subf %add3A_995, %add3A_992 : vector<16xf32>
      %mul3A_997 = arith.mulf %convert_element_type3A_945, %sub3A_996 : vector<16xf32>
      %add3A_998 = arith.addf %add3A_992, %mul3A_997 : vector<16xf32>
      %lt3A_999 = arith.constant 0 : i32
      %lt3A_1000 = vector.broadcast %lt3A_999 : i32 to vector<16xi32>
      %lt3A_1001 = arith.cmpi slt, %and3A_927, %lt3A_1000 : vector<16xi32>
      %add3A_1002 = arith.constant 16 : i32
      %add3A_1003 = vector.broadcast %add3A_1002 : i32 to vector<16xi32>
      %add3A_1004 = arith.addi %and3A_927, %add3A_1003 : vector<16xi32>
      %select_n3A_1005 = arith.select %lt3A_1001, %add3A_1004, %and3A_927 : vector<16xi1>, vector<16xi32>
      %broadcast_in_dim3A_1006 = vector.shape_cast %select_n3A_1005 : vector<16xi32> to vector<16x1xi32>
      %gather3A_1007 = vector.shape_cast %broadcast_in_dim3A_1006 : vector<16x1xi32> to vector<16xi32>
      %gather3A_1008 = tpu.dynamic_gather %add3A_998[%gather3A_1007] in [0] : vector<16xf32>, vector<16xi32> -> vector<16xf32>
      %eq3A_1009 = arith.constant 8 : i32
      %eq3A_1010 = vector.broadcast %eq3A_1009 : i32 to vector<16xi32>
      %eq3A_1011 = arith.cmpi eq, %iota3A, %eq3A_1010 : vector<16xi32>
      %select_n3A_1012 = arith.select %eq3A_1011, %gather3A_1008, %select_n3A_908 : vector<16xi1>, vector<16xf32>
      %mul3A_1013 = arith.constant 16 : i32
      %mul3A_1014 = arith.muli %scan3A_76, %mul3A_1013 : i32
      %add3A_1015 = arith.constant 9 : i32
      %add3A_1016 = arith.addi %mul3A_1014, %add3A_1015 : i32
      %broadcast_in_dim3A_1017 = arith.constant 9 : i32
      %broadcast_in_dim3A_1018 = vector.broadcast %broadcast_in_dim3A_1017 : i32 to vector<16xi32>
      %lt3A_1019 = arith.constant 0 : i32
      %lt3A_1020 = vector.broadcast %lt3A_1019 : i32 to vector<16xi32>
      %lt3A_1021 = arith.cmpi slt, %broadcast_in_dim3A_1018, %lt3A_1020 : vector<16xi32>
      %add3A_1022 = arith.constant 16 : i32
      %add3A_1023 = vector.broadcast %add3A_1022 : i32 to vector<16xi32>
      %add3A_1024 = arith.addi %broadcast_in_dim3A_1018, %add3A_1023 : vector<16xi32>
      %select_n3A_1025 = arith.select %lt3A_1021, %add3A_1024, %broadcast_in_dim3A_1018 : vector<16xi1>, vector<16xi32>
      %broadcast_in_dim3A_1026 = vector.shape_cast %select_n3A_1025 : vector<16xi32> to vector<16x1xi32>
      %gather3A_1027 = vector.shape_cast %broadcast_in_dim3A_1026 : vector<16x1xi32> to vector<16xi32>
      %gather3A_1028 = tpu.dynamic_gather %and3A_82[%gather3A_1027] in [0] : vector<16xi32>, vector<16xi32> -> vector<16xi32>
      %and3A_1029 = arith.constant 15 : i32
      %and3A_1030 = vector.broadcast %and3A_1029 : i32 to vector<16xi32>
      %and3A_1031 = arith.andi %gather3A_1028, %and3A_1030 : vector<16xi32>
      %shift_right_logical3A_1032 = arith.constant 4 : i32
      %shift_right_logical3A_1033 = vector.broadcast %shift_right_logical3A_1032 : i32 to vector<16xi32>
      %shift_right_logical3A_1034 = arith.shrui %gather3A_1028, %shift_right_logical3A_1033 : vector<16xi32>
      %and3A_1035 = arith.constant 1 : i32
      %and3A_1036 = vector.broadcast %and3A_1035 : i32 to vector<16xi32>
      %and3A_1037 = arith.andi %shift_right_logical3A_1034, %and3A_1036 : vector<16xi32>
      %convert_element_type3A_1038 = arith.sitofp %and3A_1037 : vector<16xi32> to vector<16xf32>
      %shift_right_logical3A_1039 = arith.constant 5 : i32
      %shift_right_logical3A_1040 = vector.broadcast %shift_right_logical3A_1039 : i32 to vector<16xi32>
      %shift_right_logical3A_1041 = arith.shrui %gather3A_1028, %shift_right_logical3A_1040 : vector<16xi32>
      %and3A_1042 = arith.constant 1 : i32
      %and3A_1043 = vector.broadcast %and3A_1042 : i32 to vector<16xi32>
      %and3A_1044 = arith.andi %shift_right_logical3A_1041, %and3A_1043 : vector<16xi32>
      %convert_element_type3A_1045 = arith.sitofp %and3A_1044 : vector<16xi32> to vector<16xf32>
      %shift_right_logical3A_1046 = arith.constant 6 : i32
      %shift_right_logical3A_1047 = vector.broadcast %shift_right_logical3A_1046 : i32 to vector<16xi32>
      %shift_right_logical3A_1048 = arith.shrui %gather3A_1028, %shift_right_logical3A_1047 : vector<16xi32>
      %convert_element_type3A_1049 = arith.sitofp %shift_right_logical3A_1048 : vector<16xi32> to vector<16xf32>
      %get3A_1050 = arith.index_cast %add3A_1016 : i32 to index
      %get3A_1051 = arith.constant 0 : index
      %get3A_1052 = tpu.vector_load %arg8[%get3A_1050, %get3A_1051] {strides = array<i32>} : memref<512x128xf32, #tpu.memory_space<vmem>>, vector<1x16xf32>,
      %get3A_1053 = vector.shape_cast %get3A_1052 : vector<1x16xf32> to vector<16xf32>
      %get3A_1054 = arith.index_cast %add3A_1016 : i32 to index
      %get3A_1055 = arith.constant 16 : index
      %get3A_1056 = tpu.vector_load %arg8[%get3A_1054, %get3A_1055] {strides = array<i32>} : memref<512x128xf32, #tpu.memory_space<vmem>>, vector<1x16xf32>,
      %get3A_1057 = vector.shape_cast %get3A_1056 : vector<1x16xf32> to vector<16xf32>
      %get3A_1058 = arith.index_cast %add3A_1016 : i32 to index
      %get3A_1059 = arith.constant 32 : index
      %get3A_1060 = tpu.vector_load %arg8[%get3A_1058, %get3A_1059] {strides = array<i32>} : memref<512x128xf32, #tpu.memory_space<vmem>>, vector<1x16xf32>,
      %get3A_1061 = vector.shape_cast %get3A_1060 : vector<1x16xf32> to vector<16xf32>
      %get3A_1062 = arith.index_cast %add3A_1016 : i32 to index
      %get3A_1063 = arith.constant 48 : index
      %get3A_1064 = tpu.vector_load %arg8[%get3A_1062, %get3A_1063] {strides = array<i32>} : memref<512x128xf32, #tpu.memory_space<vmem>>, vector<1x16xf32>,
      %get3A_1065 = vector.shape_cast %get3A_1064 : vector<1x16xf32> to vector<16xf32>
      %get3A_1066 = arith.index_cast %add3A_1016 : i32 to index
      %get3A_1067 = arith.constant 64 : index
      %get3A_1068 = tpu.vector_load %arg8[%get3A_1066, %get3A_1067] {strides = array<i32>} : memref<512x128xf32, #tpu.memory_space<vmem>>, vector<1x16xf32>,
      %get3A_1069 = vector.shape_cast %get3A_1068 : vector<1x16xf32> to vector<16xf32>
      %get3A_1070 = arith.index_cast %add3A_1016 : i32 to index
      %get3A_1071 = arith.constant 80 : index
      %get3A_1072 = tpu.vector_load %arg8[%get3A_1070, %get3A_1071] {strides = array<i32>} : memref<512x128xf32, #tpu.memory_space<vmem>>, vector<1x16xf32>,
      %get3A_1073 = vector.shape_cast %get3A_1072 : vector<1x16xf32> to vector<16xf32>
      %get3A_1074 = arith.index_cast %add3A_1016 : i32 to index
      %get3A_1075 = arith.constant 96 : index
      %get3A_1076 = tpu.vector_load %arg8[%get3A_1074, %get3A_1075] {strides = array<i32>} : memref<512x128xf32, #tpu.memory_space<vmem>>, vector<1x16xf32>,
      %get3A_1077 = vector.shape_cast %get3A_1076 : vector<1x16xf32> to vector<16xf32>
      %get3A_1078 = arith.index_cast %add3A_1016 : i32 to index
      %get3A_1079 = arith.constant 112 : index
      %get3A_1080 = tpu.vector_load %arg8[%get3A_1078, %get3A_1079] {strides = array<i32>} : memref<512x128xf32, #tpu.memory_space<vmem>>, vector<1x16xf32>,
      %get3A_1081 = vector.shape_cast %get3A_1080 : vector<1x16xf32> to vector<16xf32>
      %sub3A_1082 = arith.subf %get3A_1057, %get3A_1053 : vector<16xf32>
      %mul3A_1083 = arith.mulf %convert_element_type3A_1038, %sub3A_1082 : vector<16xf32>
      %add3A_1084 = arith.addf %get3A_1053, %mul3A_1083 : vector<16xf32>
      %sub3A_1085 = arith.subf %get3A_1065, %get3A_1061 : vector<16xf32>
      %mul3A_1086 = arith.mulf %convert_element_type3A_1038, %sub3A_1085 : vector<16xf32>
      %add3A_1087 = arith.addf %get3A_1061, %mul3A_1086 : vector<16xf32>
      %sub3A_1088 = arith.subf %get3A_1073, %get3A_1069 : vector<16xf32>
      %mul3A_1089 = arith.mulf %convert_element_type3A_1038, %sub3A_1088 : vector<16xf32>
      %add3A_1090 = arith.addf %get3A_1069, %mul3A_1089 : vector<16xf32>
      %sub3A_1091 = arith.subf %get3A_1081, %get3A_1077 : vector<16xf32>
      %mul3A_1092 = arith.mulf %convert_element_type3A_1038, %sub3A_1091 : vector<16xf32>
      %add3A_1093 = arith.addf %get3A_1077, %mul3A_1092 : vector<16xf32>
      %sub3A_1094 = arith.subf %add3A_1087, %add3A_1084 : vector<16xf32>
      %mul3A_1095 = arith.mulf %convert_element_type3A_1045, %sub3A_1094 : vector<16xf32>
      %add3A_1096 = arith.addf %add3A_1084, %mul3A_1095 : vector<16xf32>
      %sub3A_1097 = arith.subf %add3A_1093, %add3A_1090 : vector<16xf32>
      %mul3A_1098 = arith.mulf %convert_element_type3A_1045, %sub3A_1097 : vector<16xf32>
      %add3A_1099 = arith.addf %add3A_1090, %mul3A_1098 : vector<16xf32>
      %sub3A_1100 = arith.subf %add3A_1099, %add3A_1096 : vector<16xf32>
      %mul3A_1101 = arith.mulf %convert_element_type3A_1049, %sub3A_1100 : vector<16xf32>
      %add3A_1102 = arith.addf %add3A_1096, %mul3A_1101 : vector<16xf32>
      %lt3A_1103 = arith.constant 0 : i32
      %lt3A_1104 = vector.broadcast %lt3A_1103 : i32 to vector<16xi32>
      %lt3A_1105 = arith.cmpi slt, %and3A_1031, %lt3A_1104 : vector<16xi32>
      %add3A_1106 = arith.constant 16 : i32
      %add3A_1107 = vector.broadcast %add3A_1106 : i32 to vector<16xi32>
      %add3A_1108 = arith.addi %and3A_1031, %add3A_1107 : vector<16xi32>
      %select_n3A_1109 = arith.select %lt3A_1105, %add3A_1108, %and3A_1031 : vector<16xi1>, vector<16xi32>
      %broadcast_in_dim3A_1110 = vector.shape_cast %select_n3A_1109 : vector<16xi32> to vector<16x1xi32>
      %gather3A_1111 = vector.shape_cast %broadcast_in_dim3A_1110 : vector<16x1xi32> to vector<16xi32>
      %gather3A_1112 = tpu.dynamic_gather %add3A_1102[%gather3A_1111] in [0] : vector<16xf32>, vector<16xi32> -> vector<16xf32>
      %eq3A_1113 = arith.constant 9 : i32
      %eq3A_1114 = vector.broadcast %eq3A_1113 : i32 to vector<16xi32>
      %eq3A_1115 = arith.cmpi eq, %iota3A, %eq3A_1114 : vector<16xi32>
      %select_n3A_1116 = arith.select %eq3A_1115, %gather3A_1112, %select_n3A_1012 : vector<16xi1>, vector<16xf32>
      %mul3A_1117 = arith.constant 16 : i32
      %mul3A_1118 = arith.muli %scan3A_76, %mul3A_1117 : i32
      %add3A_1119 = arith.constant 10 : i32
      %add3A_1120 = arith.addi %mul3A_1118, %add3A_1119 : i32
      %broadcast_in_dim3A_1121 = arith.constant 10 : i32
      %broadcast_in_dim3A_1122 = vector.broadcast %broadcast_in_dim3A_1121 : i32 to vector<16xi32>
      %lt3A_1123 = arith.constant 0 : i32
      %lt3A_1124 = vector.broadcast %lt3A_1123 : i32 to vector<16xi32>
      %lt3A_1125 = arith.cmpi slt, %broadcast_in_dim3A_1122, %lt3A_1124 : vector<16xi32>
      %add3A_1126 = arith.constant 16 : i32
      %add3A_1127 = vector.broadcast %add3A_1126 : i32 to vector<16xi32>
      %add3A_1128 = arith.addi %broadcast_in_dim3A_1122, %add3A_1127 : vector<16xi32>
      %select_n3A_1129 = arith.select %lt3A_1125, %add3A_1128, %broadcast_in_dim3A_1122 : vector<16xi1>, vector<16xi32>
      %broadcast_in_dim3A_1130 = vector.shape_cast %select_n3A_1129 : vector<16xi32> to vector<16x1xi32>
      %gather3A_1131 = vector.shape_cast %broadcast_in_dim3A_1130 : vector<16x1xi32> to vector<16xi32>
      %gather3A_1132 = tpu.dynamic_gather %and3A_82[%gather3A_1131] in [0] : vector<16xi32>, vector<16xi32> -> vector<16xi32>
      %and3A_1133 = arith.constant 15 : i32
      %and3A_1134 = vector.broadcast %and3A_1133 : i32 to vector<16xi32>
      %and3A_1135 = arith.andi %gather3A_1132, %and3A_1134 : vector<16xi32>
      %shift_right_logical3A_1136 = arith.constant 4 : i32
      %shift_right_logical3A_1137 = vector.broadcast %shift_right_logical3A_1136 : i32 to vector<16xi32>
      %shift_right_logical3A_1138 = arith.shrui %gather3A_1132, %shift_right_logical3A_1137 : vector<16xi32>
      %and3A_1139 = arith.constant 1 : i32
      %and3A_1140 = vector.broadcast %and3A_1139 : i32 to vector<16xi32>
      %and3A_1141 = arith.andi %shift_right_logical3A_1138, %and3A_1140 : vector<16xi32>
      %convert_element_type3A_1142 = arith.sitofp %and3A_1141 : vector<16xi32> to vector<16xf32>
      %shift_right_logical3A_1143 = arith.constant 5 : i32
      %shift_right_logical3A_1144 = vector.broadcast %shift_right_logical3A_1143 : i32 to vector<16xi32>
      %shift_right_logical3A_1145 = arith.shrui %gather3A_1132, %shift_right_logical3A_1144 : vector<16xi32>
      %and3A_1146 = arith.constant 1 : i32
      %and3A_1147 = vector.broadcast %and3A_1146 : i32 to vector<16xi32>
      %and3A_1148 = arith.andi %shift_right_logical3A_1145, %and3A_1147 : vector<16xi32>
      %convert_element_type3A_1149 = arith.sitofp %and3A_1148 : vector<16xi32> to vector<16xf32>
      %shift_right_logical3A_1150 = arith.constant 6 : i32
      %shift_right_logical3A_1151 = vector.broadcast %shift_right_logical3A_1150 : i32 to vector<16xi32>
      %shift_right_logical3A_1152 = arith.shrui %gather3A_1132, %shift_right_logical3A_1151 : vector<16xi32>
      %convert_element_type3A_1153 = arith.sitofp %shift_right_logical3A_1152 : vector<16xi32> to vector<16xf32>
      %get3A_1154 = arith.index_cast %add3A_1120 : i32 to index
      %get3A_1155 = arith.constant 0 : index
      %get3A_1156 = tpu.vector_load %arg8[%get3A_1154, %get3A_1155] {strides = array<i32>} : memref<512x128xf32, #tpu.memory_space<vmem>>, vector<1x16xf32>,
      %get3A_1157 = vector.shape_cast %get3A_1156 : vector<1x16xf32> to vector<16xf32>
      %get3A_1158 = arith.index_cast %add3A_1120 : i32 to index
      %get3A_1159 = arith.constant 16 : index
      %get3A_1160 = tpu.vector_load %arg8[%get3A_1158, %get3A_1159] {strides = array<i32>} : memref<512x128xf32, #tpu.memory_space<vmem>>, vector<1x16xf32>,
      %get3A_1161 = vector.shape_cast %get3A_1160 : vector<1x16xf32> to vector<16xf32>
      %get3A_1162 = arith.index_cast %add3A_1120 : i32 to index
      %get3A_1163 = arith.constant 32 : index
      %get3A_1164 = tpu.vector_load %arg8[%get3A_1162, %get3A_1163] {strides = array<i32>} : memref<512x128xf32, #tpu.memory_space<vmem>>, vector<1x16xf32>,
      %get3A_1165 = vector.shape_cast %get3A_1164 : vector<1x16xf32> to vector<16xf32>
      %get3A_1166 = arith.index_cast %add3A_1120 : i32 to index
      %get3A_1167 = arith.constant 48 : index
      %get3A_1168 = tpu.vector_load %arg8[%get3A_1166, %get3A_1167] {strides = array<i32>} : memref<512x128xf32, #tpu.memory_space<vmem>>, vector<1x16xf32>,
      %get3A_1169 = vector.shape_cast %get3A_1168 : vector<1x16xf32> to vector<16xf32>
      %get3A_1170 = arith.index_cast %add3A_1120 : i32 to index
      %get3A_1171 = arith.constant 64 : index
      %get3A_1172 = tpu.vector_load %arg8[%get3A_1170, %get3A_1171] {strides = array<i32>} : memref<512x128xf32, #tpu.memory_space<vmem>>, vector<1x16xf32>,
      %get3A_1173 = vector.shape_cast %get3A_1172 : vector<1x16xf32> to vector<16xf32>
      %get3A_1174 = arith.index_cast %add3A_1120 : i32 to index
      %get3A_1175 = arith.constant 80 : index
      %get3A_1176 = tpu.vector_load %arg8[%get3A_1174, %get3A_1175] {strides = array<i32>} : memref<512x128xf32, #tpu.memory_space<vmem>>, vector<1x16xf32>,
      %get3A_1177 = vector.shape_cast %get3A_1176 : vector<1x16xf32> to vector<16xf32>
      %get3A_1178 = arith.index_cast %add3A_1120 : i32 to index
      %get3A_1179 = arith.constant 96 : index
      %get3A_1180 = tpu.vector_load %arg8[%get3A_1178, %get3A_1179] {strides = array<i32>} : memref<512x128xf32, #tpu.memory_space<vmem>>, vector<1x16xf32>,
      %get3A_1181 = vector.shape_cast %get3A_1180 : vector<1x16xf32> to vector<16xf32>
      %get3A_1182 = arith.index_cast %add3A_1120 : i32 to index
      %get3A_1183 = arith.constant 112 : index
      %get3A_1184 = tpu.vector_load %arg8[%get3A_1182, %get3A_1183] {strides = array<i32>} : memref<512x128xf32, #tpu.memory_space<vmem>>, vector<1x16xf32>,
      %get3A_1185 = vector.shape_cast %get3A_1184 : vector<1x16xf32> to vector<16xf32>
      %sub3A_1186 = arith.subf %get3A_1161, %get3A_1157 : vector<16xf32>
      %mul3A_1187 = arith.mulf %convert_element_type3A_1142, %sub3A_1186 : vector<16xf32>
      %add3A_1188 = arith.addf %get3A_1157, %mul3A_1187 : vector<16xf32>
      %sub3A_1189 = arith.subf %get3A_1169, %get3A_1165 : vector<16xf32>
      %mul3A_1190 = arith.mulf %convert_element_type3A_1142, %sub3A_1189 : vector<16xf32>
      %add3A_1191 = arith.addf %get3A_1165, %mul3A_1190 : vector<16xf32>
      %sub3A_1192 = arith.subf %get3A_1177, %get3A_1173 : vector<16xf32>
      %mul3A_1193 = arith.mulf %convert_element_type3A_1142, %sub3A_1192 : vector<16xf32>
      %add3A_1194 = arith.addf %get3A_1173, %mul3A_1193 : vector<16xf32>
      %sub3A_1195 = arith.subf %get3A_1185, %get3A_1181 : vector<16xf32>
      %mul3A_1196 = arith.mulf %convert_element_type3A_1142, %sub3A_1195 : vector<16xf32>
      %add3A_1197 = arith.addf %get3A_1181, %mul3A_1196 : vector<16xf32>
      %sub3A_1198 = arith.subf %add3A_1191, %add3A_1188 : vector<16xf32>
      %mul3A_1199 = arith.mulf %convert_element_type3A_1149, %sub3A_1198 : vector<16xf32>
      %add3A_1200 = arith.addf %add3A_1188, %mul3A_1199 : vector<16xf32>
      %sub3A_1201 = arith.subf %add3A_1197, %add3A_1194 : vector<16xf32>
      %mul3A_1202 = arith.mulf %convert_element_type3A_1149, %sub3A_1201 : vector<16xf32>
      %add3A_1203 = arith.addf %add3A_1194, %mul3A_1202 : vector<16xf32>
      %sub3A_1204 = arith.subf %add3A_1203, %add3A_1200 : vector<16xf32>
      %mul3A_1205 = arith.mulf %convert_element_type3A_1153, %sub3A_1204 : vector<16xf32>
      %add3A_1206 = arith.addf %add3A_1200, %mul3A_1205 : vector<16xf32>
      %lt3A_1207 = arith.constant 0 : i32
      %lt3A_1208 = vector.broadcast %lt3A_1207 : i32 to vector<16xi32>
      %lt3A_1209 = arith.cmpi slt, %and3A_1135, %lt3A_1208 : vector<16xi32>
      %add3A_1210 = arith.constant 16 : i32
      %add3A_1211 = vector.broadcast %add3A_1210 : i32 to vector<16xi32>
      %add3A_1212 = arith.addi %and3A_1135, %add3A_1211 : vector<16xi32>
      %select_n3A_1213 = arith.select %lt3A_1209, %add3A_1212, %and3A_1135 : vector<16xi1>, vector<16xi32>
      %broadcast_in_dim3A_1214 = vector.shape_cast %select_n3A_1213 : vector<16xi32> to vector<16x1xi32>
      %gather3A_1215 = vector.shape_cast %broadcast_in_dim3A_1214 : vector<16x1xi32> to vector<16xi32>
      %gather3A_1216 = tpu.dynamic_gather %add3A_1206[%gather3A_1215] in [0] : vector<16xf32>, vector<16xi32> -> vector<16xf32>
      %eq3A_1217 = arith.constant 10 : i32
      %eq3A_1218 = vector.broadcast %eq3A_1217 : i32 to vector<16xi32>
      %eq3A_1219 = arith.cmpi eq, %iota3A, %eq3A_1218 : vector<16xi32>
      %select_n3A_1220 = arith.select %eq3A_1219, %gather3A_1216, %select_n3A_1116 : vector<16xi1>, vector<16xf32>
      %mul3A_1221 = arith.constant 16 : i32
      %mul3A_1222 = arith.muli %scan3A_76, %mul3A_1221 : i32
      %add3A_1223 = arith.constant 11 : i32
      %add3A_1224 = arith.addi %mul3A_1222, %add3A_1223 : i32
      %broadcast_in_dim3A_1225 = arith.constant 11 : i32
      %broadcast_in_dim3A_1226 = vector.broadcast %broadcast_in_dim3A_1225 : i32 to vector<16xi32>
      %lt3A_1227 = arith.constant 0 : i32
      %lt3A_1228 = vector.broadcast %lt3A_1227 : i32 to vector<16xi32>
      %lt3A_1229 = arith.cmpi slt, %broadcast_in_dim3A_1226, %lt3A_1228 : vector<16xi32>
      %add3A_1230 = arith.constant 16 : i32
      %add3A_1231 = vector.broadcast %add3A_1230 : i32 to vector<16xi32>
      %add3A_1232 = arith.addi %broadcast_in_dim3A_1226, %add3A_1231 : vector<16xi32>
      %select_n3A_1233 = arith.select %lt3A_1229, %add3A_1232, %broadcast_in_dim3A_1226 : vector<16xi1>, vector<16xi32>
      %broadcast_in_dim3A_1234 = vector.shape_cast %select_n3A_1233 : vector<16xi32> to vector<16x1xi32>
      %gather3A_1235 = vector.shape_cast %broadcast_in_dim3A_1234 : vector<16x1xi32> to vector<16xi32>
      %gather3A_1236 = tpu.dynamic_gather %and3A_82[%gather3A_1235] in [0] : vector<16xi32>, vector<16xi32> -> vector<16xi32>
      %and3A_1237 = arith.constant 15 : i32
      %and3A_1238 = vector.broadcast %and3A_1237 : i32 to vector<16xi32>
      %and3A_1239 = arith.andi %gather3A_1236, %and3A_1238 : vector<16xi32>
      %shift_right_logical3A_1240 = arith.constant 4 : i32
      %shift_right_logical3A_1241 = vector.broadcast %shift_right_logical3A_1240 : i32 to vector<16xi32>
      %shift_right_logical3A_1242 = arith.shrui %gather3A_1236, %shift_right_logical3A_1241 : vector<16xi32>
      %and3A_1243 = arith.constant 1 : i32
      %and3A_1244 = vector.broadcast %and3A_1243 : i32 to vector<16xi32>
      %and3A_1245 = arith.andi %shift_right_logical3A_1242, %and3A_1244 : vector<16xi32>
      %convert_element_type3A_1246 = arith.sitofp %and3A_1245 : vector<16xi32> to vector<16xf32>
      %shift_right_logical3A_1247 = arith.constant 5 : i32
      %shift_right_logical3A_1248 = vector.broadcast %shift_right_logical3A_1247 : i32 to vector<16xi32>
      %shift_right_logical3A_1249 = arith.shrui %gather3A_1236, %shift_right_logical3A_1248 : vector<16xi32>
      %and3A_1250 = arith.constant 1 : i32
      %and3A_1251 = vector.broadcast %and3A_1250 : i32 to vector<16xi32>
      %and3A_1252 = arith.andi %shift_right_logical3A_1249, %and3A_1251 : vector<16xi32>
      %convert_element_type3A_1253 = arith.sitofp %and3A_1252 : vector<16xi32> to vector<16xf32>
      %shift_right_logical3A_1254 = arith.constant 6 : i32
      %shift_right_logical3A_1255 = vector.broadcast %shift_right_logical3A_1254 : i32 to vector<16xi32>
      %shift_right_logical3A_1256 = arith.shrui %gather3A_1236, %shift_right_logical3A_1255 : vector<16xi32>
      %convert_element_type3A_1257 = arith.sitofp %shift_right_logical3A_1256 : vector<16xi32> to vector<16xf32>
      %get3A_1258 = arith.index_cast %add3A_1224 : i32 to index
      %get3A_1259 = arith.constant 0 : index
      %get3A_1260 = tpu.vector_load %arg8[%get3A_1258, %get3A_1259] {strides = array<i32>} : memref<512x128xf32, #tpu.memory_space<vmem>>, vector<1x16xf32>,
      %get3A_1261 = vector.shape_cast %get3A_1260 : vector<1x16xf32> to vector<16xf32>
      %get3A_1262 = arith.index_cast %add3A_1224 : i32 to index
      %get3A_1263 = arith.constant 16 : index
      %get3A_1264 = tpu.vector_load %arg8[%get3A_1262, %get3A_1263] {strides = array<i32>} : memref<512x128xf32, #tpu.memory_space<vmem>>, vector<1x16xf32>,
      %get3A_1265 = vector.shape_cast %get3A_1264 : vector<1x16xf32> to vector<16xf32>
      %get3A_1266 = arith.index_cast %add3A_1224 : i32 to index
      %get3A_1267 = arith.constant 32 : index
      %get3A_1268 = tpu.vector_load %arg8[%get3A_1266, %get3A_1267] {strides = array<i32>} : memref<512x128xf32, #tpu.memory_space<vmem>>, vector<1x16xf32>,
      %get3A_1269 = vector.shape_cast %get3A_1268 : vector<1x16xf32> to vector<16xf32>
      %get3A_1270 = arith.index_cast %add3A_1224 : i32 to index
      %get3A_1271 = arith.constant 48 : index
      %get3A_1272 = tpu.vector_load %arg8[%get3A_1270, %get3A_1271] {strides = array<i32>} : memref<512x128xf32, #tpu.memory_space<vmem>>, vector<1x16xf32>,
      %get3A_1273 = vector.shape_cast %get3A_1272 : vector<1x16xf32> to vector<16xf32>
      %get3A_1274 = arith.index_cast %add3A_1224 : i32 to index
      %get3A_1275 = arith.constant 64 : index
      %get3A_1276 = tpu.vector_load %arg8[%get3A_1274, %get3A_1275] {strides = array<i32>} : memref<512x128xf32, #tpu.memory_space<vmem>>, vector<1x16xf32>,
      %get3A_1277 = vector.shape_cast %get3A_1276 : vector<1x16xf32> to vector<16xf32>
      %get3A_1278 = arith.index_cast %add3A_1224 : i32 to index
      %get3A_1279 = arith.constant 80 : index
      %get3A_1280 = tpu.vector_load %arg8[%get3A_1278, %get3A_1279] {strides = array<i32>} : memref<512x128xf32, #tpu.memory_space<vmem>>, vector<1x16xf32>,
      %get3A_1281 = vector.shape_cast %get3A_1280 : vector<1x16xf32> to vector<16xf32>
      %get3A_1282 = arith.index_cast %add3A_1224 : i32 to index
      %get3A_1283 = arith.constant 96 : index
      %get3A_1284 = tpu.vector_load %arg8[%get3A_1282, %get3A_1283] {strides = array<i32>} : memref<512x128xf32, #tpu.memory_space<vmem>>, vector<1x16xf32>,
      %get3A_1285 = vector.shape_cast %get3A_1284 : vector<1x16xf32> to vector<16xf32>
      %get3A_1286 = arith.index_cast %add3A_1224 : i32 to index
      %get3A_1287 = arith.constant 112 : index
      %get3A_1288 = tpu.vector_load %arg8[%get3A_1286, %get3A_1287] {strides = array<i32>} : memref<512x128xf32, #tpu.memory_space<vmem>>, vector<1x16xf32>,
      %get3A_1289 = vector.shape_cast %get3A_1288 : vector<1x16xf32> to vector<16xf32>
      %sub3A_1290 = arith.subf %get3A_1265, %get3A_1261 : vector<16xf32>
      %mul3A_1291 = arith.mulf %convert_element_type3A_1246, %sub3A_1290 : vector<16xf32>
      %add3A_1292 = arith.addf %get3A_1261, %mul3A_1291 : vector<16xf32>
      %sub3A_1293 = arith.subf %get3A_1273, %get3A_1269 : vector<16xf32>
      %mul3A_1294 = arith.mulf %convert_element_type3A_1246, %sub3A_1293 : vector<16xf32>
      %add3A_1295 = arith.addf %get3A_1269, %mul3A_1294 : vector<16xf32>
      %sub3A_1296 = arith.subf %get3A_1281, %get3A_1277 : vector<16xf32>
      %mul3A_1297 = arith.mulf %convert_element_type3A_1246, %sub3A_1296 : vector<16xf32>
      %add3A_1298 = arith.addf %get3A_1277, %mul3A_1297 : vector<16xf32>
      %sub3A_1299 = arith.subf %get3A_1289, %get3A_1285 : vector<16xf32>
      %mul3A_1300 = arith.mulf %convert_element_type3A_1246, %sub3A_1299 : vector<16xf32>
      %add3A_1301 = arith.addf %get3A_1285, %mul3A_1300 : vector<16xf32>
      %sub3A_1302 = arith.subf %add3A_1295, %add3A_1292 : vector<16xf32>
      %mul3A_1303 = arith.mulf %convert_element_type3A_1253, %sub3A_1302 : vector<16xf32>
      %add3A_1304 = arith.addf %add3A_1292, %mul3A_1303 : vector<16xf32>
      %sub3A_1305 = arith.subf %add3A_1301, %add3A_1298 : vector<16xf32>
      %mul3A_1306 = arith.mulf %convert_element_type3A_1253, %sub3A_1305 : vector<16xf32>
      %add3A_1307 = arith.addf %add3A_1298, %mul3A_1306 : vector<16xf32>
      %sub3A_1308 = arith.subf %add3A_1307, %add3A_1304 : vector<16xf32>
      %mul3A_1309 = arith.mulf %convert_element_type3A_1257, %sub3A_1308 : vector<16xf32>
      %add3A_1310 = arith.addf %add3A_1304, %mul3A_1309 : vector<16xf32>
      %lt3A_1311 = arith.constant 0 : i32
      %lt3A_1312 = vector.broadcast %lt3A_1311 : i32 to vector<16xi32>
      %lt3A_1313 = arith.cmpi slt, %and3A_1239, %lt3A_1312 : vector<16xi32>
      %add3A_1314 = arith.constant 16 : i32
      %add3A_1315 = vector.broadcast %add3A_1314 : i32 to vector<16xi32>
      %add3A_1316 = arith.addi %and3A_1239, %add3A_1315 : vector<16xi32>
      %select_n3A_1317 = arith.select %lt3A_1313, %add3A_1316, %and3A_1239 : vector<16xi1>, vector<16xi32>
      %broadcast_in_dim3A_1318 = vector.shape_cast %select_n3A_1317 : vector<16xi32> to vector<16x1xi32>
      %gather3A_1319 = vector.shape_cast %broadcast_in_dim3A_1318 : vector<16x1xi32> to vector<16xi32>
      %gather3A_1320 = tpu.dynamic_gather %add3A_1310[%gather3A_1319] in [0] : vector<16xf32>, vector<16xi32> -> vector<16xf32>
      %eq3A_1321 = arith.constant 11 : i32
      %eq3A_1322 = vector.broadcast %eq3A_1321 : i32 to vector<16xi32>
      %eq3A_1323 = arith.cmpi eq, %iota3A, %eq3A_1322 : vector<16xi32>
      %select_n3A_1324 = arith.select %eq3A_1323, %gather3A_1320, %select_n3A_1220 : vector<16xi1>, vector<16xf32>
      %mul3A_1325 = arith.constant 16 : i32
      %mul3A_1326 = arith.muli %scan3A_76, %mul3A_1325 : i32
      %add3A_1327 = arith.constant 12 : i32
      %add3A_1328 = arith.addi %mul3A_1326, %add3A_1327 : i32
      %broadcast_in_dim3A_1329 = arith.constant 12 : i32
      %broadcast_in_dim3A_1330 = vector.broadcast %broadcast_in_dim3A_1329 : i32 to vector<16xi32>
      %lt3A_1331 = arith.constant 0 : i32
      %lt3A_1332 = vector.broadcast %lt3A_1331 : i32 to vector<16xi32>
      %lt3A_1333 = arith.cmpi slt, %broadcast_in_dim3A_1330, %lt3A_1332 : vector<16xi32>
      %add3A_1334 = arith.constant 16 : i32
      %add3A_1335 = vector.broadcast %add3A_1334 : i32 to vector<16xi32>
      %add3A_1336 = arith.addi %broadcast_in_dim3A_1330, %add3A_1335 : vector<16xi32>
      %select_n3A_1337 = arith.select %lt3A_1333, %add3A_1336, %broadcast_in_dim3A_1330 : vector<16xi1>, vector<16xi32>
      %broadcast_in_dim3A_1338 = vector.shape_cast %select_n3A_1337 : vector<16xi32> to vector<16x1xi32>
      %gather3A_1339 = vector.shape_cast %broadcast_in_dim3A_1338 : vector<16x1xi32> to vector<16xi32>
      %gather3A_1340 = tpu.dynamic_gather %and3A_82[%gather3A_1339] in [0] : vector<16xi32>, vector<16xi32> -> vector<16xi32>
      %and3A_1341 = arith.constant 15 : i32
      %and3A_1342 = vector.broadcast %and3A_1341 : i32 to vector<16xi32>
      %and3A_1343 = arith.andi %gather3A_1340, %and3A_1342 : vector<16xi32>
      %shift_right_logical3A_1344 = arith.constant 4 : i32
      %shift_right_logical3A_1345 = vector.broadcast %shift_right_logical3A_1344 : i32 to vector<16xi32>
      %shift_right_logical3A_1346 = arith.shrui %gather3A_1340, %shift_right_logical3A_1345 : vector<16xi32>
      %and3A_1347 = arith.constant 1 : i32
      %and3A_1348 = vector.broadcast %and3A_1347 : i32 to vector<16xi32>
      %and3A_1349 = arith.andi %shift_right_logical3A_1346, %and3A_1348 : vector<16xi32>
      %convert_element_type3A_1350 = arith.sitofp %and3A_1349 : vector<16xi32> to vector<16xf32>
      %shift_right_logical3A_1351 = arith.constant 5 : i32
      %shift_right_logical3A_1352 = vector.broadcast %shift_right_logical3A_1351 : i32 to vector<16xi32>
      %shift_right_logical3A_1353 = arith.shrui %gather3A_1340, %shift_right_logical3A_1352 : vector<16xi32>
      %and3A_1354 = arith.constant 1 : i32
      %and3A_1355 = vector.broadcast %and3A_1354 : i32 to vector<16xi32>
      %and3A_1356 = arith.andi %shift_right_logical3A_1353, %and3A_1355 : vector<16xi32>
      %convert_element_type3A_1357 = arith.sitofp %and3A_1356 : vector<16xi32> to vector<16xf32>
      %shift_right_logical3A_1358 = arith.constant 6 : i32
      %shift_right_logical3A_1359 = vector.broadcast %shift_right_logical3A_1358 : i32 to vector<16xi32>
      %shift_right_logical3A_1360 = arith.shrui %gather3A_1340, %shift_right_logical3A_1359 : vector<16xi32>
      %convert_element_type3A_1361 = arith.sitofp %shift_right_logical3A_1360 : vector<16xi32> to vector<16xf32>
      %get3A_1362 = arith.index_cast %add3A_1328 : i32 to index
      %get3A_1363 = arith.constant 0 : index
      %get3A_1364 = tpu.vector_load %arg8[%get3A_1362, %get3A_1363] {strides = array<i32>} : memref<512x128xf32, #tpu.memory_space<vmem>>, vector<1x16xf32>,
      %get3A_1365 = vector.shape_cast %get3A_1364 : vector<1x16xf32> to vector<16xf32>
      %get3A_1366 = arith.index_cast %add3A_1328 : i32 to index
      %get3A_1367 = arith.constant 16 : index
      %get3A_1368 = tpu.vector_load %arg8[%get3A_1366, %get3A_1367] {strides = array<i32>} : memref<512x128xf32, #tpu.memory_space<vmem>>, vector<1x16xf32>,
      %get3A_1369 = vector.shape_cast %get3A_1368 : vector<1x16xf32> to vector<16xf32>
      %get3A_1370 = arith.index_cast %add3A_1328 : i32 to index
      %get3A_1371 = arith.constant 32 : index
      %get3A_1372 = tpu.vector_load %arg8[%get3A_1370, %get3A_1371] {strides = array<i32>} : memref<512x128xf32, #tpu.memory_space<vmem>>, vector<1x16xf32>,
      %get3A_1373 = vector.shape_cast %get3A_1372 : vector<1x16xf32> to vector<16xf32>
      %get3A_1374 = arith.index_cast %add3A_1328 : i32 to index
      %get3A_1375 = arith.constant 48 : index
      %get3A_1376 = tpu.vector_load %arg8[%get3A_1374, %get3A_1375] {strides = array<i32>} : memref<512x128xf32, #tpu.memory_space<vmem>>, vector<1x16xf32>,
      %get3A_1377 = vector.shape_cast %get3A_1376 : vector<1x16xf32> to vector<16xf32>
      %get3A_1378 = arith.index_cast %add3A_1328 : i32 to index
      %get3A_1379 = arith.constant 64 : index
      %get3A_1380 = tpu.vector_load %arg8[%get3A_1378, %get3A_1379] {strides = array<i32>} : memref<512x128xf32, #tpu.memory_space<vmem>>, vector<1x16xf32>,
      %get3A_1381 = vector.shape_cast %get3A_1380 : vector<1x16xf32> to vector<16xf32>
      %get3A_1382 = arith.index_cast %add3A_1328 : i32 to index
      %get3A_1383 = arith.constant 80 : index
      %get3A_1384 = tpu.vector_load %arg8[%get3A_1382, %get3A_1383] {strides = array<i32>} : memref<512x128xf32, #tpu.memory_space<vmem>>, vector<1x16xf32>,
      %get3A_1385 = vector.shape_cast %get3A_1384 : vector<1x16xf32> to vector<16xf32>
      %get3A_1386 = arith.index_cast %add3A_1328 : i32 to index
      %get3A_1387 = arith.constant 96 : index
      %get3A_1388 = tpu.vector_load %arg8[%get3A_1386, %get3A_1387] {strides = array<i32>} : memref<512x128xf32, #tpu.memory_space<vmem>>, vector<1x16xf32>,
      %get3A_1389 = vector.shape_cast %get3A_1388 : vector<1x16xf32> to vector<16xf32>
      %get3A_1390 = arith.index_cast %add3A_1328 : i32 to index
      %get3A_1391 = arith.constant 112 : index
      %get3A_1392 = tpu.vector_load %arg8[%get3A_1390, %get3A_1391] {strides = array<i32>} : memref<512x128xf32, #tpu.memory_space<vmem>>, vector<1x16xf32>,
      %get3A_1393 = vector.shape_cast %get3A_1392 : vector<1x16xf32> to vector<16xf32>
      %sub3A_1394 = arith.subf %get3A_1369, %get3A_1365 : vector<16xf32>
      %mul3A_1395 = arith.mulf %convert_element_type3A_1350, %sub3A_1394 : vector<16xf32>
      %add3A_1396 = arith.addf %get3A_1365, %mul3A_1395 : vector<16xf32>
      %sub3A_1397 = arith.subf %get3A_1377, %get3A_1373 : vector<16xf32>
      %mul3A_1398 = arith.mulf %convert_element_type3A_1350, %sub3A_1397 : vector<16xf32>
      %add3A_1399 = arith.addf %get3A_1373, %mul3A_1398 : vector<16xf32>
      %sub3A_1400 = arith.subf %get3A_1385, %get3A_1381 : vector<16xf32>
      %mul3A_1401 = arith.mulf %convert_element_type3A_1350, %sub3A_1400 : vector<16xf32>
      %add3A_1402 = arith.addf %get3A_1381, %mul3A_1401 : vector<16xf32>
      %sub3A_1403 = arith.subf %get3A_1393, %get3A_1389 : vector<16xf32>
      %mul3A_1404 = arith.mulf %convert_element_type3A_1350, %sub3A_1403 : vector<16xf32>
      %add3A_1405 = arith.addf %get3A_1389, %mul3A_1404 : vector<16xf32>
      %sub3A_1406 = arith.subf %add3A_1399, %add3A_1396 : vector<16xf32>
      %mul3A_1407 = arith.mulf %convert_element_type3A_1357, %sub3A_1406 : vector<16xf32>
      %add3A_1408 = arith.addf %add3A_1396, %mul3A_1407 : vector<16xf32>
      %sub3A_1409 = arith.subf %add3A_1405, %add3A_1402 : vector<16xf32>
      %mul3A_1410 = arith.mulf %convert_element_type3A_1357, %sub3A_1409 : vector<16xf32>
      %add3A_1411 = arith.addf %add3A_1402, %mul3A_1410 : vector<16xf32>
      %sub3A_1412 = arith.subf %add3A_1411, %add3A_1408 : vector<16xf32>
      %mul3A_1413 = arith.mulf %convert_element_type3A_1361, %sub3A_1412 : vector<16xf32>
      %add3A_1414 = arith.addf %add3A_1408, %mul3A_1413 : vector<16xf32>
      %lt3A_1415 = arith.constant 0 : i32
      %lt3A_1416 = vector.broadcast %lt3A_1415 : i32 to vector<16xi32>
      %lt3A_1417 = arith.cmpi slt, %and3A_1343, %lt3A_1416 : vector<16xi32>
      %add3A_1418 = arith.constant 16 : i32
      %add3A_1419 = vector.broadcast %add3A_1418 : i32 to vector<16xi32>
      %add3A_1420 = arith.addi %and3A_1343, %add3A_1419 : vector<16xi32>
      %select_n3A_1421 = arith.select %lt3A_1417, %add3A_1420, %and3A_1343 : vector<16xi1>, vector<16xi32>
      %broadcast_in_dim3A_1422 = vector.shape_cast %select_n3A_1421 : vector<16xi32> to vector<16x1xi32>
      %gather3A_1423 = vector.shape_cast %broadcast_in_dim3A_1422 : vector<16x1xi32> to vector<16xi32>
      %gather3A_1424 = tpu.dynamic_gather %add3A_1414[%gather3A_1423] in [0] : vector<16xf32>, vector<16xi32> -> vector<16xf32>
      %eq3A_1425 = arith.constant 12 : i32
      %eq3A_1426 = vector.broadcast %eq3A_1425 : i32 to vector<16xi32>
      %eq3A_1427 = arith.cmpi eq, %iota3A, %eq3A_1426 : vector<16xi32>
      %select_n3A_1428 = arith.select %eq3A_1427, %gather3A_1424, %select_n3A_1324 : vector<16xi1>, vector<16xf32>
      %mul3A_1429 = arith.constant 16 : i32
      %mul3A_1430 = arith.muli %scan3A_76, %mul3A_1429 : i32
      %add3A_1431 = arith.constant 13 : i32
      %add3A_1432 = arith.addi %mul3A_1430, %add3A_1431 : i32
      %broadcast_in_dim3A_1433 = arith.constant 13 : i32
      %broadcast_in_dim3A_1434 = vector.broadcast %broadcast_in_dim3A_1433 : i32 to vector<16xi32>
      %lt3A_1435 = arith.constant 0 : i32
      %lt3A_1436 = vector.broadcast %lt3A_1435 : i32 to vector<16xi32>
      %lt3A_1437 = arith.cmpi slt, %broadcast_in_dim3A_1434, %lt3A_1436 : vector<16xi32>
      %add3A_1438 = arith.constant 16 : i32
      %add3A_1439 = vector.broadcast %add3A_1438 : i32 to vector<16xi32>
      %add3A_1440 = arith.addi %broadcast_in_dim3A_1434, %add3A_1439 : vector<16xi32>
      %select_n3A_1441 = arith.select %lt3A_1437, %add3A_1440, %broadcast_in_dim3A_1434 : vector<16xi1>, vector<16xi32>
      %broadcast_in_dim3A_1442 = vector.shape_cast %select_n3A_1441 : vector<16xi32> to vector<16x1xi32>
      %gather3A_1443 = vector.shape_cast %broadcast_in_dim3A_1442 : vector<16x1xi32> to vector<16xi32>
      %gather3A_1444 = tpu.dynamic_gather %and3A_82[%gather3A_1443] in [0] : vector<16xi32>, vector<16xi32> -> vector<16xi32>
      %and3A_1445 = arith.constant 15 : i32
      %and3A_1446 = vector.broadcast %and3A_1445 : i32 to vector<16xi32>
      %and3A_1447 = arith.andi %gather3A_1444, %and3A_1446 : vector<16xi32>
      %shift_right_logical3A_1448 = arith.constant 4 : i32
      %shift_right_logical3A_1449 = vector.broadcast %shift_right_logical3A_1448 : i32 to vector<16xi32>
      %shift_right_logical3A_1450 = arith.shrui %gather3A_1444, %shift_right_logical3A_1449 : vector<16xi32>
      %and3A_1451 = arith.constant 1 : i32
      %and3A_1452 = vector.broadcast %and3A_1451 : i32 to vector<16xi32>
      %and3A_1453 = arith.andi %shift_right_logical3A_1450, %and3A_1452 : vector<16xi32>
      %convert_element_type3A_1454 = arith.sitofp %and3A_1453 : vector<16xi32> to vector<16xf32>
      %shift_right_logical3A_1455 = arith.constant 5 : i32
      %shift_right_logical3A_1456 = vector.broadcast %shift_right_logical3A_1455 : i32 to vector<16xi32>
      %shift_right_logical3A_1457 = arith.shrui %gather3A_1444, %shift_right_logical3A_1456 : vector<16xi32>
      %and3A_1458 = arith.constant 1 : i32
      %and3A_1459 = vector.broadcast %and3A_1458 : i32 to vector<16xi32>
      %and3A_1460 = arith.andi %shift_right_logical3A_1457, %and3A_1459 : vector<16xi32>
      %convert_element_type3A_1461 = arith.sitofp %and3A_1460 : vector<16xi32> to vector<16xf32>
      %shift_right_logical3A_1462 = arith.constant 6 : i32
      %shift_right_logical3A_1463 = vector.broadcast %shift_right_logical3A_1462 : i32 to vector<16xi32>
      %shift_right_logical3A_1464 = arith.shrui %gather3A_1444, %shift_right_logical3A_1463 : vector<16xi32>
      %convert_element_type3A_1465 = arith.sitofp %shift_right_logical3A_1464 : vector<16xi32> to vector<16xf32>
      %get3A_1466 = arith.index_cast %add3A_1432 : i32 to index
      %get3A_1467 = arith.constant 0 : index
      %get3A_1468 = tpu.vector_load %arg8[%get3A_1466, %get3A_1467] {strides = array<i32>} : memref<512x128xf32, #tpu.memory_space<vmem>>, vector<1x16xf32>,
      %get3A_1469 = vector.shape_cast %get3A_1468 : vector<1x16xf32> to vector<16xf32>
      %get3A_1470 = arith.index_cast %add3A_1432 : i32 to index
      %get3A_1471 = arith.constant 16 : index
      %get3A_1472 = tpu.vector_load %arg8[%get3A_1470, %get3A_1471] {strides = array<i32>} : memref<512x128xf32, #tpu.memory_space<vmem>>, vector<1x16xf32>,
      %get3A_1473 = vector.shape_cast %get3A_1472 : vector<1x16xf32> to vector<16xf32>
      %get3A_1474 = arith.index_cast %add3A_1432 : i32 to index
      %get3A_1475 = arith.constant 32 : index
      %get3A_1476 = tpu.vector_load %arg8[%get3A_1474, %get3A_1475] {strides = array<i32>} : memref<512x128xf32, #tpu.memory_space<vmem>>, vector<1x16xf32>,
      %get3A_1477 = vector.shape_cast %get3A_1476 : vector<1x16xf32> to vector<16xf32>
      %get3A_1478 = arith.index_cast %add3A_1432 : i32 to index
      %get3A_1479 = arith.constant 48 : index
      %get3A_1480 = tpu.vector_load %arg8[%get3A_1478, %get3A_1479] {strides = array<i32>} : memref<512x128xf32, #tpu.memory_space<vmem>>, vector<1x16xf32>,
      %get3A_1481 = vector.shape_cast %get3A_1480 : vector<1x16xf32> to vector<16xf32>
      %get3A_1482 = arith.index_cast %add3A_1432 : i32 to index
      %get3A_1483 = arith.constant 64 : index
      %get3A_1484 = tpu.vector_load %arg8[%get3A_1482, %get3A_1483] {strides = array<i32>} : memref<512x128xf32, #tpu.memory_space<vmem>>, vector<1x16xf32>,
      %get3A_1485 = vector.shape_cast %get3A_1484 : vector<1x16xf32> to vector<16xf32>
      %get3A_1486 = arith.index_cast %add3A_1432 : i32 to index
      %get3A_1487 = arith.constant 80 : index
      %get3A_1488 = tpu.vector_load %arg8[%get3A_1486, %get3A_1487] {strides = array<i32>} : memref<512x128xf32, #tpu.memory_space<vmem>>, vector<1x16xf32>,
      %get3A_1489 = vector.shape_cast %get3A_1488 : vector<1x16xf32> to vector<16xf32>
      %get3A_1490 = arith.index_cast %add3A_1432 : i32 to index
      %get3A_1491 = arith.constant 96 : index
      %get3A_1492 = tpu.vector_load %arg8[%get3A_1490, %get3A_1491] {strides = array<i32>} : memref<512x128xf32, #tpu.memory_space<vmem>>, vector<1x16xf32>,
      %get3A_1493 = vector.shape_cast %get3A_1492 : vector<1x16xf32> to vector<16xf32>
      %get3A_1494 = arith.index_cast %add3A_1432 : i32 to index
      %get3A_1495 = arith.constant 112 : index
      %get3A_1496 = tpu.vector_load %arg8[%get3A_1494, %get3A_1495] {strides = array<i32>} : memref<512x128xf32, #tpu.memory_space<vmem>>, vector<1x16xf32>,
      %get3A_1497 = vector.shape_cast %get3A_1496 : vector<1x16xf32> to vector<16xf32>
      %sub3A_1498 = arith.subf %get3A_1473, %get3A_1469 : vector<16xf32>
      %mul3A_1499 = arith.mulf %convert_element_type3A_1454, %sub3A_1498 : vector<16xf32>
      %add3A_1500 = arith.addf %get3A_1469, %mul3A_1499 : vector<16xf32>
      %sub3A_1501 = arith.subf %get3A_1481, %get3A_1477 : vector<16xf32>
      %mul3A_1502 = arith.mulf %convert_element_type3A_1454, %sub3A_1501 : vector<16xf32>
      %add3A_1503 = arith.addf %get3A_1477, %mul3A_1502 : vector<16xf32>
      %sub3A_1504 = arith.subf %get3A_1489, %get3A_1485 : vector<16xf32>
      %mul3A_1505 = arith.mulf %convert_element_type3A_1454, %sub3A_1504 : vector<16xf32>
      %add3A_1506 = arith.addf %get3A_1485, %mul3A_1505 : vector<16xf32>
      %sub3A_1507 = arith.subf %get3A_1497, %get3A_1493 : vector<16xf32>
      %mul3A_1508 = arith.mulf %convert_element_type3A_1454, %sub3A_1507 : vector<16xf32>
      %add3A_1509 = arith.addf %get3A_1493, %mul3A_1508 : vector<16xf32>
      %sub3A_1510 = arith.subf %add3A_1503, %add3A_1500 : vector<16xf32>
      %mul3A_1511 = arith.mulf %convert_element_type3A_1461, %sub3A_1510 : vector<16xf32>
      %add3A_1512 = arith.addf %add3A_1500, %mul3A_1511 : vector<16xf32>
      %sub3A_1513 = arith.subf %add3A_1509, %add3A_1506 : vector<16xf32>
      %mul3A_1514 = arith.mulf %convert_element_type3A_1461, %sub3A_1513 : vector<16xf32>
      %add3A_1515 = arith.addf %add3A_1506, %mul3A_1514 : vector<16xf32>
      %sub3A_1516 = arith.subf %add3A_1515, %add3A_1512 : vector<16xf32>
      %mul3A_1517 = arith.mulf %convert_element_type3A_1465, %sub3A_1516 : vector<16xf32>
      %add3A_1518 = arith.addf %add3A_1512, %mul3A_1517 : vector<16xf32>
      %lt3A_1519 = arith.constant 0 : i32
      %lt3A_1520 = vector.broadcast %lt3A_1519 : i32 to vector<16xi32>
      %lt3A_1521 = arith.cmpi slt, %and3A_1447, %lt3A_1520 : vector<16xi32>
      %add3A_1522 = arith.constant 16 : i32
      %add3A_1523 = vector.broadcast %add3A_1522 : i32 to vector<16xi32>
      %add3A_1524 = arith.addi %and3A_1447, %add3A_1523 : vector<16xi32>
      %select_n3A_1525 = arith.select %lt3A_1521, %add3A_1524, %and3A_1447 : vector<16xi1>, vector<16xi32>
      %broadcast_in_dim3A_1526 = vector.shape_cast %select_n3A_1525 : vector<16xi32> to vector<16x1xi32>
      %gather3A_1527 = vector.shape_cast %broadcast_in_dim3A_1526 : vector<16x1xi32> to vector<16xi32>
      %gather3A_1528 = tpu.dynamic_gather %add3A_1518[%gather3A_1527] in [0] : vector<16xf32>, vector<16xi32> -> vector<16xf32>
      %eq3A_1529 = arith.constant 13 : i32
      %eq3A_1530 = vector.broadcast %eq3A_1529 : i32 to vector<16xi32>
      %eq3A_1531 = arith.cmpi eq, %iota3A, %eq3A_1530 : vector<16xi32>
      %select_n3A_1532 = arith.select %eq3A_1531, %gather3A_1528, %select_n3A_1428 : vector<16xi1>, vector<16xf32>
      %mul3A_1533 = arith.constant 16 : i32
      %mul3A_1534 = arith.muli %scan3A_76, %mul3A_1533 : i32
      %add3A_1535 = arith.constant 14 : i32
      %add3A_1536 = arith.addi %mul3A_1534, %add3A_1535 : i32
      %broadcast_in_dim3A_1537 = arith.constant 14 : i32
      %broadcast_in_dim3A_1538 = vector.broadcast %broadcast_in_dim3A_1537 : i32 to vector<16xi32>
      %lt3A_1539 = arith.constant 0 : i32
      %lt3A_1540 = vector.broadcast %lt3A_1539 : i32 to vector<16xi32>
      %lt3A_1541 = arith.cmpi slt, %broadcast_in_dim3A_1538, %lt3A_1540 : vector<16xi32>
      %add3A_1542 = arith.constant 16 : i32
      %add3A_1543 = vector.broadcast %add3A_1542 : i32 to vector<16xi32>
      %add3A_1544 = arith.addi %broadcast_in_dim3A_1538, %add3A_1543 : vector<16xi32>
      %select_n3A_1545 = arith.select %lt3A_1541, %add3A_1544, %broadcast_in_dim3A_1538 : vector<16xi1>, vector<16xi32>
      %broadcast_in_dim3A_1546 = vector.shape_cast %select_n3A_1545 : vector<16xi32> to vector<16x1xi32>
      %gather3A_1547 = vector.shape_cast %broadcast_in_dim3A_1546 : vector<16x1xi32> to vector<16xi32>
      %gather3A_1548 = tpu.dynamic_gather %and3A_82[%gather3A_1547] in [0] : vector<16xi32>, vector<16xi32> -> vector<16xi32>
      %and3A_1549 = arith.constant 15 : i32
      %and3A_1550 = vector.broadcast %and3A_1549 : i32 to vector<16xi32>
      %and3A_1551 = arith.andi %gather3A_1548, %and3A_1550 : vector<16xi32>
      %shift_right_logical3A_1552 = arith.constant 4 : i32
      %shift_right_logical3A_1553 = vector.broadcast %shift_right_logical3A_1552 : i32 to vector<16xi32>
      %shift_right_logical3A_1554 = arith.shrui %gather3A_1548, %shift_right_logical3A_1553 : vector<16xi32>
      %and3A_1555 = arith.constant 1 : i32
      %and3A_1556 = vector.broadcast %and3A_1555 : i32 to vector<16xi32>
      %and3A_1557 = arith.andi %shift_right_logical3A_1554, %and3A_1556 : vector<16xi32>
      %convert_element_type3A_1558 = arith.sitofp %and3A_1557 : vector<16xi32> to vector<16xf32>
      %shift_right_logical3A_1559 = arith.constant 5 : i32
      %shift_right_logical3A_1560 = vector.broadcast %shift_right_logical3A_1559 : i32 to vector<16xi32>
      %shift_right_logical3A_1561 = arith.shrui %gather3A_1548, %shift_right_logical3A_1560 : vector<16xi32>
      %and3A_1562 = arith.constant 1 : i32
      %and3A_1563 = vector.broadcast %and3A_1562 : i32 to vector<16xi32>
      %and3A_1564 = arith.andi %shift_right_logical3A_1561, %and3A_1563 : vector<16xi32>
      %convert_element_type3A_1565 = arith.sitofp %and3A_1564 : vector<16xi32> to vector<16xf32>
      %shift_right_logical3A_1566 = arith.constant 6 : i32
      %shift_right_logical3A_1567 = vector.broadcast %shift_right_logical3A_1566 : i32 to vector<16xi32>
      %shift_right_logical3A_1568 = arith.shrui %gather3A_1548, %shift_right_logical3A_1567 : vector<16xi32>
      %convert_element_type3A_1569 = arith.sitofp %shift_right_logical3A_1568 : vector<16xi32> to vector<16xf32>
      %get3A_1570 = arith.index_cast %add3A_1536 : i32 to index
      %get3A_1571 = arith.constant 0 : index
      %get3A_1572 = tpu.vector_load %arg8[%get3A_1570, %get3A_1571] {strides = array<i32>} : memref<512x128xf32, #tpu.memory_space<vmem>>, vector<1x16xf32>,
      %get3A_1573 = vector.shape_cast %get3A_1572 : vector<1x16xf32> to vector<16xf32>
      %get3A_1574 = arith.index_cast %add3A_1536 : i32 to index
      %get3A_1575 = arith.constant 16 : index
      %get3A_1576 = tpu.vector_load %arg8[%get3A_1574, %get3A_1575] {strides = array<i32>} : memref<512x128xf32, #tpu.memory_space<vmem>>, vector<1x16xf32>,
      %get3A_1577 = vector.shape_cast %get3A_1576 : vector<1x16xf32> to vector<16xf32>
      %get3A_1578 = arith.index_cast %add3A_1536 : i32 to index
      %get3A_1579 = arith.constant 32 : index
      %get3A_1580 = tpu.vector_load %arg8[%get3A_1578, %get3A_1579] {strides = array<i32>} : memref<512x128xf32, #tpu.memory_space<vmem>>, vector<1x16xf32>,
      %get3A_1581 = vector.shape_cast %get3A_1580 : vector<1x16xf32> to vector<16xf32>
      %get3A_1582 = arith.index_cast %add3A_1536 : i32 to index
      %get3A_1583 = arith.constant 48 : index
      %get3A_1584 = tpu.vector_load %arg8[%get3A_1582, %get3A_1583] {strides = array<i32>} : memref<512x128xf32, #tpu.memory_space<vmem>>, vector<1x16xf32>,
      %get3A_1585 = vector.shape_cast %get3A_1584 : vector<1x16xf32> to vector<16xf32>
      %get3A_1586 = arith.index_cast %add3A_1536 : i32 to index
      %get3A_1587 = arith.constant 64 : index
      %get3A_1588 = tpu.vector_load %arg8[%get3A_1586, %get3A_1587] {strides = array<i32>} : memref<512x128xf32, #tpu.memory_space<vmem>>, vector<1x16xf32>,
      %get3A_1589 = vector.shape_cast %get3A_1588 : vector<1x16xf32> to vector<16xf32>
      %get3A_1590 = arith.index_cast %add3A_1536 : i32 to index
      %get3A_1591 = arith.constant 80 : index
      %get3A_1592 = tpu.vector_load %arg8[%get3A_1590, %get3A_1591] {strides = array<i32>} : memref<512x128xf32, #tpu.memory_space<vmem>>, vector<1x16xf32>,
      %get3A_1593 = vector.shape_cast %get3A_1592 : vector<1x16xf32> to vector<16xf32>
      %get3A_1594 = arith.index_cast %add3A_1536 : i32 to index
      %get3A_1595 = arith.constant 96 : index
      %get3A_1596 = tpu.vector_load %arg8[%get3A_1594, %get3A_1595] {strides = array<i32>} : memref<512x128xf32, #tpu.memory_space<vmem>>, vector<1x16xf32>,
      %get3A_1597 = vector.shape_cast %get3A_1596 : vector<1x16xf32> to vector<16xf32>
      %get3A_1598 = arith.index_cast %add3A_1536 : i32 to index
      %get3A_1599 = arith.constant 112 : index
      %get3A_1600 = tpu.vector_load %arg8[%get3A_1598, %get3A_1599] {strides = array<i32>} : memref<512x128xf32, #tpu.memory_space<vmem>>, vector<1x16xf32>,
      %get3A_1601 = vector.shape_cast %get3A_1600 : vector<1x16xf32> to vector<16xf32>
      %sub3A_1602 = arith.subf %get3A_1577, %get3A_1573 : vector<16xf32>
      %mul3A_1603 = arith.mulf %convert_element_type3A_1558, %sub3A_1602 : vector<16xf32>
      %add3A_1604 = arith.addf %get3A_1573, %mul3A_1603 : vector<16xf32>
      %sub3A_1605 = arith.subf %get3A_1585, %get3A_1581 : vector<16xf32>
      %mul3A_1606 = arith.mulf %convert_element_type3A_1558, %sub3A_1605 : vector<16xf32>
      %add3A_1607 = arith.addf %get3A_1581, %mul3A_1606 : vector<16xf32>
      %sub3A_1608 = arith.subf %get3A_1593, %get3A_1589 : vector<16xf32>
      %mul3A_1609 = arith.mulf %convert_element_type3A_1558, %sub3A_1608 : vector<16xf32>
      %add3A_1610 = arith.addf %get3A_1589, %mul3A_1609 : vector<16xf32>
      %sub3A_1611 = arith.subf %get3A_1601, %get3A_1597 : vector<16xf32>
      %mul3A_1612 = arith.mulf %convert_element_type3A_1558, %sub3A_1611 : vector<16xf32>
      %add3A_1613 = arith.addf %get3A_1597, %mul3A_1612 : vector<16xf32>
      %sub3A_1614 = arith.subf %add3A_1607, %add3A_1604 : vector<16xf32>
      %mul3A_1615 = arith.mulf %convert_element_type3A_1565, %sub3A_1614 : vector<16xf32>
      %add3A_1616 = arith.addf %add3A_1604, %mul3A_1615 : vector<16xf32>
      %sub3A_1617 = arith.subf %add3A_1613, %add3A_1610 : vector<16xf32>
      %mul3A_1618 = arith.mulf %convert_element_type3A_1565, %sub3A_1617 : vector<16xf32>
      %add3A_1619 = arith.addf %add3A_1610, %mul3A_1618 : vector<16xf32>
      %sub3A_1620 = arith.subf %add3A_1619, %add3A_1616 : vector<16xf32>
      %mul3A_1621 = arith.mulf %convert_element_type3A_1569, %sub3A_1620 : vector<16xf32>
      %add3A_1622 = arith.addf %add3A_1616, %mul3A_1621 : vector<16xf32>
      %lt3A_1623 = arith.constant 0 : i32
      %lt3A_1624 = vector.broadcast %lt3A_1623 : i32 to vector<16xi32>
      %lt3A_1625 = arith.cmpi slt, %and3A_1551, %lt3A_1624 : vector<16xi32>
      %add3A_1626 = arith.constant 16 : i32
      %add3A_1627 = vector.broadcast %add3A_1626 : i32 to vector<16xi32>
      %add3A_1628 = arith.addi %and3A_1551, %add3A_1627 : vector<16xi32>
      %select_n3A_1629 = arith.select %lt3A_1625, %add3A_1628, %and3A_1551 : vector<16xi1>, vector<16xi32>
      %broadcast_in_dim3A_1630 = vector.shape_cast %select_n3A_1629 : vector<16xi32> to vector<16x1xi32>
      %gather3A_1631 = vector.shape_cast %broadcast_in_dim3A_1630 : vector<16x1xi32> to vector<16xi32>
      %gather3A_1632 = tpu.dynamic_gather %add3A_1622[%gather3A_1631] in [0] : vector<16xf32>, vector<16xi32> -> vector<16xf32>
      %eq3A_1633 = arith.constant 14 : i32
      %eq3A_1634 = vector.broadcast %eq3A_1633 : i32 to vector<16xi32>
      %eq3A_1635 = arith.cmpi eq, %iota3A, %eq3A_1634 : vector<16xi32>
      %select_n3A_1636 = arith.select %eq3A_1635, %gather3A_1632, %select_n3A_1532 : vector<16xi1>, vector<16xf32>
      %mul3A_1637 = arith.constant 16 : i32
      %mul3A_1638 = arith.muli %scan3A_76, %mul3A_1637 : i32
      %add3A_1639 = arith.constant 15 : i32
      %add3A_1640 = arith.addi %mul3A_1638, %add3A_1639 : i32
      %broadcast_in_dim3A_1641 = arith.constant 15 : i32
      %broadcast_in_dim3A_1642 = vector.broadcast %broadcast_in_dim3A_1641 : i32 to vector<16xi32>
      %lt3A_1643 = arith.constant 0 : i32
      %lt3A_1644 = vector.broadcast %lt3A_1643 : i32 to vector<16xi32>
      %lt3A_1645 = arith.cmpi slt, %broadcast_in_dim3A_1642, %lt3A_1644 : vector<16xi32>
      %add3A_1646 = arith.constant 16 : i32
      %add3A_1647 = vector.broadcast %add3A_1646 : i32 to vector<16xi32>
      %add3A_1648 = arith.addi %broadcast_in_dim3A_1642, %add3A_1647 : vector<16xi32>
      %select_n3A_1649 = arith.select %lt3A_1645, %add3A_1648, %broadcast_in_dim3A_1642 : vector<16xi1>, vector<16xi32>
      %broadcast_in_dim3A_1650 = vector.shape_cast %select_n3A_1649 : vector<16xi32> to vector<16x1xi32>
      %gather3A_1651 = vector.shape_cast %broadcast_in_dim3A_1650 : vector<16x1xi32> to vector<16xi32>
      %gather3A_1652 = tpu.dynamic_gather %and3A_82[%gather3A_1651] in [0] : vector<16xi32>, vector<16xi32> -> vector<16xi32>
      %and3A_1653 = arith.constant 15 : i32
      %and3A_1654 = vector.broadcast %and3A_1653 : i32 to vector<16xi32>
      %and3A_1655 = arith.andi %gather3A_1652, %and3A_1654 : vector<16xi32>
      %shift_right_logical3A_1656 = arith.constant 4 : i32
      %shift_right_logical3A_1657 = vector.broadcast %shift_right_logical3A_1656 : i32 to vector<16xi32>
      %shift_right_logical3A_1658 = arith.shrui %gather3A_1652, %shift_right_logical3A_1657 : vector<16xi32>
      %and3A_1659 = arith.constant 1 : i32
      %and3A_1660 = vector.broadcast %and3A_1659 : i32 to vector<16xi32>
      %and3A_1661 = arith.andi %shift_right_logical3A_1658, %and3A_1660 : vector<16xi32>
      %convert_element_type3A_1662 = arith.sitofp %and3A_1661 : vector<16xi32> to vector<16xf32>
      %shift_right_logical3A_1663 = arith.constant 5 : i32
      %shift_right_logical3A_1664 = vector.broadcast %shift_right_logical3A_1663 : i32 to vector<16xi32>
      %shift_right_logical3A_1665 = arith.shrui %gather3A_1652, %shift_right_logical3A_1664 : vector<16xi32>
      %and3A_1666 = arith.constant 1 : i32
      %and3A_1667 = vector.broadcast %and3A_1666 : i32 to vector<16xi32>
      %and3A_1668 = arith.andi %shift_right_logical3A_1665, %and3A_1667 : vector<16xi32>
      %convert_element_type3A_1669 = arith.sitofp %and3A_1668 : vector<16xi32> to vector<16xf32>
      %shift_right_logical3A_1670 = arith.constant 6 : i32
      %shift_right_logical3A_1671 = vector.broadcast %shift_right_logical3A_1670 : i32 to vector<16xi32>
      %shift_right_logical3A_1672 = arith.shrui %gather3A_1652, %shift_right_logical3A_1671 : vector<16xi32>
      %convert_element_type3A_1673 = arith.sitofp %shift_right_logical3A_1672 : vector<16xi32> to vector<16xf32>
      %get3A_1674 = arith.index_cast %add3A_1640 : i32 to index
      %get3A_1675 = arith.constant 0 : index
      %get3A_1676 = tpu.vector_load %arg8[%get3A_1674, %get3A_1675] {strides = array<i32>} : memref<512x128xf32, #tpu.memory_space<vmem>>, vector<1x16xf32>,
      %get3A_1677 = vector.shape_cast %get3A_1676 : vector<1x16xf32> to vector<16xf32>
      %get3A_1678 = arith.index_cast %add3A_1640 : i32 to index
      %get3A_1679 = arith.constant 16 : index
      %get3A_1680 = tpu.vector_load %arg8[%get3A_1678, %get3A_1679] {strides = array<i32>} : memref<512x128xf32, #tpu.memory_space<vmem>>, vector<1x16xf32>,
      %get3A_1681 = vector.shape_cast %get3A_1680 : vector<1x16xf32> to vector<16xf32>
      %get3A_1682 = arith.index_cast %add3A_1640 : i32 to index
      %get3A_1683 = arith.constant 32 : index
      %get3A_1684 = tpu.vector_load %arg8[%get3A_1682, %get3A_1683] {strides = array<i32>} : memref<512x128xf32, #tpu.memory_space<vmem>>, vector<1x16xf32>,
      %get3A_1685 = vector.shape_cast %get3A_1684 : vector<1x16xf32> to vector<16xf32>
      %get3A_1686 = arith.index_cast %add3A_1640 : i32 to index
      %get3A_1687 = arith.constant 48 : index
      %get3A_1688 = tpu.vector_load %arg8[%get3A_1686, %get3A_1687] {strides = array<i32>} : memref<512x128xf32, #tpu.memory_space<vmem>>, vector<1x16xf32>,
      %get3A_1689 = vector.shape_cast %get3A_1688 : vector<1x16xf32> to vector<16xf32>
      %get3A_1690 = arith.index_cast %add3A_1640 : i32 to index
      %get3A_1691 = arith.constant 64 : index
      %get3A_1692 = tpu.vector_load %arg8[%get3A_1690, %get3A_1691] {strides = array<i32>} : memref<512x128xf32, #tpu.memory_space<vmem>>, vector<1x16xf32>,
      %get3A_1693 = vector.shape_cast %get3A_1692 : vector<1x16xf32> to vector<16xf32>
      %get3A_1694 = arith.index_cast %add3A_1640 : i32 to index
      %get3A_1695 = arith.constant 80 : index
      %get3A_1696 = tpu.vector_load %arg8[%get3A_1694, %get3A_1695] {strides = array<i32>} : memref<512x128xf32, #tpu.memory_space<vmem>>, vector<1x16xf32>,
      %get3A_1697 = vector.shape_cast %get3A_1696 : vector<1x16xf32> to vector<16xf32>
      %get3A_1698 = arith.index_cast %add3A_1640 : i32 to index
      %get3A_1699 = arith.constant 96 : index
      %get3A_1700 = tpu.vector_load %arg8[%get3A_1698, %get3A_1699] {strides = array<i32>} : memref<512x128xf32, #tpu.memory_space<vmem>>, vector<1x16xf32>,
      %get3A_1701 = vector.shape_cast %get3A_1700 : vector<1x16xf32> to vector<16xf32>
      %get3A_1702 = arith.index_cast %add3A_1640 : i32 to index
      %get3A_1703 = arith.constant 112 : index
      %get3A_1704 = tpu.vector_load %arg8[%get3A_1702, %get3A_1703] {strides = array<i32>} : memref<512x128xf32, #tpu.memory_space<vmem>>, vector<1x16xf32>,
      %get3A_1705 = vector.shape_cast %get3A_1704 : vector<1x16xf32> to vector<16xf32>
      %sub3A_1706 = arith.subf %get3A_1681, %get3A_1677 : vector<16xf32>
      %mul3A_1707 = arith.mulf %convert_element_type3A_1662, %sub3A_1706 : vector<16xf32>
      %add3A_1708 = arith.addf %get3A_1677, %mul3A_1707 : vector<16xf32>
      %sub3A_1709 = arith.subf %get3A_1689, %get3A_1685 : vector<16xf32>
      %mul3A_1710 = arith.mulf %convert_element_type3A_1662, %sub3A_1709 : vector<16xf32>
      %add3A_1711 = arith.addf %get3A_1685, %mul3A_1710 : vector<16xf32>
      %sub3A_1712 = arith.subf %get3A_1697, %get3A_1693 : vector<16xf32>
      %mul3A_1713 = arith.mulf %convert_element_type3A_1662, %sub3A_1712 : vector<16xf32>
      %add3A_1714 = arith.addf %get3A_1693, %mul3A_1713 : vector<16xf32>
      %sub3A_1715 = arith.subf %get3A_1705, %get3A_1701 : vector<16xf32>
      %mul3A_1716 = arith.mulf %convert_element_type3A_1662, %sub3A_1715 : vector<16xf32>
      %add3A_1717 = arith.addf %get3A_1701, %mul3A_1716 : vector<16xf32>
      %sub3A_1718 = arith.subf %add3A_1711, %add3A_1708 : vector<16xf32>
      %mul3A_1719 = arith.mulf %convert_element_type3A_1669, %sub3A_1718 : vector<16xf32>
      %add3A_1720 = arith.addf %add3A_1708, %mul3A_1719 : vector<16xf32>
      %sub3A_1721 = arith.subf %add3A_1717, %add3A_1714 : vector<16xf32>
      %mul3A_1722 = arith.mulf %convert_element_type3A_1669, %sub3A_1721 : vector<16xf32>
      %add3A_1723 = arith.addf %add3A_1714, %mul3A_1722 : vector<16xf32>
      %sub3A_1724 = arith.subf %add3A_1723, %add3A_1720 : vector<16xf32>
      %mul3A_1725 = arith.mulf %convert_element_type3A_1673, %sub3A_1724 : vector<16xf32>
      %add3A_1726 = arith.addf %add3A_1720, %mul3A_1725 : vector<16xf32>
      %lt3A_1727 = arith.constant 0 : i32
      %lt3A_1728 = vector.broadcast %lt3A_1727 : i32 to vector<16xi32>
      %lt3A_1729 = arith.cmpi slt, %and3A_1655, %lt3A_1728 : vector<16xi32>
      %add3A_1730 = arith.constant 16 : i32
      %add3A_1731 = vector.broadcast %add3A_1730 : i32 to vector<16xi32>
      %add3A_1732 = arith.addi %and3A_1655, %add3A_1731 : vector<16xi32>
      %select_n3A_1733 = arith.select %lt3A_1729, %add3A_1732, %and3A_1655 : vector<16xi1>, vector<16xi32>
      %broadcast_in_dim3A_1734 = vector.shape_cast %select_n3A_1733 : vector<16xi32> to vector<16x1xi32>
      %gather3A_1735 = vector.shape_cast %broadcast_in_dim3A_1734 : vector<16x1xi32> to vector<16xi32>
      %gather3A_1736 = tpu.dynamic_gather %add3A_1726[%gather3A_1735] in [0] : vector<16xf32>, vector<16xi32> -> vector<16xf32>
      %eq3A_1737 = arith.constant 15 : i32
      %eq3A_1738 = vector.broadcast %eq3A_1737 : i32 to vector<16xi32>
      %eq3A_1739 = arith.cmpi eq, %iota3A, %eq3A_1738 : vector<16xi32>
      %select_n3A_1740 = arith.select %eq3A_1739, %gather3A_1736, %select_n3A_1636 : vector<16xi1>, vector<16xf32>
      %mul3A_1741 = arith.constant 16 : i32
      %mul3A_1742 = arith.muli %scan3A_76, %mul3A_1741 : i32
      %get3A_1743 = arith.index_cast %mul3A_1742 : i32 to index
      %get3A_1744 = tpu.vector_load %arg9[%get3A_1743] {strides = array<i32>} : memref<512xf32, #tpu.memory_space<vmem>>, vector<16xf32>,
      %get3A_1745 = vector.shape_cast %get3A_1744 : vector<16xf32> to vector<16xf32>
      %add3A_1746 = arith.addf %select_n3A_1740, %get3A_1745 : vector<16xf32>
      %mul3A_1747 = arith.constant 16 : i32
      %mul3A_1748 = arith.muli %scan3A_76, %mul3A_1747 : i32
      %swap3A = arith.index_cast %mul3A_1748 : i32 to index
      %swap3A_1749 = tpu.vector_load %arg10[%swap3A] {strides = array<i32>} : memref<512xf32, #tpu.memory_space<vmem>>, vector<16xf32>,
      %swap3A_1750 = vector.shape_cast %swap3A_1749 : vector<16xf32> to vector<16xf32>
      %swap3A_1751 = vector.shape_cast %add3A_1746 : vector<16xf32> to vector<16xf32>
      tpu.vector_store %arg10[%swap3A], %swap3A_1751 {strides = array<i32>} : memref<512xf32, #tpu.memory_space<vmem>>, vector<16xf32>,
    }
    %scan3A_75 = arith.constant 32 : i32
    "tpu.region"() ({
      %run_scoped3A = tpu.sem_alloc : memref<!tpu.dma_semaphore, #tpu.memory_space<semaphore_mem>>
      %dma_start3A_76 = tpu.memref_slice %arg5[%mul3A_2] : memref<16384xf32, #tpu.memory_space<hbm>> -> memref<512xf32, #tpu.memory_space<hbm>>
      %dma_start3A_77 = tpu.memref_slice %arg5[%mul3A_2] : memref<16384xf32, #tpu.memory_space<hbm>> -> memref<512xf32, #tpu.memory_space<hbm>>
      tpu.enqueue_dma source(%arg10 : memref<512xf32, #tpu.memory_space<vmem>>) target(%dma_start3A_77 : memref<512xf32, #tpu.memory_space<hbm>>) target_semaphore(%run_scoped3A : memref<!tpu.dma_semaphore, #tpu.memory_space<semaphore_mem>>)
      %dma_wait3A_78 = tpu.memref_slice %arg5[%mul3A_2] : memref<16384xf32, #tpu.memory_space<hbm>> -> memref<512xf32, #tpu.memory_space<hbm>>
      %dma_wait3A_79 = tpu.memref_slice %arg5[%mul3A_2] : memref<16384xf32, #tpu.memory_space<hbm>> -> memref<512xf32, #tpu.memory_space<hbm>>
      tpu.wait_dma2 semaphore(%run_scoped3A : memref<!tpu.dma_semaphore, #tpu.memory_space<semaphore_mem>>) src(%arg10 : memref<512xf32, #tpu.memory_space<vmem>>) dst(%dma_wait3A_79 : memref<512xf32, #tpu.memory_space<hbm>>)
      tpu.yield
    }) : () -> ()
    return
  }
}

module attributes {stable_mosaic.version = 14 : i64} {
  func.func @_matvec_body(%arg0: i32, %arg1: memref<1x64xf32, #tpu.memory_space<vmem>>, %arg2: memref<64x25600xf32, #tpu.memory_space<vmem>>, %arg3: memref<25600xf32, #tpu.memory_space<vmem>>) attributes {dimension_semantics = [#tpu.dimension_semantics<arbitrary>], iteration_bounds = array<i64: 4>, scalar_prefetch = 0 : i64, scratch_operands = 0 : i64, tpu.core_type = #tpu.core_type<tc>, window_params = [{pipeline_mode = #tpu.pipeline_mode<synchronous>, transform_indices = @transform_0, window_bounds = array<i64: 1, 64>}, {transform_indices = @transform_1, window_bounds = array<i64: 64, 25600>}, {transform_indices = @transform_2, window_bounds = array<i64: 25600>}]} {
    %get3A = arith.constant 0 : index
    %get3A_0 = arith.constant 0 : index
    %get3A_1 = vector.load %arg1[%get3A, %get3A_0] : memref<1x64xf32, #tpu.memory_space<vmem>>, vector<1x64xf32>
    %get3A_2 = arith.constant 0 : index
    %get3A_3 = arith.constant 0 : index
    %get3A_4 = vector.load %arg2[%get3A_2, %get3A_3] : memref<64x25600xf32, #tpu.memory_space<vmem>>, vector<64x25600xf32>
    %dot_general3A = arith.constant dense<0.000000e+00> : vector<1x25600xf32>
    %dot_general3A_5 = tpu.matmul %get3A_1, %get3A_4, %dot_general3A {dimension_numbers = #tpu.dot_dimension_numbers<[1], [0], [0], [1], [0, 0, 1, 1], [], []>, precision = #tpu.contract_precision<fp32>, transpose_lhs_hint = false} : vector<1x64xf32>, vector<64x25600xf32>, vector<1x25600xf32> -> vector<1x25600xf32>
    %iota3A = tpu.iota {dimensions = array<i32: 1>} : vector<1x25600xi32>
    %mul3A = arith.constant 25600 : i32
    %mul3A_6 = arith.muli %arg0, %mul3A : i32
    %add3A = vector.broadcast %mul3A_6 : i32 to vector<1x25600xi32>
    %add3A_7 = arith.addi %iota3A, %add3A : vector<1x25600xi32>
    %lt3A = arith.constant 100000 : i32
    %lt3A_8 = vector.broadcast %lt3A : i32 to vector<1x25600xi32>
    %lt3A_9 = arith.cmpi slt, %add3A_7, %lt3A_8 : vector<1x25600xi32>
    %jit3A = arith.constant 0.000000e+00 : f32
    %broadcast_in_dim3A = vector.broadcast %jit3A : f32 to vector<1x25600xf32>
    %select_n3A = arith.select %lt3A_9, %dot_general3A_5, %broadcast_in_dim3A : vector<1x25600xi1>, vector<1x25600xf32>
    %squeeze3A = vector.shape_cast %select_n3A : vector<1x25600xf32> to vector<25600xf32>
    %swap3A = arith.constant 0 : index
    %swap3A_10 = vector.load %arg3[%swap3A] : memref<25600xf32, #tpu.memory_space<vmem>>, vector<25600xf32>
    tpu.vector_store %arg3[%swap3A], %squeeze3A {strides = array<i32>} : memref<25600xf32, #tpu.memory_space<vmem>>, vector<25600xf32>,
    return
  }
  func.func @transform_0(%arg0: i32) -> (i32, i32) {
    %c0_i32 = arith.constant 0 : i32
    %c0_i32_0 = arith.constant 0 : i32
    %c0_i32_1 = arith.constant 0 : i32
    return %c0_i32, %c0_i32_0 : i32, i32
  }
  func.func @transform_1(%arg0: i32) -> (i32, i32) {
    %c0_i32 = arith.constant 0 : i32
    %c0_i32_0 = arith.constant 0 : i32
    return %c0_i32, %arg0 : i32, i32
  }
  func.func @transform_2(%arg0: i32) -> i32 {
    %c0_i32 = arith.constant 0 : i32
    return %arg0 : i32
  }
}

module attributes {stable_mosaic.version = 14 : i64} {
  func.func @_matvec_body(%arg0: i32, %arg1: memref<1x64xf32, #tpu.memory_space<vmem>>, %arg2: memref<64x51200xf32, #tpu.memory_space<vmem>>, %arg3: memref<51200xf32, #tpu.memory_space<vmem>>) attributes {dimension_semantics = [#tpu.dimension_semantics<arbitrary>], iteration_bounds = array<i64: 20>, scalar_prefetch = 0 : i64, scratch_operands = 0 : i64, tpu.core_type = #tpu.core_type<tc>, window_params = [{pipeline_mode = #tpu.pipeline_mode<synchronous>, transform_indices = @transform_0, window_bounds = array<i64: 1, 64>}, {transform_indices = @transform_1, window_bounds = array<i64: 64, 51200>}, {transform_indices = @transform_2, window_bounds = array<i64: 51200>}]} {
    %get3A = arith.constant 0 : index
    %get3A_0 = arith.constant 0 : index
    %get3A_1 = vector.load %arg1[%get3A, %get3A_0] : memref<1x64xf32, #tpu.memory_space<vmem>>, vector<1x64xf32>
    %get3A_2 = arith.constant 0 : index
    %get3A_3 = arith.constant 0 : index
    %get3A_4 = vector.load %arg2[%get3A_2, %get3A_3] : memref<64x51200xf32, #tpu.memory_space<vmem>>, vector<64x51200xf32>
    %dot_general3A = arith.constant dense<0.000000e+00> : vector<1x51200xf32>
    %dot_general3A_5 = tpu.matmul %get3A_1, %get3A_4, %dot_general3A {dimension_numbers = #tpu.dot_dimension_numbers<[1], [0], [0], [1], [0, 0, 1, 1], [], []>, precision = #tpu.contract_precision<fp32>, transpose_lhs_hint = false} : vector<1x64xf32>, vector<64x51200xf32>, vector<1x51200xf32> -> vector<1x51200xf32>
    %iota3A = tpu.iota {dimensions = array<i32: 1>} : vector<1x51200xi32>
    %mul3A = arith.constant 51200 : i32
    %mul3A_6 = arith.muli %arg0, %mul3A : i32
    %add3A = vector.broadcast %mul3A_6 : i32 to vector<1x51200xi32>
    %add3A_7 = arith.addi %iota3A, %add3A : vector<1x51200xi32>
    %lt3A = arith.constant 1000000 : i32
    %lt3A_8 = vector.broadcast %lt3A : i32 to vector<1x51200xi32>
    %lt3A_9 = arith.cmpi slt, %add3A_7, %lt3A_8 : vector<1x51200xi32>
    %jit3A = arith.constant 0.000000e+00 : f32
    %broadcast_in_dim3A = vector.broadcast %jit3A : f32 to vector<1x51200xf32>
    %select_n3A = arith.select %lt3A_9, %dot_general3A_5, %broadcast_in_dim3A : vector<1x51200xi1>, vector<1x51200xf32>
    %squeeze3A = vector.shape_cast %select_n3A : vector<1x51200xf32> to vector<51200xf32>
    %swap3A = arith.constant 0 : index
    %swap3A_10 = vector.load %arg3[%swap3A] : memref<51200xf32, #tpu.memory_space<vmem>>, vector<51200xf32>
    tpu.vector_store %arg3[%swap3A], %squeeze3A {strides = array<i32>} : memref<51200xf32, #tpu.memory_space<vmem>>, vector<51200xf32>,
    return
  }
  func.func @transform_0(%arg0: i32) -> (i32, i32) {
    %c0_i32 = arith.constant 0 : i32
    %c0_i32_0 = arith.constant 0 : i32
    %c0_i32_1 = arith.constant 0 : i32
    return %c0_i32, %c0_i32_0 : i32, i32
  }
  func.func @transform_1(%arg0: i32) -> (i32, i32) {
    %c0_i32 = arith.constant 0 : i32
    %c0_i32_0 = arith.constant 0 : i32
    return %c0_i32, %arg0 : i32, i32
  }
  func.func @transform_2(%arg0: i32) -> i32 {
    %c0_i32 = arith.constant 0 : i32
    return %arg0 : i32
  }
}

</mosaic_0001>

<sc_bundles>
// kernel: kernel.6.cloned.1.call-start
scs
__scs_entry_jumppad:
0x0: {  	(pc) =	sbr.rel $0x88, $3  }
0x1: {  	(tag) =	ssettag $0x0;
	lr =	simm.s32 $0x1  }
0x2: {  	[smem:$0x3F9B] =	sst lr;
	_ =	strace $0xD0000000  }
0x3: {  	_ = 	snop  }
0x4: {  	_ = 	snop  }
0x5: {  	_ = 	snop  }
0x6: {  	_ = 	snop  }
0x7: {  	_ = 	snop  }
__scs_overlays_trampoline_lowered:
0x8: {  	[smem:$0x3FAA] =	sst s0  }
0x9: {  	[smem:$0x3FAB] =	sst s1  }
0xa: {  	[smem:$0x3FAC] =	sst s2  }
0xb: {  	[smem:$0x3FAD] =	sst s3  }
0xc: {  	[smem:$0x3FAE] =	sst s4  }
0xd: {  	[smem:$0x3FAF] =	sst s5  }
0xe: {  	[smem:$0x3FB0] =	sst s6  }
0xf: {  	[smem:$0x3FB1] =	sst s7  }
0x10: {  	[smem:$0x3FB2] =	sst s8  }
0x11: {  	[smem:$0x3FB3] =	sst s9;
	s0 =	simm.s32 @!p0 $0x0  }
0x12: {  	s1 =	sld [smem:$0x3F99];
	s0 =	simm.s32 @p0 $0x1  }
0x13: {  	[smem:$0x3FB4] =	sst s0;
	s0 =	simm.s32 @!p1 $0x0  }
0x14: {  	s2 =	sld [smem:$0x3F98];
	s0 =	simm.s32 @p1 $0x1  }
0x15: {  	[smem:$0x3FB5] =	sst s0;
	s0 =	simm.s32 @!p2 $0x0  }
0x16: {  	s3 =	sld [smem:$0x3FDB];
	s0 =	simm.s32 @p2 $0x1  }
0x17: {  	s4 =	simm.s32 $0x1BF5;
	[smem:$0x3FB7] =	sst s0  }
0x18: {  	s0 =	sld [smem:$0x3F9A];
	_ =	swait.ge [sflag:s4], $0x0  }
0x19: {  	s7 =	sld [smem:$0x3F9B]  }
0x1a: {  	s8 =	sadd.s32 $0xFFFFE003, lr  }
0x1b: {  	s9 =	sadd.s32 $0xFFFFFEF7, lr;
	s5 =	simm.s32 $0xFFFFFFFF;
	p2 =	slt.u32 s8, $0xFFFFF086  }
0x1c: {  	p1 =	slt.u32 s9, $0xF7A;
	s5 =	simm.s32 @!p2 $0x0  }
0x1d: {  	s5 =	simm.s32 @p1 $0x1;
	p0 =	seq.s32 s7, s2  }
0x1e: {  	s7 =	smul.u32 @!p0 $0xF7A, s2;
	p2 =	seq.s32 @!p0 s5, $0x0  }
0x1f: {  	s9 =	smul.u32 $0xF7A, s1;
	s8 =	simm.s32 @!p0 $0x1BF5;
	p2 =	por !p2, p0  }
0x20: {  	[sflag:s8] =	ssyncset.s32 @!p0 $0xFFFFF086;
	s6 =	sadd.s32 @!p0 s3, s7;
	s7 =	simm.s32 @!p0 $0x108  }
0x21: {  	s3 =	sadd.s32 s3, s9;
	s6 =	sadd.s32 @!p0 $0x88, s6;
	s7 =	simm.s32 @p2 $0x1082  }
0x22: {  	[simem:s7], [sflag:s8] =	dma.local @!p0 [hbm:s6], $0xF7A  }
0x23: {  	s9 =	sor.u32 $0xD0000000, s2;
	s6 =	simm.s32 $0x108;
	_ =	swait.ge @!p0 [sflag:s8], $0x0  }
0x24: {  	s3 =	sadd.s32 $0x88, s3;
	s6 =	simm.s32 @!p1 $0x1082;
	[sflag:s4] =	ssyncset.s32 $0xFFFFF086  }
0x25: {  	[simem:s6], [sflag:s4] =	dma.local [hbm:s3], $0xF7A  }
0x26: {  	[smem:$0x3F9B] =	sst s1;
	(tag) =	ssettag s2;
	_ =	strace s9  }
0x27: {  	s1 =	sld [smem:$0x3FAB]  }
0x28: {  	s2 =	sld [smem:$0x3FAC]  }
0x29: {  	s4 =	sld [smem:$0x3FAE]  }
0x2a: {  	p0 =	seq.s32 s5, $0x0;
	s5 =	sld [smem:$0x3FAF]  }
0x2b: {  	s6 =	sld [smem:$0x3FB0]  }
0x2c: {  	s7 =	sld [smem:$0x3FB1]  }
0x2d: {  	s3 =	simm.s32 $0x108;
	s8 =	sld [smem:$0x3FB2]  }
0x2e: {  	s3 =	simm.s32 @!p0 $0x1082;
	s9 =	sld [smem:$0x3FB3]  }
0x2f: {  	lr =	sadd.s32 s0, s3;
	s0 =	sld [smem:$0x3FAA]  }
0x30: {  	s3 =	sld [smem:$0x3FAD]  }
0x31: {  	[smem:$0x3FB6] =	sst s10  }
0x32: {  	s10 =	sld [smem:$0x3FB4];
	_ =	sdelay $0x3  }
0x33: {  	p0 =	seq.s32 s10, $0x1;
	s10 =	sld [smem:$0x3FB6];
	_ =	sdelay $0x3  }
0x34: {  	[smem:$0x3FB6] =	sst s10  }
0x35: {  	s10 =	sld [smem:$0x3FB5];
	_ =	sdelay $0x3  }
0x36: {  	p1 =	seq.s32 s10, $0x1;
	s10 =	sld [smem:$0x3FB6];
	_ =	sdelay $0x3  }
0x37: {  	[smem:$0x3FB6] =	sst s10  }
0x38: {  	s10 =	sld [smem:$0x3FB7]  }
0x39: {  	_ = 	snop;
	(pc) =	sbr.ind lr, $3  }
0x3a: {  	_ = 	snop  }
0x3b: {  	_ = 	snop  }
0x3c: {  	p2 =	seq.s32 s10, $0x1;
	s10 =	sld [smem:$0x3FB6]  }
0x3d: {  	_ =	shalt  }
0x3e: {  	_ =	shalt  }
0x3f: {  	_ =	shalt  }
0x40: {  	_ =	shalt  }
0x41: {  	_ =	shalt  }
0x42: {  	_ =	shalt  }
0x43: {  	_ =	shalt  }
0x44: {  	_ =	shalt  }
0x45: {  	_ =	shalt  }
0x46: {  	_ =	shalt  }
0x47: {  	_ =	shalt  }
0x48: {  	_ =	shalt  }
0x49: {  	_ =	shalt  }
0x4a: {  	_ =	shalt  }
0x4b: {  	_ =	shalt  }
0x4c: {  	_ =	shalt  }
0x4d: {  	_ =	shalt  }
0x4e: {  	_ =	shalt  }
0x4f: {  	_ =	shalt  }
0x50: {  	_ =	shalt  }
0x51: {  	_ =	shalt  }
0x52: {  	_ =	shalt  }
0x53: {  	_ =	shalt  }
0x54: {  	_ =	shalt  }
0x55: {  	_ =	shalt  }
0x56: {  	_ =	shalt  }
0x57: {  	_ =	shalt  }
0x58: {  	_ =	shalt  }
0x59: {  	_ =	shalt  }
0x5a: {  	_ =	shalt  }
0x5b: {  	_ =	shalt  }
0x5c: {  	_ =	shalt  }
0x5d: {  	_ =	shalt  }
0x5e: {  	_ =	shalt  }
0x5f: {  	_ =	shalt  }
0x60: {  	_ =	shalt  }
0x61: {  	_ =	shalt  }
0x62: {  	_ =	shalt  }
0x63: {  	_ =	shalt  }
0x64: {  	_ =	shalt  }
0x65: {  	_ =	shalt  }
0x66: {  	_ =	shalt  }
0x67: {  	_ =	shalt  }
0x68: {  	_ =	shalt  }
0x69: {  	_ =	shalt  }
0x6a: {  	_ =	shalt  }
0x6b: {  	_ =	shalt  }
0x6c: {  	_ =	shalt  }
0x6d: {  	_ =	shalt  }
0x6e: {  	_ =	shalt  }
0x6f: {  	_ =	shalt  }
0x70: {  	_ =	shalt  }
0x71: {  	_ =	shalt  }
0x72: {  	_ =	shalt  }
0x73: {  	_ =	shalt  }
0x74: {  	_ =	shalt  }
0x75: {  	_ =	shalt  }
0x76: {  	_ =	shalt  }
0x77: {  	_ =	shalt  }
0x78: {  	_ =	shalt  }
0x79: {  	_ =	shalt  }
0x7a: {  	_ =	shalt  }
0x7b: {  	_ =	shalt  }
0x7c: {  	_ =	shalt  }
0x7d: {  	_ =	shalt  }
0x7e: {  	_ =	shalt  }
0x7f: {  	_ =	shalt  }
0x80: {  	_ =	shalt  }
0x81: {  	_ =	shalt  }
0x82: {  	_ =	shalt  }
0x83: {  	_ =	shalt  }
0x84: {  	_ =	shalt  }
0x85: {  	_ =	shalt  }
0x86: {  	_ =	shalt  }
0x87: {  	_ =	shalt  }
.Lfunc_end0:
.L_simem_size_0:
called_computation_lowered:
.L_overlay_start_0:
0x88: {  	s2 =	sld [smem:$0x3FD9]  }
0x89: {  	s3 =	sld [smem:$0x3FFE];
	_ =	sdelay $0x1  }
0x8a: {  	s1 =	srdreg.scid  }
0x8b: {  	s0 =	sand.u32 $0x1, s1  }
0x8c: {  	s17 =	sshll.u32 s0, $0xA;
	s2 =	sadd.s32 s3, s2  }
0x8d: {  	s2 =	sadd.s32 s2, s17  }
0x8e: {  	[smem:$0x3FC2] =	sst s2  }
0x8f: {  	_ = 	snop  }
0x90: {  	s2 =	sld [smem:$0x3FC8]  }
0x91: {  	s18 =	sld [smem:$0x3FD0];
	(tm) =	ssettm $0x1  }
0x92: {  	s4 =	sld [smem:$0x3FFB];
	_ =	sdelay $0x3  }
0x93: {  	_ =	strace s4  }
0x94: {  	s4 =	sld [smem:$0x3FFC];
	_ =	sdelay $0x3  }
0x95: {  	_ =	strace s4  }
0x96: {  	s4 =	sld [smem:$0x3FFD];
	_ =	sdelay $0x3  }
0x97: {  	_ =	strace s4  }
0x98: {  	_ =	strace $0x8FFFFFFF  }
0x99: {  	s19 =	sld [smem:$0x3FDB];
	_ =	sdelay $0x1  }
0x9a: {  	s5 =	simm.s32 $_scs_section_size  }
0x9b: {  	s6 =	simm.s32 $_size__tile_overlayer_lowered;
	s7 =	simm.s32 $_tile_overlayer_lowered  }
0x9c: {  	s22 =	simm.s32 $0x1BFF;
	s21 =	sshll.u32 s7, $0x1;
	s4 =	sadd.s32 s5, s19  }
0x9d: {  	s8 =	simm.s32 $0x0;
	s20 =	sshll.u32 s6, $0x1;
	s6 =	sadd.s32 s21, s4  }
0x9e: {  	[timem:s8], [sflag:s22] =	dma.local [hbm:s6], s20  }
0x9f: {  	_ =	swait.ge [sflag:s22], s20  }
0xa0: {  	s5 =	ssub.s32 $0x0, s20;
	[sflag:s22] =	ssyncset.done $0x0  }
0xa1: {  	[sflag:s22] =	ssyncadd.s32 s5;
	_ =	sdelay $0x1  }
0xa2: {  	s23 =	simm.s32 $0x1B8B  }
0xa3: {  	_ =	swait.ge [sflag:s23], $0x1  }
0xa4: {  	[sflag:s23] =	ssyncset.done $0x0  }
0xa5: {  	s25 =	simm.s32 $0x1B8E;
	s24 =	sld [smem:$0x3FFE];
	[sflag:s23] =	ssyncadd.s32 $0xFFFFFFFF  }
0xa6: {  	s26 =	simm.s32 $execute0_lowered;
	[smem:$0x3FD2] =	sst s25  }
0xa7: {  	s6 =	sshll.u32 s26, $0x1;
	_ =	strace $0x80000046;
	[dreg:$0x1] =	wrdreg $0xFFFFFFFF  }
0xa8: {  	s28 =	simm.s32 $_size_execute0_lowered;
	s4 =	sadd.s32 s4, s6;
	[dreg:$0x0] =	wrdreg $0x0  }
0xa9: {  	s6 =	sshll.u32 s28, $0x1;
	[dreg:$0x2] =	wrdreg s4  }
0xaa: {  	[dreg:$0x3] =	wrdreg s6  }
0xab: {  	[dreg:$0x4] =	wrdreg $0xC0  }
0xac: {  	_ =	task [dreg:s8], $0x5FFFF  }
0xad: {  	[dreg:$0x1] =	wrdreg $0xFFFFFFFF  }
0xae: {  	[dreg:$0x0] =	wrdreg $0x60  }
0xaf: {  	[dreg:$0x2] =	wrdreg s2  }
0xb0: {  	[dreg:$0x3] =	wrdreg s24  }
0xb1: {  	[dreg:$0x4] =	wrdreg s18  }
0xb2: {  	[dreg:$0x5] =	wrdreg $0x9  }
0xb3: {  	_ =	task.clear_ibuf [dreg:s8], $0x6FFFF;
	_ =	strace $0x90000046  }
0xb4: {  	s29 =	simm.s32 $0x9;
	_ =	strace $0x80000048  }
0xb5: {  	_ =	swait.ge [sflag:s29], $0x1  }
0xb6: {  	[sflag:s29] =	ssyncadd.s32 $0xFFFFFFFF  }
0xb7: {  	_ =	strace $0x90000048  }
0xb8: {  	_ =	sfence  }
0xb9: {  	s30 =	sld [smem:$0x0];
	_ =	sdelay $0x2  }
0xba: {  	s31 =	sshll.u32 s1, $0xD;
	s1 =	sshrl.u32 s1, $0x2  }
0xbb: {  	s3 =	sand.u32 $0x4000, s31;
	s1 =	sadd.s32 s1, s30  }
0xbc: {  	s0 =	sor.u32 s3, s0;
	s1 =	sshll.u32 s1, $0x11  }
0xbd: {  	s0 =	sor.u32 s1, s0  }
0xbe: {  	s0 =	sadd.s32 $0x8F2B, s0  }
0xbf: {  	[sflag:s0] =	ssyncadd.remote.s32 $0x1  }
0xc0: {  	_ =	sfence.sel $0xFFFF  }
0xc1: {  	[dreg:$0x0] =	wrdreg $0xFFFFFFFF;
	(pc) =	sbr.abs _section_cstart, $3  }
0xc2: {  	[dreg:$0x1] =	wrdreg $0xFFFFFFFF  }
0xc3: {  	_ =	task.clear_ibuf [dreg:s8], $0x2FFFF;
	_ =	strace $0x9FFFFFFF  }
0xc4: {  	(tm) =	ssettm $0x7FFFFFFF  }
0xc5: {  	_ =	shalt  }
tec
execute0_lowered:
.L_overlay_start_1:
0x0: {  	(tag) =	ssettag $0x1  }
0x1: {  	s4 =	rddreg [dreg:$0x0]  }
0x2: {  	s5 =	rddreg [dreg:$0x1]  }
0x3: {  	s6 =	rddreg [dreg:$0x2]  }
0x4: {  	s0 =	rddreg [dreg:$0x3];
	s2 =	simm.s32 $0x0;
	s3 =	srdreg.scid  }
0x5: {  	v50 =	vimm.s32 $0x0;
	s1 =	stileid.u32;
	v51 =	vimm.s32 $0xF;
	v2 =	vimm.s32 $0x1;
	s11 =	simm.s32 $0x200;
	s12 =	simm.s32 $0x400  }
0x6: {  	v6 =	vimm.s32 $0x5;
	v4 =	vimm.s32 $0x6;
	vm0 =	vmmov $0x1;
	s13 =	simm.s32 $0x280;
	s14 =	simm.s32 $0x4400;
	s15 =	simm.s32 $0x300  }
0x7: {  	v7 =	vimm.s32 $0x2;
	vm1 =	vmmov $0x3;
	v8 =	vimm.s32 $0x3;
	s16 =	simm.s32 $0x8400;
	s17 =	simm.s32 $0x380;
	s18 =	simm.s32 $0xC400  }
0x8: {  	vm2 =	vmmov $0x7;
	vm3 =	vmmov $0xf;
	vm4 =	vmmov $0x1f;
	s19 =	simm.s32 $0x1;
	s20 =	simm.s32 $0x10600;
	s21 =	simm.s32 $0x0  }
0x9: {  	vm5 =	vmmov $0x3f;
	v9 =	vimm.s32 $0x7;
	vm6 =	vmmov $0x7f;
	[smem:$0x7FF] =	sst s2;
	s3 =	sand.u32 $0x1, s3;
	s7 =	sshll.u32 s1, $0x7  }
0xa: {  	v5 =	vimm.s32 $0x8;
	vm7 =	vmmov $0xff;
	v10 =	vimm.s32 $0x9;
	s8 =	sshll.u32 s3, $0x6;
	s9 =	ssub.s32 $0x2, s3;
	_ =	strace $0x80000047  }
0xb: {  	vm8 =	vmmov $0x1ff;
	v11 =	vimm.s32 $0xA;
	vm9 =	vmmov $0x3ff;
	s3 =	sadd.s32 $0x1000, s5;
	s7 =	sor.u32 s8, s7;
	s31 =	sshrl.u32 s9, $0x1  }
0xc: {  	v12 =	vimm.s32 $0xB;
	vm10 =	vmmov $0x7ff;
	v3 =	vimm.s32 $0xC;
	s10 =	sadd.s32 s7, s5;
	s8 =	ssub.s32 s9, s31;
	s4 =	sadd.s32 s4, s7  }
0xd: {  	vm11 =	vmmov $0xfff;
	v13 =	vimm.s32 $0xD;
	vm12 =	vmmov $0x1fff;
	s5 =	sadd.s32 s6, s7;
	s9 =	simm.s32 $0x10400;
	s6 =	sadd.s32 $0x4200, s10  }
0xe: {  	v14 =	vimm.s32 $0xE;
	vm13 =	vmmov $0x3fff;
	vm14 =	vmmov $0x7fff;
	s7 =	smax.u32 s8, $0x1;
	s8 =	simm.s32 $0x2;
	s10 =	simm.s32 $0x80  }
.LBB2_1:
0xf: {  	[tilespmem:s2], [sflag:$0x2] =	stream.linear.gather [hbm4b:s4+s2], $0x200, $0x38;
	[tilespmem:$0x10800] =	vst v63  }
0x10: {  	_ =	swait.ge [sflag:s8], $0x200  }
0x11: {  	[sflag:s8] =	ssyncset.done $0x0  }
0x12: {  	[sflag:s8] =	ssyncadd.s32 $0xFFFFFE00  }
0x13: {  	[tilespmem:s9], [sflag:$0x2] =	stream.linear.gather [hbm4b:s5+s2], $0x200, $0x38;
	[tilespmem:$0x10800] =	vst v63  }
0x14: {  	_ =	swait.ge [sflag:s8], $0x200  }
0x15: {  	[sflag:s8] =	ssyncset.done $0x0  }
0x16: {  	s22 =	simm.s32 $0x0;
	[sflag:s8] =	ssyncadd.s32 $0xFFFFFE00  }
0x17: {  	s23 =	simm.s32 $0x40;
	v0 =	vld [tilespmem:s22+$0x0]  }
.LBB2_2:
0x18: {  	p0 =	sne.s32 s23, $0x7C0  }
.Ltmp0:
0x19: {  	_ = 	snop;
	(pc) =	sbr.rel @p0 .LBB2_2-.Ltmp0, $3  }
0x1a: {  	_ =	sdelay $0x1  }
0x1b: {  	s24 =	sshra.s32 s23, $0x2;
	s23 =	sadd.s32 $0x40, s23;
	v1 =	vshrl.u32 v0, $0x7  }
0x1c: {  	v0 =	vld [tilespmem:s24+$0x0];
	[tilespmem:s22+$0x200] =	vst v1;
	s22 =	smov.u32 s24  }
0x1d: {  	_ =	sdelay $0x3  }
0x1e: {  	v0 =	vshrl.u32 v0, $0x7  }
0x1f: {  	[tilespmem:s22+$0x200] =	vst v0  }
0x20: {  	[tilespmem:s12], [sflag:$0x1] =	stream.indirect.gather [hbm4b:s3+s10], $0x80, s11, s10, $0xb8;
	[tilespmem:$0x10800] =	vst v63  }
0x21: {  	_ = 	snop  }
0x22: {  	[tilespmem:s14], [sflag:$0x1] =	stream.indirect.gather [hbm4b:s3+s10], $0x80, s13, s10, $0xb8;
	[tilespmem:$0x10800] =	vst v63  }
0x23: {  	_ = 	snop  }
0x24: {  	[tilespmem:s16], [sflag:$0x1] =	stream.indirect.gather [hbm4b:s3+s10], $0x80, s15, s10, $0xb8;
	[tilespmem:$0x10800] =	vst v63  }
0x25: {  	_ = 	snop  }
0x26: {  	[tilespmem:s18], [sflag:$0x1] =	stream.indirect.gather [hbm4b:s3+s10], $0x80, s17, s10, $0xb8;
	[tilespmem:$0x10800] =	vst v63  }
0x27: {  	_ =	swait.ge [sflag:s19], $0x4000  }
0x28: {  	[sflag:s19] =	ssyncset.done $0x0  }
0x29: {  	[sflag:s19] =	ssyncadd.s32 $0xFFFFC000  }
0x2a: {  	_ =	swait.ge [sflag:s19], $0x4000  }
0x2b: {  	[sflag:s19] =	ssyncset.done $0x0  }
0x2c: {  	[sflag:s19] =	ssyncadd.s32 $0xFFFFC000  }
0x2d: {  	_ =	swait.ge [sflag:s19], $0x4000  }
0x2e: {  	[sflag:s19] =	ssyncset.done $0x0  }
0x2f: {  	[sflag:s19] =	ssyncadd.s32 $0xFFFFC000  }
0x30: {  	_ =	swait.ge [sflag:s19], $0x4000  }
0x31: {  	[sflag:s19] =	ssyncset.done $0x0  }
0x32: {  	s22 =	simm.s32 $0x0;
	[sflag:s19] =	ssyncadd.s32 $0xFFFFC000  }
0x33: {  	v0 =	vld [tilespmem:s22+$0x0];
	_ =	sdelay $0x4  }
0x34: {  	s23 =	simm.s32 $0x800;
	v0 =	vand.u32 $0x7F, v0  }
0x35: {  	v18 =	vld [tilespmem:s23+$0x320];
	v27 =	vperm.xlane v0, v14  }
0x36: {  	v21 =	vld [tilespmem:s23+$0x330];
	v22 =	vperm.xlane v0, v51;
	v28 =	vperm.xlane v0, v3  }
0x37: {  	v30 =	vperm.xlane v0, v13;
	v39 =	vperm.xlane v0, v11  }
0x38: {  	v1 =	vld [tilespmem:s23+$0x390];
	v31 =	vperm.xlane v0, v12;
	v53 =	vperm.xlane v0, v5  }
0x39: {  	v16 =	vld [tilespmem:s23+$0x310];
	v45 =	vperm.xlane v0, v10;
	v54 =	vperm.xlane v0, v4  }
0x3a: {  	v23 =	vld [tilespmem:s23+$0x340];
	v52 =	vperm.xlane v0, v9;
	v55 =	vperm.xlane v0, v6  }
0x3b: {  	v24 =	vld [tilespmem:s23+$0x350];
	v21 =	vsub.f32 v21, v18;
	v60 =	vperm.xlane v0, v7;
	v57 =	vperm.xlane v0, v8  }
0x3c: {  	v25 =	vld [tilespmem:s23+$0x360];
	v9 =	vimm.s32 $0x4;
	v40 =	vperm.xlane v0, v50;
	v41 =	vperm.xlane v0, v2  }
0x3d: {  	v3 =	vld [tilespmem:s23+$0x380];
	v56 =	vperm.xlane v0, v9;
	v0 =	vshrl.u32 v30, $0x6;
	v37 =	vshrl.u32 v22, $0x6  }
0x3e: {  	v5 =	vld [tilespmem:s23+$0x3A0];
	v2 =	vshrl.u32 v39, $0x6;
	v59 =	vshrl.u32 v31, $0x6;
	v46 =	vshrl.u32 v28, $0x6  }
0x3f: {  	v4 =	vld [tilespmem:s23+$0x3B0];
	v62 =	vshrl.u32 v53, $0x6;
	v43 =	vshrl.u32 v45, $0x6;
	v15 =	vshrl.u32 v22, $0x5  }
0x40: {  	v6 =	vld [tilespmem:s23+$0x3C0];
	v58 =	vshrl.u32 v54, $0x6;
	v61 =	vshrl.u32 v52, $0x6;
	v17 =	vshrl.u32 v27, $0x5  }
0x41: {  	v11 =	vld [tilespmem:s23+$0x3D0];
	v19 =	vshrl.u32 v28, $0x5;
	v20 =	vshrl.u32 v30, $0x5;
	v8 =	vshrl.u32 v31, $0x5;
	[tilespmem:$0x1FDF0] =	vst v22  }
0x42: {  	v13 =	vld [tilespmem:s23+$0x3E0];
	v9 =	vshrl.u32 v45, $0x5;
	v10 =	vshrl.u32 v39, $0x5;
	v22 =	vshrl.u32 v22, $0x4;
	[tilespmem:$0x1FE10] =	vst v28  }
0x43: {  	v12 =	vld [tilespmem:s23+$0x3F0];
	v7 =	vshrl.u32 v53, $0x5;
	v28 =	vshrl.u32 v28, $0x4;
	v32 =	vshrl.u32 v30, $0x4;
	[tilespmem:$0x1FEB0] =	vst v0  }
0x44: {  	v29 =	vld [tilespmem:s23+$0x370];
	v35 =	vshrl.u32 v31, $0x4;
	v0 =	vshrl.u32 v27, $0x6;
	[tilespmem:$0x1FED0] =	vst v2;
	v2 =	vshrl.u32 v52, $0x5  }
0x45: {  	v33 =	vld [tilespmem:s23+$0x280];
	[tilespmem:$0x1FE00] =	vst v27;
	v22 =	vand.u32 $0x1, v22;
	v27 =	vshrl.u32 v27, $0x4;
	v15 =	vand.u32 $0x1, v15  }
0x46: {  	v36 =	vld [tilespmem:s23+$0x290];
	v17 =	vand.u32 $0x1, v17;
	v20 =	vand.u32 $0x1, v20;
	v28 =	vand.u32 $0x1, v28  }
0x47: {  	v42 =	vld [tilespmem:s23+$0x2A0];
	v22 =	vcvt.s32.f32 v22;
	v1 =	vsub.f32 v1, v3;
	v26 =	vsub.f32 v4, v5  }
0x48: {  	v14 =	vld [tilespmem:s23+$0x300];
	v19 =	vand.u32 $0x1, v19;
	v11 =	vsub.f32 v11, v6;
	v12 =	vsub.f32 v12, v13  }
0x49: {  	v47 =	vld [tilespmem:s23+$0x2D0];
	v8 =	vand.u32 $0x1, v8;
	v34 =	vmul.f32 v22, v1;
	v26 =	vmul.f32 v22, v26  }
0x4a: {  	v48 =	vld [tilespmem:s23+$0x2E0];
	v10 =	vand.u32 $0x1, v10;
	v11 =	vmul.f32 v22, v11;
	v22 =	vmul.f32 v22, v12  }
0x4b: {  	v49 =	vld [tilespmem:s23+$0x2F0];
	v27 =	vand.u32 $0x1, v27;
	v3 =	vadd.f32 v34, v3;
	v5 =	vadd.f32 v26, v5  }
0x4c: {  	v27 =	vcvt.s32.f32 v27;
	v34 =	vld [tilespmem:s23+$0x2C0];
	v6 =	vadd.f32 v11, v6;
	v11 =	vadd.f32 v22, v13  }
0x4d: {  	v15 =	vcvt.s32.f32 v15;
	v16 =	vsub.f32 v16, v14;
	v26 =	vld [tilespmem:s23+$0x2B0];
	v5 =	vsub.f32 v5, v3  }
0x4e: {  	v7 =	vand.u32 $0x1, v7;
	v13 =	vmul.f32 v27, v21;
	v22 =	vld [tilespmem:s23+$0x200];
	v11 =	vsub.f32 v11, v6  }
0x4f: {  	[tilespmem:$0x1FE50] =	vst v39;
	v16 =	vmul.f32 v27, v16;
	v21 =	vshrl.u32 v39, $0x4;
	v39 =	vld [tilespmem:s23+$0x90];
	v5 =	vmul.f32 v15, v5  }
0x50: {  	v18 =	vadd.f32 v13, v18;
	v13 =	vsub.f32 v29, v25;
	v11 =	vmul.f32 v15, v11;
	v15 =	vld [tilespmem:s23+$0x190]  }
0x51: {  	[tilespmem:$0x1FE20] =	vst v30;
	v17 =	vcvt.s32.f32 v17;
	v63 =	vsub.f32 v47, v34;
	v47 =	vld [tilespmem:s23+$0x240];
	v30 =	vadd.f32 v5, v3  }
0x52: {  	v28 =	vcvt.s32.f32 v28;
	v5 =	vadd.f32 v16, v14;
	v14 =	vld [tilespmem:s23+$0x210];
	v16 =	vsub.f32 v24, v23  }
0x53: {  	v29 =	vsub.f32 v36, v33;
	v26 =	vsub.f32 v26, v42;
	v3 =	vand.u32 $0x1, v32;
	v24 =	vld [tilespmem:s23+$0x220]  }
0x54: {  	v32 =	vld [tilespmem:s23+$0x230];
	v38 =	vadd.f32 v11, v6;
	v6 =	vcvt.s32.f32 v20;
	v16 =	vmul.f32 v27, v16  }
0x55: {  	v20 =	vld [tilespmem:s23+$0x1C0];
	v3 =	vcvt.s32.f32 v3;
	v27 =	vmul.f32 v27, v13;
	v13 =	vsub.f32 v49, v48  }
0x56: {  	v19 =	vcvt.s32.f32 v19;
	v18 =	vsub.f32 v18, v5;
	v16 =	vadd.f32 v16, v23;
	v23 =	vld [tilespmem:s23+$0x250]  }
0x57: {  	v29 =	vmul.f32 v3, v29;
	v26 =	vmul.f32 v3, v26;
	v25 =	vadd.f32 v27, v25;
	v27 =	vld [tilespmem:s23+$0x260]  }
0x58: {  	[tilespmem:$0x1FE60] =	vst v53;
	v36 =	vmul.f32 v3, v63;
	v3 =	vmul.f32 v3, v13;
	v13 =	vshrl.u32 v53, $0x4;
	v53 =	vmovc v57;
	v57 =	vld [tilespmem:s23+$0x1B0]  }
0x59: {  	v8 =	vcvt.s32.f32 v8;
	v10 =	vcvt.s32.f32 v10;
	v29 =	vadd.f32 v29, v33;
	v33 =	vld [tilespmem:s23+$0x270]  }
0x5a: {  	v18 =	vmul.f32 v17, v18;
	v26 =	vadd.f32 v26, v42;
	v42 =	vld [tilespmem:s23+$0x180];
	v34 =	vadd.f32 v36, v34  }
0x5b: {  	[tilespmem:$0x1FE40] =	vst v45;
	v12 =	vshrl.u32 v45, $0x4;
	v36 =	vld [tilespmem:s23+$0x20];
	v45 =	vadd.f32 v3, v48;
	v25 =	vsub.f32 v25, v16  }
0x5c: {  	v7 =	vcvt.s32.f32 v7;
	v48 =	vld [tilespmem:s23+$0x1A0];
	v5 =	vadd.f32 v18, v5;
	v18 =	vsub.f32 v32, v24  }
0x5d: {  	v2 =	vand.u32 $0x1, v2;
	v32 =	vld [tilespmem:s23+$0x120];
	v11 =	vsub.f32 v26, v29;
	v26 =	vsub.f32 v45, v34  }
0x5e: {  	v0 =	vcvt.s32.f32 v0;
	v14 =	vsub.f32 v14, v22;
	v17 =	vmul.f32 v17, v25;
	v25 =	vld [tilespmem:s23+$0x1D0]  }
0x5f: {  	v4 =	vshrl.u32 v54, $0x5;
	v63 =	vmul.f32 v6, v11;
	v6 =	vmul.f32 v6, v26;
	v26 =	vld [tilespmem:s23+$0x1E0]  }
0x60: {  	v14 =	vmul.f32 v28, v14;
	v18 =	vmul.f32 v28, v18;
	v44 =	vadd.f32 v17, v16;
	v16 =	vld [tilespmem:s23+$0x1F0]  }
0x61: {  	v2 =	vcvt.s32.f32 v2;
	v1 =	vshrl.u32 v56, $0x5;
	v23 =	vsub.f32 v23, v47;
	v17 =	vld [tilespmem:s23+$0x100]  }
0x62: {  	v12 =	vand.u32 $0x1, v12;
	v14 =	vadd.f32 v14, v22;
	v18 =	vadd.f32 v18, v24;
	v24 =	vld [tilespmem:s23+$0x130]  }
0x63: {  	[tilespmem:$0x1FE30] =	vst v31;
	v22 =	vand.u32 $0x1, v35;
	v33 =	vsub.f32 v33, v27;
	v31 =	vadd.f32 v63, v29;
	v29 =	vld [tilespmem:s23+$0x110]  }
0x64: {  	v22 =	vcvt.s32.f32 v22;
	v15 =	vsub.f32 v15, v42;
	v23 =	vmul.f32 v28, v23;
	v63 =	vld [tilespmem:s23+$0x150]  }
0x65: {  	v11 =	vshrl.u32 v54, $0x4;
	v57 =	vsub.f32 v57, v48;
	v28 =	vmul.f32 v28, v33;
	v33 =	vld [tilespmem:s23+$0x140]  }
0x66: {  	[tilespmem:$0x1FE70] =	vst v54;
	v15 =	vmul.f32 v22, v15;
	v18 =	vsub.f32 v18, v14;
	v23 =	vadd.f32 v23, v47;
	v47 =	vld [tilespmem:s23+$0x80]  }
0x67: {  	v54 =	vmovc v5;
	v5 =	vadd.f32 v6, v34;
	v25 =	vsub.f32 v25, v20;
	v34 =	vmul.f32 v22, v57;
	v57 =	vld [tilespmem:s23+$0xE0]  }
0x68: {  	v27 =	vadd.f32 v28, v27;
	v28 =	vld [tilespmem:s23+$0x160];
	v15 =	vadd.f32 v15, v42;
	v18 =	vmul.f32 v19, v18  }
0x69: {  	v21 =	vand.u32 $0x1, v21;
	v16 =	vsub.f32 v16, v26;
	v34 =	vadd.f32 v34, v48;
	v48 =	vmovc v56;
	v56 =	vld [tilespmem:s23+$0xFFFFFFD0]  }
0x6a: {  	v25 =	vmul.f32 v22, v25;
	v27 =	vsub.f32 v27, v23;
	v3 =	vadd.f32 v18, v14;
	v14 =	vld [tilespmem:s23+$0xC0]  }
0x6b: {  	v24 =	vsub.f32 v24, v32;
	v18 =	vcvt.s32.f32 v21;
	v16 =	vmul.f32 v22, v16;
	v22 =	vld [tilespmem:s23+$0x170]  }
0x6c: {  	v21 =	vsub.f32 v29, v17;
	v29 =	vld [tilespmem:s23+$0xD0];
	v19 =	vmul.f32 v19, v27;
	v27 =	vsub.f32 v34, v15  }
0x6d: {  	v12 =	vcvt.s32.f32 v12;
	v20 =	vadd.f32 v25, v20;
	v25 =	vld [tilespmem:s23+$0xA0];
	v16 =	vadd.f32 v16, v26  }
0x6e: {  	v45 =	vsub.f32 v63, v33;
	v21 =	vmul.f32 v18, v21;
	v26 =	vld [tilespmem:s23+$0xB0];
	v27 =	vmul.f32 v8, v27  }
0x6f: {  	v49 =	vmovc v52;
	v52 =	vadd.f32 v19, v23;
	v19 =	vld [tilespmem:s23+$0xF0];
	v23 =	vmul.f32 v18, v24;
	v16 =	vsub.f32 v16, v20  }
0x70: {  	v24 =	vmul.f32 v18, v45;
	v17 =	vadd.f32 v21, v17;
	v21 =	vld [tilespmem:s23+$0x0];
	v22 =	vsub.f32 v22, v28  }
0x71: {  	v63 =	vand.u32 $0x1, v9;
	v45 =	vld [tilespmem:s23+$0xFFFFFEB0];
	v9 =	vadd.f32 v23, v32;
	v16 =	vmul.f32 v8, v16  }
0x72: {  	v23 =	vld [tilespmem:s23+$0x10];
	v24 =	vadd.f32 v24, v33;
	v8 =	vadd.f32 v27, v15;
	v18 =	vmul.f32 v18, v22  }
0x73: {  	v13 =	vand.u32 $0x1, v13;
	v27 =	vld [tilespmem:s23+$0x40];
	v15 =	vsub.f32 v9, v17;
	v9 =	vadd.f32 v16, v20  }
0x74: {  	v13 =	vcvt.s32.f32 v13;
	v20 =	vsub.f32 v39, v47;
	v39 =	vld [tilespmem:s23+$0xFFFFFFC0];
	v18 =	vadd.f32 v18, v28  }
0x75: {  	v29 =	vsub.f32 v29, v14;
	v26 =	vsub.f32 v26, v25;
	v28 =	vld [tilespmem:s23+$0x30];
	v15 =	vmul.f32 v10, v15  }
0x76: {  	v11 =	vand.u32 $0x1, v11;
	v19 =	vsub.f32 v19, v57;
	v16 =	vsub.f32 v18, v24;
	v18 =	vld [tilespmem:s23+$0x50]  }
0x77: {  	v6 =	vadd.f32 v15, v17;
	v15 =	vld [tilespmem:s23+$0x70];
	v17 =	vmul.f32 v12, v20;
	v20 =	vmul.f32 v12, v26  }
0x78: {  	v23 =	vsub.f32 v23, v21;
	v26 =	vmul.f32 v12, v29;
	v10 =	vmul.f32 v10, v16;
	v16 =	vld [tilespmem:s23+$0x60]  }
0x79: {  	v12 =	vmul.f32 v12, v19;
	v17 =	vadd.f32 v17, v47;
	v20 =	vadd.f32 v20, v25;
	v25 =	vld [tilespmem:s23+$0xFFFFFFA0]  }
0x7a: {  	v22 =	vshrl.u32 v49, $0x4;
	v14 =	vadd.f32 v26, v14;
	v26 =	vld [tilespmem:s23+$0xFFFFFFB0];
	v28 =	vsub.f32 v28, v36  }
0x7b: {  	v19 =	vld [tilespmem:s23+$0xFFFFFF80];
	v23 =	vmul.f32 v13, v23;
	v12 =	vadd.f32 v12, v57;
	v10 =	vadd.f32 v10, v24  }
0x7c: {  	v29 =	vld [tilespmem:s23+$0xFFFFFF90];
	v24 =	vcvt.s32.f32 v63;
	v20 =	vsub.f32 v20, v17;
	v28 =	vmul.f32 v13, v28  }
0x7d: {  	v22 =	vand.u32 $0x1, v22;
	v57 =	vld [tilespmem:s23+$0xFFFFFFF0];
	v21 =	vadd.f32 v23, v21;
	v12 =	vsub.f32 v12, v14  }
0x7e: {  	v23 =	vld [tilespmem:s23+$0xFFFFFFE0];
	v18 =	vsub.f32 v18, v27;
	v20 =	vmul.f32 v24, v20;
	v28 =	vadd.f32 v28, v36  }
0x7f: {  	v12 =	vmul.f32 v24, v12;
	v24 =	vld [tilespmem:s23+$0xFFFFFF00];
	v15 =	vsub.f32 v15, v16;
	v26 =	vsub.f32 v26, v25  }
0x80: {  	v18 =	vmul.f32 v13, v18;
	v47 =	vadd.f32 v20, v17;
	v17 =	vld [tilespmem:s23+$0xFFFFFF10];
	v20 =	vsub.f32 v28, v21  }
0x81: {  	v15 =	vmul.f32 v13, v15;
	v13 =	vadd.f32 v12, v14;
	v12 =	vld [tilespmem:s23+$0xFFFFFF20];
	v14 =	vcvt.s32.f32 v22  }
0x82: {  	v18 =	vadd.f32 v18, v27;
	v22 =	vsub.f32 v29, v19;
	v28 =	vld [tilespmem:s23+$0xFFFFFF40];
	v20 =	vmul.f32 v7, v20  }
0x83: {  	v11 =	vcvt.s32.f32 v11;
	v29 =	vsub.f32 v56, v39;
	v15 =	vadd.f32 v15, v16;
	v16 =	vld [tilespmem:s23+$0xFFFFFF30]  }
0x84: {  	v32 =	vsub.f32 v57, v23;
	v35 =	vadd.f32 v20, v21;
	v20 =	vld [tilespmem:s23+$0xFFFFFF50];
	v21 =	vmul.f32 v14, v22  }
0x85: {  	v22 =	vmul.f32 v14, v26;
	v26 =	vmul.f32 v14, v29;
	v29 =	vld [tilespmem:s23+$0xFFFFFF60];
	v15 =	vsub.f32 v15, v18  }
0x86: {  	v14 =	vmul.f32 v14, v32;
	v17 =	vsub.f32 v17, v24;
	v19 =	vadd.f32 v21, v19;
	v21 =	vld [tilespmem:s23+$0xFFFFFF70]  }
0x87: {  	v22 =	vadd.f32 v22, v25;
	v25 =	vld [tilespmem:s23+$0xFFFFFE80];
	v7 =	vmul.f32 v7, v15;
	v26 =	vadd.f32 v26, v39  }
0x88: {  	v15 =	vld [tilespmem:s23+$0xFFFFFE90];
	v23 =	vadd.f32 v14, v23;
	v17 =	vmul.f32 v11, v17;
	v16 =	vsub.f32 v16, v12  }
0x89: {  	v4 =	vand.u32 $0x1, v4;
	v63 =	vld [tilespmem:s23+$0xFFFFFEA0];
	v22 =	vsub.f32 v22, v19;
	v14 =	vadd.f32 v7, v18  }
0x8a: {  	v18 =	vsub.f32 v23, v26;
	v17 =	vadd.f32 v17, v24;
	v24 =	vld [tilespmem:s23+$0xFFFFFED0];
	v7 =	vmul.f32 v11, v16  }
0x8b: {  	v4 =	vcvt.s32.f32 v4;
	v16 =	vld [tilespmem:s23+$0xFFFFFEC0];
	v22 =	vmul.f32 v2, v22  }
0x8c: {  	v42 =	vmovc v55;
	v2 =	vmul.f32 v2, v18;
	v7 =	vadd.f32 v7, v12;
	v12 =	vsub.f32 v20, v28;
	v20 =	vld [tilespmem:s23+$0xFFFFFEE0]  }
0x8d: {  	v27 =	vshrl.u32 v42, $0x4;
	v18 =	vsub.f32 v21, v29;
	v21 =	vld [tilespmem:s23+$0xFFFFFEF0];
	v15 =	vsub.f32 v15, v25  }
0x8e: {  	v23 =	vand.u32 $0x1, v27;
	v27 =	vld [tilespmem:s23+$0xFFFFFE20];
	v56 =	vadd.f32 v22, v19;
	v39 =	vadd.f32 v2, v26  }
0x8f: {  	v19 =	vld [tilespmem:s23+$0xFFFFFE00];
	v12 =	vmul.f32 v11, v12;
	v7 =	vsub.f32 v7, v17;
	v11 =	vmul.f32 v11, v18  }
0x90: {  	v22 =	vld [tilespmem:s23+$0xFFFFFE10];
	v18 =	vcvt.s32.f32 v23;
	v23 =	vshrl.u32 v42, $0x5;
	v24 =	vsub.f32 v24, v16  }
0x91: {  	v2 =	vld [tilespmem:s23+$0xFFFFFE30];
	v12 =	vadd.f32 v12, v28;
	v7 =	vmul.f32 v4, v7;
	v11 =	vadd.f32 v11, v29  }
0x92: {  	v28 =	vsub.f32 v45, v63;
	v15 =	vmul.f32 v18, v15;
	v21 =	vsub.f32 v21, v20  }
0x93: {  	v24 =	vmul.f32 v18, v24;
	v57 =	vadd.f32 v7, v17;
	v7 =	vshrl.u32 v48, $0x4  }
0x94: {  	v17 =	vmul.f32 v18, v28;
	v11 =	vsub.f32 v11, v12;
	v7 =	vand.u32 $0x1, v7  }
0x95: {  	v15 =	vadd.f32 v15, v25;
	v22 =	vsub.f32 v22, v19;
	v7 =	vcvt.s32.f32 v7  }
0x96: {  	v2 =	vsub.f32 v2, v27;
	v4 =	vmul.f32 v4, v11;
	v11 =	vmul.f32 v18, v21  }
0x97: {  	v23 =	vand.u32 $0x1, v23;
	v16 =	vadd.f32 v24, v16;
	v17 =	vadd.f32 v17, v63  }
0x98: {  	v29 =	vld [tilespmem:s23+$0xFFFFFE60];
	v22 =	vmul.f32 v7, v22;
	v11 =	vadd.f32 v11, v20;
	v4 =	vadd.f32 v4, v12  }
0x99: {  	[tilespmem:$0x1FE80] =	vst v0;
	v21 =	vcvt.s32.f32 v23;
	v23 =	vld [tilespmem:s23+$0xFFFFFD80];
	v2 =	vmul.f32 v7, v2;
	v17 =	vsub.f32 v17, v15  }
0x9a: {  	v0 =	vadd.f32 v22, v19;
	v19 =	vld [tilespmem:s23+$0xFFFFFD90];
	[tilespmem:$0x1FFF0] =	vst v4;
	v4 =	vsub.f32 v11, v16  }
0x9b: {  	v18 =	vld [tilespmem:s23+$0xFFFFFE70];
	v2 =	vadd.f32 v2, v27;
	v17 =	vmul.f32 v21, v17  }
0x9c: {  	v1 =	vand.u32 $0x1, v1;
	v25 =	vld [tilespmem:s23+$0xFFFFFE40];
	v4 =	vmul.f32 v21, v4;
	v21 =	vcvt.s32.f32 v37  }
0x9d: {  	v1 =	vcvt.s32.f32 v1;
	v24 =	vld [tilespmem:s23+$0xFFFFFDB0];
	v20 =	vshrl.u32 v53, $0x4;
	v2 =	vsub.f32 v2, v0  }
0x9e: {  	v20 =	vand.u32 $0x1, v20;
	v22 =	vld [tilespmem:s23+$0xFFFFFDA0];
	[tilespmem:$0x1FE90] =	vst v21;
	v21 =	vcvt.s32.f32 v46  }
0x9f: {  	v28 =	vld [tilespmem:s23+$0xFFFFFE50];
	v20 =	vcvt.s32.f32 v20;
	v2 =	vmul.f32 v1, v2;
	v19 =	vsub.f32 v19, v23  }
0xa0: {  	v63 =	vadd.f32 v17, v15;
	v17 =	vsub.f32 v18, v29;
	[tilespmem:$0x1FEA0] =	vst v21;
	v21 =	vld [tilespmem:$0x1FEB0]  }
0xa1: {  	v33 =	vld [tilespmem:s23+$0xFFFFFD00];
	v2 =	vadd.f32 v2, v0;
	v0 =	vshrl.u32 v42, $0x6;
	v19 =	vmul.f32 v20, v19  }
0xa2: {  	v12 =	vld [tilespmem:s23+$0xFFFFFDE0];
	v4 =	vadd.f32 v4, v16;
	v16 =	vmul.f32 v7, v17;
	v0 =	vcvt.s32.f32 v0  }
0xa3: {  	v11 =	vld [tilespmem:s23+$0xFFFFFDC0];
	v17 =	vsub.f32 v24, v22;
	v24 =	vadd.f32 v19, v23;
	v19 =	vshrl.u32 v53, $0x6  }
0xa4: {  	v15 =	vsub.f32 v28, v25;
	v18 =	vld [tilespmem:s23+$0xFFFFFDD0];
	[tilespmem:$0x1FF40] =	vst v0;
	v0 =	vcvt.s32.f32 v19  }
0xa5: {  	v28 =	vld [tilespmem:s23+$0xFFFFFD10];
	v21 =	vcvt.s32.f32 v21  }
0xa6: {  	v15 =	vmul.f32 v7, v15;
	v7 =	vld [tilespmem:s23+$0xFFFFFDF0];
	[tilespmem:$0x1FF50] =	vst v0;
	v0 =	vshrl.u32 v40, $0x6  }
0xa7: {  	v17 =	vmul.f32 v20, v17;
	[tilespmem:$0x1FEC0] =	vst v21;
	v21 =	vld [tilespmem:$0x1FED0];
	v0 =	vcvt.s32.f32 v0  }
0xa8: {  	v45 =	vadd.f32 v16, v29  }
0xa9: {  	v23 =	vadd.f32 v17, v22;
	v17 =	vcvt.s32.f32 v58;
	[tilespmem:$0x1FF70] =	vst v0;
	v0 =	vshrl.u32 v60, $0x6  }
0xaa: {  	v34 =	vld [tilespmem:s23+$0xFFFFFC40];
	v28 =	vsub.f32 v28, v33;
	v58 =	vsub.f32 v5, v31;
	v0 =	vcvt.s32.f32 v0  }
0xab: {  	v26 =	vld [tilespmem:s23+$0xFFFFFD30];
	[tilespmem:$0x1FF20] =	vst v17;
	v17 =	vsub.f32 v18, v11;
	v18 =	vsub.f32 v7, v12;
	v7 =	vcvt.s32.f32 v61  }
0xac: {  	v37 =	vld [tilespmem:s23+$0xFFFFFD60];
	v5 =	vshrl.u32 v40, $0x4;
	v21 =	vcvt.s32.f32 v21;
	[tilespmem:$0x1FF80] =	vst v0;
	v0 =	vshrl.u32 v41, $0x6  }
0xad: {  	v22 =	vld [tilespmem:s23+$0xFFFFFD50];
	v61 =	vsub.f32 v9, v8;
	v9 =	vsub.f32 v39, v56;
	[tilespmem:$0x1FF30] =	vst v7;
	v0 =	vcvt.s32.f32 v0  }
0xae: {  	v39 =	vld [tilespmem:s23+$0xFFFFFC50];
	v7 =	vadd.f32 v15, v25;
	v27 =	vmul.f32 v20, v17;
	[tilespmem:$0x1FEE0] =	vst v21;
	v21 =	vcvt.s32.f32 v59  }
0xaf: {  	v55 =	vmovc v60;
	v15 =	vld [tilespmem:s23+$0xFFFFFD20];
	v59 =	vsub.f32 v38, v30;
	[tilespmem:$0x1FF90] =	vst v0;
	v0 =	vshrl.u32 v60, $0x5;
	v60 =	vsub.f32 v44, v54  }
0xb0: {  	v17 =	vld [tilespmem:s23+$0xFFFFFD40];
	[tilespmem:$0x1FEF0] =	vst v21;
	v21 =	vcvt.s32.f32 v62;
	v19 =	vand.u32 $0x1, v0;
	v0 =	vshrl.u32 v40, $0x5  }
0xb1: {  	[tilespmem:$0x1FFC0] =	vst v3;
	v25 =	vld [tilespmem:s23+$0xFFFFFC10];
	v62 =	vsub.f32 v52, v3;
	v3 =	vshrl.u32 v55, $0x4;
	v29 =	vand.u32 $0x1, v0  }
0xb2: {  	v38 =	vld [tilespmem:s23+$0xFFFFFD70];
	v52 =	vmovc v8;
	v0 =	vshrl.u32 v41, $0x5;
	v8 =	vand.u32 $0x1, v3;
	[tilespmem:$0x1FF00] =	vst v21;
	v21 =	vcvt.s32.f32 v43  }
0xb3: {  	[tilespmem:$0x1FFD0] =	vst v40;
	v40 =	vld [tilespmem:s23+$0xFFFFFC30];
	v3 =	vsub.f32 v14, v35;
	v43 =	vmul.f32 v20, v18;
	v18 =	vshrl.u32 v53, $0x5  }
0xb4: {  	v46 =	vand.u32 $0x1, v0;
	v44 =	vcvt.s32.f32 v8;
	v8 =	vld [tilespmem:$0x1FFF0];
	[tilespmem:$0x1FF10] =	vst v21;
	v21 =	vshrl.u32 v48, $0x6  }
0xb5: {  	v20 =	vld [tilespmem:s23+$0xFFFFFC00];
	v0 =	vsub.f32 v10, v6;
	v18 =	vand.u32 $0x1, v18;
	v16 =	vcvt.s32.f32 v21  }
0xb6: {  	v36 =	vmovc v6;
	v6 =	vsub.f32 v13, v47;
	v13 =	vcvt.s32.f32 v18;
	v18 =	vsub.f32 v23, v24;
	v23 =	vld [tilespmem:s23+$0xFFFFFC60]  }
0xb7: {  	v10 =	vcvt.s32.f32 v19;
	v21 =	vld [tilespmem:s23+$0xFFFFFC20];
	[tilespmem:$0x1FF60] =	vst v16;
	v16 =	vand.u32 $0x1, v5;
	v5 =	vshrl.u32 v41, $0x4  }
0xb8: {  	[tilespmem:$0x1FFE0] =	vst v41;
	v32 =	vcvt.s32.f32 v46;
	v41 =	vld [tilespmem:s23+$0xFFFFFC70];
	v14 =	vand.u32 $0x1, v5;
	v5 =	vcvt.s32.f32 v29  }
0xb9: {  	[tilespmem:$0x1FFA0] =	vst v30;
	v8 =	vsub.f32 v8, v57;
	v19 =	vcvt.s32.f32 v16;
	v29 =	vmul.f32 v13, v18;
	v18 =	vld [tilespmem:s23+$0xFFFFFC80]  }
0xba: {  	s24 =	simm.s32 $0x40;
	[tilespmem:$0x1FFB0] =	vst v31;
	v16 =	vsub.f32 v45, v7;
	v45 =	vmul.f32 v44, v28;
	v28 =	vsub.f32 v26, v15;
	v26 =	vld [tilespmem:s23+$0xFFFFFC90]  }
.LBB2_4:
0xbb: {  	_ = 	snop  }
0xbc: {  	v46 =	vld [tilespmem:s23+$0xFFFFFCA0];
	v27 =	vadd.f32 v27, v11;
	v28 =	vmul.f32 v44, v28  }
0xbd: {  	v24 =	vadd.f32 v29, v24;
	v11 =	vld [tilespmem:$0x1FE90];
	v1 =	vmul.f32 v1, v16;
	v25 =	vsub.f32 v25, v20  }
0xbe: {  	v30 =	vmov v54;
	v54 =	vld [tilespmem:s23+$0xFFFFFCD0];
	v15 =	vadd.f32 v28, v15;
	v28 =	vsub.f32 v40, v21  }
0xbf: {  	v29 =	vld [tilespmem:s23+$0xFFFFFCB0];
	v33 =	vadd.f32 v45, v33;
	v1 =	vadd.f32 v1, v7;
	v25 =	vmul.f32 v19, v25  }
0xc0: {  	v45 =	vld [tilespmem:s23+$0xFFFFFCC0];
	v22 =	vsub.f32 v22, v17;
	v38 =	vsub.f32 v38, v37;
	v28 =	vmul.f32 v19, v28  }
0xc1: {  	v40 =	vld [tilespmem:s23+$0xFFFFFCE0];
	v20 =	vadd.f32 v25, v20;
	v25 =	vsub.f32 v39, v34  }
0xc2: {  	v11 =	vmul.f32 v11, v59;
	v59 =	vld [tilespmem:s23+$0xFFFFFCF0];
	v21 =	vadd.f32 v28, v21;
	v28 =	vsub.f32 v41, v23  }
0xc3: {  	v26 =	vsub.f32 v26, v18;
	v22 =	vmul.f32 v44, v22;
	v38 =	vmul.f32 v44, v38  }
0xc4: {  	v29 =	vsub.f32 v29, v46;
	v25 =	vmul.f32 v19, v25;
	v19 =	vmul.f32 v19, v28  }
0xc5: {  	v14 =	vcvt.s32.f32 v14;
	v17 =	vadd.f32 v22, v17;
	v22 =	vadd.f32 v38, v37  }
0xc6: {  	v7 =	vld [tilespmem:$0x1FF30];
	v25 =	vadd.f32 v25, v34;
	v19 =	vadd.f32 v19, v23  }
0xc7: {  	v26 =	vmul.f32 v14, v26;
	v28 =	vsub.f32 v54, v45;
	v44 =	vsub.f32 v59, v40  }
0xc8: {  	v29 =	vmul.f32 v14, v29;
	v21 =	vsub.f32 v21, v20;
	v19 =	vsub.f32 v19, v25  }
0xc9: {  	v18 =	vadd.f32 v26, v18;
	v23 =	vmul.f32 v14, v28;
	v14 =	vmul.f32 v14, v44  }
0xca: {  	v26 =	vadd.f32 v29, v46;
	v21 =	vmul.f32 v5, v21;
	v5 =	vmul.f32 v5, v19  }
0xcb: {  	v7 =	vmul.f32 v7, v9;
	v9 =	vld [tilespmem:$0x1FF70];
	v23 =	vadd.f32 v23, v45;
	v14 =	vadd.f32 v14, v40  }
0xcc: {  	v20 =	vadd.f32 v21, v20;
	v5 =	vadd.f32 v5, v25  }
0xcd: {  	v26 =	vsub.f32 v26, v18;
	v14 =	vsub.f32 v14, v23  }
0xce: {  	v5 =	vsub.f32 v5, v20  }
0xcf: {  	v19 =	vsub.f32 v22, v17;
	v22 =	vmul.f32 v32, v26;
	v14 =	vmul.f32 v32, v14  }
0xd0: {  	v5 =	vmul.f32 v9, v5;
	v9 =	vld [tilespmem:$0x1FF90]  }
0xd1: {  	v18 =	vadd.f32 v22, v18;
	v14 =	vadd.f32 v14, v23  }
0xd2: {  	v15 =	vsub.f32 v15, v33  }
0xd3: {  	v14 =	vsub.f32 v14, v18  }
0xd4: {  	v15 =	vmul.f32 v10, v15;
	v10 =	vmul.f32 v10, v19  }
0xd5: {  	v43 =	vadd.f32 v43, v12;
	v9 =	vmul.f32 v9, v14;
	v14 =	vld [tilespmem:$0x1FF80]  }
0xd6: {  	v15 =	vadd.f32 v15, v33;
	v10 =	vadd.f32 v10, v17  }
0xd7: {  	v43 =	vsub.f32 v43, v27  }
0xd8: {  	v10 =	vsub.f32 v10, v15  }
0xd9: {  	v13 =	vmul.f32 v13, v43  }
0xda: {  	v10 =	vmul.f32 v14, v10;
	v14 =	vld [tilespmem:$0x1FF50]  }
0xdb: {  	v13 =	vadd.f32 v13, v27;
	_ =	sdelay $0x1  }
0xdc: {  	v13 =	vsub.f32 v13, v24;
	_ =	sdelay $0x1  }
0xdd: {  	v13 =	vmul.f32 v14, v13;
	v14 =	vld [tilespmem:$0x1FF60];
	_ =	sdelay $0x2  }
0xde: {  	v1 =	vsub.f32 v1, v2;
	_ =	sdelay $0x1  }
0xdf: {  	v1 =	vmul.f32 v14, v1;
	v14 =	vld [tilespmem:$0x1FF40];
	_ =	sdelay $0x2  }
0xe0: {  	v4 =	vsub.f32 v4, v63;
	_ =	sdelay $0x1  }
0xe1: {  	v4 =	vmul.f32 v14, v4;
	v14 =	vld [tilespmem:$0x1FFD0];
	_ =	sdelay $0x2  }
0xe2: {  	v5 =	vadd.f32 v5, v20;
	_ =	sdelay $0x1  }
0xe3: {  	v5 =	vperm.xlane v5, v14;
	v14 =	vld [tilespmem:$0x1FFE0];
	_ =	sdelay $0x1  }
0xe4: {  	v1 =	vadd.f32 v1, v2;
	v2 =	vld [tilespmem:$0x1FF20]  }
0xe5: {  	v9 =	vadd.f32 v9, v18  }
0xe6: {  	v10 =	vadd.f32 v10, v15  }
0xe7: {  	v13 =	vadd.f32 v13, v24;
	v9 =	vperm.xlane v9, v14  }
0xe8: {  	v10 =	vperm.xlane v10, v55  }
0xe9: {  	v2 =	vmul.f32 v2, v8;
	v8 =	vperm.xlane v13, v53;
	v5 =	vsel vm0, v5, v9  }
0xea: {  	v1 =	vperm.xlane v1, v48;
	v5 =	vsel vm1, v5, v10  }
0xeb: {  	v5 =	vsel vm2, v5, v8  }
0xec: {  	v1 =	vsel vm3, v5, v1;
	v5 =	vld [tilespmem:$0x1FE70];
	_ =	sdelay $0x1  }
0xed: {  	v4 =	vadd.f32 v4, v63  }
0xee: {  	v16 =	vld [tilespmem:$0x1FF00];
	v2 =	vadd.f32 v2, v57  }
0xef: {  	v4 =	vperm.xlane v4, v42  }
0xf0: {  	v2 =	vperm.xlane v2, v5  }
0xf1: {  	v1 =	vsel vm4, v1, v4  }
0xf2: {  	v1 =	vsel vm5, v1, v2;
	v2 =	vld [tilespmem:$0x1FE60]  }
0xf3: {  	v3 =	vmul.f32 v16, v3  }
0xf4: {  	v7 =	vadd.f32 v7, v56;
	v19 =	vld [tilespmem:$0x1FF10]  }
0xf5: {  	v3 =	vadd.f32 v3, v35;
	v29 =	vld [tilespmem:$0x1FEE0]  }
0xf6: {  	v31 =	vld [tilespmem:$0x1FEC0];
	v4 =	vperm.xlane v7, v49  }
0xf7: {  	v12 =	vld [tilespmem:$0x1FE80];
	v2 =	vperm.xlane v3, v2  }
0xf8: {  	v1 =	vsel vm6, v1, v4;
	v3 =	vld [tilespmem:$0x1FE40]  }
0xf9: {  	v6 =	vmul.f32 v19, v6;
	v1 =	vsel vm7, v1, v2;
	v2 =	vld [tilespmem:$0x1FE50]  }
0xfa: {  	v0 =	vmul.f32 v29, v0  }
0xfb: {  	v28 =	vld [tilespmem:$0x1FEF0];
	v5 =	vadd.f32 v6, v47  }
0xfc: {  	v12 =	vmul.f32 v12, v60;
	v0 =	vadd.f32 v0, v36  }
0xfd: {  	v60 =	vmul.f32 v31, v58;
	v31 =	vld [tilespmem:$0x1FEA0];
	v3 =	vperm.xlane v5, v3  }
0xfe: {  	v0 =	vperm.xlane v0, v2;
	v2 =	vld [tilespmem:$0x1FFC0]  }
0xff: {  	v1 =	vsel vm8, v1, v3;
	v3 =	vld [tilespmem:$0x1FE30]  }
0x100: {  	v28 =	vmul.f32 v28, v61  }
0x101: {  	v0 =	vsel vm9, v1, v0;
	v1 =	vld [tilespmem:$0x1FE10]  }
0x102: {  	v62 =	vmul.f32 v31, v62;
	v4 =	vadd.f32 v28, v52;
	_ =	sdelay $0x1  }
0x103: {  	v2 =	vadd.f32 v62, v2;
	v3 =	vperm.xlane v4, v3;
	v4 =	vld [tilespmem:$0x1FFB0];
	_ =	sdelay $0x1  }
0x104: {  	v1 =	vperm.xlane v2, v1;
	v0 =	vsel vm10, v0, v3;
	v3 =	vld [tilespmem:$0x1FE20];
	_ =	sdelay $0x1  }
0x105: {  	v0 =	vsel vm11, v0, v1;
	v1 =	vld [tilespmem:$0x1FE00]  }
0x106: {  	s25 =	sshra.s32 s24, $0x2;
	v4 =	vadd.f32 v60, v4  }
0x107: {  	v5 =	vld [tilespmem:s25+$0x0]  }
0x108: {  	v2 =	vadd.f32 v12, v30;
	v3 =	vperm.xlane v4, v3;
	v4 =	vld [tilespmem:$0x1FFA0];
	_ =	sdelay $0x1  }
0x109: {  	v1 =	vperm.xlane v2, v1;
	v0 =	vsel vm12, v0, v3;
	v3 =	vld [tilespmem:$0x1FDF0];
	_ =	sdelay $0x1  }
0x10a: {  	v2 =	vand.u32 $0x7F, v5;
	v0 =	vsel vm13, v0, v1;
	v1 =	vimm.s32 $0xC  }
0x10b: {  	v4 =	vadd.f32 v11, v4;
	v8 =	vperm.xlane v2, v1;
	v1 =	vimm.s32 $0xD  }
0x10c: {  	v7 =	vperm.xlane v2, v1  }
0x10d: {  	v1 =	vimm.s32 $0xA;
	v3 =	vperm.xlane v4, v3;
	v4 =	vimm.s32 $0xE  }
0x10e: {  	v14 =	vperm.xlane v2, v1;
	v1 =	vimm.s32 $0xB;
	v13 =	vshrl.u32 v8, $0x6  }
0x10f: {  	v6 =	vld [tilespmem:s22+$0x10400];
	v33 =	vshrl.u32 v8, $0x5;
	v5 =	vperm.xlane v2, v4;
	v4 =	vperm.xlane v2, v51  }
0x110: {  	v11 =	vperm.xlane v2, v1;
	v1 =	vimm.s32 $0x8;
	v34 =	vshrl.u32 v7, $0x5  }
0x111: {  	v30 =	vshrl.u32 v7, $0x4;
	v0 =	vsel vm14, v0, v3;
	v18 =	vperm.xlane v2, v1  }
0x112: {  	v1 =	vimm.s32 $0x9;
	v3 =	vshrl.u32 v7, $0x6;
	v10 =	vshrl.u32 v14, $0x6  }
0x113: {  	[tilespmem:$0x1FE20] =	vst v7;
	v43 =	vshrl.u32 v14, $0x5;
	v16 =	vshrl.u32 v14, $0x4;
	v30 =	vand.u32 $0x1, v30  }
0x114: {  	[tilespmem:$0x1FE50] =	vst v14;
	v0 =	vadd.f32 v6, v0;
	v6 =	vperm.xlane v2, v1;
	v1 =	vimm.s32 $0x6  }
0x115: {  	v9 =	vshrl.u32 v4, $0x6;
	[tilespmem:$0x1FE00] =	vst v5;
	v23 =	vperm.xlane v2, v1;
	v1 =	vimm.s32 $0x7  }
0x116: {  	s23 =	sadd.s32 $0x800, s23;
	v52 =	vperm.xlane v2, v1;
	[tilespmem:s22+$0x10600] =	vst v0;
	v0 =	vimm.s32 $0x4;
	v1 =	vimm.s32 $0x1  }
0x117: {  	[tilespmem:$0x1FE30] =	vst v11;
	v42 =	vperm.xlane v2, v0;
	v0 =	vimm.s32 $0x5;
	v61 =	vperm.xlane v2, v1;
	v17 =	vld [tilespmem:s23+$0x390]  }
0x118: {  	[tilespmem:$0x1FE60] =	vst v18;
	v1 =	vshrl.u32 v5, $0x6;
	v24 =	vld [tilespmem:s23+$0x3A0];
	v54 =	vperm.xlane v2, v0;
	v0 =	vimm.s32 $0x2  }
0x119: {  	[tilespmem:$0x1FE40] =	vst v6;
	v28 =	vld [tilespmem:s23+$0x3B0];
	v1 =	vcvt.s32.f32 v1;
	v55 =	vperm.xlane v2, v0;
	v0 =	vimm.s32 $0x3  }
0x11a: {  	v12 =	vshrl.u32 v11, $0x6;
	v22 =	vshrl.u32 v4, $0x5;
	v35 =	vld [tilespmem:s23+$0x3C0];
	[tilespmem:$0x1FE70] =	vst v23;
	v53 =	vperm.xlane v2, v0  }
0x11b: {  	v27 =	vshrl.u32 v5, $0x5;
	v39 =	vld [tilespmem:s23+$0x3D0];
	v0 =	vperm.xlane v2, v50;
	[tilespmem:$0x1FE80] =	vst v1;
	v1 =	vcvt.s32.f32 v9  }
0x11c: {  	v38 =	vshrl.u32 v11, $0x5;
	v47 =	vshrl.u32 v4, $0x4;
	v60 =	vshrl.u32 v5, $0x4;
	v44 =	vld [tilespmem:s23+$0x3E0];
	[tilespmem:$0x1FDD0] =	vst v52  }
0x11d: {  	v30 =	vcvt.s32.f32 v30;
	v19 =	vshrl.u32 v18, $0x6;
	v57 =	vld [tilespmem:s23+$0x3F0];
	v45 =	vshrl.u32 v0, $0x6;
	[tilespmem:$0x1FE90] =	vst v1  }
0x11e: {  	v21 =	vld [tilespmem:s23+$0x300];
	v5 =	vshrl.u32 v0, $0x5;
	[tilespmem:$0x1FFD0] =	vst v0;
	v1 =	vshrl.u32 v0, $0x4;
	v0 =	vcvt.s32.f32 v13  }
0x11f: {  	v59 =	vshrl.u32 v18, $0x5;
	v14 =	vshrl.u32 v18, $0x4;
	v31 =	vld [tilespmem:s23+$0x310];
	[tilespmem:$0x1FDE0] =	vst v54;
	v9 =	vcvt.s32.f32 v19  }
0x120: {  	v27 =	vand.u32 $0x1, v27;
	v20 =	vshrl.u32 v6, $0x6;
	v32 =	vld [tilespmem:s23+$0x320];
	[tilespmem:$0x1FEA0] =	vst v0;
	v0 =	vcvt.s32.f32 v3  }
0x121: {  	v41 =	vshrl.u32 v6, $0x5;
	v15 =	vshrl.u32 v6, $0x4;
	v27 =	vcvt.s32.f32 v27;
	v51 =	vld [tilespmem:s23+$0x330];
	[tilespmem:$0x1FF00] =	vst v9  }
0x122: {  	v25 =	vshrl.u32 v23, $0x6;
	v18 =	vld [tilespmem:s23+$0x340];
	v9 =	vcvt.s32.f32 v20;
	[tilespmem:$0x1FEC0] =	vst v0;
	v0 =	vshrl.u32 v61, $0x4  }
0x123: {  	v62 =	vshrl.u32 v23, $0x5;
	v13 =	vand.u32 $0x1, v33;
	v33 =	vld [tilespmem:s23+$0x2C0];
	[tilespmem:$0x1FDC0] =	vst v0;
	v0 =	vcvt.s32.f32 v10  }
0x124: {  	v56 =	vshrl.u32 v23, $0x4;
	v26 =	vshrl.u32 v52, $0x6;
	v3 =	vld [tilespmem:s23+$0x280];
	[tilespmem:$0x1FF10] =	vst v9;
	v10 =	vcvt.s32.f32 v25  }
0x125: {  	v58 =	vshrl.u32 v52, $0x5;
	v37 =	vshrl.u32 v42, $0x6;
	v9 =	vld [tilespmem:s23+$0x2A0];
	[tilespmem:$0x1FEE0] =	vst v0;
	v0 =	vcvt.s32.f32 v12  }
0x126: {  	v46 =	vshrl.u32 v61, $0x6;
	v7 =	vshrl.u32 v61, $0x5;
	[tilespmem:$0x1FF20] =	vst v10;
	v10 =	vcvt.s32.f32 v26;
	v26 =	vld [tilespmem:s23+$0x2B0]  }
0x127: {  	v29 =	vshrl.u32 v54, $0x6;
	v49 =	vshrl.u32 v54, $0x5;
	v50 =	vshrl.u32 v11, $0x4;
	[tilespmem:$0x1FEF0] =	vst v0;
	v0 =	vld [tilespmem:s23+$0x290]  }
0x128: {  	v6 =	vshrl.u32 v53, $0x4;
	[tilespmem:$0x1FF30] =	vst v10;
	v10 =	vcvt.s32.f32 v29;
	v29 =	vand.u32 $0x1, v34;
	v34 =	vld [tilespmem:s23+$0x2D0]  }
0x129: {  	v23 =	vld [tilespmem:s23+$0x360];
	v11 =	vshrl.u32 v52, $0x4;
	v40 =	vshrl.u32 v55, $0x6;
	v36 =	vshrl.u32 v53, $0x6;
	[tilespmem:$0x1FDA0] =	vst v6  }
0x12a: {  	v2 =	vld [tilespmem:s23+$0x380];
	v19 =	vsub.f32 v28, v24;
	v6 =	vshrl.u32 v42, $0x4;
	[tilespmem:$0x1FF40] =	vst v10;
	v10 =	vcvt.s32.f32 v36  }
0x12b: {  	v31 =	vsub.f32 v31, v21;
	v51 =	vsub.f32 v51, v32;
	[tilespmem:$0x1FD90] =	vst v6;
	v6 =	vshrl.u32 v54, $0x4;
	v36 =	vld [tilespmem:s23+$0x2E0]  }
0x12c: {  	v54 =	vshrl.u32 v55, $0x4;
	v26 =	vsub.f32 v26, v9;
	[tilespmem:$0x1FF50] =	vst v10;
	v10 =	vcvt.s32.f32 v37;
	v37 =	vld [tilespmem:s23+$0x2F0]  }
0x12d: {  	v52 =	vld [tilespmem:s23+$0x350];
	v20 =	vand.u32 $0x1, v22;
	[tilespmem:$0x1FDB0] =	vst v54;
	v0 =	vsub.f32 v0, v3;
	v34 =	vsub.f32 v34, v33  }
0x12e: {  	v54 =	vld [tilespmem:s23+$0x370];
	v26 =	vmul.f32 v30, v26;
	[tilespmem:$0x1FF60] =	vst v10;
	v10 =	vcvt.s32.f32 v45;
	v45 =	vand.u32 $0x1, v60  }
0x12f: {  	[tilespmem:$0x1FFE0] =	vst v61;
	v61 =	vand.u32 $0x1, v43;
	v43 =	vld [tilespmem:s23+$0x230];
	v45 =	vcvt.s32.f32 v45;
	v0 =	vmul.f32 v30, v0  }
0x130: {  	v12 =	vand.u32 $0x1, v38;
	v38 =	vld [tilespmem:s23+$0x210];
	v34 =	vmul.f32 v30, v34;
	[tilespmem:$0x1FF70] =	vst v10;
	v10 =	vcvt.s32.f32 v40  }
0x131: {  	v60 =	vld [tilespmem:s23+$0x270];
	v51 =	vmul.f32 v45, v51;
	v37 =	vsub.f32 v37, v36;
	v0 =	vadd.f32 v0, v3  }
0x132: {  	v3 =	vadd.f32 v26, v9;
	v9 =	vld [tilespmem:s23+$0x120];
	v26 =	vadd.f32 v34, v33;
	[tilespmem:$0x1FF80] =	vst v10;
	v10 =	vand.u32 $0x1, v47  }
0x133: {  	v33 =	vld [tilespmem:s23+$0x140];
	v22 =	vcvt.s32.f32 v10;
	v10 =	vsub.f32 v17, v2;
	v17 =	vcvt.s32.f32 v46  }
0x134: {  	v28 =	vsub.f32 v57, v44;
	v29 =	vcvt.s32.f32 v29;
	v32 =	vadd.f32 v51, v32;
	v51 =	vld [tilespmem:s23+$0x1E0]  }
0x135: {  	v25 =	vsub.f32 v39, v35;
	v31 =	vmul.f32 v45, v31;
	v30 =	vmul.f32 v30, v37;
	[tilespmem:$0x1FF90] =	vst v17;
	v17 =	vld [tilespmem:s23+$0x200]  }
0x136: {  	v46 =	vmul.f32 v22, v10;
	v47 =	vmul.f32 v22, v19;
	v19 =	vld [tilespmem:s23+$0x220]  }
0x137: {  	v63 =	vshrl.u32 v8, $0x4;
	v57 =	vmul.f32 v22, v25;
	v28 =	vmul.f32 v22, v28;
	v22 =	vld [tilespmem:s23+$0x240]  }
0x138: {  	v21 =	vadd.f32 v31, v21;
	v31 =	vsub.f32 v52, v18;
	v10 =	vand.u32 $0x1, v41;
	v41 =	vld [tilespmem:s23+$0x250]  }
0x139: {  	v37 =	vand.u32 $0x1, v16;
	v3 =	vsub.f32 v3, v0;
	v16 =	vadd.f32 v30, v36;
	v30 =	vld [tilespmem:s23+$0x130]  }
0x13a: {  	v48 =	vshrl.u32 v42, $0x5;
	v34 =	vand.u32 $0x1, v15;
	v31 =	vmul.f32 v45, v31;
	v36 =	vld [tilespmem:s23+$0x150]  }
0x13b: {  	v32 =	vsub.f32 v32, v21;
	v3 =	vmul.f32 v29, v3;
	v28 =	vadd.f32 v28, v44;
	v44 =	vld [tilespmem:s23+$0x260]  }
0x13c: {  	v39 =	vadd.f32 v46, v2;
	v40 =	vadd.f32 v47, v24;
	v46 =	vcvt.s32.f32 v20;
	v20 =	vld [tilespmem:s23+$0x180]  }
0x13d: {  	v35 =	vadd.f32 v57, v35;
	v24 =	vand.u32 $0x1, v58;
	v57 =	vand.u32 $0x1, v49;
	v49 =	vld [tilespmem:s23+$0x190]  }
0x13e: {  	v58 =	vand.u32 $0x1, v63;
	v63 =	vand.u32 $0x1, v48;
	v48 =	vld [tilespmem:s23+$0x1D0];
	v31 =	vadd.f32 v31, v18  }
0x13f: {  	v25 =	vand.u32 $0x1, v59;
	v18 =	vld [tilespmem:s23+$0x100];
	v16 =	vsub.f32 v16, v26;
	v40 =	vsub.f32 v40, v39  }
0x140: {  	v2 =	vand.u32 $0x1, v62;
	v52 =	vadd.f32 v3, v0;
	v3 =	vld [tilespmem:s23+$0x90];
	v28 =	vsub.f32 v28, v35  }
0x141: {  	v62 =	vsub.f32 v54, v23;
	v29 =	vmul.f32 v29, v16;
	v16 =	vld [tilespmem:s23+$0x80];
	v40 =	vmul.f32 v46, v40  }
0x142: {  	v15 =	vmul.f32 v27, v32;
	v28 =	vmul.f32 v46, v28;
	v46 =	vand.u32 $0x1, v50;
	v50 =	vld [tilespmem:s23+$0x1A0]  }
0x143: {  	v0 =	vadd.f32 v29, v26;
	v29 =	vld [tilespmem:s23+$0xA0];
	v59 =	vadd.f32 v40, v39;
	v40 =	vmul.f32 v45, v62  }
0x144: {  	v54 =	vadd.f32 v15, v21;
	v15 =	vand.u32 $0x1, v14;
	v28 =	vadd.f32 v28, v35;
	v35 =	vld [tilespmem:s23+$0x1B0]  }
0x145: {  	v14 =	vcvt.s32.f32 v58;
	v58 =	vsub.f32 v60, v44;
	v39 =	vld [tilespmem:s23+$0x1C0];
	v23 =	vadd.f32 v40, v23  }
0x146: {  	v26 =	vsub.f32 v43, v19;
	v45 =	vld [tilespmem:s23+$0x1F0]  }
0x147: {  	v32 =	vmul.f32 v14, v58;
	v58 =	vsub.f32 v0, v52;
	v0 =	vld [tilespmem:s23+$0xD0];
	v23 =	vsub.f32 v23, v31  }
0x148: {  	v26 =	vmul.f32 v14, v26;
	v40 =	vld [tilespmem:s23+$0x110]  }
0x149: {  	[tilespmem:$0x1FFA0] =	vst v59;
	v59 =	vsub.f32 v28, v59;
	v28 =	vld [tilespmem:s23+$0x170];
	v23 =	vmul.f32 v27, v23  }
0x14a: {  	v62 =	vsub.f32 v49, v20;
	v19 =	vadd.f32 v26, v19;
	v26 =	vld [tilespmem:s23+$0xF0]  }
0x14b: {  	v49 =	vsub.f32 v45, v51;
	v45 =	vld [tilespmem:s23+$0x10];
	v21 =	vadd.f32 v23, v31  }
0x14c: {  	v27 =	vld [tilespmem:s23+$0x160];
	v23 =	vsub.f32 v38, v17;
	v31 =	vsub.f32 v41, v22  }
0x14d: {  	v38 =	vld [tilespmem:s23+$0xB0]  }
0x14e: {  	v41 =	vld [tilespmem:s23+$0x0];
	v23 =	vmul.f32 v14, v23;
	v31 =	vmul.f32 v14, v31  }
0x14f: {  	v60 =	vsub.f32 v21, v54;
	v21 =	vld [tilespmem:s23+$0xC0];
	v14 =	vand.u32 $0x1, v11  }
0x150: {  	v17 =	vadd.f32 v23, v17;
	v23 =	vld [tilespmem:s23+$0xE0];
	v11 =	vadd.f32 v31, v22;
	v31 =	vcvt.s32.f32 v46  }
0x151: {  	v13 =	vcvt.s32.f32 v13;
	v35 =	vsub.f32 v35, v50;
	v22 =	vadd.f32 v32, v44;
	v46 =	vld [tilespmem:s23+$0x20]  }
0x152: {  	v48 =	vsub.f32 v48, v39;
	v44 =	vld [tilespmem:s23+$0x30];
	v47 =	vsub.f32 v38, v29;
	v32 =	vmul.f32 v31, v62  }
0x153: {  	v38 =	vld [tilespmem:s23+$0xFFFFFF00];
	v35 =	vmul.f32 v31, v35;
	v19 =	vsub.f32 v19, v17;
	v22 =	vsub.f32 v22, v11  }
0x154: {  	v43 =	vmul.f32 v31, v48;
	v31 =	vmul.f32 v31, v49;
	v48 =	vld [tilespmem:s23+$0x40]  }
0x155: {  	v20 =	vadd.f32 v32, v20;
	v19 =	vmul.f32 v13, v19;
	v13 =	vmul.f32 v13, v22;
	v22 =	vld [tilespmem:s23+$0x50]  }
0x156: {  	[tilespmem:$0x1FFB0] =	vst v52;
	v52 =	vadd.f32 v35, v50;
	v39 =	vadd.f32 v43, v39;
	v43 =	vld [tilespmem:s23+$0xFFFFFFE0]  }
0x157: {  	v31 =	vadd.f32 v31, v51;
	v51 =	vsub.f32 v44, v46;
	v44 =	vld [tilespmem:s23+$0xFFFFFF60]  }
0x158: {  	v12 =	vcvt.s32.f32 v12;
	v32 =	vsub.f32 v52, v20;
	v62 =	vadd.f32 v19, v17;
	v17 =	vld [tilespmem:s23+$0x60]  }
0x159: {  	v30 =	vsub.f32 v30, v9;
	v19 =	vcvt.s32.f32 v37;
	v31 =	vsub.f32 v31, v39;
	v37 =	vld [tilespmem:s23+$0x70]  }
0x15a: {  	v13 =	vadd.f32 v13, v11;
	v11 =	vsub.f32 v40, v18;
	v40 =	vld [tilespmem:s23+$0xFFFFFF80];
	v32 =	vmul.f32 v12, v32  }
0x15b: {  	v28 =	vsub.f32 v28, v27;
	v49 =	vsub.f32 v36, v33;
	v12 =	vmul.f32 v12, v31;
	v31 =	vld [tilespmem:s23+$0xFFFFFF90]  }
0x15c: {  	v11 =	vmul.f32 v19, v11;
	v30 =	vmul.f32 v19, v30;
	v50 =	vadd.f32 v32, v20;
	v20 =	vld [tilespmem:s23+$0xFFFFFFA0]  }
0x15d: {  	v52 =	vmul.f32 v19, v49;
	v19 =	vmul.f32 v19, v28;
	v12 =	vadd.f32 v12, v39;
	v39 =	vld [tilespmem:s23+$0xFFFFFFB0]  }
0x15e: {  	v7 =	vand.u32 $0x1, v7;
	v3 =	vsub.f32 v3, v16;
	v9 =	vadd.f32 v30, v9;
	v30 =	vld [tilespmem:s23+$0xFFFFFFC0]  }
0x15f: {  	[tilespmem:$0x1FFC0] =	vst v62;
	v62 =	vsub.f32 v13, v62;
	v13 =	vcvt.s32.f32 v34;
	v19 =	vadd.f32 v19, v27;
	v27 =	vld [tilespmem:s23+$0xFFFFFFD0]  }
0x160: {  	[tilespmem:$0x1FE10] =	vst v8;
	v8 =	vshrl.u32 v55, $0x5;
	v18 =	vadd.f32 v11, v18;
	v32 =	vadd.f32 v52, v33;
	v33 =	vld [tilespmem:s23+$0xFFFFFF10]  }
0x161: {  	v28 =	vand.u32 $0x1, v56;
	v11 =	vand.u32 $0x1, v6;
	v3 =	vmul.f32 v13, v3;
	v6 =	vld [tilespmem:$0x1FD90]  }
0x162: {  	v56 =	vcvt.s32.f32 v61;
	v9 =	vsub.f32 v9, v18;
	v61 =	vsub.f32 v12, v50;
	v12 =	vld [tilespmem:s23+$0xFFFFFFF0]  }
0x163: {  	[tilespmem:$0x1FDF0] =	vst v4;
	v4 =	vshrl.u32 v53, $0x5;
	v19 =	vsub.f32 v19, v32;
	v3 =	vadd.f32 v3, v16;
	v16 =	vld [tilespmem:$0x1FDA0]  }
0x164: {  	v5 =	vand.u32 $0x1, v5;
	v52 =	vmovc v50;
	v50 =	vsub.f32 v45, v41;
	v45 =	vld [tilespmem:s23+$0xFFFFFD90];
	v9 =	vmul.f32 v56, v9  }
0x165: {  	v0 =	vsub.f32 v0, v21;
	v26 =	vsub.f32 v26, v23;
	v19 =	vmul.f32 v56, v19;
	v56 =	vld [tilespmem:s23+$0xFFFFFF70]  }
0x166: {  	v15 =	vcvt.s32.f32 v15;
	v34 =	vmul.f32 v13, v47;
	v49 =	vadd.f32 v9, v18;
	v9 =	vld [tilespmem:s23+$0xFFFFFF20]  }
0x167: {  	v0 =	vmul.f32 v13, v0;
	v18 =	vmul.f32 v13, v26;
	v13 =	vand.u32 $0x1, v6;
	v6 =	vld [tilespmem:s23+$0xFFFFFF30]  }
0x168: {  	v5 =	vcvt.s32.f32 v5;
	v47 =	vmul.f32 v15, v51;
	v26 =	vadd.f32 v34, v29;
	v29 =	vld [tilespmem:s23+$0xFFFFFF40]  }
0x169: {  	v14 =	vcvt.s32.f32 v14;
	v22 =	vsub.f32 v22, v48;
	v27 =	vsub.f32 v27, v30;
	v34 =	vld [tilespmem:s23+$0xFFFFFE80]  }
0x16a: {  	v10 =	vcvt.s32.f32 v10;
	v19 =	vadd.f32 v19, v32;
	v32 =	vadd.f32 v47, v46;
	v46 =	vld [tilespmem:s23+$0xFFFFFE60]  }
0x16b: {  	v12 =	vsub.f32 v12, v43;
	v27 =	vmul.f32 v14, v27;
	v18 =	vadd.f32 v18, v23;
	v23 =	vld [tilespmem:s23+$0xFFFFFF50]  }
0x16c: {  	v21 =	vadd.f32 v0, v21;
	v36 =	vmovc v49;
	v0 =	vsub.f32 v19, v49;
	v19 =	vmul.f32 v15, v50;
	v49 =	vld [tilespmem:s23+$0xFFFFFE90]  }
0x16d: {  	v26 =	vsub.f32 v26, v3;
	v12 =	vmul.f32 v14, v12;
	v27 =	vadd.f32 v27, v30;
	v30 =	vld [tilespmem:s23+$0xFFFFFE30]  }
0x16e: {  	v24 =	vcvt.s32.f32 v24;
	v18 =	vsub.f32 v18, v21;
	v19 =	vadd.f32 v19, v41;
	v41 =	vld [tilespmem:s23+$0xFFFFFEA0]  }
0x16f: {  	v37 =	vsub.f32 v37, v17;
	v26 =	vmul.f32 v10, v26;
	v12 =	vadd.f32 v12, v43;
	v43 =	vld [tilespmem:s23+$0xFFFFFE40]  }
0x170: {  	v8 =	vand.u32 $0x1, v8;
	v10 =	vmul.f32 v10, v18;
	v18 =	vmul.f32 v15, v22;
	v22 =	vld [tilespmem:s23+$0xFFFFFEB0]  }
0x171: {  	v31 =	vsub.f32 v31, v40;
	v6 =	vsub.f32 v6, v9;
	v15 =	vmul.f32 v15, v37;
	v37 =	vld [tilespmem:s23+$0xFFFFFEE0]  }
0x172: {  	v28 =	vcvt.s32.f32 v28;
	v47 =	vadd.f32 v26, v3;
	v10 =	vadd.f32 v10, v21;
	v21 =	vld [tilespmem:s23+$0xFFFFFEC0]  }
0x173: {  	v3 =	vcvt.s32.f32 v25;
	v25 =	vsub.f32 v32, v19;
	v15 =	vadd.f32 v15, v17;
	v17 =	vld [tilespmem:s23+$0xFFFFFED0]  }
0x174: {  	v50 =	vmul.f32 v28, v6;
	v26 =	vadd.f32 v18, v48;
	v48 =	vsub.f32 v39, v20;
	v18 =	vld [tilespmem:$0x1FDB0]  }
0x175: {  	v4 =	vand.u32 $0x1, v4;
	v31 =	vmul.f32 v14, v31;
	v25 =	vmul.f32 v3, v25;
	v39 =	vld [tilespmem:s23+$0xFFFFFEF0]  }
0x176: {  	v51 =	vsub.f32 v56, v44;
	v9 =	vadd.f32 v50, v9;
	v50 =	vld [tilespmem:s23+$0xFFFFFD10];
	v32 =	vmul.f32 v14, v48  }
0x177: {  	v2 =	vcvt.s32.f32 v2;
	v35 =	vadd.f32 v25, v19;
	v25 =	vld [tilespmem:s23+$0xFFFFFE00];
	v14 =	vsub.f32 v15, v26  }
0x178: {  	v19 =	vand.u32 $0x1, v1;
	v15 =	vld [tilespmem:s23+$0xFFFFFE10];
	v1 =	vadd.f32 v31, v40;
	v20 =	vadd.f32 v32, v20  }
0x179: {  	v12 =	vsub.f32 v12, v27;
	v31 =	vld [tilespmem:s23+$0xFFFFFE20];
	v3 =	vmul.f32 v3, v14;
	v14 =	vsub.f32 v33, v38  }
0x17a: {  	v16 =	vand.u32 $0x1, v16;
	v23 =	vsub.f32 v23, v29;
	v40 =	vld [tilespmem:s23+$0xFFFFFE70];
	v20 =	vsub.f32 v20, v1  }
0x17b: {  	v12 =	vmul.f32 v24, v12;
	v6 =	vsub.f32 v10, v47;
	v48 =	vld [tilespmem:s23+$0xFFFFFDD0];
	v14 =	vmul.f32 v28, v14  }
0x17c: {  	v22 =	vsub.f32 v22, v41;
	v3 =	vadd.f32 v3, v26;
	v26 =	vld [tilespmem:s23+$0xFFFFFE50];
	v20 =	vmul.f32 v24, v20  }
0x17d: {  	v19 =	vcvt.s32.f32 v19;
	v32 =	vsub.f32 v49, v34;
	v49 =	vld [tilespmem:s23+$0xFFFFFDF0];
	v10 =	vadd.f32 v14, v38  }
0x17e: {  	v33 =	vld [tilespmem:s23+$0xFFFFFD00];
	v18 =	vand.u32 $0x1, v18;
	v17 =	vsub.f32 v17, v21;
	v56 =	vadd.f32 v20, v1  }
0x17f: {  	v14 =	vld [tilespmem:$0x1FDC0];
	v1 =	vadd.f32 v12, v27;
	v12 =	vmul.f32 v28, v23;
	v9 =	vsub.f32 v9, v10  }
0x180: {  	v3 =	vsub.f32 v3, v35;
	v24 =	vld [tilespmem:s23+$0xFFFFFD80];
	v20 =	vmul.f32 v28, v51;
	v28 =	vcvt.s32.f32 v11  }
0x181: {  	v27 =	vld [tilespmem:s23+$0xFFFFFDA0];
	v26 =	vsub.f32 v26, v43;
	v29 =	vadd.f32 v12, v29;
	v38 =	vmul.f32 v2, v9  }
0x182: {  	v23 =	vld [tilespmem:s23+$0xFFFFFDB0];
	v20 =	vadd.f32 v20, v44;
	v32 =	vmul.f32 v28, v32;
	v22 =	vmul.f32 v28, v22  }
0x183: {  	v11 =	vld [tilespmem:s23+$0xFFFFFDC0];
	v9 =	vsub.f32 v1, v56;
	v44 =	vcvt.s32.f32 v57;
	v57 =	vadd.f32 v38, v10  }
0x184: {  	v51 =	vld [tilespmem:s23+$0xFFFFFD30];
	v1 =	vcvt.s32.f32 v63;
	v10 =	vsub.f32 v20, v29;
	v20 =	vadd.f32 v32, v34  }
0x185: {  	v12 =	vld [tilespmem:s23+$0xFFFFFDE0];
	v22 =	vadd.f32 v22, v41;
	v41 =	vsub.f32 v39, v37;
	v34 =	vcvt.s32.f32 v13  }
0x186: {  	v13 =	vsub.f32 v30, v31;
	v30 =	vmul.f32 v28, v17;
	v17 =	vld [tilespmem:s23+$0xFFFFFD40];
	v32 =	vcvt.s32.f32 v7  }
0x187: {  	v38 =	vld [tilespmem:s23+$0xFFFFFD70];
	v23 =	vsub.f32 v23, v27;
	v2 =	vmul.f32 v2, v10;
	v10 =	vsub.f32 v15, v25  }
0x188: {  	v39 =	vld [tilespmem:s23+$0xFFFFFC50];
	v28 =	vmul.f32 v28, v41;
	v63 =	vsub.f32 v22, v20;
	v26 =	vmul.f32 v34, v26  }
0x189: {  	v15 =	vld [tilespmem:s23+$0xFFFFFD20];
	v2 =	vadd.f32 v2, v29;
	v10 =	vmul.f32 v34, v10;
	v29 =	vmul.f32 v34, v13  }
0x18a: {  	v22 =	vld [tilespmem:s23+$0xFFFFFD50];
	v13 =	vcvt.s32.f32 v4;
	v4 =	vadd.f32 v30, v21;
	v21 =	vadd.f32 v28, v37  }
0x18b: {  	v41 =	vld [tilespmem:s23+$0xFFFFFC70];
	v30 =	vcvt.s32.f32 v16;
	v16 =	vsub.f32 v45, v24;
	v28 =	vadd.f32 v10, v25  }
0x18c: {  	v37 =	vld [tilespmem:s23+$0xFFFFFD60];
	v25 =	vadd.f32 v29, v31;
	v29 =	vmul.f32 v44, v63;
	v21 =	vsub.f32 v21, v4  }
0x18d: {  	v10 =	vcvt.s32.f32 v8;
	v8 =	vsub.f32 v2, v57;
	v31 =	vsub.f32 v40, v46;
	v40 =	vld [tilespmem:s23+$0xFFFFFC30]  }
0x18e: {  	v16 =	vmul.f32 v30, v16;
	v23 =	vmul.f32 v30, v23;
	v2 =	vsub.f32 v25, v28;
	v25 =	vld [tilespmem:s23+$0xFFFFFC10]  }
0x18f: {  	v7 =	vadd.f32 v26, v43;
	v63 =	vadd.f32 v29, v20;
	v29 =	vmul.f32 v44, v21;
	v20 =	vld [tilespmem:s23+$0xFFFFFC00]  }
0x190: {  	v14 =	vand.u32 $0x1, v14;
	v21 =	vld [tilespmem:s23+$0xFFFFFC20];
	v24 =	vadd.f32 v16, v24;
	v16 =	vadd.f32 v23, v27  }
0x191: {  	p0 =	sne.s32 s24, $0x7C0;
	v23 =	vld [tilespmem:s23+$0xFFFFFC60];
	v27 =	vsub.f32 v48, v11;
	v4 =	vadd.f32 v29, v4;
	v29 =	vmul.f32 v34, v31  }
.Ltmp1:
0x192: {  	v44 =	vcvt.s32.f32 v18;
	v48 =	vmovc v42;
	v42 =	vld [tilespmem:$0x1FDE0];
	v2 =	vmul.f32 v1, v2;
	v16 =	vsub.f32 v16, v24;
	(pc) =	sbr.rel @p0 .LBB2_4-.Ltmp1, $4  }
0x193: {  	v18 =	vld [tilespmem:s23+$0xFFFFFC80];
	v31 =	vsub.f32 v49, v12;
	v27 =	vmul.f32 v30, v27;
	v26 =	vadd.f32 v29, v46  }
0x194: {  	v34 =	vld [tilespmem:s23+$0xFFFFFC40];
	v2 =	vadd.f32 v2, v28;
	v28 =	vsub.f32 v50, v33;
	v50 =	vimm.s32 $0x0  }
0x195: {  	v49 =	vld [tilespmem:$0x1FDD0];
	v29 =	vmul.f32 v13, v16;
	v43 =	vmul.f32 v30, v31;
	v16 =	vsub.f32 v26, v7  }
0x196: {  	s24 =	sadd.s32 $0x40, s24;
	s22 =	smov.u32 s25;
	v26 =	vld [tilespmem:s23+$0xFFFFFC90];
	v45 =	vmul.f32 v44, v28;
	v28 =	vsub.f32 v51, v15;
	v51 =	vimm.s32 $0xF  }
0x197: {  	v24 =	vadd.f32 v29, v24;
	v22 =	vsub.f32 v22, v17  }
0x198: {  	v31 =	vsub.f32 v38, v37;
	v29 =	vadd.f32 v45, v33;
	v33 =	vld [tilespmem:s23+$0xFFFFFCC0]  }
0x199: {  	v28 =	vmul.f32 v44, v28;
	v45 =	vsub.f32 v40, v21;
	v40 =	vld [tilespmem:s23+$0xFFFFFCD0]  }
0x19a: {  	v22 =	vmul.f32 v44, v22;
	v31 =	vmul.f32 v44, v31;
	v44 =	vld [tilespmem:$0x1FE90]  }
0x19b: {  	v11 =	vadd.f32 v27, v11;
	v46 =	vmul.f32 v19, v45;
	v45 =	vld [tilespmem:$0x1FE80]  }
0x19c: {  	v25 =	vsub.f32 v25, v20;
	v12 =	vadd.f32 v43, v12;
	v14 =	vcvt.s32.f32 v14  }
0x19d: {  	v1 =	vmul.f32 v1, v16;
	v15 =	vadd.f32 v28, v15;
	v17 =	vadd.f32 v22, v17  }
0x19e: {  	v25 =	vmul.f32 v19, v25;
	v31 =	vadd.f32 v31, v37;
	v21 =	vadd.f32 v46, v21  }
0x19f: {  	v46 =	vsub.f32 v39, v34;
	v38 =	vmul.f32 v44, v59;
	v59 =	vsub.f32 v41, v23  }
0x1a0: {  	v20 =	vadd.f32 v25, v20;
	v25 =	vmul.f32 v45, v60;
	v60 =	vsub.f32 v40, v33  }
0x1a1: {  	v1 =	vadd.f32 v1, v7;
	v22 =	vmul.f32 v19, v46;
	v37 =	vmul.f32 v19, v59  }
0x1a2: {  	v15 =	vsub.f32 v15, v29;
	v39 =	vmul.f32 v14, v60;
	v60 =	vsub.f32 v31, v17  }
0x1a3: {  	v7 =	vld [tilespmem:$0x1FF30];
	v22 =	vadd.f32 v22, v34;
	v19 =	vadd.f32 v37, v23  }
0x1a4: {  	v12 =	vsub.f32 v12, v11;
	v15 =	vmul.f32 v10, v15;
	v10 =	vmul.f32 v10, v60  }
0x1a5: {  	v21 =	vsub.f32 v21, v20;
	v19 =	vsub.f32 v19, v22  }
0x1a6: {  	v12 =	vmul.f32 v13, v12;
	v15 =	vadd.f32 v15, v29;
	v10 =	vadd.f32 v10, v17  }
0x1a7: {  	v21 =	vmul.f32 v5, v21;
	v5 =	vmul.f32 v5, v19  }
0x1a8: {  	v11 =	vadd.f32 v12, v11;
	v7 =	vmul.f32 v7, v9;
	v9 =	vsub.f32 v10, v15;
	v10 =	vld [tilespmem:$0x1FF70]  }
0x1a9: {  	v12 =	vadd.f32 v21, v20;
	v5 =	vadd.f32 v5, v22  }
0x1aa: {  	v27 =	vld [tilespmem:s23+$0xFFFFFCA0]  }
0x1ab: {  	v30 =	vld [tilespmem:s23+$0xFFFFFCB0];
	v5 =	vsub.f32 v5, v12  }
0x1ac: {  	v43 =	vld [tilespmem:s23+$0xFFFFFCE0]  }
0x1ad: {  	v28 =	vld [tilespmem:s23+$0xFFFFFCF0];
	v5 =	vmul.f32 v10, v5;
	_ =	sdelay $0x1  }
0x1ae: {  	v5 =	vadd.f32 v5, v12;
	v12 =	vld [tilespmem:$0x1FF50];
	_ =	sdelay $0x1  }
0x1af: {  	v26 =	vsub.f32 v26, v18;
	v30 =	vsub.f32 v30, v27  }
0x1b0: {  	v28 =	vsub.f32 v28, v43;
	v11 =	vsub.f32 v11, v24  }
0x1b1: {  	v26 =	vmul.f32 v14, v26;
	v30 =	vmul.f32 v14, v30  }
0x1b2: {  	v14 =	vmul.f32 v14, v28;
	v11 =	vmul.f32 v12, v11;
	v12 =	vld [tilespmem:$0x1FF60]  }
0x1b3: {  	v40 =	vadd.f32 v26, v18;
	v44 =	vadd.f32 v30, v27  }
0x1b4: {  	v45 =	vadd.f32 v39, v33;
	v14 =	vadd.f32 v14, v43  }
0x1b5: {  	v1 =	vsub.f32 v1, v2  }
0x1b6: {  	v13 =	vsub.f32 v44, v40;
	v14 =	vsub.f32 v14, v45  }
0x1b7: {  	v1 =	vmul.f32 v12, v1;
	v12 =	vld [tilespmem:$0x1FF40]  }
0x1b8: {  	v13 =	vmul.f32 v32, v13;
	v14 =	vmul.f32 v32, v14  }
0x1b9: {  	v4 =	vsub.f32 v4, v63;
	v10 =	vld [tilespmem:$0x1FF90]  }
0x1ba: {  	v13 =	vadd.f32 v13, v40;
	v14 =	vadd.f32 v14, v45;
	_ =	sdelay $0x1  }
0x1bb: {  	v14 =	vsub.f32 v14, v13;
	v4 =	vmul.f32 v12, v4;
	v12 =	vld [tilespmem:$0x1FFD0];
	_ =	sdelay $0x1  }
0x1bc: {  	v10 =	vmul.f32 v10, v14;
	v14 =	vld [tilespmem:$0x1FF80];
	_ =	sdelay $0x2  }
0x1bd: {  	v5 =	vperm.xlane v5, v12;
	v12 =	vld [tilespmem:$0x1FFE0];
	_ =	sdelay $0x1  }
0x1be: {  	v9 =	vmul.f32 v14, v9;
	v1 =	vadd.f32 v1, v2;
	v2 =	vld [tilespmem:$0x1FF20]  }
0x1bf: {  	v10 =	vadd.f32 v10, v13  }
0x1c0: {  	v9 =	vadd.f32 v9, v15  }
0x1c1: {  	v11 =	vadd.f32 v11, v24;
	v10 =	vperm.xlane v10, v12  }
0x1c2: {  	v9 =	vperm.xlane v9, v55  }
0x1c3: {  	v2 =	vmul.f32 v2, v8;
	v8 =	vperm.xlane v11, v53;
	v5 =	vsel vm0, v5, v10  }
0x1c4: {  	v46 =	vld [tilespmem:$0x1FEA0];
	v1 =	vperm.xlane v1, v48;
	v5 =	vsel vm1, v5, v9  }
0x1c5: {  	v41 =	vld [tilespmem:$0x1FEC0];
	v5 =	vsel vm2, v5, v8  }
0x1c6: {  	v1 =	vsel vm3, v5, v1;
	v5 =	vld [tilespmem:$0x1FE70];
	_ =	sdelay $0x1  }
0x1c7: {  	v4 =	vadd.f32 v4, v63  }
0x1c8: {  	v28 =	vmul.f32 v46, v62;
	v62 =	vld [tilespmem:$0x1FF00];
	v2 =	vadd.f32 v2, v57  }
0x1c9: {  	v23 =	vmul.f32 v41, v58;
	v58 =	vld [tilespmem:$0x1FEF0];
	v4 =	vperm.xlane v4, v42  }
0x1ca: {  	v2 =	vperm.xlane v2, v5  }
0x1cb: {  	v1 =	vsel vm4, v1, v4  }
0x1cc: {  	v1 =	vsel vm5, v1, v2;
	v2 =	vld [tilespmem:$0x1FE60]  }
0x1cd: {  	v3 =	vmul.f32 v62, v3  }
0x1ce: {  	v7 =	vadd.f32 v7, v56;
	v30 =	vmul.f32 v58, v61;
	v61 =	vld [tilespmem:$0x1FF10]  }
0x1cf: {  	v59 =	vld [tilespmem:$0x1FEE0];
	v3 =	vadd.f32 v3, v35  }
0x1d0: {  	v4 =	vperm.xlane v7, v49  }
0x1d1: {  	v2 =	vperm.xlane v3, v2  }
0x1d2: {  	v1 =	vsel vm6, v1, v4;
	v3 =	vld [tilespmem:$0x1FE40]  }
0x1d3: {  	v6 =	vmul.f32 v61, v6;
	v1 =	vsel vm7, v1, v2;
	v2 =	vld [tilespmem:$0x1FE50]  }
0x1d4: {  	v0 =	vmul.f32 v59, v0  }
0x1d5: {  	v5 =	vadd.f32 v6, v47  }
0x1d6: {  	v0 =	vadd.f32 v0, v36  }
0x1d7: {  	v3 =	vperm.xlane v5, v3  }
0x1d8: {  	v0 =	vperm.xlane v0, v2;
	v2 =	vld [tilespmem:$0x1FFC0]  }
0x1d9: {  	v1 =	vsel vm8, v1, v3;
	v3 =	vld [tilespmem:$0x1FE30];
	_ =	sdelay $0x1  }
0x1da: {  	v0 =	vsel vm9, v1, v0;
	v1 =	vld [tilespmem:$0x1FE10]  }
0x1db: {  	v4 =	vadd.f32 v30, v52;
	_ =	sdelay $0x1  }
0x1dc: {  	v2 =	vadd.f32 v28, v2;
	v3 =	vperm.xlane v4, v3;
	v4 =	vld [tilespmem:$0x1FFB0];
	_ =	sdelay $0x1  }
0x1dd: {  	v1 =	vperm.xlane v2, v1;
	v0 =	vsel vm10, v0, v3;
	v3 =	vld [tilespmem:$0x1FE20];
	_ =	sdelay $0x1  }
0x1de: {  	v0 =	vsel vm11, v0, v1;
	v1 =	vld [tilespmem:$0x1FE00]  }
0x1df: {  	v4 =	vadd.f32 v23, v4;
	_ =	sdelay $0x1  }
0x1e0: {  	v2 =	vadd.f32 v25, v54;
	v3 =	vperm.xlane v4, v3;
	v4 =	vld [tilespmem:$0x1FFA0];
	_ =	sdelay $0x1  }
0x1e1: {  	v1 =	vperm.xlane v2, v1;
	v2 =	vld [tilespmem:$0x1FDF0];
	_ =	sdelay $0x2  }
0x1e2: {  	v5 =	vld [tilespmem:s22+$0x10400];
	v4 =	vadd.f32 v38, v4;
	_ =	sdelay $0x1  }
0x1e3: {  	v0 =	vsel vm12, v0, v3;
	v2 =	vperm.xlane v4, v2  }
0x1e4: {  	v0 =	vsel vm13, v0, v1  }
0x1e5: {  	v0 =	vsel vm14, v0, v2  }
0x1e6: {  	s21 =	sadd.s32 $0x1, s21;
	v0 =	vadd.f32 v5, v0  }
0x1e7: {  	p0 =	sne.s32 s21, s7  }
.Ltmp2:
0x1e8: {  	v13 =	vimm.s32 $0xD;
	[tilespmem:s22+$0x10600] =	vst v0;
	(pc) =	sbr.rel @p0 .LBB2_1-.Ltmp2, $4  }
0x1e9: {  	v14 =	vimm.s32 $0xE;
	v11 =	vimm.s32 $0xA;
	v12 =	vimm.s32 $0xB;
	[hbm4b:s6+s2] =	stream.linear.scatter [tilespmem:s20], [sflag:$0x2], $0x200, $0x38;
	[tilespmem:$0x10800] =	vst v63  }
0x1ea: {  	v10 =	vimm.s32 $0x9;
	v9 =	vimm.s32 $0x7;
	v8 =	vimm.s32 $0x3;
	_ =	swait.ge [sflag:s8], $0x200  }
0x1eb: {  	v7 =	vimm.s32 $0x2;
	v6 =	vimm.s32 $0x5;
	v3 =	vimm.s32 $0xC;
	[sflag:s8] =	ssyncset.done $0x0  }
0x1ec: {  	v4 =	vimm.s32 $0x6;
	v2 =	vimm.s32 $0x1;
	v5 =	vimm.s32 $0x8;
	[sflag:s8] =	ssyncadd.s32 $0xFFFFFE00  }
0x1ed: {  	_ =	sfence.sel $0x180000  }
0x1ee: {  	[bflag:$0x0] =	sbarrier.arrive $0xFFFF  }
0x1ef: {  	p0 =	sne.s32 s1, $0x0;
	_ =	strace $0x90000047  }
0x1f0: {  	s0 =	sadd.s32 @!p0 $0x100000, s0;
	[bflag:$0x2] =	sbarrier.arrive $0xFFFF  }
0x1f1: {  	[sflag:s0] =	ssyncadd.tile.s32 @!p0 $0x1;
	_ =	shalt  }
.Lfunc_end2:
_tile_overlayer_lowered:
.L_overlay_start_2:
0x1f2: {  	(tag) =	ssettag $0x2  }
0x1f3: {  	s0 =	rddreg [dreg:$0x0];
	s2 =	stileid.u32  }
0x1f4: {  	s1 =	rddreg [dreg:$0x1];
	p0 =	sne.s32 s2, $0x0  }
0x1f5: {  	s3 =	rddreg [dreg:$0x2];
	[bflag:$0x3] =	sbarrier.arrive $0xFFFF;
	s2 =	simm.s32 @!p0 $0x1C02  }
0x1f6: {  	[timem:s3], [sflag:s2] =	dma.local @!p0 [hbm:s0], s1  }
0x1f7: {  	s0 =	simm.s32 @!p0 $0x2  }
0x1f8: {  	_ =	swait.ge @!p0 [sflag:s0], s1  }
0x1f9: {  	s1 =	ssub.s32 @!p0 $0x0, s1;
	[sflag:s0] =	ssyncset.done @!p0 $0x0  }
0x1fa: {  	[sflag:s0] =	ssyncadd.s32 @!p0 s1  }
0x1fb: {  	[bflag:$0x3] =	sbarrier.arrive $0xFFFF  }
0x1fc: {  	_ =	shalt  }

// kernel: kernel.9.cloned.1.call-start
scs
__scs_entry_jumppad:
0x0: {  	(pc) =	sbr.rel $0x88, $3  }
0x1: {  	(tag) =	ssettag $0x0;
	lr =	simm.s32 $0x1  }
0x2: {  	[smem:$0x3F9B] =	sst lr;
	_ =	strace $0xD0000000  }
0x3: {  	_ = 	snop  }
0x4: {  	_ = 	snop  }
0x5: {  	_ = 	snop  }
0x6: {  	_ = 	snop  }
0x7: {  	_ = 	snop  }
__scs_overlays_trampoline_lowered:
0x8: {  	[smem:$0x3FAA] =	sst s0  }
0x9: {  	[smem:$0x3FAB] =	sst s1  }
0xa: {  	[smem:$0x3FAC] =	sst s2  }
0xb: {  	[smem:$0x3FAD] =	sst s3  }
0xc: {  	[smem:$0x3FAE] =	sst s4  }
0xd: {  	[smem:$0x3FAF] =	sst s5  }
0xe: {  	[smem:$0x3FB0] =	sst s6  }
0xf: {  	[smem:$0x3FB1] =	sst s7  }
0x10: {  	[smem:$0x3FB2] =	sst s8  }
0x11: {  	[smem:$0x3FB3] =	sst s9;
	s0 =	simm.s32 @!p0 $0x0  }
0x12: {  	s1 =	sld [smem:$0x3F99];
	s0 =	simm.s32 @p0 $0x1  }
0x13: {  	[smem:$0x3FB4] =	sst s0;
	s0 =	simm.s32 @!p1 $0x0  }
0x14: {  	s2 =	sld [smem:$0x3F98];
	s0 =	simm.s32 @p1 $0x1  }
0x15: {  	[smem:$0x3FB5] =	sst s0;
	s0 =	simm.s32 @!p2 $0x0  }
0x16: {  	s3 =	sld [smem:$0x3FDB];
	s0 =	simm.s32 @p2 $0x1  }
0x17: {  	s4 =	simm.s32 $0x1BF5;
	[smem:$0x3FB7] =	sst s0  }
0x18: {  	s0 =	sld [smem:$0x3F9A];
	_ =	swait.ge [sflag:s4], $0x0  }
0x19: {  	s7 =	sld [smem:$0x3F9B]  }
0x1a: {  	s8 =	sadd.s32 $0xFFFFE003, lr  }
0x1b: {  	s9 =	sadd.s32 $0xFFFFFEF7, lr;
	s5 =	simm.s32 $0xFFFFFFFF;
	p2 =	slt.u32 s8, $0xFFFFF086  }
0x1c: {  	p1 =	slt.u32 s9, $0xF7A;
	s5 =	simm.s32 @!p2 $0x0  }
0x1d: {  	s5 =	simm.s32 @p1 $0x1;
	p0 =	seq.s32 s7, s2  }
0x1e: {  	s7 =	smul.u32 @!p0 $0xF7A, s2;
	p2 =	seq.s32 @!p0 s5, $0x0  }
0x1f: {  	s9 =	smul.u32 $0xF7A, s1;
	s8 =	simm.s32 @!p0 $0x1BF5;
	p2 =	por !p2, p0  }
0x20: {  	[sflag:s8] =	ssyncset.s32 @!p0 $0xFFFFF086;
	s6 =	sadd.s32 @!p0 s3, s7;
	s7 =	simm.s32 @!p0 $0x108  }
0x21: {  	s3 =	sadd.s32 s3, s9;
	s6 =	sadd.s32 @!p0 $0x88, s6;
	s7 =	simm.s32 @p2 $0x1082  }
0x22: {  	[simem:s7], [sflag:s8] =	dma.local @!p0 [hbm:s6], $0xF7A  }
0x23: {  	s9 =	sor.u32 $0xD0000000, s2;
	s6 =	simm.s32 $0x108;
	_ =	swait.ge @!p0 [sflag:s8], $0x0  }
0x24: {  	s3 =	sadd.s32 $0x88, s3;
	s6 =	simm.s32 @!p1 $0x1082;
	[sflag:s4] =	ssyncset.s32 $0xFFFFF086  }
0x25: {  	[simem:s6], [sflag:s4] =	dma.local [hbm:s3], $0xF7A  }
0x26: {  	[smem:$0x3F9B] =	sst s1;
	(tag) =	ssettag s2;
	_ =	strace s9  }
0x27: {  	s1 =	sld [smem:$0x3FAB]  }
0x28: {  	s2 =	sld [smem:$0x3FAC]  }
0x29: {  	s4 =	sld [smem:$0x3FAE]  }
0x2a: {  	p0 =	seq.s32 s5, $0x0;
	s5 =	sld [smem:$0x3FAF]  }
0x2b: {  	s6 =	sld [smem:$0x3FB0]  }
0x2c: {  	s7 =	sld [smem:$0x3FB1]  }
0x2d: {  	s3 =	simm.s32 $0x108;
	s8 =	sld [smem:$0x3FB2]  }
0x2e: {  	s3 =	simm.s32 @!p0 $0x1082;
	s9 =	sld [smem:$0x3FB3]  }
0x2f: {  	lr =	sadd.s32 s0, s3;
	s0 =	sld [smem:$0x3FAA]  }
0x30: {  	s3 =	sld [smem:$0x3FAD]  }
0x31: {  	[smem:$0x3FB6] =	sst s10  }
0x32: {  	s10 =	sld [smem:$0x3FB4];
	_ =	sdelay $0x3  }
0x33: {  	p0 =	seq.s32 s10, $0x1;
	s10 =	sld [smem:$0x3FB6];
	_ =	sdelay $0x3  }
0x34: {  	[smem:$0x3FB6] =	sst s10  }
0x35: {  	s10 =	sld [smem:$0x3FB5];
	_ =	sdelay $0x3  }
0x36: {  	p1 =	seq.s32 s10, $0x1;
	s10 =	sld [smem:$0x3FB6];
	_ =	sdelay $0x3  }
0x37: {  	[smem:$0x3FB6] =	sst s10  }
0x38: {  	s10 =	sld [smem:$0x3FB7]  }
0x39: {  	_ = 	snop;
	(pc) =	sbr.ind lr, $3  }
0x3a: {  	_ = 	snop  }
0x3b: {  	_ = 	snop  }
0x3c: {  	p2 =	seq.s32 s10, $0x1;
	s10 =	sld [smem:$0x3FB6]  }
0x3d: {  	_ =	shalt  }
0x3e: {  	_ =	shalt  }
0x3f: {  	_ =	shalt  }
0x40: {  	_ =	shalt  }
0x41: {  	_ =	shalt  }
0x42: {  	_ =	shalt  }
0x43: {  	_ =	shalt  }
0x44: {  	_ =	shalt  }
0x45: {  	_ =	shalt  }
0x46: {  	_ =	shalt  }
0x47: {  	_ =	shalt  }
0x48: {  	_ =	shalt  }
0x49: {  	_ =	shalt  }
0x4a: {  	_ =	shalt  }
0x4b: {  	_ =	shalt  }
0x4c: {  	_ =	shalt  }
0x4d: {  	_ =	shalt  }
0x4e: {  	_ =	shalt  }
0x4f: {  	_ =	shalt  }
0x50: {  	_ =	shalt  }
0x51: {  	_ =	shalt  }
0x52: {  	_ =	shalt  }
0x53: {  	_ =	shalt  }
0x54: {  	_ =	shalt  }
0x55: {  	_ =	shalt  }
0x56: {  	_ =	shalt  }
0x57: {  	_ =	shalt  }
0x58: {  	_ =	shalt  }
0x59: {  	_ =	shalt  }
0x5a: {  	_ =	shalt  }
0x5b: {  	_ =	shalt  }
0x5c: {  	_ =	shalt  }
0x5d: {  	_ =	shalt  }
0x5e: {  	_ =	shalt  }
0x5f: {  	_ =	shalt  }
0x60: {  	_ =	shalt  }
0x61: {  	_ =	shalt  }
0x62: {  	_ =	shalt  }
0x63: {  	_ =	shalt  }
0x64: {  	_ =	shalt  }
0x65: {  	_ =	shalt  }
0x66: {  	_ =	shalt  }
0x67: {  	_ =	shalt  }
0x68: {  	_ =	shalt  }
0x69: {  	_ =	shalt  }
0x6a: {  	_ =	shalt  }
0x6b: {  	_ =	shalt  }
0x6c: {  	_ =	shalt  }
0x6d: {  	_ =	shalt  }
0x6e: {  	_ =	shalt  }
0x6f: {  	_ =	shalt  }
0x70: {  	_ =	shalt  }
0x71: {  	_ =	shalt  }
0x72: {  	_ =	shalt  }
0x73: {  	_ =	shalt  }
0x74: {  	_ =	shalt  }
0x75: {  	_ =	shalt  }
0x76: {  	_ =	shalt  }
0x77: {  	_ =	shalt  }
0x78: {  	_ =	shalt  }
0x79: {  	_ =	shalt  }
0x7a: {  	_ =	shalt  }
0x7b: {  	_ =	shalt  }
0x7c: {  	_ =	shalt  }
0x7d: {  	_ =	shalt  }
0x7e: {  	_ =	shalt  }
0x7f: {  	_ =	shalt  }
0x80: {  	_ =	shalt  }
0x81: {  	_ =	shalt  }
0x82: {  	_ =	shalt  }
0x83: {  	_ =	shalt  }
0x84: {  	_ =	shalt  }
0x85: {  	_ =	shalt  }
0x86: {  	_ =	shalt  }
0x87: {  	_ =	shalt  }
.Lfunc_end0:
.L_simem_size_0:
called_computation.1_lowered:
.L_overlay_start_0:
0x88: {  	s2 =	sld [smem:$0x3FD9]  }
0x89: {  	s3 =	sld [smem:$0x3FFE];
	_ =	sdelay $0x1  }
0x8a: {  	s1 =	srdreg.scid  }
0x8b: {  	s0 =	sand.u32 $0x1, s1  }
0x8c: {  	s17 =	sshll.u32 s0, $0xA;
	s2 =	sadd.s32 s3, s2  }
0x8d: {  	s2 =	sadd.s32 s2, s17  }
0x8e: {  	[smem:$0x3FC2] =	sst s2  }
0x8f: {  	_ = 	snop  }
0x90: {  	s2 =	sld [smem:$0x3FC9]  }
0x91: {  	s18 =	sld [smem:$0x3FD0];
	(tm) =	ssettm $0x1  }
0x92: {  	s4 =	sld [smem:$0x3FFB];
	_ =	sdelay $0x3  }
0x93: {  	_ =	strace s4  }
0x94: {  	s4 =	sld [smem:$0x3FFC];
	_ =	sdelay $0x3  }
0x95: {  	_ =	strace s4  }
0x96: {  	s4 =	sld [smem:$0x3FFD];
	_ =	sdelay $0x3  }
0x97: {  	_ =	strace s4  }
0x98: {  	_ =	strace $0x8FFFFFFF  }
0x99: {  	s19 =	sld [smem:$0x3FDB];
	_ =	sdelay $0x1  }
0x9a: {  	s5 =	simm.s32 $_scs_section_size  }
0x9b: {  	s6 =	simm.s32 $_size__tile_overlayer_lowered;
	s7 =	simm.s32 $_tile_overlayer_lowered  }
0x9c: {  	s22 =	simm.s32 $0x1BFF;
	s21 =	sshll.u32 s7, $0x1;
	s4 =	sadd.s32 s5, s19  }
0x9d: {  	s8 =	simm.s32 $0x0;
	s20 =	sshll.u32 s6, $0x1;
	s6 =	sadd.s32 s21, s4  }
0x9e: {  	[timem:s8], [sflag:s22] =	dma.local [hbm:s6], s20  }
0x9f: {  	_ =	swait.ge [sflag:s22], s20  }
0xa0: {  	s5 =	ssub.s32 $0x0, s20;
	[sflag:s22] =	ssyncset.done $0x0  }
0xa1: {  	[sflag:s22] =	ssyncadd.s32 s5;
	_ =	sdelay $0x1  }
0xa2: {  	s23 =	simm.s32 $0x1B8B  }
0xa3: {  	_ =	swait.ge [sflag:s23], $0x1  }
0xa4: {  	[sflag:s23] =	ssyncset.done $0x0  }
0xa5: {  	s25 =	simm.s32 $0x1B8E;
	s24 =	sld [smem:$0x3FFE];
	[sflag:s23] =	ssyncadd.s32 $0xFFFFFFFF  }
0xa6: {  	s26 =	simm.s32 $execute0_lowered;
	[smem:$0x3FD2] =	sst s25  }
0xa7: {  	s6 =	sshll.u32 s26, $0x1;
	_ =	strace $0x80000049;
	[dreg:$0x1] =	wrdreg $0xFFFFFFFF  }
0xa8: {  	s28 =	simm.s32 $_size_execute0_lowered;
	s4 =	sadd.s32 s4, s6;
	[dreg:$0x0] =	wrdreg $0x0  }
0xa9: {  	s6 =	sshll.u32 s28, $0x1;
	[dreg:$0x2] =	wrdreg s4  }
0xaa: {  	[dreg:$0x3] =	wrdreg s6  }
0xab: {  	[dreg:$0x4] =	wrdreg $0xC0  }
0xac: {  	_ =	task [dreg:s8], $0x5FFFF  }
0xad: {  	[dreg:$0x1] =	wrdreg $0xFFFFFFFF  }
0xae: {  	[dreg:$0x0] =	wrdreg $0x60  }
0xaf: {  	[dreg:$0x2] =	wrdreg s2  }
0xb0: {  	[dreg:$0x3] =	wrdreg s24  }
0xb1: {  	[dreg:$0x4] =	wrdreg s18  }
0xb2: {  	[dreg:$0x5] =	wrdreg $0x9  }
0xb3: {  	_ =	task.clear_ibuf [dreg:s8], $0x6FFFF;
	_ =	strace $0x90000049  }
0xb4: {  	s29 =	simm.s32 $0x9;
	_ =	strace $0x8000004B  }
0xb5: {  	_ =	swait.ge [sflag:s29], $0x1  }
0xb6: {  	[sflag:s29] =	ssyncadd.s32 $0xFFFFFFFF  }
0xb7: {  	_ =	strace $0x9000004B  }
0xb8: {  	_ =	sfence  }
0xb9: {  	s30 =	sld [smem:$0x0];
	_ =	sdelay $0x2  }
0xba: {  	s31 =	sshll.u32 s1, $0xD;
	s1 =	sshrl.u32 s1, $0x2  }
0xbb: {  	s3 =	sand.u32 $0x4000, s31;
	s1 =	sadd.s32 s1, s30  }
0xbc: {  	s0 =	sor.u32 s3, s0;
	s1 =	sshll.u32 s1, $0x11  }
0xbd: {  	s0 =	sor.u32 s1, s0  }
0xbe: {  	s0 =	sadd.s32 $0x8F2B, s0  }
0xbf: {  	[sflag:s0] =	ssyncadd.remote.s32 $0x1  }
0xc0: {  	_ =	sfence.sel $0xFFFF  }
0xc1: {  	[dreg:$0x0] =	wrdreg $0xFFFFFFFF;
	(pc) =	sbr.abs _section_cstart, $3  }
0xc2: {  	[dreg:$0x1] =	wrdreg $0xFFFFFFFF  }
0xc3: {  	_ =	task.clear_ibuf [dreg:s8], $0x2FFFF;
	_ =	strace $0x9FFFFFFF  }
0xc4: {  	(tm) =	ssettm $0x7FFFFFFF  }
0xc5: {  	_ =	shalt  }
tec
execute0_lowered:
.L_overlay_start_1:
0x0: {  	(tag) =	ssettag $0x1  }
0x1: {  	s4 =	rddreg [dreg:$0x0]  }
0x2: {  	s5 =	rddreg [dreg:$0x1]  }
0x3: {  	s6 =	rddreg [dreg:$0x2]  }
0x4: {  	s0 =	rddreg [dreg:$0x3];
	s2 =	simm.s32 $0x0;
	s3 =	srdreg.scid  }
0x5: {  	v50 =	vimm.s32 $0x0;
	s1 =	stileid.u32;
	v51 =	vimm.s32 $0xF;
	v2 =	vimm.s32 $0x1;
	s10 =	simm.s32 $0x80;
	s11 =	simm.s32 $0x200  }
0x6: {  	v6 =	vimm.s32 $0x5;
	v4 =	vimm.s32 $0x6;
	vm0 =	vmmov $0x1;
	s12 =	simm.s32 $0x400;
	s13 =	simm.s32 $0x280;
	s14 =	simm.s32 $0x4400  }
0x7: {  	v7 =	vimm.s32 $0x2;
	vm1 =	vmmov $0x3;
	v8 =	vimm.s32 $0x3;
	s15 =	simm.s32 $0x300;
	s16 =	simm.s32 $0x8400;
	s17 =	simm.s32 $0x380  }
0x8: {  	vm2 =	vmmov $0x7;
	vm3 =	vmmov $0xf;
	vm4 =	vmmov $0x1f;
	s18 =	simm.s32 $0xC400;
	s19 =	simm.s32 $0x1;
	s20 =	simm.s32 $0x10600  }
0x9: {  	vm5 =	vmmov $0x3f;
	v9 =	vimm.s32 $0x7;
	vm6 =	vmmov $0x7f;
	s21 =	simm.s32 $0x0;
	[smem:$0x7FF] =	sst s2;
	s3 =	sand.u32 $0x1, s3  }
0xa: {  	v5 =	vimm.s32 $0x8;
	vm7 =	vmmov $0xff;
	v10 =	vimm.s32 $0x9;
	s7 =	sshll.u32 s1, $0x7;
	s8 =	sshll.u32 s3, $0x6;
	s9 =	ssub.s32 $0x2, s3  }
0xb: {  	vm8 =	vmmov $0x1ff;
	v11 =	vimm.s32 $0xA;
	vm9 =	vmmov $0x3ff;
	_ =	strace $0x8000004A;
	s7 =	sor.u32 s8, s7;
	s31 =	sshrl.u32 s9, $0x1  }
0xc: {  	v12 =	vimm.s32 $0xB;
	vm10 =	vmmov $0x7ff;
	v3 =	vimm.s32 $0xC;
	s3 =	sadd.s32 $0x4A00, s5;
	s5 =	sadd.s32 s7, s5;
	s8 =	ssub.s32 s9, s31  }
0xd: {  	vm11 =	vmmov $0xfff;
	v13 =	vimm.s32 $0xD;
	vm12 =	vmmov $0x1fff;
	s4 =	sadd.s32 s4, s7;
	s6 =	sadd.s32 s6, s7;
	s9 =	simm.s32 $0x10400  }
0xe: {  	v14 =	vimm.s32 $0xE;
	vm13 =	vmmov $0x3fff;
	vm14 =	vmmov $0x7fff;
	s5 =	sadd.s32 $0x4200, s5;
	s7 =	smax.u32 s8, $0x1;
	s8 =	simm.s32 $0x2  }
.LBB2_1:
0xf: {  	[tilespmem:s2], [sflag:$0x2] =	stream.linear.gather [hbm4b:s4+s2], $0x200, $0x38;
	[tilespmem:$0x10800] =	vst v63  }
0x10: {  	_ =	swait.ge [sflag:s8], $0x200  }
0x11: {  	[sflag:s8] =	ssyncset.done $0x0  }
0x12: {  	[sflag:s8] =	ssyncadd.s32 $0xFFFFFE00  }
0x13: {  	[tilespmem:s9], [sflag:$0x2] =	stream.linear.gather [hbm4b:s5+s2], $0x200, $0x38;
	[tilespmem:$0x10800] =	vst v63  }
0x14: {  	_ =	swait.ge [sflag:s8], $0x200  }
0x15: {  	[sflag:s8] =	ssyncset.done $0x0  }
0x16: {  	s22 =	simm.s32 $0x0;
	[sflag:s8] =	ssyncadd.s32 $0xFFFFFE00  }
0x17: {  	s23 =	simm.s32 $0x40;
	v0 =	vld [tilespmem:s22+$0x0]  }
.LBB2_2:
0x18: {  	p0 =	sne.s32 s23, $0x7C0  }
.Ltmp0:
0x19: {  	_ = 	snop;
	(pc) =	sbr.rel @p0 .LBB2_2-.Ltmp0, $3  }
0x1a: {  	_ =	sdelay $0x1  }
0x1b: {  	s24 =	sshra.s32 s23, $0x2;
	s23 =	sadd.s32 $0x40, s23;
	v1 =	vshrl.u32 v0, $0x7  }
0x1c: {  	v0 =	vld [tilespmem:s24+$0x0];
	[tilespmem:s22+$0x200] =	vst v1;
	s22 =	smov.u32 s24  }
0x1d: {  	_ =	sdelay $0x3  }
0x1e: {  	v0 =	vshrl.u32 v0, $0x7  }
0x1f: {  	[tilespmem:s22+$0x200] =	vst v0  }
0x20: {  	[tilespmem:s12], [sflag:$0x1] =	stream.indirect.gather [hbm4b:s3+s10], $0x80, s11, s10, $0xb8;
	[tilespmem:$0x10800] =	vst v63  }
0x21: {  	_ = 	snop  }
0x22: {  	[tilespmem:s14], [sflag:$0x1] =	stream.indirect.gather [hbm4b:s3+s10], $0x80, s13, s10, $0xb8;
	[tilespmem:$0x10800] =	vst v63  }
0x23: {  	_ = 	snop  }
0x24: {  	[tilespmem:s16], [sflag:$0x1] =	stream.indirect.gather [hbm4b:s3+s10], $0x80, s15, s10, $0xb8;
	[tilespmem:$0x10800] =	vst v63  }
0x25: {  	_ = 	snop  }
0x26: {  	[tilespmem:s18], [sflag:$0x1] =	stream.indirect.gather [hbm4b:s3+s10], $0x80, s17, s10, $0xb8;
	[tilespmem:$0x10800] =	vst v63  }
0x27: {  	_ =	swait.ge [sflag:s19], $0x4000  }
0x28: {  	[sflag:s19] =	ssyncset.done $0x0  }
0x29: {  	[sflag:s19] =	ssyncadd.s32 $0xFFFFC000  }
0x2a: {  	_ =	swait.ge [sflag:s19], $0x4000  }
0x2b: {  	[sflag:s19] =	ssyncset.done $0x0  }
0x2c: {  	[sflag:s19] =	ssyncadd.s32 $0xFFFFC000  }
0x2d: {  	_ =	swait.ge [sflag:s19], $0x4000  }
0x2e: {  	[sflag:s19] =	ssyncset.done $0x0  }
0x2f: {  	[sflag:s19] =	ssyncadd.s32 $0xFFFFC000  }
0x30: {  	_ =	swait.ge [sflag:s19], $0x4000  }
0x31: {  	[sflag:s19] =	ssyncset.done $0x0  }
0x32: {  	s22 =	simm.s32 $0x0;
	[sflag:s19] =	ssyncadd.s32 $0xFFFFC000  }
0x33: {  	v0 =	vld [tilespmem:s22+$0x0];
	_ =	sdelay $0x4  }
0x34: {  	s23 =	simm.s32 $0x800;
	v0 =	vand.u32 $0x7F, v0  }
0x35: {  	v18 =	vld [tilespmem:s23+$0x320];
	v27 =	vperm.xlane v0, v14  }
0x36: {  	v21 =	vld [tilespmem:s23+$0x330];
	v22 =	vperm.xlane v0, v51;
	v28 =	vperm.xlane v0, v3  }
0x37: {  	v30 =	vperm.xlane v0, v13;
	v39 =	vperm.xlane v0, v11  }
0x38: {  	v1 =	vld [tilespmem:s23+$0x390];
	v31 =	vperm.xlane v0, v12;
	v53 =	vperm.xlane v0, v5  }
0x39: {  	v16 =	vld [tilespmem:s23+$0x310];
	v45 =	vperm.xlane v0, v10;
	v54 =	vperm.xlane v0, v4  }
0x3a: {  	v23 =	vld [tilespmem:s23+$0x340];
	v52 =	vperm.xlane v0, v9;
	v55 =	vperm.xlane v0, v6  }
0x3b: {  	v24 =	vld [tilespmem:s23+$0x350];
	v21 =	vsub.f32 v21, v18;
	v60 =	vperm.xlane v0, v7;
	v57 =	vperm.xlane v0, v8  }
0x3c: {  	v25 =	vld [tilespmem:s23+$0x360];
	v9 =	vimm.s32 $0x4;
	v40 =	vperm.xlane v0, v50;
	v41 =	vperm.xlane v0, v2  }
0x3d: {  	v3 =	vld [tilespmem:s23+$0x380];
	v56 =	vperm.xlane v0, v9;
	v0 =	vshrl.u32 v30, $0x6;
	v37 =	vshrl.u32 v22, $0x6  }
0x3e: {  	v5 =	vld [tilespmem:s23+$0x3A0];
	v2 =	vshrl.u32 v39, $0x6;
	v59 =	vshrl.u32 v31, $0x6;
	v46 =	vshrl.u32 v28, $0x6  }
0x3f: {  	v4 =	vld [tilespmem:s23+$0x3B0];
	v62 =	vshrl.u32 v53, $0x6;
	v43 =	vshrl.u32 v45, $0x6;
	v15 =	vshrl.u32 v22, $0x5  }
0x40: {  	v6 =	vld [tilespmem:s23+$0x3C0];
	v58 =	vshrl.u32 v54, $0x6;
	v61 =	vshrl.u32 v52, $0x6;
	v17 =	vshrl.u32 v27, $0x5  }
0x41: {  	v11 =	vld [tilespmem:s23+$0x3D0];
	v19 =	vshrl.u32 v28, $0x5;
	v20 =	vshrl.u32 v30, $0x5;
	v8 =	vshrl.u32 v31, $0x5;
	[tilespmem:$0x1FDF0] =	vst v22  }
0x42: {  	v13 =	vld [tilespmem:s23+$0x3E0];
	v9 =	vshrl.u32 v45, $0x5;
	v10 =	vshrl.u32 v39, $0x5;
	v22 =	vshrl.u32 v22, $0x4;
	[tilespmem:$0x1FE10] =	vst v28  }
0x43: {  	v12 =	vld [tilespmem:s23+$0x3F0];
	v7 =	vshrl.u32 v53, $0x5;
	v28 =	vshrl.u32 v28, $0x4;
	v32 =	vshrl.u32 v30, $0x4;
	[tilespmem:$0x1FEB0] =	vst v0  }
0x44: {  	v29 =	vld [tilespmem:s23+$0x370];
	v35 =	vshrl.u32 v31, $0x4;
	v0 =	vshrl.u32 v27, $0x6;
	[tilespmem:$0x1FED0] =	vst v2;
	v2 =	vshrl.u32 v52, $0x5  }
0x45: {  	v33 =	vld [tilespmem:s23+$0x280];
	[tilespmem:$0x1FE00] =	vst v27;
	v22 =	vand.u32 $0x1, v22;
	v27 =	vshrl.u32 v27, $0x4;
	v15 =	vand.u32 $0x1, v15  }
0x46: {  	v36 =	vld [tilespmem:s23+$0x290];
	v17 =	vand.u32 $0x1, v17;
	v20 =	vand.u32 $0x1, v20;
	v28 =	vand.u32 $0x1, v28  }
0x47: {  	v42 =	vld [tilespmem:s23+$0x2A0];
	v22 =	vcvt.s32.f32 v22;
	v1 =	vsub.f32 v1, v3;
	v26 =	vsub.f32 v4, v5  }
0x48: {  	v14 =	vld [tilespmem:s23+$0x300];
	v19 =	vand.u32 $0x1, v19;
	v11 =	vsub.f32 v11, v6;
	v12 =	vsub.f32 v12, v13  }
0x49: {  	v47 =	vld [tilespmem:s23+$0x2D0];
	v8 =	vand.u32 $0x1, v8;
	v34 =	vmul.f32 v22, v1;
	v26 =	vmul.f32 v22, v26  }
0x4a: {  	v48 =	vld [tilespmem:s23+$0x2E0];
	v10 =	vand.u32 $0x1, v10;
	v11 =	vmul.f32 v22, v11;
	v22 =	vmul.f32 v22, v12  }
0x4b: {  	v49 =	vld [tilespmem:s23+$0x2F0];
	v27 =	vand.u32 $0x1, v27;
	v3 =	vadd.f32 v34, v3;
	v5 =	vadd.f32 v26, v5  }
0x4c: {  	v27 =	vcvt.s32.f32 v27;
	v34 =	vld [tilespmem:s23+$0x2C0];
	v6 =	vadd.f32 v11, v6;
	v11 =	vadd.f32 v22, v13  }
0x4d: {  	v15 =	vcvt.s32.f32 v15;
	v16 =	vsub.f32 v16, v14;
	v26 =	vld [tilespmem:s23+$0x2B0];
	v5 =	vsub.f32 v5, v3  }
0x4e: {  	v7 =	vand.u32 $0x1, v7;
	v13 =	vmul.f32 v27, v21;
	v22 =	vld [tilespmem:s23+$0x200];
	v11 =	vsub.f32 v11, v6  }
0x4f: {  	[tilespmem:$0x1FE50] =	vst v39;
	v16 =	vmul.f32 v27, v16;
	v21 =	vshrl.u32 v39, $0x4;
	v39 =	vld [tilespmem:s23+$0x90];
	v5 =	vmul.f32 v15, v5  }
0x50: {  	v18 =	vadd.f32 v13, v18;
	v13 =	vsub.f32 v29, v25;
	v11 =	vmul.f32 v15, v11;
	v15 =	vld [tilespmem:s23+$0x190]  }
0x51: {  	[tilespmem:$0x1FE20] =	vst v30;
	v17 =	vcvt.s32.f32 v17;
	v63 =	vsub.f32 v47, v34;
	v47 =	vld [tilespmem:s23+$0x240];
	v30 =	vadd.f32 v5, v3  }
0x52: {  	v28 =	vcvt.s32.f32 v28;
	v5 =	vadd.f32 v16, v14;
	v14 =	vld [tilespmem:s23+$0x210];
	v16 =	vsub.f32 v24, v23  }
0x53: {  	v29 =	vsub.f32 v36, v33;
	v26 =	vsub.f32 v26, v42;
	v3 =	vand.u32 $0x1, v32;
	v24 =	vld [tilespmem:s23+$0x220]  }
0x54: {  	v32 =	vld [tilespmem:s23+$0x230];
	v38 =	vadd.f32 v11, v6;
	v6 =	vcvt.s32.f32 v20;
	v16 =	vmul.f32 v27, v16  }
0x55: {  	v20 =	vld [tilespmem:s23+$0x1C0];
	v3 =	vcvt.s32.f32 v3;
	v27 =	vmul.f32 v27, v13;
	v13 =	vsub.f32 v49, v48  }
0x56: {  	v19 =	vcvt.s32.f32 v19;
	v18 =	vsub.f32 v18, v5;
	v16 =	vadd.f32 v16, v23;
	v23 =	vld [tilespmem:s23+$0x250]  }
0x57: {  	v29 =	vmul.f32 v3, v29;
	v26 =	vmul.f32 v3, v26;
	v25 =	vadd.f32 v27, v25;
	v27 =	vld [tilespmem:s23+$0x260]  }
0x58: {  	[tilespmem:$0x1FE60] =	vst v53;
	v36 =	vmul.f32 v3, v63;
	v3 =	vmul.f32 v3, v13;
	v13 =	vshrl.u32 v53, $0x4;
	v53 =	vmovc v57;
	v57 =	vld [tilespmem:s23+$0x1B0]  }
0x59: {  	v8 =	vcvt.s32.f32 v8;
	v10 =	vcvt.s32.f32 v10;
	v29 =	vadd.f32 v29, v33;
	v33 =	vld [tilespmem:s23+$0x270]  }
0x5a: {  	v18 =	vmul.f32 v17, v18;
	v26 =	vadd.f32 v26, v42;
	v42 =	vld [tilespmem:s23+$0x180];
	v34 =	vadd.f32 v36, v34  }
0x5b: {  	[tilespmem:$0x1FE40] =	vst v45;
	v12 =	vshrl.u32 v45, $0x4;
	v36 =	vld [tilespmem:s23+$0x20];
	v45 =	vadd.f32 v3, v48;
	v25 =	vsub.f32 v25, v16  }
0x5c: {  	v7 =	vcvt.s32.f32 v7;
	v48 =	vld [tilespmem:s23+$0x1A0];
	v5 =	vadd.f32 v18, v5;
	v18 =	vsub.f32 v32, v24  }
0x5d: {  	v2 =	vand.u32 $0x1, v2;
	v32 =	vld [tilespmem:s23+$0x120];
	v11 =	vsub.f32 v26, v29;
	v26 =	vsub.f32 v45, v34  }
0x5e: {  	v0 =	vcvt.s32.f32 v0;
	v14 =	vsub.f32 v14, v22;
	v17 =	vmul.f32 v17, v25;
	v25 =	vld [tilespmem:s23+$0x1D0]  }
0x5f: {  	v4 =	vshrl.u32 v54, $0x5;
	v63 =	vmul.f32 v6, v11;
	v6 =	vmul.f32 v6, v26;
	v26 =	vld [tilespmem:s23+$0x1E0]  }
0x60: {  	v14 =	vmul.f32 v28, v14;
	v18 =	vmul.f32 v28, v18;
	v44 =	vadd.f32 v17, v16;
	v16 =	vld [tilespmem:s23+$0x1F0]  }
0x61: {  	v2 =	vcvt.s32.f32 v2;
	v1 =	vshrl.u32 v56, $0x5;
	v23 =	vsub.f32 v23, v47;
	v17 =	vld [tilespmem:s23+$0x100]  }
0x62: {  	v12 =	vand.u32 $0x1, v12;
	v14 =	vadd.f32 v14, v22;
	v18 =	vadd.f32 v18, v24;
	v24 =	vld [tilespmem:s23+$0x130]  }
0x63: {  	[tilespmem:$0x1FE30] =	vst v31;
	v22 =	vand.u32 $0x1, v35;
	v33 =	vsub.f32 v33, v27;
	v31 =	vadd.f32 v63, v29;
	v29 =	vld [tilespmem:s23+$0x110]  }
0x64: {  	v22 =	vcvt.s32.f32 v22;
	v15 =	vsub.f32 v15, v42;
	v23 =	vmul.f32 v28, v23;
	v63 =	vld [tilespmem:s23+$0x150]  }
0x65: {  	v11 =	vshrl.u32 v54, $0x4;
	v57 =	vsub.f32 v57, v48;
	v28 =	vmul.f32 v28, v33;
	v33 =	vld [tilespmem:s23+$0x140]  }
0x66: {  	[tilespmem:$0x1FE70] =	vst v54;
	v15 =	vmul.f32 v22, v15;
	v18 =	vsub.f32 v18, v14;
	v23 =	vadd.f32 v23, v47;
	v47 =	vld [tilespmem:s23+$0x80]  }
0x67: {  	v54 =	vmovc v5;
	v5 =	vadd.f32 v6, v34;
	v25 =	vsub.f32 v25, v20;
	v34 =	vmul.f32 v22, v57;
	v57 =	vld [tilespmem:s23+$0xE0]  }
0x68: {  	v27 =	vadd.f32 v28, v27;
	v28 =	vld [tilespmem:s23+$0x160];
	v15 =	vadd.f32 v15, v42;
	v18 =	vmul.f32 v19, v18  }
0x69: {  	v21 =	vand.u32 $0x1, v21;
	v16 =	vsub.f32 v16, v26;
	v34 =	vadd.f32 v34, v48;
	v48 =	vmovc v56;
	v56 =	vld [tilespmem:s23+$0xFFFFFFD0]  }
0x6a: {  	v25 =	vmul.f32 v22, v25;
	v27 =	vsub.f32 v27, v23;
	v3 =	vadd.f32 v18, v14;
	v14 =	vld [tilespmem:s23+$0xC0]  }
0x6b: {  	v24 =	vsub.f32 v24, v32;
	v18 =	vcvt.s32.f32 v21;
	v16 =	vmul.f32 v22, v16;
	v22 =	vld [tilespmem:s23+$0x170]  }
0x6c: {  	v21 =	vsub.f32 v29, v17;
	v29 =	vld [tilespmem:s23+$0xD0];
	v19 =	vmul.f32 v19, v27;
	v27 =	vsub.f32 v34, v15  }
0x6d: {  	v12 =	vcvt.s32.f32 v12;
	v20 =	vadd.f32 v25, v20;
	v25 =	vld [tilespmem:s23+$0xA0];
	v16 =	vadd.f32 v16, v26  }
0x6e: {  	v45 =	vsub.f32 v63, v33;
	v21 =	vmul.f32 v18, v21;
	v26 =	vld [tilespmem:s23+$0xB0];
	v27 =	vmul.f32 v8, v27  }
0x6f: {  	v49 =	vmovc v52;
	v52 =	vadd.f32 v19, v23;
	v19 =	vld [tilespmem:s23+$0xF0];
	v23 =	vmul.f32 v18, v24;
	v16 =	vsub.f32 v16, v20  }
0x70: {  	v24 =	vmul.f32 v18, v45;
	v17 =	vadd.f32 v21, v17;
	v21 =	vld [tilespmem:s23+$0x0];
	v22 =	vsub.f32 v22, v28  }
0x71: {  	v63 =	vand.u32 $0x1, v9;
	v45 =	vld [tilespmem:s23+$0xFFFFFEB0];
	v9 =	vadd.f32 v23, v32;
	v16 =	vmul.f32 v8, v16  }
0x72: {  	v23 =	vld [tilespmem:s23+$0x10];
	v24 =	vadd.f32 v24, v33;
	v8 =	vadd.f32 v27, v15;
	v18 =	vmul.f32 v18, v22  }
0x73: {  	v13 =	vand.u32 $0x1, v13;
	v27 =	vld [tilespmem:s23+$0x40];
	v15 =	vsub.f32 v9, v17;
	v9 =	vadd.f32 v16, v20  }
0x74: {  	v13 =	vcvt.s32.f32 v13;
	v20 =	vsub.f32 v39, v47;
	v39 =	vld [tilespmem:s23+$0xFFFFFFC0];
	v18 =	vadd.f32 v18, v28  }
0x75: {  	v29 =	vsub.f32 v29, v14;
	v26 =	vsub.f32 v26, v25;
	v28 =	vld [tilespmem:s23+$0x30];
	v15 =	vmul.f32 v10, v15  }
0x76: {  	v11 =	vand.u32 $0x1, v11;
	v19 =	vsub.f32 v19, v57;
	v16 =	vsub.f32 v18, v24;
	v18 =	vld [tilespmem:s23+$0x50]  }
0x77: {  	v6 =	vadd.f32 v15, v17;
	v15 =	vld [tilespmem:s23+$0x70];
	v17 =	vmul.f32 v12, v20;
	v20 =	vmul.f32 v12, v26  }
0x78: {  	v23 =	vsub.f32 v23, v21;
	v26 =	vmul.f32 v12, v29;
	v10 =	vmul.f32 v10, v16;
	v16 =	vld [tilespmem:s23+$0x60]  }
0x79: {  	v12 =	vmul.f32 v12, v19;
	v17 =	vadd.f32 v17, v47;
	v20 =	vadd.f32 v20, v25;
	v25 =	vld [tilespmem:s23+$0xFFFFFFA0]  }
0x7a: {  	v22 =	vshrl.u32 v49, $0x4;
	v14 =	vadd.f32 v26, v14;
	v26 =	vld [tilespmem:s23+$0xFFFFFFB0];
	v28 =	vsub.f32 v28, v36  }
0x7b: {  	v19 =	vld [tilespmem:s23+$0xFFFFFF80];
	v23 =	vmul.f32 v13, v23;
	v12 =	vadd.f32 v12, v57;
	v10 =	vadd.f32 v10, v24  }
0x7c: {  	v29 =	vld [tilespmem:s23+$0xFFFFFF90];
	v24 =	vcvt.s32.f32 v63;
	v20 =	vsub.f32 v20, v17;
	v28 =	vmul.f32 v13, v28  }
0x7d: {  	v22 =	vand.u32 $0x1, v22;
	v57 =	vld [tilespmem:s23+$0xFFFFFFF0];
	v21 =	vadd.f32 v23, v21;
	v12 =	vsub.f32 v12, v14  }
0x7e: {  	v23 =	vld [tilespmem:s23+$0xFFFFFFE0];
	v18 =	vsub.f32 v18, v27;
	v20 =	vmul.f32 v24, v20;
	v28 =	vadd.f32 v28, v36  }
0x7f: {  	v12 =	vmul.f32 v24, v12;
	v24 =	vld [tilespmem:s23+$0xFFFFFF00];
	v15 =	vsub.f32 v15, v16;
	v26 =	vsub.f32 v26, v25  }
0x80: {  	v18 =	vmul.f32 v13, v18;
	v47 =	vadd.f32 v20, v17;
	v17 =	vld [tilespmem:s23+$0xFFFFFF10];
	v20 =	vsub.f32 v28, v21  }
0x81: {  	v15 =	vmul.f32 v13, v15;
	v13 =	vadd.f32 v12, v14;
	v12 =	vld [tilespmem:s23+$0xFFFFFF20];
	v14 =	vcvt.s32.f32 v22  }
0x82: {  	v18 =	vadd.f32 v18, v27;
	v22 =	vsub.f32 v29, v19;
	v28 =	vld [tilespmem:s23+$0xFFFFFF40];
	v20 =	vmul.f32 v7, v20  }
0x83: {  	v11 =	vcvt.s32.f32 v11;
	v29 =	vsub.f32 v56, v39;
	v15 =	vadd.f32 v15, v16;
	v16 =	vld [tilespmem:s23+$0xFFFFFF30]  }
0x84: {  	v32 =	vsub.f32 v57, v23;
	v35 =	vadd.f32 v20, v21;
	v20 =	vld [tilespmem:s23+$0xFFFFFF50];
	v21 =	vmul.f32 v14, v22  }
0x85: {  	v22 =	vmul.f32 v14, v26;
	v26 =	vmul.f32 v14, v29;
	v29 =	vld [tilespmem:s23+$0xFFFFFF60];
	v15 =	vsub.f32 v15, v18  }
0x86: {  	v14 =	vmul.f32 v14, v32;
	v17 =	vsub.f32 v17, v24;
	v19 =	vadd.f32 v21, v19;
	v21 =	vld [tilespmem:s23+$0xFFFFFF70]  }
0x87: {  	v22 =	vadd.f32 v22, v25;
	v25 =	vld [tilespmem:s23+$0xFFFFFE80];
	v7 =	vmul.f32 v7, v15;
	v26 =	vadd.f32 v26, v39  }
0x88: {  	v15 =	vld [tilespmem:s23+$0xFFFFFE90];
	v23 =	vadd.f32 v14, v23;
	v17 =	vmul.f32 v11, v17;
	v16 =	vsub.f32 v16, v12  }
0x89: {  	v4 =	vand.u32 $0x1, v4;
	v63 =	vld [tilespmem:s23+$0xFFFFFEA0];
	v22 =	vsub.f32 v22, v19;
	v14 =	vadd.f32 v7, v18  }
0x8a: {  	v18 =	vsub.f32 v23, v26;
	v17 =	vadd.f32 v17, v24;
	v24 =	vld [tilespmem:s23+$0xFFFFFED0];
	v7 =	vmul.f32 v11, v16  }
0x8b: {  	v4 =	vcvt.s32.f32 v4;
	v16 =	vld [tilespmem:s23+$0xFFFFFEC0];
	v22 =	vmul.f32 v2, v22  }
0x8c: {  	v42 =	vmovc v55;
	v2 =	vmul.f32 v2, v18;
	v7 =	vadd.f32 v7, v12;
	v12 =	vsub.f32 v20, v28;
	v20 =	vld [tilespmem:s23+$0xFFFFFEE0]  }
0x8d: {  	v27 =	vshrl.u32 v42, $0x4;
	v18 =	vsub.f32 v21, v29;
	v21 =	vld [tilespmem:s23+$0xFFFFFEF0];
	v15 =	vsub.f32 v15, v25  }
0x8e: {  	v23 =	vand.u32 $0x1, v27;
	v27 =	vld [tilespmem:s23+$0xFFFFFE20];
	v56 =	vadd.f32 v22, v19;
	v39 =	vadd.f32 v2, v26  }
0x8f: {  	v19 =	vld [tilespmem:s23+$0xFFFFFE00];
	v12 =	vmul.f32 v11, v12;
	v7 =	vsub.f32 v7, v17;
	v11 =	vmul.f32 v11, v18  }
0x90: {  	v22 =	vld [tilespmem:s23+$0xFFFFFE10];
	v18 =	vcvt.s32.f32 v23;
	v23 =	vshrl.u32 v42, $0x5;
	v24 =	vsub.f32 v24, v16  }
0x91: {  	v2 =	vld [tilespmem:s23+$0xFFFFFE30];
	v12 =	vadd.f32 v12, v28;
	v7 =	vmul.f32 v4, v7;
	v11 =	vadd.f32 v11, v29  }
0x92: {  	v28 =	vsub.f32 v45, v63;
	v15 =	vmul.f32 v18, v15;
	v21 =	vsub.f32 v21, v20  }
0x93: {  	v24 =	vmul.f32 v18, v24;
	v57 =	vadd.f32 v7, v17;
	v7 =	vshrl.u32 v48, $0x4  }
0x94: {  	v17 =	vmul.f32 v18, v28;
	v11 =	vsub.f32 v11, v12;
	v7 =	vand.u32 $0x1, v7  }
0x95: {  	v15 =	vadd.f32 v15, v25;
	v22 =	vsub.f32 v22, v19;
	v7 =	vcvt.s32.f32 v7  }
0x96: {  	v2 =	vsub.f32 v2, v27;
	v4 =	vmul.f32 v4, v11;
	v11 =	vmul.f32 v18, v21  }
0x97: {  	v23 =	vand.u32 $0x1, v23;
	v16 =	vadd.f32 v24, v16;
	v17 =	vadd.f32 v17, v63  }
0x98: {  	v29 =	vld [tilespmem:s23+$0xFFFFFE60];
	v22 =	vmul.f32 v7, v22;
	v11 =	vadd.f32 v11, v20;
	v4 =	vadd.f32 v4, v12  }
0x99: {  	[tilespmem:$0x1FE80] =	vst v0;
	v21 =	vcvt.s32.f32 v23;
	v23 =	vld [tilespmem:s23+$0xFFFFFD80];
	v2 =	vmul.f32 v7, v2;
	v17 =	vsub.f32 v17, v15  }
0x9a: {  	v0 =	vadd.f32 v22, v19;
	v19 =	vld [tilespmem:s23+$0xFFFFFD90];
	[tilespmem:$0x1FFF0] =	vst v4;
	v4 =	vsub.f32 v11, v16  }
0x9b: {  	v18 =	vld [tilespmem:s23+$0xFFFFFE70];
	v2 =	vadd.f32 v2, v27;
	v17 =	vmul.f32 v21, v17  }
0x9c: {  	v1 =	vand.u32 $0x1, v1;
	v25 =	vld [tilespmem:s23+$0xFFFFFE40];
	v4 =	vmul.f32 v21, v4;
	v21 =	vcvt.s32.f32 v37  }
0x9d: {  	v1 =	vcvt.s32.f32 v1;
	v24 =	vld [tilespmem:s23+$0xFFFFFDB0];
	v20 =	vshrl.u32 v53, $0x4;
	v2 =	vsub.f32 v2, v0  }
0x9e: {  	v20 =	vand.u32 $0x1, v20;
	v22 =	vld [tilespmem:s23+$0xFFFFFDA0];
	[tilespmem:$0x1FE90] =	vst v21;
	v21 =	vcvt.s32.f32 v46  }
0x9f: {  	v28 =	vld [tilespmem:s23+$0xFFFFFE50];
	v20 =	vcvt.s32.f32 v20;
	v2 =	vmul.f32 v1, v2;
	v19 =	vsub.f32 v19, v23  }
0xa0: {  	v63 =	vadd.f32 v17, v15;
	v17 =	vsub.f32 v18, v29;
	[tilespmem:$0x1FEA0] =	vst v21;
	v21 =	vld [tilespmem:$0x1FEB0]  }
0xa1: {  	v33 =	vld [tilespmem:s23+$0xFFFFFD00];
	v2 =	vadd.f32 v2, v0;
	v0 =	vshrl.u32 v42, $0x6;
	v19 =	vmul.f32 v20, v19  }
0xa2: {  	v12 =	vld [tilespmem:s23+$0xFFFFFDE0];
	v4 =	vadd.f32 v4, v16;
	v16 =	vmul.f32 v7, v17;
	v0 =	vcvt.s32.f32 v0  }
0xa3: {  	v11 =	vld [tilespmem:s23+$0xFFFFFDC0];
	v17 =	vsub.f32 v24, v22;
	v24 =	vadd.f32 v19, v23;
	v19 =	vshrl.u32 v53, $0x6  }
0xa4: {  	v15 =	vsub.f32 v28, v25;
	v18 =	vld [tilespmem:s23+$0xFFFFFDD0];
	[tilespmem:$0x1FF40] =	vst v0;
	v0 =	vcvt.s32.f32 v19  }
0xa5: {  	v28 =	vld [tilespmem:s23+$0xFFFFFD10];
	v21 =	vcvt.s32.f32 v21  }
0xa6: {  	v15 =	vmul.f32 v7, v15;
	v7 =	vld [tilespmem:s23+$0xFFFFFDF0];
	[tilespmem:$0x1FF50] =	vst v0;
	v0 =	vshrl.u32 v40, $0x6  }
0xa7: {  	v17 =	vmul.f32 v20, v17;
	[tilespmem:$0x1FEC0] =	vst v21;
	v21 =	vld [tilespmem:$0x1FED0];
	v0 =	vcvt.s32.f32 v0  }
0xa8: {  	v45 =	vadd.f32 v16, v29  }
0xa9: {  	v23 =	vadd.f32 v17, v22;
	v17 =	vcvt.s32.f32 v58;
	[tilespmem:$0x1FF70] =	vst v0;
	v0 =	vshrl.u32 v60, $0x6  }
0xaa: {  	v34 =	vld [tilespmem:s23+$0xFFFFFC40];
	v28 =	vsub.f32 v28, v33;
	v58 =	vsub.f32 v5, v31;
	v0 =	vcvt.s32.f32 v0  }
0xab: {  	v26 =	vld [tilespmem:s23+$0xFFFFFD30];
	[tilespmem:$0x1FF20] =	vst v17;
	v17 =	vsub.f32 v18, v11;
	v18 =	vsub.f32 v7, v12;
	v7 =	vcvt.s32.f32 v61  }
0xac: {  	v37 =	vld [tilespmem:s23+$0xFFFFFD60];
	v5 =	vshrl.u32 v40, $0x4;
	v21 =	vcvt.s32.f32 v21;
	[tilespmem:$0x1FF80] =	vst v0;
	v0 =	vshrl.u32 v41, $0x6  }
0xad: {  	v22 =	vld [tilespmem:s23+$0xFFFFFD50];
	v61 =	vsub.f32 v9, v8;
	v9 =	vsub.f32 v39, v56;
	[tilespmem:$0x1FF30] =	vst v7;
	v0 =	vcvt.s32.f32 v0  }
0xae: {  	v39 =	vld [tilespmem:s23+$0xFFFFFC50];
	v7 =	vadd.f32 v15, v25;
	v27 =	vmul.f32 v20, v17;
	[tilespmem:$0x1FEE0] =	vst v21;
	v21 =	vcvt.s32.f32 v59  }
0xaf: {  	v55 =	vmovc v60;
	v15 =	vld [tilespmem:s23+$0xFFFFFD20];
	v59 =	vsub.f32 v38, v30;
	[tilespmem:$0x1FF90] =	vst v0;
	v0 =	vshrl.u32 v60, $0x5;
	v60 =	vsub.f32 v44, v54  }
0xb0: {  	v17 =	vld [tilespmem:s23+$0xFFFFFD40];
	[tilespmem:$0x1FEF0] =	vst v21;
	v21 =	vcvt.s32.f32 v62;
	v19 =	vand.u32 $0x1, v0;
	v0 =	vshrl.u32 v40, $0x5  }
0xb1: {  	[tilespmem:$0x1FFC0] =	vst v3;
	v25 =	vld [tilespmem:s23+$0xFFFFFC10];
	v62 =	vsub.f32 v52, v3;
	v3 =	vshrl.u32 v55, $0x4;
	v29 =	vand.u32 $0x1, v0  }
0xb2: {  	v38 =	vld [tilespmem:s23+$0xFFFFFD70];
	v52 =	vmovc v8;
	v0 =	vshrl.u32 v41, $0x5;
	v8 =	vand.u32 $0x1, v3;
	[tilespmem:$0x1FF00] =	vst v21;
	v21 =	vcvt.s32.f32 v43  }
0xb3: {  	[tilespmem:$0x1FFD0] =	vst v40;
	v40 =	vld [tilespmem:s23+$0xFFFFFC30];
	v3 =	vsub.f32 v14, v35;
	v43 =	vmul.f32 v20, v18;
	v18 =	vshrl.u32 v53, $0x5  }
0xb4: {  	v46 =	vand.u32 $0x1, v0;
	v44 =	vcvt.s32.f32 v8;
	v8 =	vld [tilespmem:$0x1FFF0];
	[tilespmem:$0x1FF10] =	vst v21;
	v21 =	vshrl.u32 v48, $0x6  }
0xb5: {  	v20 =	vld [tilespmem:s23+$0xFFFFFC00];
	v0 =	vsub.f32 v10, v6;
	v18 =	vand.u32 $0x1, v18;
	v16 =	vcvt.s32.f32 v21  }
0xb6: {  	v36 =	vmovc v6;
	v6 =	vsub.f32 v13, v47;
	v13 =	vcvt.s32.f32 v18;
	v18 =	vsub.f32 v23, v24;
	v23 =	vld [tilespmem:s23+$0xFFFFFC60]  }
0xb7: {  	v10 =	vcvt.s32.f32 v19;
	v21 =	vld [tilespmem:s23+$0xFFFFFC20];
	[tilespmem:$0x1FF60] =	vst v16;
	v16 =	vand.u32 $0x1, v5;
	v5 =	vshrl.u32 v41, $0x4  }
0xb8: {  	[tilespmem:$0x1FFE0] =	vst v41;
	v32 =	vcvt.s32.f32 v46;
	v41 =	vld [tilespmem:s23+$0xFFFFFC70];
	v14 =	vand.u32 $0x1, v5;
	v5 =	vcvt.s32.f32 v29  }
0xb9: {  	[tilespmem:$0x1FFA0] =	vst v30;
	v8 =	vsub.f32 v8, v57;
	v19 =	vcvt.s32.f32 v16;
	v29 =	vmul.f32 v13, v18;
	v18 =	vld [tilespmem:s23+$0xFFFFFC80]  }
0xba: {  	s24 =	simm.s32 $0x40;
	[tilespmem:$0x1FFB0] =	vst v31;
	v16 =	vsub.f32 v45, v7;
	v45 =	vmul.f32 v44, v28;
	v28 =	vsub.f32 v26, v15;
	v26 =	vld [tilespmem:s23+$0xFFFFFC90]  }
.LBB2_4:
0xbb: {  	_ = 	snop  }
0xbc: {  	v46 =	vld [tilespmem:s23+$0xFFFFFCA0];
	v27 =	vadd.f32 v27, v11;
	v28 =	vmul.f32 v44, v28  }
0xbd: {  	v24 =	vadd.f32 v29, v24;
	v11 =	vld [tilespmem:$0x1FE90];
	v1 =	vmul.f32 v1, v16;
	v25 =	vsub.f32 v25, v20  }
0xbe: {  	v30 =	vmov v54;
	v54 =	vld [tilespmem:s23+$0xFFFFFCD0];
	v15 =	vadd.f32 v28, v15;
	v28 =	vsub.f32 v40, v21  }
0xbf: {  	v29 =	vld [tilespmem:s23+$0xFFFFFCB0];
	v33 =	vadd.f32 v45, v33;
	v1 =	vadd.f32 v1, v7;
	v25 =	vmul.f32 v19, v25  }
0xc0: {  	v45 =	vld [tilespmem:s23+$0xFFFFFCC0];
	v22 =	vsub.f32 v22, v17;
	v38 =	vsub.f32 v38, v37;
	v28 =	vmul.f32 v19, v28  }
0xc1: {  	v40 =	vld [tilespmem:s23+$0xFFFFFCE0];
	v20 =	vadd.f32 v25, v20;
	v25 =	vsub.f32 v39, v34  }
0xc2: {  	v11 =	vmul.f32 v11, v59;
	v59 =	vld [tilespmem:s23+$0xFFFFFCF0];
	v21 =	vadd.f32 v28, v21;
	v28 =	vsub.f32 v41, v23  }
0xc3: {  	v26 =	vsub.f32 v26, v18;
	v22 =	vmul.f32 v44, v22;
	v38 =	vmul.f32 v44, v38  }
0xc4: {  	v29 =	vsub.f32 v29, v46;
	v25 =	vmul.f32 v19, v25;
	v19 =	vmul.f32 v19, v28  }
0xc5: {  	v14 =	vcvt.s32.f32 v14;
	v17 =	vadd.f32 v22, v17;
	v22 =	vadd.f32 v38, v37  }
0xc6: {  	v7 =	vld [tilespmem:$0x1FF30];
	v25 =	vadd.f32 v25, v34;
	v19 =	vadd.f32 v19, v23  }
0xc7: {  	v26 =	vmul.f32 v14, v26;
	v28 =	vsub.f32 v54, v45;
	v44 =	vsub.f32 v59, v40  }
0xc8: {  	v29 =	vmul.f32 v14, v29;
	v21 =	vsub.f32 v21, v20;
	v19 =	vsub.f32 v19, v25  }
0xc9: {  	v18 =	vadd.f32 v26, v18;
	v23 =	vmul.f32 v14, v28;
	v14 =	vmul.f32 v14, v44  }
0xca: {  	v26 =	vadd.f32 v29, v46;
	v21 =	vmul.f32 v5, v21;
	v5 =	vmul.f32 v5, v19  }
0xcb: {  	v7 =	vmul.f32 v7, v9;
	v9 =	vld [tilespmem:$0x1FF70];
	v23 =	vadd.f32 v23, v45;
	v14 =	vadd.f32 v14, v40  }
0xcc: {  	v20 =	vadd.f32 v21, v20;
	v5 =	vadd.f32 v5, v25  }
0xcd: {  	v26 =	vsub.f32 v26, v18;
	v14 =	vsub.f32 v14, v23  }
0xce: {  	v5 =	vsub.f32 v5, v20  }
0xcf: {  	v19 =	vsub.f32 v22, v17;
	v22 =	vmul.f32 v32, v26;
	v14 =	vmul.f32 v32, v14  }
0xd0: {  	v5 =	vmul.f32 v9, v5;
	v9 =	vld [tilespmem:$0x1FF90]  }
0xd1: {  	v18 =	vadd.f32 v22, v18;
	v14 =	vadd.f32 v14, v23  }
0xd2: {  	v15 =	vsub.f32 v15, v33  }
0xd3: {  	v14 =	vsub.f32 v14, v18  }
0xd4: {  	v15 =	vmul.f32 v10, v15;
	v10 =	vmul.f32 v10, v19  }
0xd5: {  	v43 =	vadd.f32 v43, v12;
	v9 =	vmul.f32 v9, v14;
	v14 =	vld [tilespmem:$0x1FF80]  }
0xd6: {  	v15 =	vadd.f32 v15, v33;
	v10 =	vadd.f32 v10, v17  }
0xd7: {  	v43 =	vsub.f32 v43, v27  }
0xd8: {  	v10 =	vsub.f32 v10, v15  }
0xd9: {  	v13 =	vmul.f32 v13, v43  }
0xda: {  	v10 =	vmul.f32 v14, v10;
	v14 =	vld [tilespmem:$0x1FF50]  }
0xdb: {  	v13 =	vadd.f32 v13, v27;
	_ =	sdelay $0x1  }
0xdc: {  	v13 =	vsub.f32 v13, v24;
	_ =	sdelay $0x1  }
0xdd: {  	v13 =	vmul.f32 v14, v13;
	v14 =	vld [tilespmem:$0x1FF60];
	_ =	sdelay $0x2  }
0xde: {  	v1 =	vsub.f32 v1, v2;
	_ =	sdelay $0x1  }
0xdf: {  	v1 =	vmul.f32 v14, v1;
	v14 =	vld [tilespmem:$0x1FF40];
	_ =	sdelay $0x2  }
0xe0: {  	v4 =	vsub.f32 v4, v63;
	_ =	sdelay $0x1  }
0xe1: {  	v4 =	vmul.f32 v14, v4;
	v14 =	vld [tilespmem:$0x1FFD0];
	_ =	sdelay $0x2  }
0xe2: {  	v5 =	vadd.f32 v5, v20;
	_ =	sdelay $0x1  }
0xe3: {  	v5 =	vperm.xlane v5, v14;
	v14 =	vld [tilespmem:$0x1FFE0];
	_ =	sdelay $0x1  }
0xe4: {  	v1 =	vadd.f32 v1, v2;
	v2 =	vld [tilespmem:$0x1FF20]  }
0xe5: {  	v9 =	vadd.f32 v9, v18  }
0xe6: {  	v10 =	vadd.f32 v10, v15  }
0xe7: {  	v13 =	vadd.f32 v13, v24;
	v9 =	vperm.xlane v9, v14  }
0xe8: {  	v10 =	vperm.xlane v10, v55  }
0xe9: {  	v2 =	vmul.f32 v2, v8;
	v8 =	vperm.xlane v13, v53;
	v5 =	vsel vm0, v5, v9  }
0xea: {  	v1 =	vperm.xlane v1, v48;
	v5 =	vsel vm1, v5, v10  }
0xeb: {  	v5 =	vsel vm2, v5, v8  }
0xec: {  	v1 =	vsel vm3, v5, v1;
	v5 =	vld [tilespmem:$0x1FE70];
	_ =	sdelay $0x1  }
0xed: {  	v4 =	vadd.f32 v4, v63  }
0xee: {  	v16 =	vld [tilespmem:$0x1FF00];
	v2 =	vadd.f32 v2, v57  }
0xef: {  	v4 =	vperm.xlane v4, v42  }
0xf0: {  	v2 =	vperm.xlane v2, v5  }
0xf1: {  	v1 =	vsel vm4, v1, v4  }
0xf2: {  	v1 =	vsel vm5, v1, v2;
	v2 =	vld [tilespmem:$0x1FE60]  }
0xf3: {  	v3 =	vmul.f32 v16, v3  }
0xf4: {  	v7 =	vadd.f32 v7, v56;
	v19 =	vld [tilespmem:$0x1FF10]  }
0xf5: {  	v3 =	vadd.f32 v3, v35;
	v29 =	vld [tilespmem:$0x1FEE0]  }
0xf6: {  	v31 =	vld [tilespmem:$0x1FEC0];
	v4 =	vperm.xlane v7, v49  }
0xf7: {  	v12 =	vld [tilespmem:$0x1FE80];
	v2 =	vperm.xlane v3, v2  }
0xf8: {  	v1 =	vsel vm6, v1, v4;
	v3 =	vld [tilespmem:$0x1FE40]  }
0xf9: {  	v6 =	vmul.f32 v19, v6;
	v1 =	vsel vm7, v1, v2;
	v2 =	vld [tilespmem:$0x1FE50]  }
0xfa: {  	v0 =	vmul.f32 v29, v0  }
0xfb: {  	v28 =	vld [tilespmem:$0x1FEF0];
	v5 =	vadd.f32 v6, v47  }
0xfc: {  	v12 =	vmul.f32 v12, v60;
	v0 =	vadd.f32 v0, v36  }
0xfd: {  	v60 =	vmul.f32 v31, v58;
	v31 =	vld [tilespmem:$0x1FEA0];
	v3 =	vperm.xlane v5, v3  }
0xfe: {  	v0 =	vperm.xlane v0, v2;
	v2 =	vld [tilespmem:$0x1FFC0]  }
0xff: {  	v1 =	vsel vm8, v1, v3;
	v3 =	vld [tilespmem:$0x1FE30]  }
0x100: {  	v28 =	vmul.f32 v28, v61  }
0x101: {  	v0 =	vsel vm9, v1, v0;
	v1 =	vld [tilespmem:$0x1FE10]  }
0x102: {  	v62 =	vmul.f32 v31, v62;
	v4 =	vadd.f32 v28, v52;
	_ =	sdelay $0x1  }
0x103: {  	v2 =	vadd.f32 v62, v2;
	v3 =	vperm.xlane v4, v3;
	v4 =	vld [tilespmem:$0x1FFB0];
	_ =	sdelay $0x1  }
0x104: {  	v1 =	vperm.xlane v2, v1;
	v0 =	vsel vm10, v0, v3;
	v3 =	vld [tilespmem:$0x1FE20];
	_ =	sdelay $0x1  }
0x105: {  	v0 =	vsel vm11, v0, v1;
	v1 =	vld [tilespmem:$0x1FE00]  }
0x106: {  	s25 =	sshra.s32 s24, $0x2;
	v4 =	vadd.f32 v60, v4  }
0x107: {  	v5 =	vld [tilespmem:s25+$0x0]  }
0x108: {  	v2 =	vadd.f32 v12, v30;
	v3 =	vperm.xlane v4, v3;
	v4 =	vld [tilespmem:$0x1FFA0];
	_ =	sdelay $0x1  }
0x109: {  	v1 =	vperm.xlane v2, v1;
	v0 =	vsel vm12, v0, v3;
	v3 =	vld [tilespmem:$0x1FDF0];
	_ =	sdelay $0x1  }
0x10a: {  	v2 =	vand.u32 $0x7F, v5;
	v0 =	vsel vm13, v0, v1;
	v1 =	vimm.s32 $0xC  }
0x10b: {  	v4 =	vadd.f32 v11, v4;
	v8 =	vperm.xlane v2, v1;
	v1 =	vimm.s32 $0xD  }
0x10c: {  	v7 =	vperm.xlane v2, v1  }
0x10d: {  	v1 =	vimm.s32 $0xA;
	v3 =	vperm.xlane v4, v3;
	v4 =	vimm.s32 $0xE  }
0x10e: {  	v14 =	vperm.xlane v2, v1;
	v1 =	vimm.s32 $0xB;
	v13 =	vshrl.u32 v8, $0x6  }
0x10f: {  	v6 =	vld [tilespmem:s22+$0x10400];
	v33 =	vshrl.u32 v8, $0x5;
	v5 =	vperm.xlane v2, v4;
	v4 =	vperm.xlane v2, v51  }
0x110: {  	v11 =	vperm.xlane v2, v1;
	v1 =	vimm.s32 $0x8;
	v34 =	vshrl.u32 v7, $0x5  }
0x111: {  	v30 =	vshrl.u32 v7, $0x4;
	v0 =	vsel vm14, v0, v3;
	v18 =	vperm.xlane v2, v1  }
0x112: {  	v1 =	vimm.s32 $0x9;
	v3 =	vshrl.u32 v7, $0x6;
	v10 =	vshrl.u32 v14, $0x6  }
0x113: {  	[tilespmem:$0x1FE20] =	vst v7;
	v43 =	vshrl.u32 v14, $0x5;
	v16 =	vshrl.u32 v14, $0x4;
	v30 =	vand.u32 $0x1, v30  }
0x114: {  	[tilespmem:$0x1FE50] =	vst v14;
	v0 =	vadd.f32 v6, v0;
	v6 =	vperm.xlane v2, v1;
	v1 =	vimm.s32 $0x6  }
0x115: {  	v9 =	vshrl.u32 v4, $0x6;
	[tilespmem:$0x1FE00] =	vst v5;
	v23 =	vperm.xlane v2, v1;
	v1 =	vimm.s32 $0x7  }
0x116: {  	s23 =	sadd.s32 $0x800, s23;
	v52 =	vperm.xlane v2, v1;
	[tilespmem:s22+$0x10600] =	vst v0;
	v0 =	vimm.s32 $0x4;
	v1 =	vimm.s32 $0x1  }
0x117: {  	[tilespmem:$0x1FE30] =	vst v11;
	v42 =	vperm.xlane v2, v0;
	v0 =	vimm.s32 $0x5;
	v61 =	vperm.xlane v2, v1;
	v17 =	vld [tilespmem:s23+$0x390]  }
0x118: {  	[tilespmem:$0x1FE60] =	vst v18;
	v1 =	vshrl.u32 v5, $0x6;
	v24 =	vld [tilespmem:s23+$0x3A0];
	v54 =	vperm.xlane v2, v0;
	v0 =	vimm.s32 $0x2  }
0x119: {  	[tilespmem:$0x1FE40] =	vst v6;
	v28 =	vld [tilespmem:s23+$0x3B0];
	v1 =	vcvt.s32.f32 v1;
	v55 =	vperm.xlane v2, v0;
	v0 =	vimm.s32 $0x3  }
0x11a: {  	v12 =	vshrl.u32 v11, $0x6;
	v22 =	vshrl.u32 v4, $0x5;
	v35 =	vld [tilespmem:s23+$0x3C0];
	[tilespmem:$0x1FE70] =	vst v23;
	v53 =	vperm.xlane v2, v0  }
0x11b: {  	v27 =	vshrl.u32 v5, $0x5;
	v39 =	vld [tilespmem:s23+$0x3D0];
	v0 =	vperm.xlane v2, v50;
	[tilespmem:$0x1FE80] =	vst v1;
	v1 =	vcvt.s32.f32 v9  }
0x11c: {  	v38 =	vshrl.u32 v11, $0x5;
	v47 =	vshrl.u32 v4, $0x4;
	v60 =	vshrl.u32 v5, $0x4;
	v44 =	vld [tilespmem:s23+$0x3E0];
	[tilespmem:$0x1FDD0] =	vst v52  }
0x11d: {  	v30 =	vcvt.s32.f32 v30;
	v19 =	vshrl.u32 v18, $0x6;
	v57 =	vld [tilespmem:s23+$0x3F0];
	v45 =	vshrl.u32 v0, $0x6;
	[tilespmem:$0x1FE90] =	vst v1  }
0x11e: {  	v21 =	vld [tilespmem:s23+$0x300];
	v5 =	vshrl.u32 v0, $0x5;
	[tilespmem:$0x1FFD0] =	vst v0;
	v1 =	vshrl.u32 v0, $0x4;
	v0 =	vcvt.s32.f32 v13  }
0x11f: {  	v59 =	vshrl.u32 v18, $0x5;
	v14 =	vshrl.u32 v18, $0x4;
	v31 =	vld [tilespmem:s23+$0x310];
	[tilespmem:$0x1FDE0] =	vst v54;
	v9 =	vcvt.s32.f32 v19  }
0x120: {  	v27 =	vand.u32 $0x1, v27;
	v20 =	vshrl.u32 v6, $0x6;
	v32 =	vld [tilespmem:s23+$0x320];
	[tilespmem:$0x1FEA0] =	vst v0;
	v0 =	vcvt.s32.f32 v3  }
0x121: {  	v41 =	vshrl.u32 v6, $0x5;
	v15 =	vshrl.u32 v6, $0x4;
	v27 =	vcvt.s32.f32 v27;
	v51 =	vld [tilespmem:s23+$0x330];
	[tilespmem:$0x1FF00] =	vst v9  }
0x122: {  	v25 =	vshrl.u32 v23, $0x6;
	v18 =	vld [tilespmem:s23+$0x340];
	v9 =	vcvt.s32.f32 v20;
	[tilespmem:$0x1FEC0] =	vst v0;
	v0 =	vshrl.u32 v61, $0x4  }
0x123: {  	v62 =	vshrl.u32 v23, $0x5;
	v13 =	vand.u32 $0x1, v33;
	v33 =	vld [tilespmem:s23+$0x2C0];
	[tilespmem:$0x1FDC0] =	vst v0;
	v0 =	vcvt.s32.f32 v10  }
0x124: {  	v56 =	vshrl.u32 v23, $0x4;
	v26 =	vshrl.u32 v52, $0x6;
	v3 =	vld [tilespmem:s23+$0x280];
	[tilespmem:$0x1FF10] =	vst v9;
	v10 =	vcvt.s32.f32 v25  }
0x125: {  	v58 =	vshrl.u32 v52, $0x5;
	v37 =	vshrl.u32 v42, $0x6;
	v9 =	vld [tilespmem:s23+$0x2A0];
	[tilespmem:$0x1FEE0] =	vst v0;
	v0 =	vcvt.s32.f32 v12  }
0x126: {  	v46 =	vshrl.u32 v61, $0x6;
	v7 =	vshrl.u32 v61, $0x5;
	[tilespmem:$0x1FF20] =	vst v10;
	v10 =	vcvt.s32.f32 v26;
	v26 =	vld [tilespmem:s23+$0x2B0]  }
0x127: {  	v29 =	vshrl.u32 v54, $0x6;
	v49 =	vshrl.u32 v54, $0x5;
	v50 =	vshrl.u32 v11, $0x4;
	[tilespmem:$0x1FEF0] =	vst v0;
	v0 =	vld [tilespmem:s23+$0x290]  }
0x128: {  	v6 =	vshrl.u32 v53, $0x4;
	[tilespmem:$0x1FF30] =	vst v10;
	v10 =	vcvt.s32.f32 v29;
	v29 =	vand.u32 $0x1, v34;
	v34 =	vld [tilespmem:s23+$0x2D0]  }
0x129: {  	v23 =	vld [tilespmem:s23+$0x360];
	v11 =	vshrl.u32 v52, $0x4;
	v40 =	vshrl.u32 v55, $0x6;
	v36 =	vshrl.u32 v53, $0x6;
	[tilespmem:$0x1FDA0] =	vst v6  }
0x12a: {  	v2 =	vld [tilespmem:s23+$0x380];
	v19 =	vsub.f32 v28, v24;
	v6 =	vshrl.u32 v42, $0x4;
	[tilespmem:$0x1FF40] =	vst v10;
	v10 =	vcvt.s32.f32 v36  }
0x12b: {  	v31 =	vsub.f32 v31, v21;
	v51 =	vsub.f32 v51, v32;
	[tilespmem:$0x1FD90] =	vst v6;
	v6 =	vshrl.u32 v54, $0x4;
	v36 =	vld [tilespmem:s23+$0x2E0]  }
0x12c: {  	v54 =	vshrl.u32 v55, $0x4;
	v26 =	vsub.f32 v26, v9;
	[tilespmem:$0x1FF50] =	vst v10;
	v10 =	vcvt.s32.f32 v37;
	v37 =	vld [tilespmem:s23+$0x2F0]  }
0x12d: {  	v52 =	vld [tilespmem:s23+$0x350];
	v20 =	vand.u32 $0x1, v22;
	[tilespmem:$0x1FDB0] =	vst v54;
	v0 =	vsub.f32 v0, v3;
	v34 =	vsub.f32 v34, v33  }
0x12e: {  	v54 =	vld [tilespmem:s23+$0x370];
	v26 =	vmul.f32 v30, v26;
	[tilespmem:$0x1FF60] =	vst v10;
	v10 =	vcvt.s32.f32 v45;
	v45 =	vand.u32 $0x1, v60  }
0x12f: {  	[tilespmem:$0x1FFE0] =	vst v61;
	v61 =	vand.u32 $0x1, v43;
	v43 =	vld [tilespmem:s23+$0x230];
	v45 =	vcvt.s32.f32 v45;
	v0 =	vmul.f32 v30, v0  }
0x130: {  	v12 =	vand.u32 $0x1, v38;
	v38 =	vld [tilespmem:s23+$0x210];
	v34 =	vmul.f32 v30, v34;
	[tilespmem:$0x1FF70] =	vst v10;
	v10 =	vcvt.s32.f32 v40  }
0x131: {  	v60 =	vld [tilespmem:s23+$0x270];
	v51 =	vmul.f32 v45, v51;
	v37 =	vsub.f32 v37, v36;
	v0 =	vadd.f32 v0, v3  }
0x132: {  	v3 =	vadd.f32 v26, v9;
	v9 =	vld [tilespmem:s23+$0x120];
	v26 =	vadd.f32 v34, v33;
	[tilespmem:$0x1FF80] =	vst v10;
	v10 =	vand.u32 $0x1, v47  }
0x133: {  	v33 =	vld [tilespmem:s23+$0x140];
	v22 =	vcvt.s32.f32 v10;
	v10 =	vsub.f32 v17, v2;
	v17 =	vcvt.s32.f32 v46  }
0x134: {  	v28 =	vsub.f32 v57, v44;
	v29 =	vcvt.s32.f32 v29;
	v32 =	vadd.f32 v51, v32;
	v51 =	vld [tilespmem:s23+$0x1E0]  }
0x135: {  	v25 =	vsub.f32 v39, v35;
	v31 =	vmul.f32 v45, v31;
	v30 =	vmul.f32 v30, v37;
	[tilespmem:$0x1FF90] =	vst v17;
	v17 =	vld [tilespmem:s23+$0x200]  }
0x136: {  	v46 =	vmul.f32 v22, v10;
	v47 =	vmul.f32 v22, v19;
	v19 =	vld [tilespmem:s23+$0x220]  }
0x137: {  	v63 =	vshrl.u32 v8, $0x4;
	v57 =	vmul.f32 v22, v25;
	v28 =	vmul.f32 v22, v28;
	v22 =	vld [tilespmem:s23+$0x240]  }
0x138: {  	v21 =	vadd.f32 v31, v21;
	v31 =	vsub.f32 v52, v18;
	v10 =	vand.u32 $0x1, v41;
	v41 =	vld [tilespmem:s23+$0x250]  }
0x139: {  	v37 =	vand.u32 $0x1, v16;
	v3 =	vsub.f32 v3, v0;
	v16 =	vadd.f32 v30, v36;
	v30 =	vld [tilespmem:s23+$0x130]  }
0x13a: {  	v48 =	vshrl.u32 v42, $0x5;
	v34 =	vand.u32 $0x1, v15;
	v31 =	vmul.f32 v45, v31;
	v36 =	vld [tilespmem:s23+$0x150]  }
0x13b: {  	v32 =	vsub.f32 v32, v21;
	v3 =	vmul.f32 v29, v3;
	v28 =	vadd.f32 v28, v44;
	v44 =	vld [tilespmem:s23+$0x260]  }
0x13c: {  	v39 =	vadd.f32 v46, v2;
	v40 =	vadd.f32 v47, v24;
	v46 =	vcvt.s32.f32 v20;
	v20 =	vld [tilespmem:s23+$0x180]  }
0x13d: {  	v35 =	vadd.f32 v57, v35;
	v24 =	vand.u32 $0x1, v58;
	v57 =	vand.u32 $0x1, v49;
	v49 =	vld [tilespmem:s23+$0x190]  }
0x13e: {  	v58 =	vand.u32 $0x1, v63;
	v63 =	vand.u32 $0x1, v48;
	v48 =	vld [tilespmem:s23+$0x1D0];
	v31 =	vadd.f32 v31, v18  }
0x13f: {  	v25 =	vand.u32 $0x1, v59;
	v18 =	vld [tilespmem:s23+$0x100];
	v16 =	vsub.f32 v16, v26;
	v40 =	vsub.f32 v40, v39  }
0x140: {  	v2 =	vand.u32 $0x1, v62;
	v52 =	vadd.f32 v3, v0;
	v3 =	vld [tilespmem:s23+$0x90];
	v28 =	vsub.f32 v28, v35  }
0x141: {  	v62 =	vsub.f32 v54, v23;
	v29 =	vmul.f32 v29, v16;
	v16 =	vld [tilespmem:s23+$0x80];
	v40 =	vmul.f32 v46, v40  }
0x142: {  	v15 =	vmul.f32 v27, v32;
	v28 =	vmul.f32 v46, v28;
	v46 =	vand.u32 $0x1, v50;
	v50 =	vld [tilespmem:s23+$0x1A0]  }
0x143: {  	v0 =	vadd.f32 v29, v26;
	v29 =	vld [tilespmem:s23+$0xA0];
	v59 =	vadd.f32 v40, v39;
	v40 =	vmul.f32 v45, v62  }
0x144: {  	v54 =	vadd.f32 v15, v21;
	v15 =	vand.u32 $0x1, v14;
	v28 =	vadd.f32 v28, v35;
	v35 =	vld [tilespmem:s23+$0x1B0]  }
0x145: {  	v14 =	vcvt.s32.f32 v58;
	v58 =	vsub.f32 v60, v44;
	v39 =	vld [tilespmem:s23+$0x1C0];
	v23 =	vadd.f32 v40, v23  }
0x146: {  	v26 =	vsub.f32 v43, v19;
	v45 =	vld [tilespmem:s23+$0x1F0]  }
0x147: {  	v32 =	vmul.f32 v14, v58;
	v58 =	vsub.f32 v0, v52;
	v0 =	vld [tilespmem:s23+$0xD0];
	v23 =	vsub.f32 v23, v31  }
0x148: {  	v26 =	vmul.f32 v14, v26;
	v40 =	vld [tilespmem:s23+$0x110]  }
0x149: {  	[tilespmem:$0x1FFA0] =	vst v59;
	v59 =	vsub.f32 v28, v59;
	v28 =	vld [tilespmem:s23+$0x170];
	v23 =	vmul.f32 v27, v23  }
0x14a: {  	v62 =	vsub.f32 v49, v20;
	v19 =	vadd.f32 v26, v19;
	v26 =	vld [tilespmem:s23+$0xF0]  }
0x14b: {  	v49 =	vsub.f32 v45, v51;
	v45 =	vld [tilespmem:s23+$0x10];
	v21 =	vadd.f32 v23, v31  }
0x14c: {  	v27 =	vld [tilespmem:s23+$0x160];
	v23 =	vsub.f32 v38, v17;
	v31 =	vsub.f32 v41, v22  }
0x14d: {  	v38 =	vld [tilespmem:s23+$0xB0]  }
0x14e: {  	v41 =	vld [tilespmem:s23+$0x0];
	v23 =	vmul.f32 v14, v23;
	v31 =	vmul.f32 v14, v31  }
0x14f: {  	v60 =	vsub.f32 v21, v54;
	v21 =	vld [tilespmem:s23+$0xC0];
	v14 =	vand.u32 $0x1, v11  }
0x150: {  	v17 =	vadd.f32 v23, v17;
	v23 =	vld [tilespmem:s23+$0xE0];
	v11 =	vadd.f32 v31, v22;
	v31 =	vcvt.s32.f32 v46  }
0x151: {  	v13 =	vcvt.s32.f32 v13;
	v35 =	vsub.f32 v35, v50;
	v22 =	vadd.f32 v32, v44;
	v46 =	vld [tilespmem:s23+$0x20]  }
0x152: {  	v48 =	vsub.f32 v48, v39;
	v44 =	vld [tilespmem:s23+$0x30];
	v47 =	vsub.f32 v38, v29;
	v32 =	vmul.f32 v31, v62  }
0x153: {  	v38 =	vld [tilespmem:s23+$0xFFFFFF00];
	v35 =	vmul.f32 v31, v35;
	v19 =	vsub.f32 v19, v17;
	v22 =	vsub.f32 v22, v11  }
0x154: {  	v43 =	vmul.f32 v31, v48;
	v31 =	vmul.f32 v31, v49;
	v48 =	vld [tilespmem:s23+$0x40]  }
0x155: {  	v20 =	vadd.f32 v32, v20;
	v19 =	vmul.f32 v13, v19;
	v13 =	vmul.f32 v13, v22;
	v22 =	vld [tilespmem:s23+$0x50]  }
0x156: {  	[tilespmem:$0x1FFB0] =	vst v52;
	v52 =	vadd.f32 v35, v50;
	v39 =	vadd.f32 v43, v39;
	v43 =	vld [tilespmem:s23+$0xFFFFFFE0]  }
0x157: {  	v31 =	vadd.f32 v31, v51;
	v51 =	vsub.f32 v44, v46;
	v44 =	vld [tilespmem:s23+$0xFFFFFF60]  }
0x158: {  	v12 =	vcvt.s32.f32 v12;
	v32 =	vsub.f32 v52, v20;
	v62 =	vadd.f32 v19, v17;
	v17 =	vld [tilespmem:s23+$0x60]  }
0x159: {  	v30 =	vsub.f32 v30, v9;
	v19 =	vcvt.s32.f32 v37;
	v31 =	vsub.f32 v31, v39;
	v37 =	vld [tilespmem:s23+$0x70]  }
0x15a: {  	v13 =	vadd.f32 v13, v11;
	v11 =	vsub.f32 v40, v18;
	v40 =	vld [tilespmem:s23+$0xFFFFFF80];
	v32 =	vmul.f32 v12, v32  }
0x15b: {  	v28 =	vsub.f32 v28, v27;
	v49 =	vsub.f32 v36, v33;
	v12 =	vmul.f32 v12, v31;
	v31 =	vld [tilespmem:s23+$0xFFFFFF90]  }
0x15c: {  	v11 =	vmul.f32 v19, v11;
	v30 =	vmul.f32 v19, v30;
	v50 =	vadd.f32 v32, v20;
	v20 =	vld [tilespmem:s23+$0xFFFFFFA0]  }
0x15d: {  	v52 =	vmul.f32 v19, v49;
	v19 =	vmul.f32 v19, v28;
	v12 =	vadd.f32 v12, v39;
	v39 =	vld [tilespmem:s23+$0xFFFFFFB0]  }
0x15e: {  	v7 =	vand.u32 $0x1, v7;
	v3 =	vsub.f32 v3, v16;
	v9 =	vadd.f32 v30, v9;
	v30 =	vld [tilespmem:s23+$0xFFFFFFC0]  }
0x15f: {  	[tilespmem:$0x1FFC0] =	vst v62;
	v62 =	vsub.f32 v13, v62;
	v13 =	vcvt.s32.f32 v34;
	v19 =	vadd.f32 v19, v27;
	v27 =	vld [tilespmem:s23+$0xFFFFFFD0]  }
0x160: {  	[tilespmem:$0x1FE10] =	vst v8;
	v8 =	vshrl.u32 v55, $0x5;
	v18 =	vadd.f32 v11, v18;
	v32 =	vadd.f32 v52, v33;
	v33 =	vld [tilespmem:s23+$0xFFFFFF10]  }
0x161: {  	v28 =	vand.u32 $0x1, v56;
	v11 =	vand.u32 $0x1, v6;
	v3 =	vmul.f32 v13, v3;
	v6 =	vld [tilespmem:$0x1FD90]  }
0x162: {  	v56 =	vcvt.s32.f32 v61;
	v9 =	vsub.f32 v9, v18;
	v61 =	vsub.f32 v12, v50;
	v12 =	vld [tilespmem:s23+$0xFFFFFFF0]  }
0x163: {  	[tilespmem:$0x1FDF0] =	vst v4;
	v4 =	vshrl.u32 v53, $0x5;
	v19 =	vsub.f32 v19, v32;
	v3 =	vadd.f32 v3, v16;
	v16 =	vld [tilespmem:$0x1FDA0]  }
0x164: {  	v5 =	vand.u32 $0x1, v5;
	v52 =	vmovc v50;
	v50 =	vsub.f32 v45, v41;
	v45 =	vld [tilespmem:s23+$0xFFFFFD90];
	v9 =	vmul.f32 v56, v9  }
0x165: {  	v0 =	vsub.f32 v0, v21;
	v26 =	vsub.f32 v26, v23;
	v19 =	vmul.f32 v56, v19;
	v56 =	vld [tilespmem:s23+$0xFFFFFF70]  }
0x166: {  	v15 =	vcvt.s32.f32 v15;
	v34 =	vmul.f32 v13, v47;
	v49 =	vadd.f32 v9, v18;
	v9 =	vld [tilespmem:s23+$0xFFFFFF20]  }
0x167: {  	v0 =	vmul.f32 v13, v0;
	v18 =	vmul.f32 v13, v26;
	v13 =	vand.u32 $0x1, v6;
	v6 =	vld [tilespmem:s23+$0xFFFFFF30]  }
0x168: {  	v5 =	vcvt.s32.f32 v5;
	v47 =	vmul.f32 v15, v51;
	v26 =	vadd.f32 v34, v29;
	v29 =	vld [tilespmem:s23+$0xFFFFFF40]  }
0x169: {  	v14 =	vcvt.s32.f32 v14;
	v22 =	vsub.f32 v22, v48;
	v27 =	vsub.f32 v27, v30;
	v34 =	vld [tilespmem:s23+$0xFFFFFE80]  }
0x16a: {  	v10 =	vcvt.s32.f32 v10;
	v19 =	vadd.f32 v19, v32;
	v32 =	vadd.f32 v47, v46;
	v46 =	vld [tilespmem:s23+$0xFFFFFE60]  }
0x16b: {  	v12 =	vsub.f32 v12, v43;
	v27 =	vmul.f32 v14, v27;
	v18 =	vadd.f32 v18, v23;
	v23 =	vld [tilespmem:s23+$0xFFFFFF50]  }
0x16c: {  	v21 =	vadd.f32 v0, v21;
	v36 =	vmovc v49;
	v0 =	vsub.f32 v19, v49;
	v19 =	vmul.f32 v15, v50;
	v49 =	vld [tilespmem:s23+$0xFFFFFE90]  }
0x16d: {  	v26 =	vsub.f32 v26, v3;
	v12 =	vmul.f32 v14, v12;
	v27 =	vadd.f32 v27, v30;
	v30 =	vld [tilespmem:s23+$0xFFFFFE30]  }
0x16e: {  	v24 =	vcvt.s32.f32 v24;
	v18 =	vsub.f32 v18, v21;
	v19 =	vadd.f32 v19, v41;
	v41 =	vld [tilespmem:s23+$0xFFFFFEA0]  }
0x16f: {  	v37 =	vsub.f32 v37, v17;
	v26 =	vmul.f32 v10, v26;
	v12 =	vadd.f32 v12, v43;
	v43 =	vld [tilespmem:s23+$0xFFFFFE40]  }
0x170: {  	v8 =	vand.u32 $0x1, v8;
	v10 =	vmul.f32 v10, v18;
	v18 =	vmul.f32 v15, v22;
	v22 =	vld [tilespmem:s23+$0xFFFFFEB0]  }
0x171: {  	v31 =	vsub.f32 v31, v40;
	v6 =	vsub.f32 v6, v9;
	v15 =	vmul.f32 v15, v37;
	v37 =	vld [tilespmem:s23+$0xFFFFFEE0]  }
0x172: {  	v28 =	vcvt.s32.f32 v28;
	v47 =	vadd.f32 v26, v3;
	v10 =	vadd.f32 v10, v21;
	v21 =	vld [tilespmem:s23+$0xFFFFFEC0]  }
0x173: {  	v3 =	vcvt.s32.f32 v25;
	v25 =	vsub.f32 v32, v19;
	v15 =	vadd.f32 v15, v17;
	v17 =	vld [tilespmem:s23+$0xFFFFFED0]  }
0x174: {  	v50 =	vmul.f32 v28, v6;
	v26 =	vadd.f32 v18, v48;
	v48 =	vsub.f32 v39, v20;
	v18 =	vld [tilespmem:$0x1FDB0]  }
0x175: {  	v4 =	vand.u32 $0x1, v4;
	v31 =	vmul.f32 v14, v31;
	v25 =	vmul.f32 v3, v25;
	v39 =	vld [tilespmem:s23+$0xFFFFFEF0]  }
0x176: {  	v51 =	vsub.f32 v56, v44;
	v9 =	vadd.f32 v50, v9;
	v50 =	vld [tilespmem:s23+$0xFFFFFD10];
	v32 =	vmul.f32 v14, v48  }
0x177: {  	v2 =	vcvt.s32.f32 v2;
	v35 =	vadd.f32 v25, v19;
	v25 =	vld [tilespmem:s23+$0xFFFFFE00];
	v14 =	vsub.f32 v15, v26  }
0x178: {  	v19 =	vand.u32 $0x1, v1;
	v15 =	vld [tilespmem:s23+$0xFFFFFE10];
	v1 =	vadd.f32 v31, v40;
	v20 =	vadd.f32 v32, v20  }
0x179: {  	v12 =	vsub.f32 v12, v27;
	v31 =	vld [tilespmem:s23+$0xFFFFFE20];
	v3 =	vmul.f32 v3, v14;
	v14 =	vsub.f32 v33, v38  }
0x17a: {  	v16 =	vand.u32 $0x1, v16;
	v23 =	vsub.f32 v23, v29;
	v40 =	vld [tilespmem:s23+$0xFFFFFE70];
	v20 =	vsub.f32 v20, v1  }
0x17b: {  	v12 =	vmul.f32 v24, v12;
	v6 =	vsub.f32 v10, v47;
	v48 =	vld [tilespmem:s23+$0xFFFFFDD0];
	v14 =	vmul.f32 v28, v14  }
0x17c: {  	v22 =	vsub.f32 v22, v41;
	v3 =	vadd.f32 v3, v26;
	v26 =	vld [tilespmem:s23+$0xFFFFFE50];
	v20 =	vmul.f32 v24, v20  }
0x17d: {  	v19 =	vcvt.s32.f32 v19;
	v32 =	vsub.f32 v49, v34;
	v49 =	vld [tilespmem:s23+$0xFFFFFDF0];
	v10 =	vadd.f32 v14, v38  }
0x17e: {  	v33 =	vld [tilespmem:s23+$0xFFFFFD00];
	v18 =	vand.u32 $0x1, v18;
	v17 =	vsub.f32 v17, v21;
	v56 =	vadd.f32 v20, v1  }
0x17f: {  	v14 =	vld [tilespmem:$0x1FDC0];
	v1 =	vadd.f32 v12, v27;
	v12 =	vmul.f32 v28, v23;
	v9 =	vsub.f32 v9, v10  }
0x180: {  	v3 =	vsub.f32 v3, v35;
	v24 =	vld [tilespmem:s23+$0xFFFFFD80];
	v20 =	vmul.f32 v28, v51;
	v28 =	vcvt.s32.f32 v11  }
0x181: {  	v27 =	vld [tilespmem:s23+$0xFFFFFDA0];
	v26 =	vsub.f32 v26, v43;
	v29 =	vadd.f32 v12, v29;
	v38 =	vmul.f32 v2, v9  }
0x182: {  	v23 =	vld [tilespmem:s23+$0xFFFFFDB0];
	v20 =	vadd.f32 v20, v44;
	v32 =	vmul.f32 v28, v32;
	v22 =	vmul.f32 v28, v22  }
0x183: {  	v11 =	vld [tilespmem:s23+$0xFFFFFDC0];
	v9 =	vsub.f32 v1, v56;
	v44 =	vcvt.s32.f32 v57;
	v57 =	vadd.f32 v38, v10  }
0x184: {  	v51 =	vld [tilespmem:s23+$0xFFFFFD30];
	v1 =	vcvt.s32.f32 v63;
	v10 =	vsub.f32 v20, v29;
	v20 =	vadd.f32 v32, v34  }
0x185: {  	v12 =	vld [tilespmem:s23+$0xFFFFFDE0];
	v22 =	vadd.f32 v22, v41;
	v41 =	vsub.f32 v39, v37;
	v34 =	vcvt.s32.f32 v13  }
0x186: {  	v13 =	vsub.f32 v30, v31;
	v30 =	vmul.f32 v28, v17;
	v17 =	vld [tilespmem:s23+$0xFFFFFD40];
	v32 =	vcvt.s32.f32 v7  }
0x187: {  	v38 =	vld [tilespmem:s23+$0xFFFFFD70];
	v23 =	vsub.f32 v23, v27;
	v2 =	vmul.f32 v2, v10;
	v10 =	vsub.f32 v15, v25  }
0x188: {  	v39 =	vld [tilespmem:s23+$0xFFFFFC50];
	v28 =	vmul.f32 v28, v41;
	v63 =	vsub.f32 v22, v20;
	v26 =	vmul.f32 v34, v26  }
0x189: {  	v15 =	vld [tilespmem:s23+$0xFFFFFD20];
	v2 =	vadd.f32 v2, v29;
	v10 =	vmul.f32 v34, v10;
	v29 =	vmul.f32 v34, v13  }
0x18a: {  	v22 =	vld [tilespmem:s23+$0xFFFFFD50];
	v13 =	vcvt.s32.f32 v4;
	v4 =	vadd.f32 v30, v21;
	v21 =	vadd.f32 v28, v37  }
0x18b: {  	v41 =	vld [tilespmem:s23+$0xFFFFFC70];
	v30 =	vcvt.s32.f32 v16;
	v16 =	vsub.f32 v45, v24;
	v28 =	vadd.f32 v10, v25  }
0x18c: {  	v37 =	vld [tilespmem:s23+$0xFFFFFD60];
	v25 =	vadd.f32 v29, v31;
	v29 =	vmul.f32 v44, v63;
	v21 =	vsub.f32 v21, v4  }
0x18d: {  	v10 =	vcvt.s32.f32 v8;
	v8 =	vsub.f32 v2, v57;
	v31 =	vsub.f32 v40, v46;
	v40 =	vld [tilespmem:s23+$0xFFFFFC30]  }
0x18e: {  	v16 =	vmul.f32 v30, v16;
	v23 =	vmul.f32 v30, v23;
	v2 =	vsub.f32 v25, v28;
	v25 =	vld [tilespmem:s23+$0xFFFFFC10]  }
0x18f: {  	v7 =	vadd.f32 v26, v43;
	v63 =	vadd.f32 v29, v20;
	v29 =	vmul.f32 v44, v21;
	v20 =	vld [tilespmem:s23+$0xFFFFFC00]  }
0x190: {  	v14 =	vand.u32 $0x1, v14;
	v21 =	vld [tilespmem:s23+$0xFFFFFC20];
	v24 =	vadd.f32 v16, v24;
	v16 =	vadd.f32 v23, v27  }
0x191: {  	p0 =	sne.s32 s24, $0x7C0;
	v23 =	vld [tilespmem:s23+$0xFFFFFC60];
	v27 =	vsub.f32 v48, v11;
	v4 =	vadd.f32 v29, v4;
	v29 =	vmul.f32 v34, v31  }
.Ltmp1:
0x192: {  	v44 =	vcvt.s32.f32 v18;
	v48 =	vmovc v42;
	v42 =	vld [tilespmem:$0x1FDE0];
	v2 =	vmul.f32 v1, v2;
	v16 =	vsub.f32 v16, v24;
	(pc) =	sbr.rel @p0 .LBB2_4-.Ltmp1, $4  }
0x193: {  	v18 =	vld [tilespmem:s23+$0xFFFFFC80];
	v31 =	vsub.f32 v49, v12;
	v27 =	vmul.f32 v30, v27;
	v26 =	vadd.f32 v29, v46  }
0x194: {  	v34 =	vld [tilespmem:s23+$0xFFFFFC40];
	v2 =	vadd.f32 v2, v28;
	v28 =	vsub.f32 v50, v33;
	v50 =	vimm.s32 $0x0  }
0x195: {  	v49 =	vld [tilespmem:$0x1FDD0];
	v29 =	vmul.f32 v13, v16;
	v43 =	vmul.f32 v30, v31;
	v16 =	vsub.f32 v26, v7  }
0x196: {  	s24 =	sadd.s32 $0x40, s24;
	s22 =	smov.u32 s25;
	v26 =	vld [tilespmem:s23+$0xFFFFFC90];
	v45 =	vmul.f32 v44, v28;
	v28 =	vsub.f32 v51, v15;
	v51 =	vimm.s32 $0xF  }
0x197: {  	v24 =	vadd.f32 v29, v24;
	v22 =	vsub.f32 v22, v17  }
0x198: {  	v31 =	vsub.f32 v38, v37;
	v29 =	vadd.f32 v45, v33;
	v33 =	vld [tilespmem:s23+$0xFFFFFCC0]  }
0x199: {  	v28 =	vmul.f32 v44, v28;
	v45 =	vsub.f32 v40, v21;
	v40 =	vld [tilespmem:s23+$0xFFFFFCD0]  }
0x19a: {  	v22 =	vmul.f32 v44, v22;
	v31 =	vmul.f32 v44, v31;
	v44 =	vld [tilespmem:$0x1FE90]  }
0x19b: {  	v11 =	vadd.f32 v27, v11;
	v46 =	vmul.f32 v19, v45;
	v45 =	vld [tilespmem:$0x1FE80]  }
0x19c: {  	v25 =	vsub.f32 v25, v20;
	v12 =	vadd.f32 v43, v12;
	v14 =	vcvt.s32.f32 v14  }
0x19d: {  	v1 =	vmul.f32 v1, v16;
	v15 =	vadd.f32 v28, v15;
	v17 =	vadd.f32 v22, v17  }
0x19e: {  	v25 =	vmul.f32 v19, v25;
	v31 =	vadd.f32 v31, v37;
	v21 =	vadd.f32 v46, v21  }
0x19f: {  	v46 =	vsub.f32 v39, v34;
	v38 =	vmul.f32 v44, v59;
	v59 =	vsub.f32 v41, v23  }
0x1a0: {  	v20 =	vadd.f32 v25, v20;
	v25 =	vmul.f32 v45, v60;
	v60 =	vsub.f32 v40, v33  }
0x1a1: {  	v1 =	vadd.f32 v1, v7;
	v22 =	vmul.f32 v19, v46;
	v37 =	vmul.f32 v19, v59  }
0x1a2: {  	v15 =	vsub.f32 v15, v29;
	v39 =	vmul.f32 v14, v60;
	v60 =	vsub.f32 v31, v17  }
0x1a3: {  	v7 =	vld [tilespmem:$0x1FF30];
	v22 =	vadd.f32 v22, v34;
	v19 =	vadd.f32 v37, v23  }
0x1a4: {  	v12 =	vsub.f32 v12, v11;
	v15 =	vmul.f32 v10, v15;
	v10 =	vmul.f32 v10, v60  }
0x1a5: {  	v21 =	vsub.f32 v21, v20;
	v19 =	vsub.f32 v19, v22  }
0x1a6: {  	v12 =	vmul.f32 v13, v12;
	v15 =	vadd.f32 v15, v29;
	v10 =	vadd.f32 v10, v17  }
0x1a7: {  	v21 =	vmul.f32 v5, v21;
	v5 =	vmul.f32 v5, v19  }
0x1a8: {  	v11 =	vadd.f32 v12, v11;
	v7 =	vmul.f32 v7, v9;
	v9 =	vsub.f32 v10, v15;
	v10 =	vld [tilespmem:$0x1FF70]  }
0x1a9: {  	v12 =	vadd.f32 v21, v20;
	v5 =	vadd.f32 v5, v22  }
0x1aa: {  	v27 =	vld [tilespmem:s23+$0xFFFFFCA0]  }
0x1ab: {  	v30 =	vld [tilespmem:s23+$0xFFFFFCB0];
	v5 =	vsub.f32 v5, v12  }
0x1ac: {  	v43 =	vld [tilespmem:s23+$0xFFFFFCE0]  }
0x1ad: {  	v28 =	vld [tilespmem:s23+$0xFFFFFCF0];
	v5 =	vmul.f32 v10, v5;
	_ =	sdelay $0x1  }
0x1ae: {  	v5 =	vadd.f32 v5, v12;
	v12 =	vld [tilespmem:$0x1FF50];
	_ =	sdelay $0x1  }
0x1af: {  	v26 =	vsub.f32 v26, v18;
	v30 =	vsub.f32 v30, v27  }
0x1b0: {  	v28 =	vsub.f32 v28, v43;
	v11 =	vsub.f32 v11, v24  }
0x1b1: {  	v26 =	vmul.f32 v14, v26;
	v30 =	vmul.f32 v14, v30  }
0x1b2: {  	v14 =	vmul.f32 v14, v28;
	v11 =	vmul.f32 v12, v11;
	v12 =	vld [tilespmem:$0x1FF60]  }
0x1b3: {  	v40 =	vadd.f32 v26, v18;
	v44 =	vadd.f32 v30, v27  }
0x1b4: {  	v45 =	vadd.f32 v39, v33;
	v14 =	vadd.f32 v14, v43  }
0x1b5: {  	v1 =	vsub.f32 v1, v2  }
0x1b6: {  	v13 =	vsub.f32 v44, v40;
	v14 =	vsub.f32 v14, v45  }
0x1b7: {  	v1 =	vmul.f32 v12, v1;
	v12 =	vld [tilespmem:$0x1FF40]  }
0x1b8: {  	v13 =	vmul.f32 v32, v13;
	v14 =	vmul.f32 v32, v14  }
0x1b9: {  	v4 =	vsub.f32 v4, v63;
	v10 =	vld [tilespmem:$0x1FF90]  }
0x1ba: {  	v13 =	vadd.f32 v13, v40;
	v14 =	vadd.f32 v14, v45;
	_ =	sdelay $0x1  }
0x1bb: {  	v14 =	vsub.f32 v14, v13;
	v4 =	vmul.f32 v12, v4;
	v12 =	vld [tilespmem:$0x1FFD0];
	_ =	sdelay $0x1  }
0x1bc: {  	v10 =	vmul.f32 v10, v14;
	v14 =	vld [tilespmem:$0x1FF80];
	_ =	sdelay $0x2  }
0x1bd: {  	v5 =	vperm.xlane v5, v12;
	v12 =	vld [tilespmem:$0x1FFE0];
	_ =	sdelay $0x1  }
0x1be: {  	v9 =	vmul.f32 v14, v9;
	v1 =	vadd.f32 v1, v2;
	v2 =	vld [tilespmem:$0x1FF20]  }
0x1bf: {  	v10 =	vadd.f32 v10, v13  }
0x1c0: {  	v9 =	vadd.f32 v9, v15  }
0x1c1: {  	v11 =	vadd.f32 v11, v24;
	v10 =	vperm.xlane v10, v12  }
0x1c2: {  	v9 =	vperm.xlane v9, v55  }
0x1c3: {  	v2 =	vmul.f32 v2, v8;
	v8 =	vperm.xlane v11, v53;
	v5 =	vsel vm0, v5, v10  }
0x1c4: {  	v46 =	vld [tilespmem:$0x1FEA0];
	v1 =	vperm.xlane v1, v48;
	v5 =	vsel vm1, v5, v9  }
0x1c5: {  	v41 =	vld [tilespmem:$0x1FEC0];
	v5 =	vsel vm2, v5, v8  }
0x1c6: {  	v1 =	vsel vm3, v5, v1;
	v5 =	vld [tilespmem:$0x1FE70];
	_ =	sdelay $0x1  }
0x1c7: {  	v4 =	vadd.f32 v4, v63  }
0x1c8: {  	v28 =	vmul.f32 v46, v62;
	v62 =	vld [tilespmem:$0x1FF00];
	v2 =	vadd.f32 v2, v57  }
0x1c9: {  	v23 =	vmul.f32 v41, v58;
	v58 =	vld [tilespmem:$0x1FEF0];
	v4 =	vperm.xlane v4, v42  }
0x1ca: {  	v2 =	vperm.xlane v2, v5  }
0x1cb: {  	v1 =	vsel vm4, v1, v4  }
0x1cc: {  	v1 =	vsel vm5, v1, v2;
	v2 =	vld [tilespmem:$0x1FE60]  }
0x1cd: {  	v3 =	vmul.f32 v62, v3  }
0x1ce: {  	v7 =	vadd.f32 v7, v56;
	v30 =	vmul.f32 v58, v61;
	v61 =	vld [tilespmem:$0x1FF10]  }
0x1cf: {  	v59 =	vld [tilespmem:$0x1FEE0];
	v3 =	vadd.f32 v3, v35  }
0x1d0: {  	v4 =	vperm.xlane v7, v49  }
0x1d1: {  	v2 =	vperm.xlane v3, v2  }
0x1d2: {  	v1 =	vsel vm6, v1, v4;
	v3 =	vld [tilespmem:$0x1FE40]  }
0x1d3: {  	v6 =	vmul.f32 v61, v6;
	v1 =	vsel vm7, v1, v2;
	v2 =	vld [tilespmem:$0x1FE50]  }
0x1d4: {  	v0 =	vmul.f32 v59, v0  }
0x1d5: {  	v5 =	vadd.f32 v6, v47  }
0x1d6: {  	v0 =	vadd.f32 v0, v36  }
0x1d7: {  	v3 =	vperm.xlane v5, v3  }
0x1d8: {  	v0 =	vperm.xlane v0, v2;
	v2 =	vld [tilespmem:$0x1FFC0]  }
0x1d9: {  	v1 =	vsel vm8, v1, v3;
	v3 =	vld [tilespmem:$0x1FE30];
	_ =	sdelay $0x1  }
0x1da: {  	v0 =	vsel vm9, v1, v0;
	v1 =	vld [tilespmem:$0x1FE10]  }
0x1db: {  	v4 =	vadd.f32 v30, v52;
	_ =	sdelay $0x1  }
0x1dc: {  	v2 =	vadd.f32 v28, v2;
	v3 =	vperm.xlane v4, v3;
	v4 =	vld [tilespmem:$0x1FFB0];
	_ =	sdelay $0x1  }
0x1dd: {  	v1 =	vperm.xlane v2, v1;
	v0 =	vsel vm10, v0, v3;
	v3 =	vld [tilespmem:$0x1FE20];
	_ =	sdelay $0x1  }
0x1de: {  	v0 =	vsel vm11, v0, v1;
	v1 =	vld [tilespmem:$0x1FE00]  }
0x1df: {  	v4 =	vadd.f32 v23, v4;
	_ =	sdelay $0x1  }
0x1e0: {  	v2 =	vadd.f32 v25, v54;
	v3 =	vperm.xlane v4, v3;
	v4 =	vld [tilespmem:$0x1FFA0];
	_ =	sdelay $0x1  }
0x1e1: {  	v1 =	vperm.xlane v2, v1;
	v2 =	vld [tilespmem:$0x1FDF0];
	_ =	sdelay $0x2  }
0x1e2: {  	v5 =	vld [tilespmem:s22+$0x10400];
	v4 =	vadd.f32 v38, v4;
	_ =	sdelay $0x1  }
0x1e3: {  	v0 =	vsel vm12, v0, v3;
	v2 =	vperm.xlane v4, v2  }
0x1e4: {  	v0 =	vsel vm13, v0, v1  }
0x1e5: {  	v0 =	vsel vm14, v0, v2  }
0x1e6: {  	s21 =	sadd.s32 $0x1, s21;
	v0 =	vadd.f32 v5, v0  }
0x1e7: {  	p0 =	sne.s32 s21, s7  }
.Ltmp2:
0x1e8: {  	v13 =	vimm.s32 $0xD;
	[tilespmem:s22+$0x10600] =	vst v0;
	(pc) =	sbr.rel @p0 .LBB2_1-.Ltmp2, $4  }
0x1e9: {  	v14 =	vimm.s32 $0xE;
	v11 =	vimm.s32 $0xA;
	v12 =	vimm.s32 $0xB;
	[hbm4b:s6+s2] =	stream.linear.scatter [tilespmem:s20], [sflag:$0x2], $0x200, $0x38;
	[tilespmem:$0x10800] =	vst v63  }
0x1ea: {  	v10 =	vimm.s32 $0x9;
	v9 =	vimm.s32 $0x7;
	v8 =	vimm.s32 $0x3;
	_ =	swait.ge [sflag:s8], $0x200  }
0x1eb: {  	v7 =	vimm.s32 $0x2;
	v6 =	vimm.s32 $0x5;
	v3 =	vimm.s32 $0xC;
	[sflag:s8] =	ssyncset.done $0x0  }
0x1ec: {  	v4 =	vimm.s32 $0x6;
	v2 =	vimm.s32 $0x1;
	v5 =	vimm.s32 $0x8;
	[sflag:s8] =	ssyncadd.s32 $0xFFFFFE00  }
0x1ed: {  	_ =	sfence.sel $0x180000  }
0x1ee: {  	[bflag:$0x0] =	sbarrier.arrive $0xFFFF  }
0x1ef: {  	p0 =	sne.s32 s1, $0x0;
	_ =	strace $0x9000004A  }
0x1f0: {  	s0 =	sadd.s32 @!p0 $0x100000, s0;
	[bflag:$0x2] =	sbarrier.arrive $0xFFFF  }
0x1f1: {  	[sflag:s0] =	ssyncadd.tile.s32 @!p0 $0x1;
	_ =	shalt  }
.Lfunc_end2:
_tile_overlayer_lowered:
.L_overlay_start_2:
0x1f2: {  	(tag) =	ssettag $0x2  }
0x1f3: {  	s0 =	rddreg [dreg:$0x0];
	s2 =	stileid.u32  }
0x1f4: {  	s1 =	rddreg [dreg:$0x1];
	p0 =	sne.s32 s2, $0x0  }
0x1f5: {  	s3 =	rddreg [dreg:$0x2];
	[bflag:$0x3] =	sbarrier.arrive $0xFFFF;
	s2 =	simm.s32 @!p0 $0x1C02  }
0x1f6: {  	[timem:s3], [sflag:s2] =	dma.local @!p0 [hbm:s0], s1  }
0x1f7: {  	s0 =	simm.s32 @!p0 $0x2  }
0x1f8: {  	_ =	swait.ge @!p0 [sflag:s0], s1  }
0x1f9: {  	s1 =	ssub.s32 @!p0 $0x0, s1;
	[sflag:s0] =	ssyncset.done @!p0 $0x0  }
0x1fa: {  	[sflag:s0] =	ssyncadd.s32 @!p0 s1  }
0x1fb: {  	[bflag:$0x3] =	sbarrier.arrive $0xFFFF  }
0x1fc: {  	_ =	shalt  }

</sc_bundles>
